<compile_context>
chip_gen: v7x
topology: tpu7x:2x2x1
jax: 0.10.2.dev20260603
libtpu: 0.0.44.dev20260713+nightly
codegen_flags: <defaults>
</compile_context>

<pallas_src>
import functools

import jax
import jax.numpy as jnp
from jax import lax
from jax.experimental import pallas as pl
from jax.experimental.pallas import tpu as pltpu
from jax.experimental.pallas import tpu_sc as plsc

N = 10000
D_FEAT = 256
COORD = 3
HID = 512
CW = 128
NCHUNK = HID // CW
NSUB = 16
N_PAD = 10112
RPT = N_PAD // NSUB
E = 160000
UE = 2 * E
EB = 160
NB = 126
UE_PAD = NSUB * NB * EB
RB = 2000
GRID = N // RB
POOL = 20
PB = RB // POOL



def _idx_base(s, j):
  return pl.multiple_of((s * NB + j) * EB, EB)


def _fetch_idx(idx_hbm, j_base, buf, sem):
  pltpu.async_copy(idx_hbm.at[pl.ds(j_base, EB)], buf, sem)


def _wait_fill(idx_hbm, buf, sem):
  pltpu.make_async_copy(idx_hbm.at[pl.ds(0, EB)], buf, sem).wait()


def _sc_deg_body(dsts, zeros128, ones128, deg,
                 dacc, didx0, didx1, ones_v, semd0, semd1):
  c = lax.axis_index("c")
  s = lax.axis_index("s")

  pltpu.sync_copy(ones128, ones_v)
  pltpu.sync_copy(zeros128, dacc.at[pl.ds(pl.multiple_of(s * RPT, 8), RPT)])
  _fetch_idx(dsts, _idx_base(s, 0), didx0, semd0)
  _fetch_idx(dsts, _idx_base(s, 1), didx1, semd1)
  plsc.subcore_barrier()

  @pl.loop(0, NB, step=2)
  def _(j):
    _wait_fill(dsts, didx0, semd0)
    pltpu.sync_copy(ones_v, dacc.at[didx0], add=True)

    @pl.when(j + 2 < NB)
    def _():
      _fetch_idx(dsts, _idx_base(s, j + 2), didx0, semd0)

    _wait_fill(dsts, didx1, semd1)
    pltpu.sync_copy(ones_v, dacc.at[didx1], add=True)

    @pl.when(j + 3 < NB)
    def _():
      _fetch_idx(dsts, _idx_base(s, j + 3), didx1, semd1)

  plsc.subcore_barrier()

  @pl.when(c == 0)
  def _():
    pltpu.sync_copy(dacc.at[pl.ds(pl.multiple_of(s * RPT, 8), RPT)],
                    deg.at[pl.ds(pl.multiple_of(s * RPT, 8), RPT)])


def _sc_agg_body(hc0, hc1, hc2, hc3, srcs, dsts, zeros128,
                 agg0, agg1, agg2, agg3,
                 acc, si0, si1, di0, di1, r0, r1,
                 ss0, ss1, sd0, sd1, sg0, sg1, sc0, sc1):
  sidx, didx = [si0, si1], [di0, di1]
  rows = [r0, r1]
  sems, semd, semg = [ss0, ss1], [sd0, sd1], [sg0, sg1]
  semsc = [sc0, sc1]
  c = lax.axis_index("c")
  s = lax.axis_index("s")

  def do_chunk(table, out):
    pltpu.sync_copy(zeros128, acc.at[pl.ds(pl.multiple_of(s * RPT, 8), RPT)])
    _fetch_idx(srcs, _idx_base(s, 0), sidx[0], sems[0])
    _fetch_idx(srcs, _idx_base(s, 1), sidx[1], sems[1])
    _fetch_idx(dsts, _idx_base(s, 0), didx[0], semd[0])
    _fetch_idx(dsts, _idx_base(s, 1), didx[1], semd[1])
    plsc.subcore_barrier()

    @pl.loop(0, NB, step=2)
    def _(j):
      _wait_fill(srcs, sidx[0], sems[0])

      @pl.when(j >= 2)
      def _():
        pltpu.make_async_copy(rows[0], acc.at[didx[0]], semsc[0]).wait()
        _fetch_idx(dsts, _idx_base(s, j), didx[0], semd[0])

      g0 = pltpu.async_copy(table.at[sidx[0]], rows[0], semg[0])
      _wait_fill(srcs, sidx[1], sems[1])

      @pl.when(j >= 2)
      def _():
        pltpu.make_async_copy(rows[1], acc.at[didx[1]], semsc[1]).wait()
        _fetch_idx(dsts, _idx_base(s, j + 1), didx[1], semd[1])

      g1 = pltpu.async_copy(table.at[sidx[1]], rows[1], semg[1])

      g0.wait()

      @pl.when(j + 2 < NB)
      def _():
        _fetch_idx(srcs, _idx_base(s, j + 2), sidx[0], sems[0])

      _wait_fill(dsts, didx[0], semd[0])
      pltpu.async_copy(rows[0], acc.at[didx[0]], semsc[0], add=True)

      g1.wait()

      @pl.when(j + 3 < NB)
      def _():
        _fetch_idx(srcs, _idx_base(s, j + 3), sidx[1], sems[1])

      _wait_fill(dsts, didx[1], semd[1])
      pltpu.async_copy(rows[1], acc.at[didx[1]], semsc[1], add=True)

    pltpu.make_async_copy(rows[0], acc.at[didx[0]], semsc[0]).wait()
    pltpu.make_async_copy(rows[1], acc.at[didx[1]], semsc[1]).wait()
    plsc.subcore_barrier()
    pltpu.sync_copy(acc.at[pl.ds(pl.multiple_of(s * RPT, 8), RPT)],
                    out.at[pl.ds(pl.multiple_of(s * RPT, 8), RPT)])
    plsc.subcore_barrier()

  @pl.when(c == 0)
  def _chunks01():
    do_chunk(hc0, agg0)
    do_chunk(hc1, agg1)

  @pl.when(c == 1)
  def _chunks23():
    do_chunk(hc2, agg2)
    do_chunk(hc3, agg3)


@functools.cache
def _sc_deg():
  return pl.kernel(
      _sc_deg_body,
      out_type=jax.ShapeDtypeStruct((N_PAD, CW), jnp.float32),
      mesh=plsc.VectorSubcoreMesh(core_axis_name="c", subcore_axis_name="s"),
      scratch_types=[
          pltpu.VMEM_SHARED((N_PAD, CW), jnp.float32),
          pltpu.VMEM((EB,), jnp.int32),
          pltpu.VMEM((EB,), jnp.int32),
          pltpu.VMEM((EB, CW), jnp.float32),
          pltpu.SemaphoreType.DMA,
          pltpu.SemaphoreType.DMA,
      ],
  )


@functools.cache
def _sc_aggregate():
  return pl.kernel(
      _sc_agg_body,
      out_type=(
          jax.ShapeDtypeStruct((N_PAD, CW), jnp.float32),
          jax.ShapeDtypeStruct((N_PAD, CW), jnp.float32),
          jax.ShapeDtypeStruct((N_PAD, CW), jnp.float32),
          jax.ShapeDtypeStruct((N_PAD, CW), jnp.float32),
      ),
      mesh=plsc.VectorSubcoreMesh(core_axis_name="c", subcore_axis_name="s"),
      scratch_types=(
          [pltpu.VMEM_SHARED((N_PAD, CW), jnp.float32)]
          + [pltpu.VMEM((EB,), jnp.int32)] * 4
          + [pltpu.VMEM((EB, CW), jnp.float32)] * 2
          + [pltpu.SemaphoreType.DMA] * 8
      ),
  )



def _proj_body(feat_ref, w_ref, b_ref, out_ref):
  h = lax.dot_general(feat_ref[...], w_ref[...], (((1,), (1,)), ((), ())),
                      preferred_element_type=jnp.float32) + b_ref[...]
  for cc in range(NCHUNK):
    out_ref[cc] = h[:, cc * CW:(cc + 1) * CW]


def _node_proj(feat, w, b):
  return pl.pallas_call(
      _proj_body,
      grid=(GRID,),
      in_specs=[
          pl.BlockSpec((RB, 384), lambda i: (i, 0)),
          pl.BlockSpec((HID, 384), lambda i: (0, 0)),
          pl.BlockSpec((1, HID), lambda i: (0, 0)),
      ],
      out_specs=pl.BlockSpec((NCHUNK, RB, CW), lambda i: (0, i, 0)),
      out_shape=jax.ShapeDtypeStruct((NCHUNK, N, CW), jnp.float32),
  )(feat, w, b)


def _mp_math(hc_ref, a0, a1, a2, a3, deg_ref, w_ref, b_ref):
  inv = 1.0 / jnp.maximum(deg_ref[:, 0:1], 1.0)
  m = b_ref[...]
  for cc, a in enumerate((a0, a1, a2, a3)):
    m = m + lax.dot_general(a[...] * inv, w_ref[:, cc * CW:(cc + 1) * CW],
                            (((1,), (1,)), ((), ())),
                            preferred_element_type=jnp.float32)
  g = 0.5 * m * (1.0 + lax.erf(m * (2.0 ** -0.5)))
  return [hc_ref[cc] + g[:, cc * CW:(cc + 1) * CW] for cc in range(NCHUNK)]


def _step_body(hc_ref, a0, a1, a2, a3, deg_ref, w_ref, b_ref, out_ref):
  h_new = _mp_math(hc_ref, a0, a1, a2, a3, deg_ref, w_ref, b_ref)
  for cc in range(NCHUNK):
    out_ref[cc] = h_new[cc]


_AGG_SPEC = pl.BlockSpec((RB, CW), lambda i: (i, 0))


def _mp_step(hc, aggs, deg, w, b):
  return pl.pallas_call(
      _step_body,
      grid=(GRID,),
      in_specs=[
          pl.BlockSpec((NCHUNK, RB, CW), lambda i: (0, i, 0)),
          _AGG_SPEC, _AGG_SPEC, _AGG_SPEC, _AGG_SPEC,
          pl.BlockSpec((RB, CW), lambda i: (i, 0)),
          pl.BlockSpec((HID, HID), lambda i: (0, 0)),
          pl.BlockSpec((1, HID), lambda i: (0, 0)),
      ],
      out_specs=pl.BlockSpec((NCHUNK, RB, CW), lambda i: (0, i, 0)),
      out_shape=jax.ShapeDtypeStruct((NCHUNK, N, CW), jnp.float32),
  )(hc, *aggs, deg, w, b)


def _final_body(hc_ref, a0, a1, a2, a3, deg_ref, w_ref, b_ref, p_ref, out_ref):
  h_new = _mp_math(hc_ref, a0, a1, a2, a3, deg_ref, w_ref, b_ref)
  h_full = jnp.concatenate(h_new, axis=1)
  out_ref[0] = lax.dot_general(p_ref[...], h_full, (((1,), (0,)), ((), ())),
                               preferred_element_type=jnp.float32)


def _final_step(hc, aggs, deg, w, b, pool_mat):
  return pl.pallas_call(
      _final_body,
      grid=(GRID,),
      in_specs=[
          pl.BlockSpec((NCHUNK, RB, CW), lambda i: (0, i, 0)),
          _AGG_SPEC, _AGG_SPEC, _AGG_SPEC, _AGG_SPEC,
          pl.BlockSpec((RB, CW), lambda i: (i, 0)),
          pl.BlockSpec((HID, HID), lambda i: (0, 0)),
          pl.BlockSpec((1, HID), lambda i: (0, 0)),
          pl.BlockSpec((PB, RB), lambda i: (0, 0)),
      ],
      out_specs=pl.BlockSpec((1, PB, HID), lambda i: (i, 0, 0)),
      out_shape=jax.ShapeDtypeStruct((GRID, PB, HID), jnp.float32),
  )(hc, *aggs, deg, w, b, pool_mat)



def kernel(fields, coords, connect, W_node, b_node, W0, b0, W1, b1, W2, b2):
  f32 = jnp.float32
  feat = jnp.concatenate(
      [fields[0], coords[0],
       jnp.zeros((N, 384 - D_FEAT - COORD), f32)], axis=1)
  w_pad = jnp.concatenate(
      [W_node, jnp.zeros((HID, 384 - D_FEAT - COORD), f32)], axis=1)

  src = connect[:, 0].astype(jnp.int32)
  dst = connect[:, 1].astype(jnp.int32)
  pad_n = UE_PAD - UE
  pad_src = jnp.zeros((pad_n,), jnp.int32)
  pad_dst = N + (jnp.arange(pad_n, dtype=jnp.int32) % (N_PAD - N))
  srcs = jnp.concatenate([src, dst, pad_src])
  dsts = jnp.concatenate([dst, src, pad_dst])

  zeros128 = jnp.zeros((RPT, CW), f32)
  ones128 = jnp.ones((EB, CW), f32)
  pool_mat = jnp.kron(jnp.eye(PB, dtype=f32), jnp.full((1, POOL), 1.0 / POOL, f32))

  hc = _node_proj(feat, w_pad, b_node[None, :])
  deg = _sc_deg()(dsts, zeros128, ones128)
  for step, (w, b) in enumerate(((W0, b0), (W1, b1), (W2, b2))):
    aggs = _sc_aggregate()(hc[0], hc[1], hc[2], hc[3], srcs, dsts, zeros128)
    if step < 2:
      hc = _mp_step(hc, aggs, deg, w, b[None, :])
    else:
      pooled = _final_step(hc, aggs, deg, w, b[None, :], pool_mat)
      pooled = pooled.reshape(N // POOL, HID)
  out = jnp.concatenate([pooled, pooled[:12]], axis=0)
  return out[None, :, :]

# --- scband reference (transcript-rebuilt; emitter-appended) ---
"""Pipeline reference for scband-mesh-particle-encoder-72267119723290 (READ-ONLY COPY).

The authoritative reference and input builder live on the scoring server;
editing this copy changes nothing except your own understanding.
"""

import jax, jax.numpy as jnp
import numpy as np

N = 10000
E = 160000
D_FEAT = 256
COORD = 3
HID = 512
SUPER = 2048
LAT_LEN = 512
STEPS = 3


def setup_inputs(seed: int = 0) -> dict:
    key = jax.random.key(seed)
    ks = jax.random.split(key, 12)
    fields = jax.random.normal(ks[0], (1, N, D_FEAT), dtype=jnp.float32)
    coords = jax.random.normal(ks[1], (1, N, COORD), dtype=jnp.float32)
    connect = jax.random.randint(ks[2], (E, 2), 0, N, dtype=jnp.int32)
    W_node = jax.random.normal(ks[3], (HID, D_FEAT + COORD), dtype=jnp.float32) * 0.02
    b_node = jnp.zeros((HID,), dtype=jnp.float32)
    W0 = jax.random.normal(ks[4], (HID, HID), dtype=jnp.float32) * 0.02
    b0 = jnp.zeros((HID,), dtype=jnp.float32)
    W1 = jax.random.normal(ks[5], (HID, HID), dtype=jnp.float32) * 0.02
    b1 = jnp.zeros((HID,), dtype=jnp.float32)
    W2 = jax.random.normal(ks[6], (HID, HID), dtype=jnp.float32) * 0.02
    b2 = jnp.zeros((HID,), dtype=jnp.float32)
    return {"fields": fields, "coords": coords, "connect": connect,
            "W_node": W_node, "b_node": b_node,
            "W0": W0, "b0": b0, "W1": W1, "b1": b1, "W2": W2, "b2": b2}


def reference(fields, coords, connect, W_node, b_node, W0, b0, W1, b1, W2, b2):
    # _flatten_fields + coord concat
    feat = jnp.concatenate([fields, coords], axis=-1)  # [1, N, 259]
    # node_proj
    h = feat @ W_node.T + b_node  # [1, N, HID]
    # _build_adjacency (undirected)
    src = connect[:, 0].astype(jnp.int32)
    dst = connect[:, 1].astype(jnp.int32)
    und_src = jnp.concatenate([src, dst])
    und_dst = jnp.concatenate([dst, src])
    deg = jnp.zeros((N,), dtype=jnp.float32).at[und_dst].add(1.0)
    deg = jnp.clip(deg, 1.0)[None, :, None]
    for W, b in ((W0, b0), (W1, b1), (W2, b2)):
        gathered = h[:, und_src, :]
        m = jnp.zeros_like(h).at[:, und_dst, :].add(gathered)
        m = m / deg
        m = m @ W.T + b
        h = h + jax.nn.gelu(m, approximate=False)
    tokens = h
    # supernode pooling: S=2048 < N=10000
    chunk = (N + SUPER - 1) // SUPER  # 5
    pad = chunk * SUPER - N  # 240
    tokens = jnp.concatenate([tokens, tokens[:, :pad, :]], axis=1)
    tokens = tokens.reshape(1, SUPER, chunk, HID).mean(axis=2)
    # perceiver pool: adaptive_avg_pool1d 2048 -> 512 (exact factor 4)
    tokens = tokens.reshape(1, LAT_LEN, SUPER // LAT_LEN, HID).mean(axis=2)
    # latent_proj is Identity (hidden_dim == latent_dim)
    return tokens

if __name__ == "__main__":
    import jax
    _d = setup_inputs()
    print(jax.jit(kernel)(*tuple(_d.values())))

</pallas_src>

<mosaic_0001>
#map = affine_map<(d0, d1) -> (0, 0)>
#map1 = affine_map<(d0, d1) -> (0)>
module attributes {stable_mosaic.version = 14 : i64} {
  func.func @_sc_agg_body(%arg0: i32, %arg1: i32, %arg2: memref<10000x128xf32, #tpu.memory_space<hbm>>, %arg3: memref<10000x128xf32, #tpu.memory_space<hbm>>, %arg4: memref<10000x128xf32, #tpu.memory_space<hbm>>, %arg5: memref<10000x128xf32, #tpu.memory_space<hbm>>, %arg6: memref<322560xi32, #tpu.memory_space<hbm>>, %arg7: memref<322560xi32, #tpu.memory_space<hbm>>, %arg8: memref<632x128xf32, #tpu.memory_space<hbm>>, %arg9: memref<10112x128xf32, #tpu.memory_space<hbm>>, %arg10: memref<10112x128xf32, #tpu.memory_space<hbm>>, %arg11: memref<10112x128xf32, #tpu.memory_space<hbm>>, %arg12: memref<10112x128xf32, #tpu.memory_space<hbm>>, %arg13: memref<10112x128xf32, #tpu.memory_space<vmem_shared>>, %arg14: memref<160xi32, #tpu.memory_space<vmem>>, %arg15: memref<160xi32, #tpu.memory_space<vmem>>, %arg16: memref<160xi32, #tpu.memory_space<vmem>>, %arg17: memref<160xi32, #tpu.memory_space<vmem>>, %arg18: memref<160x128xf32, #tpu.memory_space<vmem>>, %arg19: memref<160x128xf32, #tpu.memory_space<vmem>>, %arg20: memref<!tpu.dma_semaphore, #tpu.memory_space<semaphore_mem>>, %arg21: memref<!tpu.dma_semaphore, #tpu.memory_space<semaphore_mem>>, %arg22: memref<!tpu.dma_semaphore, #tpu.memory_space<semaphore_mem>>, %arg23: memref<!tpu.dma_semaphore, #tpu.memory_space<semaphore_mem>>, %arg24: memref<!tpu.dma_semaphore, #tpu.memory_space<semaphore_mem>>, %arg25: memref<!tpu.dma_semaphore, #tpu.memory_space<semaphore_mem>>, %arg26: memref<!tpu.dma_semaphore, #tpu.memory_space<semaphore_mem>>, %arg27: memref<!tpu.dma_semaphore, #tpu.memory_space<semaphore_mem>>) attributes {dimension_semantics = [#tpu.dimension_semantics<core_parallel>, #tpu.dimension_semantics<subcore_parallel>], iteration_bounds = array<i64: 2, 16>, scalar_prefetch = 0 : i64, scratch_operands = 15 : i64, tpu.core_type = #tpu.core_type<sc_vector_subcore>, window_params = [{transform_indices = #map}, {transform_indices = #map}, {transform_indices = #map}, {transform_indices = #map}, {transform_indices = #map1}, {transform_indices = #map1}, {transform_indices = #map}, {transform_indices = #map}, {transform_indices = #map}, {transform_indices = #map}, {transform_indices = #map}]} {
    %eq3A = arith.constant 0 : i32
    %eq3A_0 = arith.cmpi eq, %arg0, %eq3A : i32
    %convert_element_type3A = arith.extui %eq3A_0 : i1 to i32
    %cond3A = arith.constant 0 : i32
    %cond3A_1 = arith.cmpi ne, %convert_element_type3A, %cond3A : i32
    scf.if %cond3A_1 {
      %mul3A = arith.constant 632 : i32
      %mul3A_7 = arith.muli %arg1, %mul3A : i32
      %multiple_of3A = tpu.assume_multiple %mul3A_7, 8 : i32
      "tpu.region"() ({
        %run_scoped3A = tpu.sem_alloc : memref<!tpu.dma_semaphore, #tpu.memory_space<semaphore_mem>>
        %dma_start3A_118 = arith.constant 0 : i32
        %dma_start3A_119 = tpu.memref_slice %arg13[%multiple_of3A, %dma_start3A_118] : memref<10112x128xf32, #tpu.memory_space<vmem_shared>> -> memref<632x128xf32, #tpu.memory_space<vmem_shared>>
        tpu.enqueue_dma source(%arg8 : memref<632x128xf32, #tpu.memory_space<hbm>>) target(%dma_start3A_119 : memref<632x128xf32, #tpu.memory_space<vmem_shared>>) target_semaphore(%run_scoped3A : memref<!tpu.dma_semaphore, #tpu.memory_space<semaphore_mem>>)
        %dma_wait3A_120 = arith.constant 0 : i32
        %dma_wait3A_121 = tpu.memref_slice %arg13[%multiple_of3A, %dma_wait3A_120] : memref<10112x128xf32, #tpu.memory_space<vmem_shared>> -> memref<632x128xf32, #tpu.memory_space<vmem_shared>>
        tpu.wait_dma2 semaphore(%run_scoped3A : memref<!tpu.dma_semaphore, #tpu.memory_space<semaphore_mem>>) src(%arg8 : memref<632x128xf32, #tpu.memory_space<hbm>>) dst(%dma_wait3A_121 : memref<632x128xf32, #tpu.memory_space<vmem_shared>>)
        tpu.yield
      }) : () -> ()
      %mul3A_8 = arith.constant 126 : i32
      %mul3A_9 = arith.muli %arg1, %mul3A_8 : i32
      %add3A = arith.constant 0 : i32
      %add3A_10 = arith.addi %mul3A_9, %add3A : i32
      %mul3A_11 = arith.constant 160 : i32
      %mul3A_12 = arith.muli %add3A_10, %mul3A_11 : i32
      %multiple_of3A_13 = tpu.assume_multiple %mul3A_12, 160 : i32
      %dma_start3A = tpu.memref_slice %arg6[%multiple_of3A_13] : memref<322560xi32, #tpu.memory_space<hbm>> -> memref<160xi32, #tpu.memory_space<hbm>>
      %dma_start3A_14 = tpu.memref_slice %arg6[%multiple_of3A_13] : memref<322560xi32, #tpu.memory_space<hbm>> -> memref<160xi32, #tpu.memory_space<hbm>>
      tpu.enqueue_dma source(%dma_start3A_14 : memref<160xi32, #tpu.memory_space<hbm>>) target(%arg14 : memref<160xi32, #tpu.memory_space<vmem>>) target_semaphore(%arg20 : memref<!tpu.dma_semaphore, #tpu.memory_space<semaphore_mem>>)
      %mul3A_15 = arith.constant 126 : i32
      %mul3A_16 = arith.muli %arg1, %mul3A_15 : i32
      %add3A_17 = arith.constant 1 : i32
      %add3A_18 = arith.addi %mul3A_16, %add3A_17 : i32
      %mul3A_19 = arith.constant 160 : i32
      %mul3A_20 = arith.muli %add3A_18, %mul3A_19 : i32
      %multiple_of3A_21 = tpu.assume_multiple %mul3A_20, 160 : i32
      %dma_start3A_22 = tpu.memref_slice %arg6[%multiple_of3A_21] : memref<322560xi32, #tpu.memory_space<hbm>> -> memref<160xi32, #tpu.memory_space<hbm>>
      %dma_start3A_23 = tpu.memref_slice %arg6[%multiple_of3A_21] : memref<322560xi32, #tpu.memory_space<hbm>> -> memref<160xi32, #tpu.memory_space<hbm>>
      tpu.enqueue_dma source(%dma_start3A_23 : memref<160xi32, #tpu.memory_space<hbm>>) target(%arg15 : memref<160xi32, #tpu.memory_space<vmem>>) target_semaphore(%arg21 : memref<!tpu.dma_semaphore, #tpu.memory_space<semaphore_mem>>)
      %mul3A_24 = arith.constant 126 : i32
      %mul3A_25 = arith.muli %arg1, %mul3A_24 : i32
      %add3A_26 = arith.constant 0 : i32
      %add3A_27 = arith.addi %mul3A_25, %add3A_26 : i32
      %mul3A_28 = arith.constant 160 : i32
      %mul3A_29 = arith.muli %add3A_27, %mul3A_28 : i32
      %multiple_of3A_30 = tpu.assume_multiple %mul3A_29, 160 : i32
      %dma_start3A_31 = tpu.memref_slice %arg7[%multiple_of3A_30] : memref<322560xi32, #tpu.memory_space<hbm>> -> memref<160xi32, #tpu.memory_space<hbm>>
      %dma_start3A_32 = tpu.memref_slice %arg7[%multiple_of3A_30] : memref<322560xi32, #tpu.memory_space<hbm>> -> memref<160xi32, #tpu.memory_space<hbm>>
      tpu.enqueue_dma source(%dma_start3A_32 : memref<160xi32, #tpu.memory_space<hbm>>) target(%arg16 : memref<160xi32, #tpu.memory_space<vmem>>) target_semaphore(%arg22 : memref<!tpu.dma_semaphore, #tpu.memory_space<semaphore_mem>>)
      %mul3A_33 = arith.constant 126 : i32
      %mul3A_34 = arith.muli %arg1, %mul3A_33 : i32
      %add3A_35 = arith.constant 1 : i32
      %add3A_36 = arith.addi %mul3A_34, %add3A_35 : i32
      %mul3A_37 = arith.constant 160 : i32
      %mul3A_38 = arith.muli %add3A_36, %mul3A_37 : i32
      %multiple_of3A_39 = tpu.assume_multiple %mul3A_38, 160 : i32
      %dma_start3A_40 = tpu.memref_slice %arg7[%multiple_of3A_39] : memref<322560xi32, #tpu.memory_space<hbm>> -> memref<160xi32, #tpu.memory_space<hbm>>
      %dma_start3A_41 = tpu.memref_slice %arg7[%multiple_of3A_39] : memref<322560xi32, #tpu.memory_space<hbm>> -> memref<160xi32, #tpu.memory_space<hbm>>
      tpu.enqueue_dma source(%dma_start3A_41 : memref<160xi32, #tpu.memory_space<hbm>>) target(%arg17 : memref<160xi32, #tpu.memory_space<vmem>>) target_semaphore(%arg23 : memref<!tpu.dma_semaphore, #tpu.memory_space<semaphore_mem>>)
      %barrier3A = arith.constant 0 : index
      tpu.barrier barrier_id(%barrier3A)
      %scan3A = arith.constant 0 : i32
      %scan3A_42 = arith.constant 63 : i32
      %scan3A_43 = arith.addi %scan3A, %scan3A_42 : i32
      %scan3A_44 = arith.constant 1 : i32
      scf.for %scan3A_118 = %scan3A to %scan3A_43 step %scan3A_44  : i32 {
        %mul3A_119 = arith.constant 2 : i32
        %mul3A_120 = arith.muli %scan3A_118, %mul3A_119 : i32
        %add3A_121 = arith.constant 0 : i32
        %add3A_122 = arith.addi %add3A_121, %mul3A_120 : i32
        %dma_wait3A_123 = arith.constant 0 : i32
        %dma_wait3A_124 = tpu.memref_slice %arg6[%dma_wait3A_123] : memref<322560xi32, #tpu.memory_space<hbm>> -> memref<160xi32, #tpu.memory_space<hbm>>
        %dma_wait3A_125 = arith.constant 0 : i32
        %dma_wait3A_126 = tpu.memref_slice %arg6[%dma_wait3A_125] : memref<322560xi32, #tpu.memory_space<hbm>> -> memref<160xi32, #tpu.memory_space<hbm>>
        tpu.wait_dma2 semaphore(%arg20 : memref<!tpu.dma_semaphore, #tpu.memory_space<semaphore_mem>>) src(%dma_wait3A_126 : memref<160xi32, #tpu.memory_space<hbm>>) dst(%arg14 : memref<160xi32, #tpu.memory_space<vmem>>)
        %ge3A = arith.constant 2 : i32
        %ge3A_127 = arith.cmpi sge, %add3A_122, %ge3A : i32
        %convert_element_type3A_128 = arith.extui %ge3A_127 : i1 to i32
        %cond3A_129 = arith.constant 0 : i32
        %cond3A_130 = arith.cmpi ne, %convert_element_type3A_128, %cond3A_129 : i32
        scf.if %cond3A_130 {
          %dma_wait3A_179 = arith.constant 0 : i32
          %dma_wait3A_180 = arith.constant 0 : i32
          %dma_wait3A_181 = tpu.memref_slice %arg13[%dma_wait3A_179, %dma_wait3A_180] : memref<10112x128xf32, #tpu.memory_space<vmem_shared>> -> memref<10112x128xf32, #tpu.memory_space<vmem_shared>>
          tpu.wait_indirect_dma semaphore(%arg26 : memref<!tpu.dma_semaphore, #tpu.memory_space<semaphore_mem>>) src(%arg18 : memref<160x128xf32, #tpu.memory_space<vmem>>) dst(%dma_wait3A_181 : memref<10112x128xf32, #tpu.memory_space<vmem_shared>>)
          %mul3A_182 = arith.constant 126 : i32
          %mul3A_183 = arith.muli %arg1, %mul3A_182 : i32
          %add3A_184 = arith.addi %mul3A_183, %add3A_122 : i32
          %mul3A_185 = arith.constant 160 : i32
          %mul3A_186 = arith.muli %add3A_184, %mul3A_185 : i32
          %multiple_of3A_187 = tpu.assume_multiple %mul3A_186, 160 : i32
          %dma_start3A_188 = tpu.memref_slice %arg7[%multiple_of3A_187] : memref<322560xi32, #tpu.memory_space<hbm>> -> memref<160xi32, #tpu.memory_space<hbm>>
          %dma_start3A_189 = tpu.memref_slice %arg7[%multiple_of3A_187] : memref<322560xi32, #tpu.memory_space<hbm>> -> memref<160xi32, #tpu.memory_space<hbm>>
          tpu.enqueue_dma source(%dma_start3A_189 : memref<160xi32, #tpu.memory_space<hbm>>) target(%arg16 : memref<160xi32, #tpu.memory_space<vmem>>) target_semaphore(%arg22 : memref<!tpu.dma_semaphore, #tpu.memory_space<semaphore_mem>>)
        } else {
        }
        %dma_start3A_131 = arith.constant 0 : i32
        %dma_start3A_132 = arith.constant 0 : i32
        %dma_start3A_133 = tpu.memref_slice %arg2[%dma_start3A_131, %dma_start3A_132] : memref<10000x128xf32, #tpu.memory_space<hbm>> -> memref<10000x128xf32, #tpu.memory_space<hbm>>
        tpu.enqueue_indirect_dma source(%dma_start3A_133 : memref<10000x128xf32, #tpu.memory_space<hbm>>) target(%arg18 : memref<160x128xf32, #tpu.memory_space<vmem>>) offsets(%arg14 : memref<160xi32, #tpu.memory_space<vmem>>) semaphore(%arg24 : memref<!tpu.dma_semaphore, #tpu.memory_space<semaphore_mem>>)
        %dma_wait3A_134 = arith.constant 0 : i32
        %dma_wait3A_135 = tpu.memref_slice %arg6[%dma_wait3A_134] : memref<322560xi32, #tpu.memory_space<hbm>> -> memref<160xi32, #tpu.memory_space<hbm>>
        %dma_wait3A_136 = arith.constant 0 : i32
        %dma_wait3A_137 = tpu.memref_slice %arg6[%dma_wait3A_136] : memref<322560xi32, #tpu.memory_space<hbm>> -> memref<160xi32, #tpu.memory_space<hbm>>
        tpu.wait_dma2 semaphore(%arg21 : memref<!tpu.dma_semaphore, #tpu.memory_space<semaphore_mem>>) src(%dma_wait3A_137 : memref<160xi32, #tpu.memory_space<hbm>>) dst(%arg15 : memref<160xi32, #tpu.memory_space<vmem>>)
        %ge3A_138 = arith.constant 2 : i32
        %ge3A_139 = arith.cmpi sge, %add3A_122, %ge3A_138 : i32
        %convert_element_type3A_140 = arith.extui %ge3A_139 : i1 to i32
        %cond3A_141 = arith.constant 0 : i32
        %cond3A_142 = arith.cmpi ne, %convert_element_type3A_140, %cond3A_141 : i32
        scf.if %cond3A_142 {
          %dma_wait3A_179 = arith.constant 0 : i32
          %dma_wait3A_180 = arith.constant 0 : i32
          %dma_wait3A_181 = tpu.memref_slice %arg13[%dma_wait3A_179, %dma_wait3A_180] : memref<10112x128xf32, #tpu.memory_space<vmem_shared>> -> memref<10112x128xf32, #tpu.memory_space<vmem_shared>>
          tpu.wait_indirect_dma semaphore(%arg27 : memref<!tpu.dma_semaphore, #tpu.memory_space<semaphore_mem>>) src(%arg19 : memref<160x128xf32, #tpu.memory_space<vmem>>) dst(%dma_wait3A_181 : memref<10112x128xf32, #tpu.memory_space<vmem_shared>>)
          %add3A_182 = arith.constant 1 : i32
          %add3A_183 = arith.addi %add3A_122, %add3A_182 : i32
          %mul3A_184 = arith.constant 126 : i32
          %mul3A_185 = arith.muli %arg1, %mul3A_184 : i32
          %add3A_186 = arith.addi %mul3A_185, %add3A_183 : i32
          %mul3A_187 = arith.constant 160 : i32
          %mul3A_188 = arith.muli %add3A_186, %mul3A_187 : i32
          %multiple_of3A_189 = tpu.assume_multiple %mul3A_188, 160 : i32
          %dma_start3A_190 = tpu.memref_slice %arg7[%multiple_of3A_189] : memref<322560xi32, #tpu.memory_space<hbm>> -> memref<160xi32, #tpu.memory_space<hbm>>
          %dma_start3A_191 = tpu.memref_slice %arg7[%multiple_of3A_189] : memref<322560xi32, #tpu.memory_space<hbm>> -> memref<160xi32, #tpu.memory_space<hbm>>
          tpu.enqueue_dma source(%dma_start3A_191 : memref<160xi32, #tpu.memory_space<hbm>>) target(%arg17 : memref<160xi32, #tpu.memory_space<vmem>>) target_semaphore(%arg23 : memref<!tpu.dma_semaphore, #tpu.memory_space<semaphore_mem>>)
        } else {
        }
        %dma_start3A_143 = arith.constant 0 : i32
        %dma_start3A_144 = arith.constant 0 : i32
        %dma_start3A_145 = tpu.memref_slice %arg2[%dma_start3A_143, %dma_start3A_144] : memref<10000x128xf32, #tpu.memory_space<hbm>> -> memref<10000x128xf32, #tpu.memory_space<hbm>>
        tpu.enqueue_indirect_dma source(%dma_start3A_145 : memref<10000x128xf32, #tpu.memory_space<hbm>>) target(%arg19 : memref<160x128xf32, #tpu.memory_space<vmem>>) offsets(%arg15 : memref<160xi32, #tpu.memory_space<vmem>>) semaphore(%arg25 : memref<!tpu.dma_semaphore, #tpu.memory_space<semaphore_mem>>)
        %dma_wait3A_146 = arith.constant 0 : i32
        %dma_wait3A_147 = arith.constant 0 : i32
        %dma_wait3A_148 = tpu.memref_slice %arg2[%dma_wait3A_146, %dma_wait3A_147] : memref<10000x128xf32, #tpu.memory_space<hbm>> -> memref<10000x128xf32, #tpu.memory_space<hbm>>
        tpu.wait_indirect_dma semaphore(%arg24 : memref<!tpu.dma_semaphore, #tpu.memory_space<semaphore_mem>>) src(%dma_wait3A_148 : memref<10000x128xf32, #tpu.memory_space<hbm>>) dst(%arg18 : memref<160x128xf32, #tpu.memory_space<vmem>>)
        %add3A_149 = arith.constant 2 : i32
        %add3A_150 = arith.addi %add3A_122, %add3A_149 : i32
        %lt3A = arith.constant 126 : i32
        %lt3A_151 = arith.cmpi slt, %add3A_150, %lt3A : i32
        %convert_element_type3A_152 = arith.extui %lt3A_151 : i1 to i32
        %cond3A_153 = arith.constant 0 : i32
        %cond3A_154 = arith.cmpi ne, %convert_element_type3A_152, %cond3A_153 : i32
        scf.if %cond3A_154 {
          %add3A_179 = arith.constant 2 : i32
          %add3A_180 = arith.addi %add3A_122, %add3A_179 : i32
          %mul3A_181 = arith.constant 126 : i32
          %mul3A_182 = arith.muli %arg1, %mul3A_181 : i32
          %add3A_183 = arith.addi %mul3A_182, %add3A_180 : i32
          %mul3A_184 = arith.constant 160 : i32
          %mul3A_185 = arith.muli %add3A_183, %mul3A_184 : i32
          %multiple_of3A_186 = tpu.assume_multiple %mul3A_185, 160 : i32
          %dma_start3A_187 = tpu.memref_slice %arg6[%multiple_of3A_186] : memref<322560xi32, #tpu.memory_space<hbm>> -> memref<160xi32, #tpu.memory_space<hbm>>
          %dma_start3A_188 = tpu.memref_slice %arg6[%multiple_of3A_186] : memref<322560xi32, #tpu.memory_space<hbm>> -> memref<160xi32, #tpu.memory_space<hbm>>
          tpu.enqueue_dma source(%dma_start3A_188 : memref<160xi32, #tpu.memory_space<hbm>>) target(%arg14 : memref<160xi32, #tpu.memory_space<vmem>>) target_semaphore(%arg20 : memref<!tpu.dma_semaphore, #tpu.memory_space<semaphore_mem>>)
        } else {
        }
        %dma_wait3A_155 = arith.constant 0 : i32
        %dma_wait3A_156 = tpu.memref_slice %arg7[%dma_wait3A_155] : memref<322560xi32, #tpu.memory_space<hbm>> -> memref<160xi32, #tpu.memory_space<hbm>>
        %dma_wait3A_157 = arith.constant 0 : i32
        %dma_wait3A_158 = tpu.memref_slice %arg7[%dma_wait3A_157] : memref<322560xi32, #tpu.memory_space<hbm>> -> memref<160xi32, #tpu.memory_space<hbm>>
        tpu.wait_dma2 semaphore(%arg22 : memref<!tpu.dma_semaphore, #tpu.memory_space<semaphore_mem>>) src(%dma_wait3A_158 : memref<160xi32, #tpu.memory_space<hbm>>) dst(%arg16 : memref<160xi32, #tpu.memory_space<vmem>>)
        %dma_start3A_159 = arith.constant 0 : i32
        %dma_start3A_160 = arith.constant 0 : i32
        %dma_start3A_161 = tpu.memref_slice %arg13[%dma_start3A_159, %dma_start3A_160] : memref<10112x128xf32, #tpu.memory_space<vmem_shared>> -> memref<10112x128xf32, #tpu.memory_space<vmem_shared>>
        tpu.enqueue_indirect_dma source(%arg18 : memref<160x128xf32, #tpu.memory_space<vmem>>) target(%dma_start3A_161 : memref<10112x128xf32, #tpu.memory_space<vmem_shared>>) offsets(%arg16 : memref<160xi32, #tpu.memory_space<vmem>>) semaphore(%arg26 : memref<!tpu.dma_semaphore, #tpu.memory_space<semaphore_mem>>) {add = true}
        %dma_wait3A_162 = arith.constant 0 : i32
        %dma_wait3A_163 = arith.constant 0 : i32
        %dma_wait3A_164 = tpu.memref_slice %arg2[%dma_wait3A_162, %dma_wait3A_163] : memref<10000x128xf32, #tpu.memory_space<hbm>> -> memref<10000x128xf32, #tpu.memory_space<hbm>>
        tpu.wait_indirect_dma semaphore(%arg25 : memref<!tpu.dma_semaphore, #tpu.memory_space<semaphore_mem>>) src(%dma_wait3A_164 : memref<10000x128xf32, #tpu.memory_space<hbm>>) dst(%arg19 : memref<160x128xf32, #tpu.memory_space<vmem>>)
        %add3A_165 = arith.constant 3 : i32
        %add3A_166 = arith.addi %add3A_122, %add3A_165 : i32
        %lt3A_167 = arith.constant 126 : i32
        %lt3A_168 = arith.cmpi slt, %add3A_166, %lt3A_167 : i32
        %convert_element_type3A_169 = arith.extui %lt3A_168 : i1 to i32
        %cond3A_170 = arith.constant 0 : i32
        %cond3A_171 = arith.cmpi ne, %convert_element_type3A_169, %cond3A_170 : i32
        scf.if %cond3A_171 {
          %add3A_179 = arith.constant 3 : i32
          %add3A_180 = arith.addi %add3A_122, %add3A_179 : i32
          %mul3A_181 = arith.constant 126 : i32
          %mul3A_182 = arith.muli %arg1, %mul3A_181 : i32
          %add3A_183 = arith.addi %mul3A_182, %add3A_180 : i32
          %mul3A_184 = arith.constant 160 : i32
          %mul3A_185 = arith.muli %add3A_183, %mul3A_184 : i32
          %multiple_of3A_186 = tpu.assume_multiple %mul3A_185, 160 : i32
          %dma_start3A_187 = tpu.memref_slice %arg6[%multiple_of3A_186] : memref<322560xi32, #tpu.memory_space<hbm>> -> memref<160xi32, #tpu.memory_space<hbm>>
          %dma_start3A_188 = tpu.memref_slice %arg6[%multiple_of3A_186] : memref<322560xi32, #tpu.memory_space<hbm>> -> memref<160xi32, #tpu.memory_space<hbm>>
          tpu.enqueue_dma source(%dma_start3A_188 : memref<160xi32, #tpu.memory_space<hbm>>) target(%arg15 : memref<160xi32, #tpu.memory_space<vmem>>) target_semaphore(%arg21 : memref<!tpu.dma_semaphore, #tpu.memory_space<semaphore_mem>>)
        } else {
        }
        %dma_wait3A_172 = arith.constant 0 : i32
        %dma_wait3A_173 = tpu.memref_slice %arg7[%dma_wait3A_172] : memref<322560xi32, #tpu.memory_space<hbm>> -> memref<160xi32, #tpu.memory_space<hbm>>
        %dma_wait3A_174 = arith.constant 0 : i32
        %dma_wait3A_175 = tpu.memref_slice %arg7[%dma_wait3A_174] : memref<322560xi32, #tpu.memory_space<hbm>> -> memref<160xi32, #tpu.memory_space<hbm>>
        tpu.wait_dma2 semaphore(%arg23 : memref<!tpu.dma_semaphore, #tpu.memory_space<semaphore_mem>>) src(%dma_wait3A_175 : memref<160xi32, #tpu.memory_space<hbm>>) dst(%arg17 : memref<160xi32, #tpu.memory_space<vmem>>)
        %dma_start3A_176 = arith.constant 0 : i32
        %dma_start3A_177 = arith.constant 0 : i32
        %dma_start3A_178 = tpu.memref_slice %arg13[%dma_start3A_176, %dma_start3A_177] : memref<10112x128xf32, #tpu.memory_space<vmem_shared>> -> memref<10112x128xf32, #tpu.memory_space<vmem_shared>>
        tpu.enqueue_indirect_dma source(%arg19 : memref<160x128xf32, #tpu.memory_space<vmem>>) target(%dma_start3A_178 : memref<10112x128xf32, #tpu.memory_space<vmem_shared>>) offsets(%arg17 : memref<160xi32, #tpu.memory_space<vmem>>) semaphore(%arg27 : memref<!tpu.dma_semaphore, #tpu.memory_space<semaphore_mem>>) {add = true}
      }
      %scan3A_45 = arith.constant 63 : i32
      %dma_wait3A = arith.constant 0 : i32
      %dma_wait3A_46 = arith.constant 0 : i32
      %dma_wait3A_47 = tpu.memref_slice %arg13[%dma_wait3A, %dma_wait3A_46] : memref<10112x128xf32, #tpu.memory_space<vmem_shared>> -> memref<10112x128xf32, #tpu.memory_space<vmem_shared>>
      tpu.wait_indirect_dma semaphore(%arg26 : memref<!tpu.dma_semaphore, #tpu.memory_space<semaphore_mem>>) src(%arg18 : memref<160x128xf32, #tpu.memory_space<vmem>>) dst(%dma_wait3A_47 : memref<10112x128xf32, #tpu.memory_space<vmem_shared>>)
      %dma_wait3A_48 = arith.constant 0 : i32
      %dma_wait3A_49 = arith.constant 0 : i32
      %dma_wait3A_50 = tpu.memref_slice %arg13[%dma_wait3A_48, %dma_wait3A_49] : memref<10112x128xf32, #tpu.memory_space<vmem_shared>> -> memref<10112x128xf32, #tpu.memory_space<vmem_shared>>
      tpu.wait_indirect_dma semaphore(%arg27 : memref<!tpu.dma_semaphore, #tpu.memory_space<semaphore_mem>>) src(%arg19 : memref<160x128xf32, #tpu.memory_space<vmem>>) dst(%dma_wait3A_50 : memref<10112x128xf32, #tpu.memory_space<vmem_shared>>)
      %barrier3A_51 = arith.constant 0 : index
      tpu.barrier barrier_id(%barrier3A_51)
      %mul3A_52 = arith.constant 632 : i32
      %mul3A_53 = arith.muli %arg1, %mul3A_52 : i32
      %multiple_of3A_54 = tpu.assume_multiple %mul3A_53, 8 : i32
      %mul3A_55 = arith.constant 632 : i32
      %mul3A_56 = arith.muli %arg1, %mul3A_55 : i32
      %multiple_of3A_57 = tpu.assume_multiple %mul3A_56, 8 : i32
      "tpu.region"() ({
        %run_scoped3A = tpu.sem_alloc : memref<!tpu.dma_semaphore, #tpu.memory_space<semaphore_mem>>
        %dma_start3A_118 = arith.constant 0 : i32
        %dma_start3A_119 = tpu.memref_slice %arg9[%multiple_of3A_57, %dma_start3A_118] : memref<10112x128xf32, #tpu.memory_space<hbm>> -> memref<632x128xf32, #tpu.memory_space<hbm>>
        %dma_start3A_120 = arith.constant 0 : i32
        %dma_start3A_121 = tpu.memref_slice %arg13[%multiple_of3A_54, %dma_start3A_120] : memref<10112x128xf32, #tpu.memory_space<vmem_shared>> -> memref<632x128xf32, #tpu.memory_space<vmem_shared>>
        tpu.enqueue_dma source(%dma_start3A_121 : memref<632x128xf32, #tpu.memory_space<vmem_shared>>) target(%dma_start3A_119 : memref<632x128xf32, #tpu.memory_space<hbm>>) target_semaphore(%run_scoped3A : memref<!tpu.dma_semaphore, #tpu.memory_space<semaphore_mem>>)
        %dma_wait3A_122 = arith.constant 0 : i32
        %dma_wait3A_123 = tpu.memref_slice %arg9[%multiple_of3A_57, %dma_wait3A_122] : memref<10112x128xf32, #tpu.memory_space<hbm>> -> memref<632x128xf32, #tpu.memory_space<hbm>>
        %dma_wait3A_124 = arith.constant 0 : i32
        %dma_wait3A_125 = tpu.memref_slice %arg13[%multiple_of3A_54, %dma_wait3A_124] : memref<10112x128xf32, #tpu.memory_space<vmem_shared>> -> memref<632x128xf32, #tpu.memory_space<vmem_shared>>
        tpu.wait_dma2 semaphore(%run_scoped3A : memref<!tpu.dma_semaphore, #tpu.memory_space<semaphore_mem>>) src(%dma_wait3A_125 : memref<632x128xf32, #tpu.memory_space<vmem_shared>>) dst(%dma_wait3A_123 : memref<632x128xf32, #tpu.memory_space<hbm>>)
        tpu.yield
      }) : () -> ()
      %barrier3A_58 = arith.constant 0 : index
      tpu.barrier barrier_id(%barrier3A_58)
      %mul3A_59 = arith.constant 632 : i32
      %mul3A_60 = arith.muli %arg1, %mul3A_59 : i32
      %multiple_of3A_61 = tpu.assume_multiple %mul3A_60, 8 : i32
      "tpu.region"() ({
        %run_scoped3A = tpu.sem_alloc : memref<!tpu.dma_semaphore, #tpu.memory_space<semaphore_mem>>
        %dma_start3A_118 = arith.constant 0 : i32
        %dma_start3A_119 = tpu.memref_slice %arg13[%multiple_of3A_61, %dma_start3A_118] : memref<10112x128xf32, #tpu.memory_space<vmem_shared>> -> memref<632x128xf32, #tpu.memory_space<vmem_shared>>
        tpu.enqueue_dma source(%arg8 : memref<632x128xf32, #tpu.memory_space<hbm>>) target(%dma_start3A_119 : memref<632x128xf32, #tpu.memory_space<vmem_shared>>) target_semaphore(%run_scoped3A : memref<!tpu.dma_semaphore, #tpu.memory_space<semaphore_mem>>)
        %dma_wait3A_120 = arith.constant 0 : i32
        %dma_wait3A_121 = tpu.memref_slice %arg13[%multiple_of3A_61, %dma_wait3A_120] : memref<10112x128xf32, #tpu.memory_space<vmem_shared>> -> memref<632x128xf32, #tpu.memory_space<vmem_shared>>
        tpu.wait_dma2 semaphore(%run_scoped3A : memref<!tpu.dma_semaphore, #tpu.memory_space<semaphore_mem>>) src(%arg8 : memref<632x128xf32, #tpu.memory_space<hbm>>) dst(%dma_wait3A_121 : memref<632x128xf32, #tpu.memory_space<vmem_shared>>)
        tpu.yield
      }) : () -> ()
      %mul3A_62 = arith.constant 126 : i32
      %mul3A_63 = arith.muli %arg1, %mul3A_62 : i32
      %add3A_64 = arith.constant 0 : i32
      %add3A_65 = arith.addi %mul3A_63, %add3A_64 : i32
      %mul3A_66 = arith.constant 160 : i32
      %mul3A_67 = arith.muli %add3A_65, %mul3A_66 : i32
      %multiple_of3A_68 = tpu.assume_multiple %mul3A_67, 160 : i32
      %dma_start3A_69 = tpu.memref_slice %arg6[%multiple_of3A_68] : memref<322560xi32, #tpu.memory_space<hbm>> -> memref<160xi32, #tpu.memory_space<hbm>>
      %dma_start3A_70 = tpu.memref_slice %arg6[%multiple_of3A_68] : memref<322560xi32, #tpu.memory_space<hbm>> -> memref<160xi32, #tpu.memory_space<hbm>>
      tpu.enqueue_dma source(%dma_start3A_70 : memref<160xi32, #tpu.memory_space<hbm>>) target(%arg14 : memref<160xi32, #tpu.memory_space<vmem>>) target_semaphore(%arg20 : memref<!tpu.dma_semaphore, #tpu.memory_space<semaphore_mem>>)
      %mul3A_71 = arith.constant 126 : i32
      %mul3A_72 = arith.muli %arg1, %mul3A_71 : i32
      %add3A_73 = arith.constant 1 : i32
      %add3A_74 = arith.addi %mul3A_72, %add3A_73 : i32
      %mul3A_75 = arith.constant 160 : i32
      %mul3A_76 = arith.muli %add3A_74, %mul3A_75 : i32
      %multiple_of3A_77 = tpu.assume_multiple %mul3A_76, 160 : i32
      %dma_start3A_78 = tpu.memref_slice %arg6[%multiple_of3A_77] : memref<322560xi32, #tpu.memory_space<hbm>> -> memref<160xi32, #tpu.memory_space<hbm>>
      %dma_start3A_79 = tpu.memref_slice %arg6[%multiple_of3A_77] : memref<322560xi32, #tpu.memory_space<hbm>> -> memref<160xi32, #tpu.memory_space<hbm>>
      tpu.enqueue_dma source(%dma_start3A_79 : memref<160xi32, #tpu.memory_space<hbm>>) target(%arg15 : memref<160xi32, #tpu.memory_space<vmem>>) target_semaphore(%arg21 : memref<!tpu.dma_semaphore, #tpu.memory_space<semaphore_mem>>)
      %mul3A_80 = arith.constant 126 : i32
      %mul3A_81 = arith.muli %arg1, %mul3A_80 : i32
      %add3A_82 = arith.constant 0 : i32
      %add3A_83 = arith.addi %mul3A_81, %add3A_82 : i32
      %mul3A_84 = arith.constant 160 : i32
      %mul3A_85 = arith.muli %add3A_83, %mul3A_84 : i32
      %multiple_of3A_86 = tpu.assume_multiple %mul3A_85, 160 : i32
      %dma_start3A_87 = tpu.memref_slice %arg7[%multiple_of3A_86] : memref<322560xi32, #tpu.memory_space<hbm>> -> memref<160xi32, #tpu.memory_space<hbm>>
      %dma_start3A_88 = tpu.memref_slice %arg7[%multiple_of3A_86] : memref<322560xi32, #tpu.memory_space<hbm>> -> memref<160xi32, #tpu.memory_space<hbm>>
      tpu.enqueue_dma source(%dma_start3A_88 : memref<160xi32, #tpu.memory_space<hbm>>) target(%arg16 : memref<160xi32, #tpu.memory_space<vmem>>) target_semaphore(%arg22 : memref<!tpu.dma_semaphore, #tpu.memory_space<semaphore_mem>>)
      %mul3A_89 = arith.constant 126 : i32
      %mul3A_90 = arith.muli %arg1, %mul3A_89 : i32
      %add3A_91 = arith.constant 1 : i32
      %add3A_92 = arith.addi %mul3A_90, %add3A_91 : i32
      %mul3A_93 = arith.constant 160 : i32
      %mul3A_94 = arith.muli %add3A_92, %mul3A_93 : i32
      %multiple_of3A_95 = tpu.assume_multiple %mul3A_94, 160 : i32
      %dma_start3A_96 = tpu.memref_slice %arg7[%multiple_of3A_95] : memref<322560xi32, #tpu.memory_space<hbm>> -> memref<160xi32, #tpu.memory_space<hbm>>
      %dma_start3A_97 = tpu.memref_slice %arg7[%multiple_of3A_95] : memref<322560xi32, #tpu.memory_space<hbm>> -> memref<160xi32, #tpu.memory_space<hbm>>
      tpu.enqueue_dma source(%dma_start3A_97 : memref<160xi32, #tpu.memory_space<hbm>>) target(%arg17 : memref<160xi32, #tpu.memory_space<vmem>>) target_semaphore(%arg23 : memref<!tpu.dma_semaphore, #tpu.memory_space<semaphore_mem>>)
      %barrier3A_98 = arith.constant 0 : index
      tpu.barrier barrier_id(%barrier3A_98)
      %scan3A_99 = arith.constant 0 : i32
      %scan3A_100 = arith.constant 63 : i32
      %scan3A_101 = arith.addi %scan3A_99, %scan3A_100 : i32
      %scan3A_102 = arith.constant 1 : i32
      scf.for %scan3A_118 = %scan3A_99 to %scan3A_101 step %scan3A_102  : i32 {
        %mul3A_119 = arith.constant 2 : i32
        %mul3A_120 = arith.muli %scan3A_118, %mul3A_119 : i32
        %add3A_121 = arith.constant 0 : i32
        %add3A_122 = arith.addi %add3A_121, %mul3A_120 : i32
        %dma_wait3A_123 = arith.constant 0 : i32
        %dma_wait3A_124 = tpu.memref_slice %arg6[%dma_wait3A_123] : memref<322560xi32, #tpu.memory_space<hbm>> -> memref<160xi32, #tpu.memory_space<hbm>>
        %dma_wait3A_125 = arith.constant 0 : i32
        %dma_wait3A_126 = tpu.memref_slice %arg6[%dma_wait3A_125] : memref<322560xi32, #tpu.memory_space<hbm>> -> memref<160xi32, #tpu.memory_space<hbm>>
        tpu.wait_dma2 semaphore(%arg20 : memref<!tpu.dma_semaphore, #tpu.memory_space<semaphore_mem>>) src(%dma_wait3A_126 : memref<160xi32, #tpu.memory_space<hbm>>) dst(%arg14 : memref<160xi32, #tpu.memory_space<vmem>>)
        %ge3A = arith.constant 2 : i32
        %ge3A_127 = arith.cmpi sge, %add3A_122, %ge3A : i32
        %convert_element_type3A_128 = arith.extui %ge3A_127 : i1 to i32
        %cond3A_129 = arith.constant 0 : i32
        %cond3A_130 = arith.cmpi ne, %convert_element_type3A_128, %cond3A_129 : i32
        scf.if %cond3A_130 {
          %dma_wait3A_179 = arith.constant 0 : i32
          %dma_wait3A_180 = arith.constant 0 : i32
          %dma_wait3A_181 = tpu.memref_slice %arg13[%dma_wait3A_179, %dma_wait3A_180] : memref<10112x128xf32, #tpu.memory_space<vmem_shared>> -> memref<10112x128xf32, #tpu.memory_space<vmem_shared>>
          tpu.wait_indirect_dma semaphore(%arg26 : memref<!tpu.dma_semaphore, #tpu.memory_space<semaphore_mem>>) src(%arg18 : memref<160x128xf32, #tpu.memory_space<vmem>>) dst(%dma_wait3A_181 : memref<10112x128xf32, #tpu.memory_space<vmem_shared>>)
          %mul3A_182 = arith.constant 126 : i32
          %mul3A_183 = arith.muli %arg1, %mul3A_182 : i32
          %add3A_184 = arith.addi %mul3A_183, %add3A_122 : i32
          %mul3A_185 = arith.constant 160 : i32
          %mul3A_186 = arith.muli %add3A_184, %mul3A_185 : i32
          %multiple_of3A_187 = tpu.assume_multiple %mul3A_186, 160 : i32
          %dma_start3A_188 = tpu.memref_slice %arg7[%multiple_of3A_187] : memref<322560xi32, #tpu.memory_space<hbm>> -> memref<160xi32, #tpu.memory_space<hbm>>
          %dma_start3A_189 = tpu.memref_slice %arg7[%multiple_of3A_187] : memref<322560xi32, #tpu.memory_space<hbm>> -> memref<160xi32, #tpu.memory_space<hbm>>
          tpu.enqueue_dma source(%dma_start3A_189 : memref<160xi32, #tpu.memory_space<hbm>>) target(%arg16 : memref<160xi32, #tpu.memory_space<vmem>>) target_semaphore(%arg22 : memref<!tpu.dma_semaphore, #tpu.memory_space<semaphore_mem>>)
        } else {
        }
        %dma_start3A_131 = arith.constant 0 : i32
        %dma_start3A_132 = arith.constant 0 : i32
        %dma_start3A_133 = tpu.memref_slice %arg3[%dma_start3A_131, %dma_start3A_132] : memref<10000x128xf32, #tpu.memory_space<hbm>> -> memref<10000x128xf32, #tpu.memory_space<hbm>>
        tpu.enqueue_indirect_dma source(%dma_start3A_133 : memref<10000x128xf32, #tpu.memory_space<hbm>>) target(%arg18 : memref<160x128xf32, #tpu.memory_space<vmem>>) offsets(%arg14 : memref<160xi32, #tpu.memory_space<vmem>>) semaphore(%arg24 : memref<!tpu.dma_semaphore, #tpu.memory_space<semaphore_mem>>)
        %dma_wait3A_134 = arith.constant 0 : i32
        %dma_wait3A_135 = tpu.memref_slice %arg6[%dma_wait3A_134] : memref<322560xi32, #tpu.memory_space<hbm>> -> memref<160xi32, #tpu.memory_space<hbm>>
        %dma_wait3A_136 = arith.constant 0 : i32
        %dma_wait3A_137 = tpu.memref_slice %arg6[%dma_wait3A_136] : memref<322560xi32, #tpu.memory_space<hbm>> -> memref<160xi32, #tpu.memory_space<hbm>>
        tpu.wait_dma2 semaphore(%arg21 : memref<!tpu.dma_semaphore, #tpu.memory_space<semaphore_mem>>) src(%dma_wait3A_137 : memref<160xi32, #tpu.memory_space<hbm>>) dst(%arg15 : memref<160xi32, #tpu.memory_space<vmem>>)
        %ge3A_138 = arith.constant 2 : i32
        %ge3A_139 = arith.cmpi sge, %add3A_122, %ge3A_138 : i32
        %convert_element_type3A_140 = arith.extui %ge3A_139 : i1 to i32
        %cond3A_141 = arith.constant 0 : i32
        %cond3A_142 = arith.cmpi ne, %convert_element_type3A_140, %cond3A_141 : i32
        scf.if %cond3A_142 {
          %dma_wait3A_179 = arith.constant 0 : i32
          %dma_wait3A_180 = arith.constant 0 : i32
          %dma_wait3A_181 = tpu.memref_slice %arg13[%dma_wait3A_179, %dma_wait3A_180] : memref<10112x128xf32, #tpu.memory_space<vmem_shared>> -> memref<10112x128xf32, #tpu.memory_space<vmem_shared>>
          tpu.wait_indirect_dma semaphore(%arg27 : memref<!tpu.dma_semaphore, #tpu.memory_space<semaphore_mem>>) src(%arg19 : memref<160x128xf32, #tpu.memory_space<vmem>>) dst(%dma_wait3A_181 : memref<10112x128xf32, #tpu.memory_space<vmem_shared>>)
          %add3A_182 = arith.constant 1 : i32
          %add3A_183 = arith.addi %add3A_122, %add3A_182 : i32
          %mul3A_184 = arith.constant 126 : i32
          %mul3A_185 = arith.muli %arg1, %mul3A_184 : i32
          %add3A_186 = arith.addi %mul3A_185, %add3A_183 : i32
          %mul3A_187 = arith.constant 160 : i32
          %mul3A_188 = arith.muli %add3A_186, %mul3A_187 : i32
          %multiple_of3A_189 = tpu.assume_multiple %mul3A_188, 160 : i32
          %dma_start3A_190 = tpu.memref_slice %arg7[%multiple_of3A_189] : memref<322560xi32, #tpu.memory_space<hbm>> -> memref<160xi32, #tpu.memory_space<hbm>>
          %dma_start3A_191 = tpu.memref_slice %arg7[%multiple_of3A_189] : memref<322560xi32, #tpu.memory_space<hbm>> -> memref<160xi32, #tpu.memory_space<hbm>>
          tpu.enqueue_dma source(%dma_start3A_191 : memref<160xi32, #tpu.memory_space<hbm>>) target(%arg17 : memref<160xi32, #tpu.memory_space<vmem>>) target_semaphore(%arg23 : memref<!tpu.dma_semaphore, #tpu.memory_space<semaphore_mem>>)
        } else {
        }
        %dma_start3A_143 = arith.constant 0 : i32
        %dma_start3A_144 = arith.constant 0 : i32
        %dma_start3A_145 = tpu.memref_slice %arg3[%dma_start3A_143, %dma_start3A_144] : memref<10000x128xf32, #tpu.memory_space<hbm>> -> memref<10000x128xf32, #tpu.memory_space<hbm>>
        tpu.enqueue_indirect_dma source(%dma_start3A_145 : memref<10000x128xf32, #tpu.memory_space<hbm>>) target(%arg19 : memref<160x128xf32, #tpu.memory_space<vmem>>) offsets(%arg15 : memref<160xi32, #tpu.memory_space<vmem>>) semaphore(%arg25 : memref<!tpu.dma_semaphore, #tpu.memory_space<semaphore_mem>>)
        %dma_wait3A_146 = arith.constant 0 : i32
        %dma_wait3A_147 = arith.constant 0 : i32
        %dma_wait3A_148 = tpu.memref_slice %arg3[%dma_wait3A_146, %dma_wait3A_147] : memref<10000x128xf32, #tpu.memory_space<hbm>> -> memref<10000x128xf32, #tpu.memory_space<hbm>>
        tpu.wait_indirect_dma semaphore(%arg24 : memref<!tpu.dma_semaphore, #tpu.memory_space<semaphore_mem>>) src(%dma_wait3A_148 : memref<10000x128xf32, #tpu.memory_space<hbm>>) dst(%arg18 : memref<160x128xf32, #tpu.memory_space<vmem>>)
        %add3A_149 = arith.constant 2 : i32
        %add3A_150 = arith.addi %add3A_122, %add3A_149 : i32
        %lt3A = arith.constant 126 : i32
        %lt3A_151 = arith.cmpi slt, %add3A_150, %lt3A : i32
        %convert_element_type3A_152 = arith.extui %lt3A_151 : i1 to i32
        %cond3A_153 = arith.constant 0 : i32
        %cond3A_154 = arith.cmpi ne, %convert_element_type3A_152, %cond3A_153 : i32
        scf.if %cond3A_154 {
          %add3A_179 = arith.constant 2 : i32
          %add3A_180 = arith.addi %add3A_122, %add3A_179 : i32
          %mul3A_181 = arith.constant 126 : i32
          %mul3A_182 = arith.muli %arg1, %mul3A_181 : i32
          %add3A_183 = arith.addi %mul3A_182, %add3A_180 : i32
          %mul3A_184 = arith.constant 160 : i32
          %mul3A_185 = arith.muli %add3A_183, %mul3A_184 : i32
          %multiple_of3A_186 = tpu.assume_multiple %mul3A_185, 160 : i32
          %dma_start3A_187 = tpu.memref_slice %arg6[%multiple_of3A_186] : memref<322560xi32, #tpu.memory_space<hbm>> -> memref<160xi32, #tpu.memory_space<hbm>>
          %dma_start3A_188 = tpu.memref_slice %arg6[%multiple_of3A_186] : memref<322560xi32, #tpu.memory_space<hbm>> -> memref<160xi32, #tpu.memory_space<hbm>>
          tpu.enqueue_dma source(%dma_start3A_188 : memref<160xi32, #tpu.memory_space<hbm>>) target(%arg14 : memref<160xi32, #tpu.memory_space<vmem>>) target_semaphore(%arg20 : memref<!tpu.dma_semaphore, #tpu.memory_space<semaphore_mem>>)
        } else {
        }
        %dma_wait3A_155 = arith.constant 0 : i32
        %dma_wait3A_156 = tpu.memref_slice %arg7[%dma_wait3A_155] : memref<322560xi32, #tpu.memory_space<hbm>> -> memref<160xi32, #tpu.memory_space<hbm>>
        %dma_wait3A_157 = arith.constant 0 : i32
        %dma_wait3A_158 = tpu.memref_slice %arg7[%dma_wait3A_157] : memref<322560xi32, #tpu.memory_space<hbm>> -> memref<160xi32, #tpu.memory_space<hbm>>
        tpu.wait_dma2 semaphore(%arg22 : memref<!tpu.dma_semaphore, #tpu.memory_space<semaphore_mem>>) src(%dma_wait3A_158 : memref<160xi32, #tpu.memory_space<hbm>>) dst(%arg16 : memref<160xi32, #tpu.memory_space<vmem>>)
        %dma_start3A_159 = arith.constant 0 : i32
        %dma_start3A_160 = arith.constant 0 : i32
        %dma_start3A_161 = tpu.memref_slice %arg13[%dma_start3A_159, %dma_start3A_160] : memref<10112x128xf32, #tpu.memory_space<vmem_shared>> -> memref<10112x128xf32, #tpu.memory_space<vmem_shared>>
        tpu.enqueue_indirect_dma source(%arg18 : memref<160x128xf32, #tpu.memory_space<vmem>>) target(%dma_start3A_161 : memref<10112x128xf32, #tpu.memory_space<vmem_shared>>) offsets(%arg16 : memref<160xi32, #tpu.memory_space<vmem>>) semaphore(%arg26 : memref<!tpu.dma_semaphore, #tpu.memory_space<semaphore_mem>>) {add = true}
        %dma_wait3A_162 = arith.constant 0 : i32
        %dma_wait3A_163 = arith.constant 0 : i32
        %dma_wait3A_164 = tpu.memref_slice %arg3[%dma_wait3A_162, %dma_wait3A_163] : memref<10000x128xf32, #tpu.memory_space<hbm>> -> memref<10000x128xf32, #tpu.memory_space<hbm>>
        tpu.wait_indirect_dma semaphore(%arg25 : memref<!tpu.dma_semaphore, #tpu.memory_space<semaphore_mem>>) src(%dma_wait3A_164 : memref<10000x128xf32, #tpu.memory_space<hbm>>) dst(%arg19 : memref<160x128xf32, #tpu.memory_space<vmem>>)
        %add3A_165 = arith.constant 3 : i32
        %add3A_166 = arith.addi %add3A_122, %add3A_165 : i32
        %lt3A_167 = arith.constant 126 : i32
        %lt3A_168 = arith.cmpi slt, %add3A_166, %lt3A_167 : i32
        %convert_element_type3A_169 = arith.extui %lt3A_168 : i1 to i32
        %cond3A_170 = arith.constant 0 : i32
        %cond3A_171 = arith.cmpi ne, %convert_element_type3A_169, %cond3A_170 : i32
        scf.if %cond3A_171 {
          %add3A_179 = arith.constant 3 : i32
          %add3A_180 = arith.addi %add3A_122, %add3A_179 : i32
          %mul3A_181 = arith.constant 126 : i32
          %mul3A_182 = arith.muli %arg1, %mul3A_181 : i32
          %add3A_183 = arith.addi %mul3A_182, %add3A_180 : i32
          %mul3A_184 = arith.constant 160 : i32
          %mul3A_185 = arith.muli %add3A_183, %mul3A_184 : i32
          %multiple_of3A_186 = tpu.assume_multiple %mul3A_185, 160 : i32
          %dma_start3A_187 = tpu.memref_slice %arg6[%multiple_of3A_186] : memref<322560xi32, #tpu.memory_space<hbm>> -> memref<160xi32, #tpu.memory_space<hbm>>
          %dma_start3A_188 = tpu.memref_slice %arg6[%multiple_of3A_186] : memref<322560xi32, #tpu.memory_space<hbm>> -> memref<160xi32, #tpu.memory_space<hbm>>
          tpu.enqueue_dma source(%dma_start3A_188 : memref<160xi32, #tpu.memory_space<hbm>>) target(%arg15 : memref<160xi32, #tpu.memory_space<vmem>>) target_semaphore(%arg21 : memref<!tpu.dma_semaphore, #tpu.memory_space<semaphore_mem>>)
        } else {
        }
        %dma_wait3A_172 = arith.constant 0 : i32
        %dma_wait3A_173 = tpu.memref_slice %arg7[%dma_wait3A_172] : memref<322560xi32, #tpu.memory_space<hbm>> -> memref<160xi32, #tpu.memory_space<hbm>>
        %dma_wait3A_174 = arith.constant 0 : i32
        %dma_wait3A_175 = tpu.memref_slice %arg7[%dma_wait3A_174] : memref<322560xi32, #tpu.memory_space<hbm>> -> memref<160xi32, #tpu.memory_space<hbm>>
        tpu.wait_dma2 semaphore(%arg23 : memref<!tpu.dma_semaphore, #tpu.memory_space<semaphore_mem>>) src(%dma_wait3A_175 : memref<160xi32, #tpu.memory_space<hbm>>) dst(%arg17 : memref<160xi32, #tpu.memory_space<vmem>>)
        %dma_start3A_176 = arith.constant 0 : i32
        %dma_start3A_177 = arith.constant 0 : i32
        %dma_start3A_178 = tpu.memref_slice %arg13[%dma_start3A_176, %dma_start3A_177] : memref<10112x128xf32, #tpu.memory_space<vmem_shared>> -> memref<10112x128xf32, #tpu.memory_space<vmem_shared>>
        tpu.enqueue_indirect_dma source(%arg19 : memref<160x128xf32, #tpu.memory_space<vmem>>) target(%dma_start3A_178 : memref<10112x128xf32, #tpu.memory_space<vmem_shared>>) offsets(%arg17 : memref<160xi32, #tpu.memory_space<vmem>>) semaphore(%arg27 : memref<!tpu.dma_semaphore, #tpu.memory_space<semaphore_mem>>) {add = true}
      }
      %scan3A_103 = arith.constant 63 : i32
      %dma_wait3A_104 = arith.constant 0 : i32
      %dma_wait3A_105 = arith.constant 0 : i32
      %dma_wait3A_106 = tpu.memref_slice %arg13[%dma_wait3A_104, %dma_wait3A_105] : memref<10112x128xf32, #tpu.memory_space<vmem_shared>> -> memref<10112x128xf32, #tpu.memory_space<vmem_shared>>
      tpu.wait_indirect_dma semaphore(%arg26 : memref<!tpu.dma_semaphore, #tpu.memory_space<semaphore_mem>>) src(%arg18 : memref<160x128xf32, #tpu.memory_space<vmem>>) dst(%dma_wait3A_106 : memref<10112x128xf32, #tpu.memory_space<vmem_shared>>)
      %dma_wait3A_107 = arith.constant 0 : i32
      %dma_wait3A_108 = arith.constant 0 : i32
      %dma_wait3A_109 = tpu.memref_slice %arg13[%dma_wait3A_107, %dma_wait3A_108] : memref<10112x128xf32, #tpu.memory_space<vmem_shared>> -> memref<10112x128xf32, #tpu.memory_space<vmem_shared>>
      tpu.wait_indirect_dma semaphore(%arg27 : memref<!tpu.dma_semaphore, #tpu.memory_space<semaphore_mem>>) src(%arg19 : memref<160x128xf32, #tpu.memory_space<vmem>>) dst(%dma_wait3A_109 : memref<10112x128xf32, #tpu.memory_space<vmem_shared>>)
      %barrier3A_110 = arith.constant 0 : index
      tpu.barrier barrier_id(%barrier3A_110)
      %mul3A_111 = arith.constant 632 : i32
      %mul3A_112 = arith.muli %arg1, %mul3A_111 : i32
      %multiple_of3A_113 = tpu.assume_multiple %mul3A_112, 8 : i32
      %mul3A_114 = arith.constant 632 : i32
      %mul3A_115 = arith.muli %arg1, %mul3A_114 : i32
      %multiple_of3A_116 = tpu.assume_multiple %mul3A_115, 8 : i32
      "tpu.region"() ({
        %run_scoped3A = tpu.sem_alloc : memref<!tpu.dma_semaphore, #tpu.memory_space<semaphore_mem>>
        %dma_start3A_118 = arith.constant 0 : i32
        %dma_start3A_119 = tpu.memref_slice %arg10[%multiple_of3A_116, %dma_start3A_118] : memref<10112x128xf32, #tpu.memory_space<hbm>> -> memref<632x128xf32, #tpu.memory_space<hbm>>
        %dma_start3A_120 = arith.constant 0 : i32
        %dma_start3A_121 = tpu.memref_slice %arg13[%multiple_of3A_113, %dma_start3A_120] : memref<10112x128xf32, #tpu.memory_space<vmem_shared>> -> memref<632x128xf32, #tpu.memory_space<vmem_shared>>
        tpu.enqueue_dma source(%dma_start3A_121 : memref<632x128xf32, #tpu.memory_space<vmem_shared>>) target(%dma_start3A_119 : memref<632x128xf32, #tpu.memory_space<hbm>>) target_semaphore(%run_scoped3A : memref<!tpu.dma_semaphore, #tpu.memory_space<semaphore_mem>>)
        %dma_wait3A_122 = arith.constant 0 : i32
        %dma_wait3A_123 = tpu.memref_slice %arg10[%multiple_of3A_116, %dma_wait3A_122] : memref<10112x128xf32, #tpu.memory_space<hbm>> -> memref<632x128xf32, #tpu.memory_space<hbm>>
        %dma_wait3A_124 = arith.constant 0 : i32
        %dma_wait3A_125 = tpu.memref_slice %arg13[%multiple_of3A_113, %dma_wait3A_124] : memref<10112x128xf32, #tpu.memory_space<vmem_shared>> -> memref<632x128xf32, #tpu.memory_space<vmem_shared>>
        tpu.wait_dma2 semaphore(%run_scoped3A : memref<!tpu.dma_semaphore, #tpu.memory_space<semaphore_mem>>) src(%dma_wait3A_125 : memref<632x128xf32, #tpu.memory_space<vmem_shared>>) dst(%dma_wait3A_123 : memref<632x128xf32, #tpu.memory_space<hbm>>)
        tpu.yield
      }) : () -> ()
      %barrier3A_117 = arith.constant 0 : index
      tpu.barrier barrier_id(%barrier3A_117)
    } else {
    }
    %eq3A_2 = arith.constant 1 : i32
    %eq3A_3 = arith.cmpi eq, %arg0, %eq3A_2 : i32
    %convert_element_type3A_4 = arith.extui %eq3A_3 : i1 to i32
    %cond3A_5 = arith.constant 0 : i32
    %cond3A_6 = arith.cmpi ne, %convert_element_type3A_4, %cond3A_5 : i32
    scf.if %cond3A_6 {
      %mul3A = arith.constant 632 : i32
      %mul3A_7 = arith.muli %arg1, %mul3A : i32
      %multiple_of3A = tpu.assume_multiple %mul3A_7, 8 : i32
      "tpu.region"() ({
        %run_scoped3A = tpu.sem_alloc : memref<!tpu.dma_semaphore, #tpu.memory_space<semaphore_mem>>
        %dma_start3A_118 = arith.constant 0 : i32
        %dma_start3A_119 = tpu.memref_slice %arg13[%multiple_of3A, %dma_start3A_118] : memref<10112x128xf32, #tpu.memory_space<vmem_shared>> -> memref<632x128xf32, #tpu.memory_space<vmem_shared>>
        tpu.enqueue_dma source(%arg8 : memref<632x128xf32, #tpu.memory_space<hbm>>) target(%dma_start3A_119 : memref<632x128xf32, #tpu.memory_space<vmem_shared>>) target_semaphore(%run_scoped3A : memref<!tpu.dma_semaphore, #tpu.memory_space<semaphore_mem>>)
        %dma_wait3A_120 = arith.constant 0 : i32
        %dma_wait3A_121 = tpu.memref_slice %arg13[%multiple_of3A, %dma_wait3A_120] : memref<10112x128xf32, #tpu.memory_space<vmem_shared>> -> memref<632x128xf32, #tpu.memory_space<vmem_shared>>
        tpu.wait_dma2 semaphore(%run_scoped3A : memref<!tpu.dma_semaphore, #tpu.memory_space<semaphore_mem>>) src(%arg8 : memref<632x128xf32, #tpu.memory_space<hbm>>) dst(%dma_wait3A_121 : memref<632x128xf32, #tpu.memory_space<vmem_shared>>)
        tpu.yield
      }) : () -> ()
      %mul3A_8 = arith.constant 126 : i32
      %mul3A_9 = arith.muli %arg1, %mul3A_8 : i32
      %add3A = arith.constant 0 : i32
      %add3A_10 = arith.addi %mul3A_9, %add3A : i32
      %mul3A_11 = arith.constant 160 : i32
      %mul3A_12 = arith.muli %add3A_10, %mul3A_11 : i32
      %multiple_of3A_13 = tpu.assume_multiple %mul3A_12, 160 : i32
      %dma_start3A = tpu.memref_slice %arg6[%multiple_of3A_13] : memref<322560xi32, #tpu.memory_space<hbm>> -> memref<160xi32, #tpu.memory_space<hbm>>
      %dma_start3A_14 = tpu.memref_slice %arg6[%multiple_of3A_13] : memref<322560xi32, #tpu.memory_space<hbm>> -> memref<160xi32, #tpu.memory_space<hbm>>
      tpu.enqueue_dma source(%dma_start3A_14 : memref<160xi32, #tpu.memory_space<hbm>>) target(%arg14 : memref<160xi32, #tpu.memory_space<vmem>>) target_semaphore(%arg20 : memref<!tpu.dma_semaphore, #tpu.memory_space<semaphore_mem>>)
      %mul3A_15 = arith.constant 126 : i32
      %mul3A_16 = arith.muli %arg1, %mul3A_15 : i32
      %add3A_17 = arith.constant 1 : i32
      %add3A_18 = arith.addi %mul3A_16, %add3A_17 : i32
      %mul3A_19 = arith.constant 160 : i32
      %mul3A_20 = arith.muli %add3A_18, %mul3A_19 : i32
      %multiple_of3A_21 = tpu.assume_multiple %mul3A_20, 160 : i32
      %dma_start3A_22 = tpu.memref_slice %arg6[%multiple_of3A_21] : memref<322560xi32, #tpu.memory_space<hbm>> -> memref<160xi32, #tpu.memory_space<hbm>>
      %dma_start3A_23 = tpu.memref_slice %arg6[%multiple_of3A_21] : memref<322560xi32, #tpu.memory_space<hbm>> -> memref<160xi32, #tpu.memory_space<hbm>>
      tpu.enqueue_dma source(%dma_start3A_23 : memref<160xi32, #tpu.memory_space<hbm>>) target(%arg15 : memref<160xi32, #tpu.memory_space<vmem>>) target_semaphore(%arg21 : memref<!tpu.dma_semaphore, #tpu.memory_space<semaphore_mem>>)
      %mul3A_24 = arith.constant 126 : i32
      %mul3A_25 = arith.muli %arg1, %mul3A_24 : i32
      %add3A_26 = arith.constant 0 : i32
      %add3A_27 = arith.addi %mul3A_25, %add3A_26 : i32
      %mul3A_28 = arith.constant 160 : i32
      %mul3A_29 = arith.muli %add3A_27, %mul3A_28 : i32
      %multiple_of3A_30 = tpu.assume_multiple %mul3A_29, 160 : i32
      %dma_start3A_31 = tpu.memref_slice %arg7[%multiple_of3A_30] : memref<322560xi32, #tpu.memory_space<hbm>> -> memref<160xi32, #tpu.memory_space<hbm>>
      %dma_start3A_32 = tpu.memref_slice %arg7[%multiple_of3A_30] : memref<322560xi32, #tpu.memory_space<hbm>> -> memref<160xi32, #tpu.memory_space<hbm>>
      tpu.enqueue_dma source(%dma_start3A_32 : memref<160xi32, #tpu.memory_space<hbm>>) target(%arg16 : memref<160xi32, #tpu.memory_space<vmem>>) target_semaphore(%arg22 : memref<!tpu.dma_semaphore, #tpu.memory_space<semaphore_mem>>)
      %mul3A_33 = arith.constant 126 : i32
      %mul3A_34 = arith.muli %arg1, %mul3A_33 : i32
      %add3A_35 = arith.constant 1 : i32
      %add3A_36 = arith.addi %mul3A_34, %add3A_35 : i32
      %mul3A_37 = arith.constant 160 : i32
      %mul3A_38 = arith.muli %add3A_36, %mul3A_37 : i32
      %multiple_of3A_39 = tpu.assume_multiple %mul3A_38, 160 : i32
      %dma_start3A_40 = tpu.memref_slice %arg7[%multiple_of3A_39] : memref<322560xi32, #tpu.memory_space<hbm>> -> memref<160xi32, #tpu.memory_space<hbm>>
      %dma_start3A_41 = tpu.memref_slice %arg7[%multiple_of3A_39] : memref<322560xi32, #tpu.memory_space<hbm>> -> memref<160xi32, #tpu.memory_space<hbm>>
      tpu.enqueue_dma source(%dma_start3A_41 : memref<160xi32, #tpu.memory_space<hbm>>) target(%arg17 : memref<160xi32, #tpu.memory_space<vmem>>) target_semaphore(%arg23 : memref<!tpu.dma_semaphore, #tpu.memory_space<semaphore_mem>>)
      %barrier3A = arith.constant 0 : index
      tpu.barrier barrier_id(%barrier3A)
      %scan3A = arith.constant 0 : i32
      %scan3A_42 = arith.constant 63 : i32
      %scan3A_43 = arith.addi %scan3A, %scan3A_42 : i32
      %scan3A_44 = arith.constant 1 : i32
      scf.for %scan3A_118 = %scan3A to %scan3A_43 step %scan3A_44  : i32 {
        %mul3A_119 = arith.constant 2 : i32
        %mul3A_120 = arith.muli %scan3A_118, %mul3A_119 : i32
        %add3A_121 = arith.constant 0 : i32
        %add3A_122 = arith.addi %add3A_121, %mul3A_120 : i32
        %dma_wait3A_123 = arith.constant 0 : i32
        %dma_wait3A_124 = tpu.memref_slice %arg6[%dma_wait3A_123] : memref<322560xi32, #tpu.memory_space<hbm>> -> memref<160xi32, #tpu.memory_space<hbm>>
        %dma_wait3A_125 = arith.constant 0 : i32
        %dma_wait3A_126 = tpu.memref_slice %arg6[%dma_wait3A_125] : memref<322560xi32, #tpu.memory_space<hbm>> -> memref<160xi32, #tpu.memory_space<hbm>>
        tpu.wait_dma2 semaphore(%arg20 : memref<!tpu.dma_semaphore, #tpu.memory_space<semaphore_mem>>) src(%dma_wait3A_126 : memref<160xi32, #tpu.memory_space<hbm>>) dst(%arg14 : memref<160xi32, #tpu.memory_space<vmem>>)
        %ge3A = arith.constant 2 : i32
        %ge3A_127 = arith.cmpi sge, %add3A_122, %ge3A : i32
        %convert_element_type3A_128 = arith.extui %ge3A_127 : i1 to i32
        %cond3A_129 = arith.constant 0 : i32
        %cond3A_130 = arith.cmpi ne, %convert_element_type3A_128, %cond3A_129 : i32
        scf.if %cond3A_130 {
          %dma_wait3A_179 = arith.constant 0 : i32
          %dma_wait3A_180 = arith.constant 0 : i32
          %dma_wait3A_181 = tpu.memref_slice %arg13[%dma_wait3A_179, %dma_wait3A_180] : memref<10112x128xf32, #tpu.memory_space<vmem_shared>> -> memref<10112x128xf32, #tpu.memory_space<vmem_shared>>
          tpu.wait_indirect_dma semaphore(%arg26 : memref<!tpu.dma_semaphore, #tpu.memory_space<semaphore_mem>>) src(%arg18 : memref<160x128xf32, #tpu.memory_space<vmem>>) dst(%dma_wait3A_181 : memref<10112x128xf32, #tpu.memory_space<vmem_shared>>)
          %mul3A_182 = arith.constant 126 : i32
          %mul3A_183 = arith.muli %arg1, %mul3A_182 : i32
          %add3A_184 = arith.addi %mul3A_183, %add3A_122 : i32
          %mul3A_185 = arith.constant 160 : i32
          %mul3A_186 = arith.muli %add3A_184, %mul3A_185 : i32
          %multiple_of3A_187 = tpu.assume_multiple %mul3A_186, 160 : i32
          %dma_start3A_188 = tpu.memref_slice %arg7[%multiple_of3A_187] : memref<322560xi32, #tpu.memory_space<hbm>> -> memref<160xi32, #tpu.memory_space<hbm>>
          %dma_start3A_189 = tpu.memref_slice %arg7[%multiple_of3A_187] : memref<322560xi32, #tpu.memory_space<hbm>> -> memref<160xi32, #tpu.memory_space<hbm>>
          tpu.enqueue_dma source(%dma_start3A_189 : memref<160xi32, #tpu.memory_space<hbm>>) target(%arg16 : memref<160xi32, #tpu.memory_space<vmem>>) target_semaphore(%arg22 : memref<!tpu.dma_semaphore, #tpu.memory_space<semaphore_mem>>)
        } else {
        }
        %dma_start3A_131 = arith.constant 0 : i32
        %dma_start3A_132 = arith.constant 0 : i32
        %dma_start3A_133 = tpu.memref_slice %arg4[%dma_start3A_131, %dma_start3A_132] : memref<10000x128xf32, #tpu.memory_space<hbm>> -> memref<10000x128xf32, #tpu.memory_space<hbm>>
        tpu.enqueue_indirect_dma source(%dma_start3A_133 : memref<10000x128xf32, #tpu.memory_space<hbm>>) target(%arg18 : memref<160x128xf32, #tpu.memory_space<vmem>>) offsets(%arg14 : memref<160xi32, #tpu.memory_space<vmem>>) semaphore(%arg24 : memref<!tpu.dma_semaphore, #tpu.memory_space<semaphore_mem>>)
        %dma_wait3A_134 = arith.constant 0 : i32
        %dma_wait3A_135 = tpu.memref_slice %arg6[%dma_wait3A_134] : memref<322560xi32, #tpu.memory_space<hbm>> -> memref<160xi32, #tpu.memory_space<hbm>>
        %dma_wait3A_136 = arith.constant 0 : i32
        %dma_wait3A_137 = tpu.memref_slice %arg6[%dma_wait3A_136] : memref<322560xi32, #tpu.memory_space<hbm>> -> memref<160xi32, #tpu.memory_space<hbm>>
        tpu.wait_dma2 semaphore(%arg21 : memref<!tpu.dma_semaphore, #tpu.memory_space<semaphore_mem>>) src(%dma_wait3A_137 : memref<160xi32, #tpu.memory_space<hbm>>) dst(%arg15 : memref<160xi32, #tpu.memory_space<vmem>>)
        %ge3A_138 = arith.constant 2 : i32
        %ge3A_139 = arith.cmpi sge, %add3A_122, %ge3A_138 : i32
        %convert_element_type3A_140 = arith.extui %ge3A_139 : i1 to i32
        %cond3A_141 = arith.constant 0 : i32
        %cond3A_142 = arith.cmpi ne, %convert_element_type3A_140, %cond3A_141 : i32
        scf.if %cond3A_142 {
          %dma_wait3A_179 = arith.constant 0 : i32
          %dma_wait3A_180 = arith.constant 0 : i32
          %dma_wait3A_181 = tpu.memref_slice %arg13[%dma_wait3A_179, %dma_wait3A_180] : memref<10112x128xf32, #tpu.memory_space<vmem_shared>> -> memref<10112x128xf32, #tpu.memory_space<vmem_shared>>
          tpu.wait_indirect_dma semaphore(%arg27 : memref<!tpu.dma_semaphore, #tpu.memory_space<semaphore_mem>>) src(%arg19 : memref<160x128xf32, #tpu.memory_space<vmem>>) dst(%dma_wait3A_181 : memref<10112x128xf32, #tpu.memory_space<vmem_shared>>)
          %add3A_182 = arith.constant 1 : i32
          %add3A_183 = arith.addi %add3A_122, %add3A_182 : i32
          %mul3A_184 = arith.constant 126 : i32
          %mul3A_185 = arith.muli %arg1, %mul3A_184 : i32
          %add3A_186 = arith.addi %mul3A_185, %add3A_183 : i32
          %mul3A_187 = arith.constant 160 : i32
          %mul3A_188 = arith.muli %add3A_186, %mul3A_187 : i32
          %multiple_of3A_189 = tpu.assume_multiple %mul3A_188, 160 : i32
          %dma_start3A_190 = tpu.memref_slice %arg7[%multiple_of3A_189] : memref<322560xi32, #tpu.memory_space<hbm>> -> memref<160xi32, #tpu.memory_space<hbm>>
          %dma_start3A_191 = tpu.memref_slice %arg7[%multiple_of3A_189] : memref<322560xi32, #tpu.memory_space<hbm>> -> memref<160xi32, #tpu.memory_space<hbm>>
          tpu.enqueue_dma source(%dma_start3A_191 : memref<160xi32, #tpu.memory_space<hbm>>) target(%arg17 : memref<160xi32, #tpu.memory_space<vmem>>) target_semaphore(%arg23 : memref<!tpu.dma_semaphore, #tpu.memory_space<semaphore_mem>>)
        } else {
        }
        %dma_start3A_143 = arith.constant 0 : i32
        %dma_start3A_144 = arith.constant 0 : i32
        %dma_start3A_145 = tpu.memref_slice %arg4[%dma_start3A_143, %dma_start3A_144] : memref<10000x128xf32, #tpu.memory_space<hbm>> -> memref<10000x128xf32, #tpu.memory_space<hbm>>
        tpu.enqueue_indirect_dma source(%dma_start3A_145 : memref<10000x128xf32, #tpu.memory_space<hbm>>) target(%arg19 : memref<160x128xf32, #tpu.memory_space<vmem>>) offsets(%arg15 : memref<160xi32, #tpu.memory_space<vmem>>) semaphore(%arg25 : memref<!tpu.dma_semaphore, #tpu.memory_space<semaphore_mem>>)
        %dma_wait3A_146 = arith.constant 0 : i32
        %dma_wait3A_147 = arith.constant 0 : i32
        %dma_wait3A_148 = tpu.memref_slice %arg4[%dma_wait3A_146, %dma_wait3A_147] : memref<10000x128xf32, #tpu.memory_space<hbm>> -> memref<10000x128xf32, #tpu.memory_space<hbm>>
        tpu.wait_indirect_dma semaphore(%arg24 : memref<!tpu.dma_semaphore, #tpu.memory_space<semaphore_mem>>) src(%dma_wait3A_148 : memref<10000x128xf32, #tpu.memory_space<hbm>>) dst(%arg18 : memref<160x128xf32, #tpu.memory_space<vmem>>)
        %add3A_149 = arith.constant 2 : i32
        %add3A_150 = arith.addi %add3A_122, %add3A_149 : i32
        %lt3A = arith.constant 126 : i32
        %lt3A_151 = arith.cmpi slt, %add3A_150, %lt3A : i32
        %convert_element_type3A_152 = arith.extui %lt3A_151 : i1 to i32
        %cond3A_153 = arith.constant 0 : i32
        %cond3A_154 = arith.cmpi ne, %convert_element_type3A_152, %cond3A_153 : i32
        scf.if %cond3A_154 {
          %add3A_179 = arith.constant 2 : i32
          %add3A_180 = arith.addi %add3A_122, %add3A_179 : i32
          %mul3A_181 = arith.constant 126 : i32
          %mul3A_182 = arith.muli %arg1, %mul3A_181 : i32
          %add3A_183 = arith.addi %mul3A_182, %add3A_180 : i32
          %mul3A_184 = arith.constant 160 : i32
          %mul3A_185 = arith.muli %add3A_183, %mul3A_184 : i32
          %multiple_of3A_186 = tpu.assume_multiple %mul3A_185, 160 : i32
          %dma_start3A_187 = tpu.memref_slice %arg6[%multiple_of3A_186] : memref<322560xi32, #tpu.memory_space<hbm>> -> memref<160xi32, #tpu.memory_space<hbm>>
          %dma_start3A_188 = tpu.memref_slice %arg6[%multiple_of3A_186] : memref<322560xi32, #tpu.memory_space<hbm>> -> memref<160xi32, #tpu.memory_space<hbm>>
          tpu.enqueue_dma source(%dma_start3A_188 : memref<160xi32, #tpu.memory_space<hbm>>) target(%arg14 : memref<160xi32, #tpu.memory_space<vmem>>) target_semaphore(%arg20 : memref<!tpu.dma_semaphore, #tpu.memory_space<semaphore_mem>>)
        } else {
        }
        %dma_wait3A_155 = arith.constant 0 : i32
        %dma_wait3A_156 = tpu.memref_slice %arg7[%dma_wait3A_155] : memref<322560xi32, #tpu.memory_space<hbm>> -> memref<160xi32, #tpu.memory_space<hbm>>
        %dma_wait3A_157 = arith.constant 0 : i32
        %dma_wait3A_158 = tpu.memref_slice %arg7[%dma_wait3A_157] : memref<322560xi32, #tpu.memory_space<hbm>> -> memref<160xi32, #tpu.memory_space<hbm>>
        tpu.wait_dma2 semaphore(%arg22 : memref<!tpu.dma_semaphore, #tpu.memory_space<semaphore_mem>>) src(%dma_wait3A_158 : memref<160xi32, #tpu.memory_space<hbm>>) dst(%arg16 : memref<160xi32, #tpu.memory_space<vmem>>)
        %dma_start3A_159 = arith.constant 0 : i32
        %dma_start3A_160 = arith.constant 0 : i32
        %dma_start3A_161 = tpu.memref_slice %arg13[%dma_start3A_159, %dma_start3A_160] : memref<10112x128xf32, #tpu.memory_space<vmem_shared>> -> memref<10112x128xf32, #tpu.memory_space<vmem_shared>>
        tpu.enqueue_indirect_dma source(%arg18 : memref<160x128xf32, #tpu.memory_space<vmem>>) target(%dma_start3A_161 : memref<10112x128xf32, #tpu.memory_space<vmem_shared>>) offsets(%arg16 : memref<160xi32, #tpu.memory_space<vmem>>) semaphore(%arg26 : memref<!tpu.dma_semaphore, #tpu.memory_space<semaphore_mem>>) {add = true}
        %dma_wait3A_162 = arith.constant 0 : i32
        %dma_wait3A_163 = arith.constant 0 : i32
        %dma_wait3A_164 = tpu.memref_slice %arg4[%dma_wait3A_162, %dma_wait3A_163] : memref<10000x128xf32, #tpu.memory_space<hbm>> -> memref<10000x128xf32, #tpu.memory_space<hbm>>
        tpu.wait_indirect_dma semaphore(%arg25 : memref<!tpu.dma_semaphore, #tpu.memory_space<semaphore_mem>>) src(%dma_wait3A_164 : memref<10000x128xf32, #tpu.memory_space<hbm>>) dst(%arg19 : memref<160x128xf32, #tpu.memory_space<vmem>>)
        %add3A_165 = arith.constant 3 : i32
        %add3A_166 = arith.addi %add3A_122, %add3A_165 : i32
        %lt3A_167 = arith.constant 126 : i32
        %lt3A_168 = arith.cmpi slt, %add3A_166, %lt3A_167 : i32
        %convert_element_type3A_169 = arith.extui %lt3A_168 : i1 to i32
        %cond3A_170 = arith.constant 0 : i32
        %cond3A_171 = arith.cmpi ne, %convert_element_type3A_169, %cond3A_170 : i32
        scf.if %cond3A_171 {
          %add3A_179 = arith.constant 3 : i32
          %add3A_180 = arith.addi %add3A_122, %add3A_179 : i32
          %mul3A_181 = arith.constant 126 : i32
          %mul3A_182 = arith.muli %arg1, %mul3A_181 : i32
          %add3A_183 = arith.addi %mul3A_182, %add3A_180 : i32
          %mul3A_184 = arith.constant 160 : i32
          %mul3A_185 = arith.muli %add3A_183, %mul3A_184 : i32
          %multiple_of3A_186 = tpu.assume_multiple %mul3A_185, 160 : i32
          %dma_start3A_187 = tpu.memref_slice %arg6[%multiple_of3A_186] : memref<322560xi32, #tpu.memory_space<hbm>> -> memref<160xi32, #tpu.memory_space<hbm>>
          %dma_start3A_188 = tpu.memref_slice %arg6[%multiple_of3A_186] : memref<322560xi32, #tpu.memory_space<hbm>> -> memref<160xi32, #tpu.memory_space<hbm>>
          tpu.enqueue_dma source(%dma_start3A_188 : memref<160xi32, #tpu.memory_space<hbm>>) target(%arg15 : memref<160xi32, #tpu.memory_space<vmem>>) target_semaphore(%arg21 : memref<!tpu.dma_semaphore, #tpu.memory_space<semaphore_mem>>)
        } else {
        }
        %dma_wait3A_172 = arith.constant 0 : i32
        %dma_wait3A_173 = tpu.memref_slice %arg7[%dma_wait3A_172] : memref<322560xi32, #tpu.memory_space<hbm>> -> memref<160xi32, #tpu.memory_space<hbm>>
        %dma_wait3A_174 = arith.constant 0 : i32
        %dma_wait3A_175 = tpu.memref_slice %arg7[%dma_wait3A_174] : memref<322560xi32, #tpu.memory_space<hbm>> -> memref<160xi32, #tpu.memory_space<hbm>>
        tpu.wait_dma2 semaphore(%arg23 : memref<!tpu.dma_semaphore, #tpu.memory_space<semaphore_mem>>) src(%dma_wait3A_175 : memref<160xi32, #tpu.memory_space<hbm>>) dst(%arg17 : memref<160xi32, #tpu.memory_space<vmem>>)
        %dma_start3A_176 = arith.constant 0 : i32
        %dma_start3A_177 = arith.constant 0 : i32
        %dma_start3A_178 = tpu.memref_slice %arg13[%dma_start3A_176, %dma_start3A_177] : memref<10112x128xf32, #tpu.memory_space<vmem_shared>> -> memref<10112x128xf32, #tpu.memory_space<vmem_shared>>
        tpu.enqueue_indirect_dma source(%arg19 : memref<160x128xf32, #tpu.memory_space<vmem>>) target(%dma_start3A_178 : memref<10112x128xf32, #tpu.memory_space<vmem_shared>>) offsets(%arg17 : memref<160xi32, #tpu.memory_space<vmem>>) semaphore(%arg27 : memref<!tpu.dma_semaphore, #tpu.memory_space<semaphore_mem>>) {add = true}
      }
      %scan3A_45 = arith.constant 63 : i32
      %dma_wait3A = arith.constant 0 : i32
      %dma_wait3A_46 = arith.constant 0 : i32
      %dma_wait3A_47 = tpu.memref_slice %arg13[%dma_wait3A, %dma_wait3A_46] : memref<10112x128xf32, #tpu.memory_space<vmem_shared>> -> memref<10112x128xf32, #tpu.memory_space<vmem_shared>>
      tpu.wait_indirect_dma semaphore(%arg26 : memref<!tpu.dma_semaphore, #tpu.memory_space<semaphore_mem>>) src(%arg18 : memref<160x128xf32, #tpu.memory_space<vmem>>) dst(%dma_wait3A_47 : memref<10112x128xf32, #tpu.memory_space<vmem_shared>>)
      %dma_wait3A_48 = arith.constant 0 : i32
      %dma_wait3A_49 = arith.constant 0 : i32
      %dma_wait3A_50 = tpu.memref_slice %arg13[%dma_wait3A_48, %dma_wait3A_49] : memref<10112x128xf32, #tpu.memory_space<vmem_shared>> -> memref<10112x128xf32, #tpu.memory_space<vmem_shared>>
      tpu.wait_indirect_dma semaphore(%arg27 : memref<!tpu.dma_semaphore, #tpu.memory_space<semaphore_mem>>) src(%arg19 : memref<160x128xf32, #tpu.memory_space<vmem>>) dst(%dma_wait3A_50 : memref<10112x128xf32, #tpu.memory_space<vmem_shared>>)
      %barrier3A_51 = arith.constant 0 : index
      tpu.barrier barrier_id(%barrier3A_51)
      %mul3A_52 = arith.constant 632 : i32
      %mul3A_53 = arith.muli %arg1, %mul3A_52 : i32
      %multiple_of3A_54 = tpu.assume_multiple %mul3A_53, 8 : i32
      %mul3A_55 = arith.constant 632 : i32
      %mul3A_56 = arith.muli %arg1, %mul3A_55 : i32
      %multiple_of3A_57 = tpu.assume_multiple %mul3A_56, 8 : i32
      "tpu.region"() ({
        %run_scoped3A = tpu.sem_alloc : memref<!tpu.dma_semaphore, #tpu.memory_space<semaphore_mem>>
        %dma_start3A_118 = arith.constant 0 : i32
        %dma_start3A_119 = tpu.memref_slice %arg11[%multiple_of3A_57, %dma_start3A_118] : memref<10112x128xf32, #tpu.memory_space<hbm>> -> memref<632x128xf32, #tpu.memory_space<hbm>>
        %dma_start3A_120 = arith.constant 0 : i32
        %dma_start3A_121 = tpu.memref_slice %arg13[%multiple_of3A_54, %dma_start3A_120] : memref<10112x128xf32, #tpu.memory_space<vmem_shared>> -> memref<632x128xf32, #tpu.memory_space<vmem_shared>>
        tpu.enqueue_dma source(%dma_start3A_121 : memref<632x128xf32, #tpu.memory_space<vmem_shared>>) target(%dma_start3A_119 : memref<632x128xf32, #tpu.memory_space<hbm>>) target_semaphore(%run_scoped3A : memref<!tpu.dma_semaphore, #tpu.memory_space<semaphore_mem>>)
        %dma_wait3A_122 = arith.constant 0 : i32
        %dma_wait3A_123 = tpu.memref_slice %arg11[%multiple_of3A_57, %dma_wait3A_122] : memref<10112x128xf32, #tpu.memory_space<hbm>> -> memref<632x128xf32, #tpu.memory_space<hbm>>
        %dma_wait3A_124 = arith.constant 0 : i32
        %dma_wait3A_125 = tpu.memref_slice %arg13[%multiple_of3A_54, %dma_wait3A_124] : memref<10112x128xf32, #tpu.memory_space<vmem_shared>> -> memref<632x128xf32, #tpu.memory_space<vmem_shared>>
        tpu.wait_dma2 semaphore(%run_scoped3A : memref<!tpu.dma_semaphore, #tpu.memory_space<semaphore_mem>>) src(%dma_wait3A_125 : memref<632x128xf32, #tpu.memory_space<vmem_shared>>) dst(%dma_wait3A_123 : memref<632x128xf32, #tpu.memory_space<hbm>>)
        tpu.yield
      }) : () -> ()
      %barrier3A_58 = arith.constant 0 : index
      tpu.barrier barrier_id(%barrier3A_58)
      %mul3A_59 = arith.constant 632 : i32
      %mul3A_60 = arith.muli %arg1, %mul3A_59 : i32
      %multiple_of3A_61 = tpu.assume_multiple %mul3A_60, 8 : i32
      "tpu.region"() ({
        %run_scoped3A = tpu.sem_alloc : memref<!tpu.dma_semaphore, #tpu.memory_space<semaphore_mem>>
        %dma_start3A_118 = arith.constant 0 : i32
        %dma_start3A_119 = tpu.memref_slice %arg13[%multiple_of3A_61, %dma_start3A_118] : memref<10112x128xf32, #tpu.memory_space<vmem_shared>> -> memref<632x128xf32, #tpu.memory_space<vmem_shared>>
        tpu.enqueue_dma source(%arg8 : memref<632x128xf32, #tpu.memory_space<hbm>>) target(%dma_start3A_119 : memref<632x128xf32, #tpu.memory_space<vmem_shared>>) target_semaphore(%run_scoped3A : memref<!tpu.dma_semaphore, #tpu.memory_space<semaphore_mem>>)
        %dma_wait3A_120 = arith.constant 0 : i32
        %dma_wait3A_121 = tpu.memref_slice %arg13[%multiple_of3A_61, %dma_wait3A_120] : memref<10112x128xf32, #tpu.memory_space<vmem_shared>> -> memref<632x128xf32, #tpu.memory_space<vmem_shared>>
        tpu.wait_dma2 semaphore(%run_scoped3A : memref<!tpu.dma_semaphore, #tpu.memory_space<semaphore_mem>>) src(%arg8 : memref<632x128xf32, #tpu.memory_space<hbm>>) dst(%dma_wait3A_121 : memref<632x128xf32, #tpu.memory_space<vmem_shared>>)
        tpu.yield
      }) : () -> ()
      %mul3A_62 = arith.constant 126 : i32
      %mul3A_63 = arith.muli %arg1, %mul3A_62 : i32
      %add3A_64 = arith.constant 0 : i32
      %add3A_65 = arith.addi %mul3A_63, %add3A_64 : i32
      %mul3A_66 = arith.constant 160 : i32
      %mul3A_67 = arith.muli %add3A_65, %mul3A_66 : i32
      %multiple_of3A_68 = tpu.assume_multiple %mul3A_67, 160 : i32
      %dma_start3A_69 = tpu.memref_slice %arg6[%multiple_of3A_68] : memref<322560xi32, #tpu.memory_space<hbm>> -> memref<160xi32, #tpu.memory_space<hbm>>
      %dma_start3A_70 = tpu.memref_slice %arg6[%multiple_of3A_68] : memref<322560xi32, #tpu.memory_space<hbm>> -> memref<160xi32, #tpu.memory_space<hbm>>
      tpu.enqueue_dma source(%dma_start3A_70 : memref<160xi32, #tpu.memory_space<hbm>>) target(%arg14 : memref<160xi32, #tpu.memory_space<vmem>>) target_semaphore(%arg20 : memref<!tpu.dma_semaphore, #tpu.memory_space<semaphore_mem>>)
      %mul3A_71 = arith.constant 126 : i32
      %mul3A_72 = arith.muli %arg1, %mul3A_71 : i32
      %add3A_73 = arith.constant 1 : i32
      %add3A_74 = arith.addi %mul3A_72, %add3A_73 : i32
      %mul3A_75 = arith.constant 160 : i32
      %mul3A_76 = arith.muli %add3A_74, %mul3A_75 : i32
      %multiple_of3A_77 = tpu.assume_multiple %mul3A_76, 160 : i32
      %dma_start3A_78 = tpu.memref_slice %arg6[%multiple_of3A_77] : memref<322560xi32, #tpu.memory_space<hbm>> -> memref<160xi32, #tpu.memory_space<hbm>>
      %dma_start3A_79 = tpu.memref_slice %arg6[%multiple_of3A_77] : memref<322560xi32, #tpu.memory_space<hbm>> -> memref<160xi32, #tpu.memory_space<hbm>>
      tpu.enqueue_dma source(%dma_start3A_79 : memref<160xi32, #tpu.memory_space<hbm>>) target(%arg15 : memref<160xi32, #tpu.memory_space<vmem>>) target_semaphore(%arg21 : memref<!tpu.dma_semaphore, #tpu.memory_space<semaphore_mem>>)
      %mul3A_80 = arith.constant 126 : i32
      %mul3A_81 = arith.muli %arg1, %mul3A_80 : i32
      %add3A_82 = arith.constant 0 : i32
      %add3A_83 = arith.addi %mul3A_81, %add3A_82 : i32
      %mul3A_84 = arith.constant 160 : i32
      %mul3A_85 = arith.muli %add3A_83, %mul3A_84 : i32
      %multiple_of3A_86 = tpu.assume_multiple %mul3A_85, 160 : i32
      %dma_start3A_87 = tpu.memref_slice %arg7[%multiple_of3A_86] : memref<322560xi32, #tpu.memory_space<hbm>> -> memref<160xi32, #tpu.memory_space<hbm>>
      %dma_start3A_88 = tpu.memref_slice %arg7[%multiple_of3A_86] : memref<322560xi32, #tpu.memory_space<hbm>> -> memref<160xi32, #tpu.memory_space<hbm>>
      tpu.enqueue_dma source(%dma_start3A_88 : memref<160xi32, #tpu.memory_space<hbm>>) target(%arg16 : memref<160xi32, #tpu.memory_space<vmem>>) target_semaphore(%arg22 : memref<!tpu.dma_semaphore, #tpu.memory_space<semaphore_mem>>)
      %mul3A_89 = arith.constant 126 : i32
      %mul3A_90 = arith.muli %arg1, %mul3A_89 : i32
      %add3A_91 = arith.constant 1 : i32
      %add3A_92 = arith.addi %mul3A_90, %add3A_91 : i32
      %mul3A_93 = arith.constant 160 : i32
      %mul3A_94 = arith.muli %add3A_92, %mul3A_93 : i32
      %multiple_of3A_95 = tpu.assume_multiple %mul3A_94, 160 : i32
      %dma_start3A_96 = tpu.memref_slice %arg7[%multiple_of3A_95] : memref<322560xi32, #tpu.memory_space<hbm>> -> memref<160xi32, #tpu.memory_space<hbm>>
      %dma_start3A_97 = tpu.memref_slice %arg7[%multiple_of3A_95] : memref<322560xi32, #tpu.memory_space<hbm>> -> memref<160xi32, #tpu.memory_space<hbm>>
      tpu.enqueue_dma source(%dma_start3A_97 : memref<160xi32, #tpu.memory_space<hbm>>) target(%arg17 : memref<160xi32, #tpu.memory_space<vmem>>) target_semaphore(%arg23 : memref<!tpu.dma_semaphore, #tpu.memory_space<semaphore_mem>>)
      %barrier3A_98 = arith.constant 0 : index
      tpu.barrier barrier_id(%barrier3A_98)
      %scan3A_99 = arith.constant 0 : i32
      %scan3A_100 = arith.constant 63 : i32
      %scan3A_101 = arith.addi %scan3A_99, %scan3A_100 : i32
      %scan3A_102 = arith.constant 1 : i32
      scf.for %scan3A_118 = %scan3A_99 to %scan3A_101 step %scan3A_102  : i32 {
        %mul3A_119 = arith.constant 2 : i32
        %mul3A_120 = arith.muli %scan3A_118, %mul3A_119 : i32
        %add3A_121 = arith.constant 0 : i32
        %add3A_122 = arith.addi %add3A_121, %mul3A_120 : i32
        %dma_wait3A_123 = arith.constant 0 : i32
        %dma_wait3A_124 = tpu.memref_slice %arg6[%dma_wait3A_123] : memref<322560xi32, #tpu.memory_space<hbm>> -> memref<160xi32, #tpu.memory_space<hbm>>
        %dma_wait3A_125 = arith.constant 0 : i32
        %dma_wait3A_126 = tpu.memref_slice %arg6[%dma_wait3A_125] : memref<322560xi32, #tpu.memory_space<hbm>> -> memref<160xi32, #tpu.memory_space<hbm>>
        tpu.wait_dma2 semaphore(%arg20 : memref<!tpu.dma_semaphore, #tpu.memory_space<semaphore_mem>>) src(%dma_wait3A_126 : memref<160xi32, #tpu.memory_space<hbm>>) dst(%arg14 : memref<160xi32, #tpu.memory_space<vmem>>)
        %ge3A = arith.constant 2 : i32
        %ge3A_127 = arith.cmpi sge, %add3A_122, %ge3A : i32
        %convert_element_type3A_128 = arith.extui %ge3A_127 : i1 to i32
        %cond3A_129 = arith.constant 0 : i32
        %cond3A_130 = arith.cmpi ne, %convert_element_type3A_128, %cond3A_129 : i32
        scf.if %cond3A_130 {
          %dma_wait3A_179 = arith.constant 0 : i32
          %dma_wait3A_180 = arith.constant 0 : i32
          %dma_wait3A_181 = tpu.memref_slice %arg13[%dma_wait3A_179, %dma_wait3A_180] : memref<10112x128xf32, #tpu.memory_space<vmem_shared>> -> memref<10112x128xf32, #tpu.memory_space<vmem_shared>>
          tpu.wait_indirect_dma semaphore(%arg26 : memref<!tpu.dma_semaphore, #tpu.memory_space<semaphore_mem>>) src(%arg18 : memref<160x128xf32, #tpu.memory_space<vmem>>) dst(%dma_wait3A_181 : memref<10112x128xf32, #tpu.memory_space<vmem_shared>>)
          %mul3A_182 = arith.constant 126 : i32
          %mul3A_183 = arith.muli %arg1, %mul3A_182 : i32
          %add3A_184 = arith.addi %mul3A_183, %add3A_122 : i32
          %mul3A_185 = arith.constant 160 : i32
          %mul3A_186 = arith.muli %add3A_184, %mul3A_185 : i32
          %multiple_of3A_187 = tpu.assume_multiple %mul3A_186, 160 : i32
          %dma_start3A_188 = tpu.memref_slice %arg7[%multiple_of3A_187] : memref<322560xi32, #tpu.memory_space<hbm>> -> memref<160xi32, #tpu.memory_space<hbm>>
          %dma_start3A_189 = tpu.memref_slice %arg7[%multiple_of3A_187] : memref<322560xi32, #tpu.memory_space<hbm>> -> memref<160xi32, #tpu.memory_space<hbm>>
          tpu.enqueue_dma source(%dma_start3A_189 : memref<160xi32, #tpu.memory_space<hbm>>) target(%arg16 : memref<160xi32, #tpu.memory_space<vmem>>) target_semaphore(%arg22 : memref<!tpu.dma_semaphore, #tpu.memory_space<semaphore_mem>>)
        } else {
        }
        %dma_start3A_131 = arith.constant 0 : i32
        %dma_start3A_132 = arith.constant 0 : i32
        %dma_start3A_133 = tpu.memref_slice %arg5[%dma_start3A_131, %dma_start3A_132] : memref<10000x128xf32, #tpu.memory_space<hbm>> -> memref<10000x128xf32, #tpu.memory_space<hbm>>
        tpu.enqueue_indirect_dma source(%dma_start3A_133 : memref<10000x128xf32, #tpu.memory_space<hbm>>) target(%arg18 : memref<160x128xf32, #tpu.memory_space<vmem>>) offsets(%arg14 : memref<160xi32, #tpu.memory_space<vmem>>) semaphore(%arg24 : memref<!tpu.dma_semaphore, #tpu.memory_space<semaphore_mem>>)
        %dma_wait3A_134 = arith.constant 0 : i32
        %dma_wait3A_135 = tpu.memref_slice %arg6[%dma_wait3A_134] : memref<322560xi32, #tpu.memory_space<hbm>> -> memref<160xi32, #tpu.memory_space<hbm>>
        %dma_wait3A_136 = arith.constant 0 : i32
        %dma_wait3A_137 = tpu.memref_slice %arg6[%dma_wait3A_136] : memref<322560xi32, #tpu.memory_space<hbm>> -> memref<160xi32, #tpu.memory_space<hbm>>
        tpu.wait_dma2 semaphore(%arg21 : memref<!tpu.dma_semaphore, #tpu.memory_space<semaphore_mem>>) src(%dma_wait3A_137 : memref<160xi32, #tpu.memory_space<hbm>>) dst(%arg15 : memref<160xi32, #tpu.memory_space<vmem>>)
        %ge3A_138 = arith.constant 2 : i32
        %ge3A_139 = arith.cmpi sge, %add3A_122, %ge3A_138 : i32
        %convert_element_type3A_140 = arith.extui %ge3A_139 : i1 to i32
        %cond3A_141 = arith.constant 0 : i32
        %cond3A_142 = arith.cmpi ne, %convert_element_type3A_140, %cond3A_141 : i32
        scf.if %cond3A_142 {
          %dma_wait3A_179 = arith.constant 0 : i32
          %dma_wait3A_180 = arith.constant 0 : i32
          %dma_wait3A_181 = tpu.memref_slice %arg13[%dma_wait3A_179, %dma_wait3A_180] : memref<10112x128xf32, #tpu.memory_space<vmem_shared>> -> memref<10112x128xf32, #tpu.memory_space<vmem_shared>>
          tpu.wait_indirect_dma semaphore(%arg27 : memref<!tpu.dma_semaphore, #tpu.memory_space<semaphore_mem>>) src(%arg19 : memref<160x128xf32, #tpu.memory_space<vmem>>) dst(%dma_wait3A_181 : memref<10112x128xf32, #tpu.memory_space<vmem_shared>>)
          %add3A_182 = arith.constant 1 : i32
          %add3A_183 = arith.addi %add3A_122, %add3A_182 : i32
          %mul3A_184 = arith.constant 126 : i32
          %mul3A_185 = arith.muli %arg1, %mul3A_184 : i32
          %add3A_186 = arith.addi %mul3A_185, %add3A_183 : i32
          %mul3A_187 = arith.constant 160 : i32
          %mul3A_188 = arith.muli %add3A_186, %mul3A_187 : i32
          %multiple_of3A_189 = tpu.assume_multiple %mul3A_188, 160 : i32
          %dma_start3A_190 = tpu.memref_slice %arg7[%multiple_of3A_189] : memref<322560xi32, #tpu.memory_space<hbm>> -> memref<160xi32, #tpu.memory_space<hbm>>
          %dma_start3A_191 = tpu.memref_slice %arg7[%multiple_of3A_189] : memref<322560xi32, #tpu.memory_space<hbm>> -> memref<160xi32, #tpu.memory_space<hbm>>
          tpu.enqueue_dma source(%dma_start3A_191 : memref<160xi32, #tpu.memory_space<hbm>>) target(%arg17 : memref<160xi32, #tpu.memory_space<vmem>>) target_semaphore(%arg23 : memref<!tpu.dma_semaphore, #tpu.memory_space<semaphore_mem>>)
        } else {
        }
        %dma_start3A_143 = arith.constant 0 : i32
        %dma_start3A_144 = arith.constant 0 : i32
        %dma_start3A_145 = tpu.memref_slice %arg5[%dma_start3A_143, %dma_start3A_144] : memref<10000x128xf32, #tpu.memory_space<hbm>> -> memref<10000x128xf32, #tpu.memory_space<hbm>>
        tpu.enqueue_indirect_dma source(%dma_start3A_145 : memref<10000x128xf32, #tpu.memory_space<hbm>>) target(%arg19 : memref<160x128xf32, #tpu.memory_space<vmem>>) offsets(%arg15 : memref<160xi32, #tpu.memory_space<vmem>>) semaphore(%arg25 : memref<!tpu.dma_semaphore, #tpu.memory_space<semaphore_mem>>)
        %dma_wait3A_146 = arith.constant 0 : i32
        %dma_wait3A_147 = arith.constant 0 : i32
        %dma_wait3A_148 = tpu.memref_slice %arg5[%dma_wait3A_146, %dma_wait3A_147] : memref<10000x128xf32, #tpu.memory_space<hbm>> -> memref<10000x128xf32, #tpu.memory_space<hbm>>
        tpu.wait_indirect_dma semaphore(%arg24 : memref<!tpu.dma_semaphore, #tpu.memory_space<semaphore_mem>>) src(%dma_wait3A_148 : memref<10000x128xf32, #tpu.memory_space<hbm>>) dst(%arg18 : memref<160x128xf32, #tpu.memory_space<vmem>>)
        %add3A_149 = arith.constant 2 : i32
        %add3A_150 = arith.addi %add3A_122, %add3A_149 : i32
        %lt3A = arith.constant 126 : i32
        %lt3A_151 = arith.cmpi slt, %add3A_150, %lt3A : i32
        %convert_element_type3A_152 = arith.extui %lt3A_151 : i1 to i32
        %cond3A_153 = arith.constant 0 : i32
        %cond3A_154 = arith.cmpi ne, %convert_element_type3A_152, %cond3A_153 : i32
        scf.if %cond3A_154 {
          %add3A_179 = arith.constant 2 : i32
          %add3A_180 = arith.addi %add3A_122, %add3A_179 : i32
          %mul3A_181 = arith.constant 126 : i32
          %mul3A_182 = arith.muli %arg1, %mul3A_181 : i32
          %add3A_183 = arith.addi %mul3A_182, %add3A_180 : i32
          %mul3A_184 = arith.constant 160 : i32
          %mul3A_185 = arith.muli %add3A_183, %mul3A_184 : i32
          %multiple_of3A_186 = tpu.assume_multiple %mul3A_185, 160 : i32
          %dma_start3A_187 = tpu.memref_slice %arg6[%multiple_of3A_186] : memref<322560xi32, #tpu.memory_space<hbm>> -> memref<160xi32, #tpu.memory_space<hbm>>
          %dma_start3A_188 = tpu.memref_slice %arg6[%multiple_of3A_186] : memref<322560xi32, #tpu.memory_space<hbm>> -> memref<160xi32, #tpu.memory_space<hbm>>
          tpu.enqueue_dma source(%dma_start3A_188 : memref<160xi32, #tpu.memory_space<hbm>>) target(%arg14 : memref<160xi32, #tpu.memory_space<vmem>>) target_semaphore(%arg20 : memref<!tpu.dma_semaphore, #tpu.memory_space<semaphore_mem>>)
        } else {
        }
        %dma_wait3A_155 = arith.constant 0 : i32
        %dma_wait3A_156 = tpu.memref_slice %arg7[%dma_wait3A_155] : memref<322560xi32, #tpu.memory_space<hbm>> -> memref<160xi32, #tpu.memory_space<hbm>>
        %dma_wait3A_157 = arith.constant 0 : i32
        %dma_wait3A_158 = tpu.memref_slice %arg7[%dma_wait3A_157] : memref<322560xi32, #tpu.memory_space<hbm>> -> memref<160xi32, #tpu.memory_space<hbm>>
        tpu.wait_dma2 semaphore(%arg22 : memref<!tpu.dma_semaphore, #tpu.memory_space<semaphore_mem>>) src(%dma_wait3A_158 : memref<160xi32, #tpu.memory_space<hbm>>) dst(%arg16 : memref<160xi32, #tpu.memory_space<vmem>>)
        %dma_start3A_159 = arith.constant 0 : i32
        %dma_start3A_160 = arith.constant 0 : i32
        %dma_start3A_161 = tpu.memref_slice %arg13[%dma_start3A_159, %dma_start3A_160] : memref<10112x128xf32, #tpu.memory_space<vmem_shared>> -> memref<10112x128xf32, #tpu.memory_space<vmem_shared>>
        tpu.enqueue_indirect_dma source(%arg18 : memref<160x128xf32, #tpu.memory_space<vmem>>) target(%dma_start3A_161 : memref<10112x128xf32, #tpu.memory_space<vmem_shared>>) offsets(%arg16 : memref<160xi32, #tpu.memory_space<vmem>>) semaphore(%arg26 : memref<!tpu.dma_semaphore, #tpu.memory_space<semaphore_mem>>) {add = true}
        %dma_wait3A_162 = arith.constant 0 : i32
        %dma_wait3A_163 = arith.constant 0 : i32
        %dma_wait3A_164 = tpu.memref_slice %arg5[%dma_wait3A_162, %dma_wait3A_163] : memref<10000x128xf32, #tpu.memory_space<hbm>> -> memref<10000x128xf32, #tpu.memory_space<hbm>>
        tpu.wait_indirect_dma semaphore(%arg25 : memref<!tpu.dma_semaphore, #tpu.memory_space<semaphore_mem>>) src(%dma_wait3A_164 : memref<10000x128xf32, #tpu.memory_space<hbm>>) dst(%arg19 : memref<160x128xf32, #tpu.memory_space<vmem>>)
        %add3A_165 = arith.constant 3 : i32
        %add3A_166 = arith.addi %add3A_122, %add3A_165 : i32
        %lt3A_167 = arith.constant 126 : i32
        %lt3A_168 = arith.cmpi slt, %add3A_166, %lt3A_167 : i32
        %convert_element_type3A_169 = arith.extui %lt3A_168 : i1 to i32
        %cond3A_170 = arith.constant 0 : i32
        %cond3A_171 = arith.cmpi ne, %convert_element_type3A_169, %cond3A_170 : i32
        scf.if %cond3A_171 {
          %add3A_179 = arith.constant 3 : i32
          %add3A_180 = arith.addi %add3A_122, %add3A_179 : i32
          %mul3A_181 = arith.constant 126 : i32
          %mul3A_182 = arith.muli %arg1, %mul3A_181 : i32
          %add3A_183 = arith.addi %mul3A_182, %add3A_180 : i32
          %mul3A_184 = arith.constant 160 : i32
          %mul3A_185 = arith.muli %add3A_183, %mul3A_184 : i32
          %multiple_of3A_186 = tpu.assume_multiple %mul3A_185, 160 : i32
          %dma_start3A_187 = tpu.memref_slice %arg6[%multiple_of3A_186] : memref<322560xi32, #tpu.memory_space<hbm>> -> memref<160xi32, #tpu.memory_space<hbm>>
          %dma_start3A_188 = tpu.memref_slice %arg6[%multiple_of3A_186] : memref<322560xi32, #tpu.memory_space<hbm>> -> memref<160xi32, #tpu.memory_space<hbm>>
          tpu.enqueue_dma source(%dma_start3A_188 : memref<160xi32, #tpu.memory_space<hbm>>) target(%arg15 : memref<160xi32, #tpu.memory_space<vmem>>) target_semaphore(%arg21 : memref<!tpu.dma_semaphore, #tpu.memory_space<semaphore_mem>>)
        } else {
        }
        %dma_wait3A_172 = arith.constant 0 : i32
        %dma_wait3A_173 = tpu.memref_slice %arg7[%dma_wait3A_172] : memref<322560xi32, #tpu.memory_space<hbm>> -> memref<160xi32, #tpu.memory_space<hbm>>
        %dma_wait3A_174 = arith.constant 0 : i32
        %dma_wait3A_175 = tpu.memref_slice %arg7[%dma_wait3A_174] : memref<322560xi32, #tpu.memory_space<hbm>> -> memref<160xi32, #tpu.memory_space<hbm>>
        tpu.wait_dma2 semaphore(%arg23 : memref<!tpu.dma_semaphore, #tpu.memory_space<semaphore_mem>>) src(%dma_wait3A_175 : memref<160xi32, #tpu.memory_space<hbm>>) dst(%arg17 : memref<160xi32, #tpu.memory_space<vmem>>)
        %dma_start3A_176 = arith.constant 0 : i32
        %dma_start3A_177 = arith.constant 0 : i32
        %dma_start3A_178 = tpu.memref_slice %arg13[%dma_start3A_176, %dma_start3A_177] : memref<10112x128xf32, #tpu.memory_space<vmem_shared>> -> memref<10112x128xf32, #tpu.memory_space<vmem_shared>>
        tpu.enqueue_indirect_dma source(%arg19 : memref<160x128xf32, #tpu.memory_space<vmem>>) target(%dma_start3A_178 : memref<10112x128xf32, #tpu.memory_space<vmem_shared>>) offsets(%arg17 : memref<160xi32, #tpu.memory_space<vmem>>) semaphore(%arg27 : memref<!tpu.dma_semaphore, #tpu.memory_space<semaphore_mem>>) {add = true}
      }
      %scan3A_103 = arith.constant 63 : i32
      %dma_wait3A_104 = arith.constant 0 : i32
      %dma_wait3A_105 = arith.constant 0 : i32
      %dma_wait3A_106 = tpu.memref_slice %arg13[%dma_wait3A_104, %dma_wait3A_105] : memref<10112x128xf32, #tpu.memory_space<vmem_shared>> -> memref<10112x128xf32, #tpu.memory_space<vmem_shared>>
      tpu.wait_indirect_dma semaphore(%arg26 : memref<!tpu.dma_semaphore, #tpu.memory_space<semaphore_mem>>) src(%arg18 : memref<160x128xf32, #tpu.memory_space<vmem>>) dst(%dma_wait3A_106 : memref<10112x128xf32, #tpu.memory_space<vmem_shared>>)
      %dma_wait3A_107 = arith.constant 0 : i32
      %dma_wait3A_108 = arith.constant 0 : i32
      %dma_wait3A_109 = tpu.memref_slice %arg13[%dma_wait3A_107, %dma_wait3A_108] : memref<10112x128xf32, #tpu.memory_space<vmem_shared>> -> memref<10112x128xf32, #tpu.memory_space<vmem_shared>>
      tpu.wait_indirect_dma semaphore(%arg27 : memref<!tpu.dma_semaphore, #tpu.memory_space<semaphore_mem>>) src(%arg19 : memref<160x128xf32, #tpu.memory_space<vmem>>) dst(%dma_wait3A_109 : memref<10112x128xf32, #tpu.memory_space<vmem_shared>>)
      %barrier3A_110 = arith.constant 0 : index
      tpu.barrier barrier_id(%barrier3A_110)
      %mul3A_111 = arith.constant 632 : i32
      %mul3A_112 = arith.muli %arg1, %mul3A_111 : i32
      %multiple_of3A_113 = tpu.assume_multiple %mul3A_112, 8 : i32
      %mul3A_114 = arith.constant 632 : i32
      %mul3A_115 = arith.muli %arg1, %mul3A_114 : i32
      %multiple_of3A_116 = tpu.assume_multiple %mul3A_115, 8 : i32
      "tpu.region"() ({
        %run_scoped3A = tpu.sem_alloc : memref<!tpu.dma_semaphore, #tpu.memory_space<semaphore_mem>>
        %dma_start3A_118 = arith.constant 0 : i32
        %dma_start3A_119 = tpu.memref_slice %arg12[%multiple_of3A_116, %dma_start3A_118] : memref<10112x128xf32, #tpu.memory_space<hbm>> -> memref<632x128xf32, #tpu.memory_space<hbm>>
        %dma_start3A_120 = arith.constant 0 : i32
        %dma_start3A_121 = tpu.memref_slice %arg13[%multiple_of3A_113, %dma_start3A_120] : memref<10112x128xf32, #tpu.memory_space<vmem_shared>> -> memref<632x128xf32, #tpu.memory_space<vmem_shared>>
        tpu.enqueue_dma source(%dma_start3A_121 : memref<632x128xf32, #tpu.memory_space<vmem_shared>>) target(%dma_start3A_119 : memref<632x128xf32, #tpu.memory_space<hbm>>) target_semaphore(%run_scoped3A : memref<!tpu.dma_semaphore, #tpu.memory_space<semaphore_mem>>)
        %dma_wait3A_122 = arith.constant 0 : i32
        %dma_wait3A_123 = tpu.memref_slice %arg12[%multiple_of3A_116, %dma_wait3A_122] : memref<10112x128xf32, #tpu.memory_space<hbm>> -> memref<632x128xf32, #tpu.memory_space<hbm>>
        %dma_wait3A_124 = arith.constant 0 : i32
        %dma_wait3A_125 = tpu.memref_slice %arg13[%multiple_of3A_113, %dma_wait3A_124] : memref<10112x128xf32, #tpu.memory_space<vmem_shared>> -> memref<632x128xf32, #tpu.memory_space<vmem_shared>>
        tpu.wait_dma2 semaphore(%run_scoped3A : memref<!tpu.dma_semaphore, #tpu.memory_space<semaphore_mem>>) src(%dma_wait3A_125 : memref<632x128xf32, #tpu.memory_space<vmem_shared>>) dst(%dma_wait3A_123 : memref<632x128xf32, #tpu.memory_space<hbm>>)
        tpu.yield
      }) : () -> ()
      %barrier3A_117 = arith.constant 0 : index
      tpu.barrier barrier_id(%barrier3A_117)
    } else {
    }
    return
  }
}

#map = affine_map<(d0, d1) -> (0)>
#map1 = affine_map<(d0, d1) -> (0, 0)>
module attributes {stable_mosaic.version = 14 : i64} {
  func.func @_sc_deg_body(%arg0: i32, %arg1: i32, %arg2: memref<322560xi32, #tpu.memory_space<hbm>>, %arg3: memref<632x128xf32, #tpu.memory_space<hbm>>, %arg4: memref<160x128xf32, #tpu.memory_space<hbm>>, %arg5: memref<10112x128xf32, #tpu.memory_space<hbm>>, %arg6: memref<10112x128xf32, #tpu.memory_space<vmem_shared>>, %arg7: memref<160xi32, #tpu.memory_space<vmem>>, %arg8: memref<160xi32, #tpu.memory_space<vmem>>, %arg9: memref<160x128xf32, #tpu.memory_space<vmem>>, %arg10: memref<!tpu.dma_semaphore, #tpu.memory_space<semaphore_mem>>, %arg11: memref<!tpu.dma_semaphore, #tpu.memory_space<semaphore_mem>>) attributes {dimension_semantics = [#tpu.dimension_semantics<core_parallel>, #tpu.dimension_semantics<subcore_parallel>], iteration_bounds = array<i64: 2, 16>, scalar_prefetch = 0 : i64, scratch_operands = 6 : i64, tpu.core_type = #tpu.core_type<sc_vector_subcore>, window_params = [{transform_indices = #map}, {transform_indices = #map1}, {transform_indices = #map1}, {transform_indices = #map1}]} {
    "tpu.region"() ({
      %run_scoped3A = tpu.sem_alloc : memref<!tpu.dma_semaphore, #tpu.memory_space<semaphore_mem>>
      tpu.enqueue_dma source(%arg4 : memref<160x128xf32, #tpu.memory_space<hbm>>) target(%arg9 : memref<160x128xf32, #tpu.memory_space<vmem>>) target_semaphore(%run_scoped3A : memref<!tpu.dma_semaphore, #tpu.memory_space<semaphore_mem>>)
      tpu.wait_dma2 semaphore(%run_scoped3A : memref<!tpu.dma_semaphore, #tpu.memory_space<semaphore_mem>>) src(%arg4 : memref<160x128xf32, #tpu.memory_space<hbm>>) dst(%arg9 : memref<160x128xf32, #tpu.memory_space<vmem>>)
      tpu.yield
    }) : () -> ()
    %mul3A = arith.constant 632 : i32
    %mul3A_0 = arith.muli %arg1, %mul3A : i32
    %multiple_of3A = tpu.assume_multiple %mul3A_0, 8 : i32
    "tpu.region"() ({
      %run_scoped3A = tpu.sem_alloc : memref<!tpu.dma_semaphore, #tpu.memory_space<semaphore_mem>>
      %dma_start3A_24 = arith.constant 0 : i32
      %dma_start3A_25 = tpu.memref_slice %arg6[%multiple_of3A, %dma_start3A_24] : memref<10112x128xf32, #tpu.memory_space<vmem_shared>> -> memref<632x128xf32, #tpu.memory_space<vmem_shared>>
      tpu.enqueue_dma source(%arg3 : memref<632x128xf32, #tpu.memory_space<hbm>>) target(%dma_start3A_25 : memref<632x128xf32, #tpu.memory_space<vmem_shared>>) target_semaphore(%run_scoped3A : memref<!tpu.dma_semaphore, #tpu.memory_space<semaphore_mem>>)
      %dma_wait3A = arith.constant 0 : i32
      %dma_wait3A_26 = tpu.memref_slice %arg6[%multiple_of3A, %dma_wait3A] : memref<10112x128xf32, #tpu.memory_space<vmem_shared>> -> memref<632x128xf32, #tpu.memory_space<vmem_shared>>
      tpu.wait_dma2 semaphore(%run_scoped3A : memref<!tpu.dma_semaphore, #tpu.memory_space<semaphore_mem>>) src(%arg3 : memref<632x128xf32, #tpu.memory_space<hbm>>) dst(%dma_wait3A_26 : memref<632x128xf32, #tpu.memory_space<vmem_shared>>)
      tpu.yield
    }) : () -> ()
    %mul3A_1 = arith.constant 126 : i32
    %mul3A_2 = arith.muli %arg1, %mul3A_1 : i32
    %add3A = arith.constant 0 : i32
    %add3A_3 = arith.addi %mul3A_2, %add3A : i32
    %mul3A_4 = arith.constant 160 : i32
    %mul3A_5 = arith.muli %add3A_3, %mul3A_4 : i32
    %multiple_of3A_6 = tpu.assume_multiple %mul3A_5, 160 : i32
    %dma_start3A = tpu.memref_slice %arg2[%multiple_of3A_6] : memref<322560xi32, #tpu.memory_space<hbm>> -> memref<160xi32, #tpu.memory_space<hbm>>
    %dma_start3A_7 = tpu.memref_slice %arg2[%multiple_of3A_6] : memref<322560xi32, #tpu.memory_space<hbm>> -> memref<160xi32, #tpu.memory_space<hbm>>
    tpu.enqueue_dma source(%dma_start3A_7 : memref<160xi32, #tpu.memory_space<hbm>>) target(%arg7 : memref<160xi32, #tpu.memory_space<vmem>>) target_semaphore(%arg10 : memref<!tpu.dma_semaphore, #tpu.memory_space<semaphore_mem>>)
    %mul3A_8 = arith.constant 126 : i32
    %mul3A_9 = arith.muli %arg1, %mul3A_8 : i32
    %add3A_10 = arith.constant 1 : i32
    %add3A_11 = arith.addi %mul3A_9, %add3A_10 : i32
    %mul3A_12 = arith.constant 160 : i32
    %mul3A_13 = arith.muli %add3A_11, %mul3A_12 : i32
    %multiple_of3A_14 = tpu.assume_multiple %mul3A_13, 160 : i32
    %dma_start3A_15 = tpu.memref_slice %arg2[%multiple_of3A_14] : memref<322560xi32, #tpu.memory_space<hbm>> -> memref<160xi32, #tpu.memory_space<hbm>>
    %dma_start3A_16 = tpu.memref_slice %arg2[%multiple_of3A_14] : memref<322560xi32, #tpu.memory_space<hbm>> -> memref<160xi32, #tpu.memory_space<hbm>>
    tpu.enqueue_dma source(%dma_start3A_16 : memref<160xi32, #tpu.memory_space<hbm>>) target(%arg8 : memref<160xi32, #tpu.memory_space<vmem>>) target_semaphore(%arg11 : memref<!tpu.dma_semaphore, #tpu.memory_space<semaphore_mem>>)
    %barrier3A = arith.constant 0 : index
    tpu.barrier barrier_id(%barrier3A)
    %scan3A = arith.constant 0 : i32
    %scan3A_17 = arith.constant 63 : i32
    %scan3A_18 = arith.addi %scan3A, %scan3A_17 : i32
    %scan3A_19 = arith.constant 1 : i32
    scf.for %scan3A_24 = %scan3A to %scan3A_18 step %scan3A_19  : i32 {
      %mul3A_25 = arith.constant 2 : i32
      %mul3A_26 = arith.muli %scan3A_24, %mul3A_25 : i32
      %add3A_27 = arith.constant 0 : i32
      %add3A_28 = arith.addi %add3A_27, %mul3A_26 : i32
      %dma_wait3A = arith.constant 0 : i32
      %dma_wait3A_29 = tpu.memref_slice %arg2[%dma_wait3A] : memref<322560xi32, #tpu.memory_space<hbm>> -> memref<160xi32, #tpu.memory_space<hbm>>
      %dma_wait3A_30 = arith.constant 0 : i32
      %dma_wait3A_31 = tpu.memref_slice %arg2[%dma_wait3A_30] : memref<322560xi32, #tpu.memory_space<hbm>> -> memref<160xi32, #tpu.memory_space<hbm>>
      tpu.wait_dma2 semaphore(%arg10 : memref<!tpu.dma_semaphore, #tpu.memory_space<semaphore_mem>>) src(%dma_wait3A_31 : memref<160xi32, #tpu.memory_space<hbm>>) dst(%arg7 : memref<160xi32, #tpu.memory_space<vmem>>)
      "tpu.region"() ({
        %run_scoped3A = tpu.sem_alloc : memref<!tpu.dma_semaphore, #tpu.memory_space<semaphore_mem>>
        %dma_start3A_49 = arith.constant 0 : i32
        %dma_start3A_50 = arith.constant 0 : i32
        %dma_start3A_51 = tpu.memref_slice %arg6[%dma_start3A_49, %dma_start3A_50] : memref<10112x128xf32, #tpu.memory_space<vmem_shared>> -> memref<10112x128xf32, #tpu.memory_space<vmem_shared>>
        tpu.enqueue_indirect_dma source(%arg9 : memref<160x128xf32, #tpu.memory_space<vmem>>) target(%dma_start3A_51 : memref<10112x128xf32, #tpu.memory_space<vmem_shared>>) offsets(%arg7 : memref<160xi32, #tpu.memory_space<vmem>>) semaphore(%run_scoped3A : memref<!tpu.dma_semaphore, #tpu.memory_space<semaphore_mem>>) {add = true}
        %dma_wait3A_52 = arith.constant 0 : i32
        %dma_wait3A_53 = arith.constant 0 : i32
        %dma_wait3A_54 = tpu.memref_slice %arg6[%dma_wait3A_52, %dma_wait3A_53] : memref<10112x128xf32, #tpu.memory_space<vmem_shared>> -> memref<10112x128xf32, #tpu.memory_space<vmem_shared>>
        tpu.wait_indirect_dma semaphore(%run_scoped3A : memref<!tpu.dma_semaphore, #tpu.memory_space<semaphore_mem>>) src(%arg9 : memref<160x128xf32, #tpu.memory_space<vmem>>) dst(%dma_wait3A_54 : memref<10112x128xf32, #tpu.memory_space<vmem_shared>>)
        tpu.yield
      }) : () -> ()
      %add3A_32 = arith.constant 2 : i32
      %add3A_33 = arith.addi %add3A_28, %add3A_32 : i32
      %lt3A = arith.constant 126 : i32
      %lt3A_34 = arith.cmpi slt, %add3A_33, %lt3A : i32
      %convert_element_type3A_35 = arith.extui %lt3A_34 : i1 to i32
      %cond3A_36 = arith.constant 0 : i32
      %cond3A_37 = arith.cmpi ne, %convert_element_type3A_35, %cond3A_36 : i32
      scf.if %cond3A_37 {
        %add3A_49 = arith.constant 2 : i32
        %add3A_50 = arith.addi %add3A_28, %add3A_49 : i32
        %mul3A_51 = arith.constant 126 : i32
        %mul3A_52 = arith.muli %arg1, %mul3A_51 : i32
        %add3A_53 = arith.addi %mul3A_52, %add3A_50 : i32
        %mul3A_54 = arith.constant 160 : i32
        %mul3A_55 = arith.muli %add3A_53, %mul3A_54 : i32
        %multiple_of3A_56 = tpu.assume_multiple %mul3A_55, 160 : i32
        %dma_start3A_57 = tpu.memref_slice %arg2[%multiple_of3A_56] : memref<322560xi32, #tpu.memory_space<hbm>> -> memref<160xi32, #tpu.memory_space<hbm>>
        %dma_start3A_58 = tpu.memref_slice %arg2[%multiple_of3A_56] : memref<322560xi32, #tpu.memory_space<hbm>> -> memref<160xi32, #tpu.memory_space<hbm>>
        tpu.enqueue_dma source(%dma_start3A_58 : memref<160xi32, #tpu.memory_space<hbm>>) target(%arg7 : memref<160xi32, #tpu.memory_space<vmem>>) target_semaphore(%arg10 : memref<!tpu.dma_semaphore, #tpu.memory_space<semaphore_mem>>)
      } else {
      }
      %dma_wait3A_38 = arith.constant 0 : i32
      %dma_wait3A_39 = tpu.memref_slice %arg2[%dma_wait3A_38] : memref<322560xi32, #tpu.memory_space<hbm>> -> memref<160xi32, #tpu.memory_space<hbm>>
      %dma_wait3A_40 = arith.constant 0 : i32
      %dma_wait3A_41 = tpu.memref_slice %arg2[%dma_wait3A_40] : memref<322560xi32, #tpu.memory_space<hbm>> -> memref<160xi32, #tpu.memory_space<hbm>>
      tpu.wait_dma2 semaphore(%arg11 : memref<!tpu.dma_semaphore, #tpu.memory_space<semaphore_mem>>) src(%dma_wait3A_41 : memref<160xi32, #tpu.memory_space<hbm>>) dst(%arg8 : memref<160xi32, #tpu.memory_space<vmem>>)
      "tpu.region"() ({
        %run_scoped3A = tpu.sem_alloc : memref<!tpu.dma_semaphore, #tpu.memory_space<semaphore_mem>>
        %dma_start3A_49 = arith.constant 0 : i32
        %dma_start3A_50 = arith.constant 0 : i32
        %dma_start3A_51 = tpu.memref_slice %arg6[%dma_start3A_49, %dma_start3A_50] : memref<10112x128xf32, #tpu.memory_space<vmem_shared>> -> memref<10112x128xf32, #tpu.memory_space<vmem_shared>>
        tpu.enqueue_indirect_dma source(%arg9 : memref<160x128xf32, #tpu.memory_space<vmem>>) target(%dma_start3A_51 : memref<10112x128xf32, #tpu.memory_space<vmem_shared>>) offsets(%arg8 : memref<160xi32, #tpu.memory_space<vmem>>) semaphore(%run_scoped3A : memref<!tpu.dma_semaphore, #tpu.memory_space<semaphore_mem>>) {add = true}
        %dma_wait3A_52 = arith.constant 0 : i32
        %dma_wait3A_53 = arith.constant 0 : i32
        %dma_wait3A_54 = tpu.memref_slice %arg6[%dma_wait3A_52, %dma_wait3A_53] : memref<10112x128xf32, #tpu.memory_space<vmem_shared>> -> memref<10112x128xf32, #tpu.memory_space<vmem_shared>>
        tpu.wait_indirect_dma semaphore(%run_scoped3A : memref<!tpu.dma_semaphore, #tpu.memory_space<semaphore_mem>>) src(%arg9 : memref<160x128xf32, #tpu.memory_space<vmem>>) dst(%dma_wait3A_54 : memref<10112x128xf32, #tpu.memory_space<vmem_shared>>)
        tpu.yield
      }) : () -> ()
      %add3A_42 = arith.constant 3 : i32
      %add3A_43 = arith.addi %add3A_28, %add3A_42 : i32
      %lt3A_44 = arith.constant 126 : i32
      %lt3A_45 = arith.cmpi slt, %add3A_43, %lt3A_44 : i32
      %convert_element_type3A_46 = arith.extui %lt3A_45 : i1 to i32
      %cond3A_47 = arith.constant 0 : i32
      %cond3A_48 = arith.cmpi ne, %convert_element_type3A_46, %cond3A_47 : i32
      scf.if %cond3A_48 {
        %add3A_49 = arith.constant 3 : i32
        %add3A_50 = arith.addi %add3A_28, %add3A_49 : i32
        %mul3A_51 = arith.constant 126 : i32
        %mul3A_52 = arith.muli %arg1, %mul3A_51 : i32
        %add3A_53 = arith.addi %mul3A_52, %add3A_50 : i32
        %mul3A_54 = arith.constant 160 : i32
        %mul3A_55 = arith.muli %add3A_53, %mul3A_54 : i32
        %multiple_of3A_56 = tpu.assume_multiple %mul3A_55, 160 : i32
        %dma_start3A_57 = tpu.memref_slice %arg2[%multiple_of3A_56] : memref<322560xi32, #tpu.memory_space<hbm>> -> memref<160xi32, #tpu.memory_space<hbm>>
        %dma_start3A_58 = tpu.memref_slice %arg2[%multiple_of3A_56] : memref<322560xi32, #tpu.memory_space<hbm>> -> memref<160xi32, #tpu.memory_space<hbm>>
        tpu.enqueue_dma source(%dma_start3A_58 : memref<160xi32, #tpu.memory_space<hbm>>) target(%arg8 : memref<160xi32, #tpu.memory_space<vmem>>) target_semaphore(%arg11 : memref<!tpu.dma_semaphore, #tpu.memory_space<semaphore_mem>>)
      } else {
      }
    }
    %scan3A_20 = arith.constant 63 : i32
    %barrier3A_21 = arith.constant 0 : index
    tpu.barrier barrier_id(%barrier3A_21)
    %eq3A = arith.constant 0 : i32
    %eq3A_22 = arith.cmpi eq, %arg0, %eq3A : i32
    %convert_element_type3A = arith.extui %eq3A_22 : i1 to i32
    %cond3A = arith.constant 0 : i32
    %cond3A_23 = arith.cmpi ne, %convert_element_type3A, %cond3A : i32
    scf.if %cond3A_23 {
      %mul3A_24 = arith.constant 632 : i32
      %mul3A_25 = arith.muli %arg1, %mul3A_24 : i32
      %multiple_of3A_26 = tpu.assume_multiple %mul3A_25, 8 : i32
      %mul3A_27 = arith.constant 632 : i32
      %mul3A_28 = arith.muli %arg1, %mul3A_27 : i32
      %multiple_of3A_29 = tpu.assume_multiple %mul3A_28, 8 : i32
      "tpu.region"() ({
        %run_scoped3A = tpu.sem_alloc : memref<!tpu.dma_semaphore, #tpu.memory_space<semaphore_mem>>
        %dma_start3A_30 = arith.constant 0 : i32
        %dma_start3A_31 = tpu.memref_slice %arg5[%multiple_of3A_29, %dma_start3A_30] : memref<10112x128xf32, #tpu.memory_space<hbm>> -> memref<632x128xf32, #tpu.memory_space<hbm>>
        %dma_start3A_32 = arith.constant 0 : i32
        %dma_start3A_33 = tpu.memref_slice %arg6[%multiple_of3A_26, %dma_start3A_32] : memref<10112x128xf32, #tpu.memory_space<vmem_shared>> -> memref<632x128xf32, #tpu.memory_space<vmem_shared>>
        tpu.enqueue_dma source(%dma_start3A_33 : memref<632x128xf32, #tpu.memory_space<vmem_shared>>) target(%dma_start3A_31 : memref<632x128xf32, #tpu.memory_space<hbm>>) target_semaphore(%run_scoped3A : memref<!tpu.dma_semaphore, #tpu.memory_space<semaphore_mem>>)
        %dma_wait3A = arith.constant 0 : i32
        %dma_wait3A_34 = tpu.memref_slice %arg5[%multiple_of3A_29, %dma_wait3A] : memref<10112x128xf32, #tpu.memory_space<hbm>> -> memref<632x128xf32, #tpu.memory_space<hbm>>
        %dma_wait3A_35 = arith.constant 0 : i32
        %dma_wait3A_36 = tpu.memref_slice %arg6[%multiple_of3A_26, %dma_wait3A_35] : memref<10112x128xf32, #tpu.memory_space<vmem_shared>> -> memref<632x128xf32, #tpu.memory_space<vmem_shared>>
        tpu.wait_dma2 semaphore(%run_scoped3A : memref<!tpu.dma_semaphore, #tpu.memory_space<semaphore_mem>>) src(%dma_wait3A_36 : memref<632x128xf32, #tpu.memory_space<vmem_shared>>) dst(%dma_wait3A_34 : memref<632x128xf32, #tpu.memory_space<hbm>>)
        tpu.yield
      }) : () -> ()
    } else {
    }
    return
  }
}

#map = affine_map<(d0, d1) -> (0, 0)>
#map1 = affine_map<(d0, d1) -> (0)>
module attributes {stable_mosaic.version = 14 : i64} {
  func.func @_sc_agg_body(%arg0: i32, %arg1: i32, %arg2: memref<10000x128xf32, #tpu.memory_space<hbm>>, %arg3: memref<10000x128xf32, #tpu.memory_space<hbm>>, %arg4: memref<10000x128xf32, #tpu.memory_space<hbm>>, %arg5: memref<10000x128xf32, #tpu.memory_space<hbm>>, %arg6: memref<322560xi32, #tpu.memory_space<hbm>>, %arg7: memref<322560xi32, #tpu.memory_space<hbm>>, %arg8: memref<632x128xf32, #tpu.memory_space<hbm>>, %arg9: memref<10112x128xf32, #tpu.memory_space<hbm>>, %arg10: memref<10112x128xf32, #tpu.memory_space<hbm>>, %arg11: memref<10112x128xf32, #tpu.memory_space<hbm>>, %arg12: memref<10112x128xf32, #tpu.memory_space<hbm>>, %arg13: memref<10112x128xf32, #tpu.memory_space<vmem_shared>>, %arg14: memref<160xi32, #tpu.memory_space<vmem>>, %arg15: memref<160xi32, #tpu.memory_space<vmem>>, %arg16: memref<160xi32, #tpu.memory_space<vmem>>, %arg17: memref<160xi32, #tpu.memory_space<vmem>>, %arg18: memref<160x128xf32, #tpu.memory_space<vmem>>, %arg19: memref<160x128xf32, #tpu.memory_space<vmem>>, %arg20: memref<!tpu.dma_semaphore, #tpu.memory_space<semaphore_mem>>, %arg21: memref<!tpu.dma_semaphore, #tpu.memory_space<semaphore_mem>>, %arg22: memref<!tpu.dma_semaphore, #tpu.memory_space<semaphore_mem>>, %arg23: memref<!tpu.dma_semaphore, #tpu.memory_space<semaphore_mem>>, %arg24: memref<!tpu.dma_semaphore, #tpu.memory_space<semaphore_mem>>, %arg25: memref<!tpu.dma_semaphore, #tpu.memory_space<semaphore_mem>>, %arg26: memref<!tpu.dma_semaphore, #tpu.memory_space<semaphore_mem>>, %arg27: memref<!tpu.dma_semaphore, #tpu.memory_space<semaphore_mem>>) attributes {dimension_semantics = [#tpu.dimension_semantics<core_parallel>, #tpu.dimension_semantics<subcore_parallel>], iteration_bounds = array<i64: 2, 16>, scalar_prefetch = 0 : i64, scratch_operands = 15 : i64, tpu.core_type = #tpu.core_type<sc_vector_subcore>, window_params = [{transform_indices = #map}, {transform_indices = #map}, {transform_indices = #map}, {transform_indices = #map}, {transform_indices = #map1}, {transform_indices = #map1}, {transform_indices = #map}, {transform_indices = #map}, {transform_indices = #map}, {transform_indices = #map}, {transform_indices = #map}]} {
    %eq3A = arith.constant 0 : i32
    %eq3A_0 = arith.cmpi eq, %arg0, %eq3A : i32
    %convert_element_type3A = arith.extui %eq3A_0 : i1 to i32
    %cond3A = arith.constant 0 : i32
    %cond3A_1 = arith.cmpi ne, %convert_element_type3A, %cond3A : i32
    scf.if %cond3A_1 {
      %mul3A = arith.constant 632 : i32
      %mul3A_7 = arith.muli %arg1, %mul3A : i32
      %multiple_of3A = tpu.assume_multiple %mul3A_7, 8 : i32
      "tpu.region"() ({
        %run_scoped3A = tpu.sem_alloc : memref<!tpu.dma_semaphore, #tpu.memory_space<semaphore_mem>>
        %dma_start3A_118 = arith.constant 0 : i32
        %dma_start3A_119 = tpu.memref_slice %arg13[%multiple_of3A, %dma_start3A_118] : memref<10112x128xf32, #tpu.memory_space<vmem_shared>> -> memref<632x128xf32, #tpu.memory_space<vmem_shared>>
        tpu.enqueue_dma source(%arg8 : memref<632x128xf32, #tpu.memory_space<hbm>>) target(%dma_start3A_119 : memref<632x128xf32, #tpu.memory_space<vmem_shared>>) target_semaphore(%run_scoped3A : memref<!tpu.dma_semaphore, #tpu.memory_space<semaphore_mem>>)
        %dma_wait3A_120 = arith.constant 0 : i32
        %dma_wait3A_121 = tpu.memref_slice %arg13[%multiple_of3A, %dma_wait3A_120] : memref<10112x128xf32, #tpu.memory_space<vmem_shared>> -> memref<632x128xf32, #tpu.memory_space<vmem_shared>>
        tpu.wait_dma2 semaphore(%run_scoped3A : memref<!tpu.dma_semaphore, #tpu.memory_space<semaphore_mem>>) src(%arg8 : memref<632x128xf32, #tpu.memory_space<hbm>>) dst(%dma_wait3A_121 : memref<632x128xf32, #tpu.memory_space<vmem_shared>>)
        tpu.yield
      }) : () -> ()
      %mul3A_8 = arith.constant 126 : i32
      %mul3A_9 = arith.muli %arg1, %mul3A_8 : i32
      %add3A = arith.constant 0 : i32
      %add3A_10 = arith.addi %mul3A_9, %add3A : i32
      %mul3A_11 = arith.constant 160 : i32
      %mul3A_12 = arith.muli %add3A_10, %mul3A_11 : i32
      %multiple_of3A_13 = tpu.assume_multiple %mul3A_12, 160 : i32
      %dma_start3A = tpu.memref_slice %arg6[%multiple_of3A_13] : memref<322560xi32, #tpu.memory_space<hbm>> -> memref<160xi32, #tpu.memory_space<hbm>>
      %dma_start3A_14 = tpu.memref_slice %arg6[%multiple_of3A_13] : memref<322560xi32, #tpu.memory_space<hbm>> -> memref<160xi32, #tpu.memory_space<hbm>>
      tpu.enqueue_dma source(%dma_start3A_14 : memref<160xi32, #tpu.memory_space<hbm>>) target(%arg14 : memref<160xi32, #tpu.memory_space<vmem>>) target_semaphore(%arg20 : memref<!tpu.dma_semaphore, #tpu.memory_space<semaphore_mem>>)
      %mul3A_15 = arith.constant 126 : i32
      %mul3A_16 = arith.muli %arg1, %mul3A_15 : i32
      %add3A_17 = arith.constant 1 : i32
      %add3A_18 = arith.addi %mul3A_16, %add3A_17 : i32
      %mul3A_19 = arith.constant 160 : i32
      %mul3A_20 = arith.muli %add3A_18, %mul3A_19 : i32
      %multiple_of3A_21 = tpu.assume_multiple %mul3A_20, 160 : i32
      %dma_start3A_22 = tpu.memref_slice %arg6[%multiple_of3A_21] : memref<322560xi32, #tpu.memory_space<hbm>> -> memref<160xi32, #tpu.memory_space<hbm>>
      %dma_start3A_23 = tpu.memref_slice %arg6[%multiple_of3A_21] : memref<322560xi32, #tpu.memory_space<hbm>> -> memref<160xi32, #tpu.memory_space<hbm>>
      tpu.enqueue_dma source(%dma_start3A_23 : memref<160xi32, #tpu.memory_space<hbm>>) target(%arg15 : memref<160xi32, #tpu.memory_space<vmem>>) target_semaphore(%arg21 : memref<!tpu.dma_semaphore, #tpu.memory_space<semaphore_mem>>)
      %mul3A_24 = arith.constant 126 : i32
      %mul3A_25 = arith.muli %arg1, %mul3A_24 : i32
      %add3A_26 = arith.constant 0 : i32
      %add3A_27 = arith.addi %mul3A_25, %add3A_26 : i32
      %mul3A_28 = arith.constant 160 : i32
      %mul3A_29 = arith.muli %add3A_27, %mul3A_28 : i32
      %multiple_of3A_30 = tpu.assume_multiple %mul3A_29, 160 : i32
      %dma_start3A_31 = tpu.memref_slice %arg7[%multiple_of3A_30] : memref<322560xi32, #tpu.memory_space<hbm>> -> memref<160xi32, #tpu.memory_space<hbm>>
      %dma_start3A_32 = tpu.memref_slice %arg7[%multiple_of3A_30] : memref<322560xi32, #tpu.memory_space<hbm>> -> memref<160xi32, #tpu.memory_space<hbm>>
      tpu.enqueue_dma source(%dma_start3A_32 : memref<160xi32, #tpu.memory_space<hbm>>) target(%arg16 : memref<160xi32, #tpu.memory_space<vmem>>) target_semaphore(%arg22 : memref<!tpu.dma_semaphore, #tpu.memory_space<semaphore_mem>>)
      %mul3A_33 = arith.constant 126 : i32
      %mul3A_34 = arith.muli %arg1, %mul3A_33 : i32
      %add3A_35 = arith.constant 1 : i32
      %add3A_36 = arith.addi %mul3A_34, %add3A_35 : i32
      %mul3A_37 = arith.constant 160 : i32
      %mul3A_38 = arith.muli %add3A_36, %mul3A_37 : i32
      %multiple_of3A_39 = tpu.assume_multiple %mul3A_38, 160 : i32
      %dma_start3A_40 = tpu.memref_slice %arg7[%multiple_of3A_39] : memref<322560xi32, #tpu.memory_space<hbm>> -> memref<160xi32, #tpu.memory_space<hbm>>
      %dma_start3A_41 = tpu.memref_slice %arg7[%multiple_of3A_39] : memref<322560xi32, #tpu.memory_space<hbm>> -> memref<160xi32, #tpu.memory_space<hbm>>
      tpu.enqueue_dma source(%dma_start3A_41 : memref<160xi32, #tpu.memory_space<hbm>>) target(%arg17 : memref<160xi32, #tpu.memory_space<vmem>>) target_semaphore(%arg23 : memref<!tpu.dma_semaphore, #tpu.memory_space<semaphore_mem>>)
      %barrier3A = arith.constant 0 : index
      tpu.barrier barrier_id(%barrier3A)
      %scan3A = arith.constant 0 : i32
      %scan3A_42 = arith.constant 63 : i32
      %scan3A_43 = arith.addi %scan3A, %scan3A_42 : i32
      %scan3A_44 = arith.constant 1 : i32
      scf.for %scan3A_118 = %scan3A to %scan3A_43 step %scan3A_44  : i32 {
        %mul3A_119 = arith.constant 2 : i32
        %mul3A_120 = arith.muli %scan3A_118, %mul3A_119 : i32
        %add3A_121 = arith.constant 0 : i32
        %add3A_122 = arith.addi %add3A_121, %mul3A_120 : i32
        %dma_wait3A_123 = arith.constant 0 : i32
        %dma_wait3A_124 = tpu.memref_slice %arg6[%dma_wait3A_123] : memref<322560xi32, #tpu.memory_space<hbm>> -> memref<160xi32, #tpu.memory_space<hbm>>
        %dma_wait3A_125 = arith.constant 0 : i32
        %dma_wait3A_126 = tpu.memref_slice %arg6[%dma_wait3A_125] : memref<322560xi32, #tpu.memory_space<hbm>> -> memref<160xi32, #tpu.memory_space<hbm>>
        tpu.wait_dma2 semaphore(%arg20 : memref<!tpu.dma_semaphore, #tpu.memory_space<semaphore_mem>>) src(%dma_wait3A_126 : memref<160xi32, #tpu.memory_space<hbm>>) dst(%arg14 : memref<160xi32, #tpu.memory_space<vmem>>)
        %ge3A = arith.constant 2 : i32
        %ge3A_127 = arith.cmpi sge, %add3A_122, %ge3A : i32
        %convert_element_type3A_128 = arith.extui %ge3A_127 : i1 to i32
        %cond3A_129 = arith.constant 0 : i32
        %cond3A_130 = arith.cmpi ne, %convert_element_type3A_128, %cond3A_129 : i32
        scf.if %cond3A_130 {
          %dma_wait3A_179 = arith.constant 0 : i32
          %dma_wait3A_180 = arith.constant 0 : i32
          %dma_wait3A_181 = tpu.memref_slice %arg13[%dma_wait3A_179, %dma_wait3A_180] : memref<10112x128xf32, #tpu.memory_space<vmem_shared>> -> memref<10112x128xf32, #tpu.memory_space<vmem_shared>>
          tpu.wait_indirect_dma semaphore(%arg26 : memref<!tpu.dma_semaphore, #tpu.memory_space<semaphore_mem>>) src(%arg18 : memref<160x128xf32, #tpu.memory_space<vmem>>) dst(%dma_wait3A_181 : memref<10112x128xf32, #tpu.memory_space<vmem_shared>>)
          %mul3A_182 = arith.constant 126 : i32
          %mul3A_183 = arith.muli %arg1, %mul3A_182 : i32
          %add3A_184 = arith.addi %mul3A_183, %add3A_122 : i32
          %mul3A_185 = arith.constant 160 : i32
          %mul3A_186 = arith.muli %add3A_184, %mul3A_185 : i32
          %multiple_of3A_187 = tpu.assume_multiple %mul3A_186, 160 : i32
          %dma_start3A_188 = tpu.memref_slice %arg7[%multiple_of3A_187] : memref<322560xi32, #tpu.memory_space<hbm>> -> memref<160xi32, #tpu.memory_space<hbm>>
          %dma_start3A_189 = tpu.memref_slice %arg7[%multiple_of3A_187] : memref<322560xi32, #tpu.memory_space<hbm>> -> memref<160xi32, #tpu.memory_space<hbm>>
          tpu.enqueue_dma source(%dma_start3A_189 : memref<160xi32, #tpu.memory_space<hbm>>) target(%arg16 : memref<160xi32, #tpu.memory_space<vmem>>) target_semaphore(%arg22 : memref<!tpu.dma_semaphore, #tpu.memory_space<semaphore_mem>>)
        } else {
        }
        %dma_start3A_131 = arith.constant 0 : i32
        %dma_start3A_132 = arith.constant 0 : i32
        %dma_start3A_133 = tpu.memref_slice %arg2[%dma_start3A_131, %dma_start3A_132] : memref<10000x128xf32, #tpu.memory_space<hbm>> -> memref<10000x128xf32, #tpu.memory_space<hbm>>
        tpu.enqueue_indirect_dma source(%dma_start3A_133 : memref<10000x128xf32, #tpu.memory_space<hbm>>) target(%arg18 : memref<160x128xf32, #tpu.memory_space<vmem>>) offsets(%arg14 : memref<160xi32, #tpu.memory_space<vmem>>) semaphore(%arg24 : memref<!tpu.dma_semaphore, #tpu.memory_space<semaphore_mem>>)
        %dma_wait3A_134 = arith.constant 0 : i32
        %dma_wait3A_135 = tpu.memref_slice %arg6[%dma_wait3A_134] : memref<322560xi32, #tpu.memory_space<hbm>> -> memref<160xi32, #tpu.memory_space<hbm>>
        %dma_wait3A_136 = arith.constant 0 : i32
        %dma_wait3A_137 = tpu.memref_slice %arg6[%dma_wait3A_136] : memref<322560xi32, #tpu.memory_space<hbm>> -> memref<160xi32, #tpu.memory_space<hbm>>
        tpu.wait_dma2 semaphore(%arg21 : memref<!tpu.dma_semaphore, #tpu.memory_space<semaphore_mem>>) src(%dma_wait3A_137 : memref<160xi32, #tpu.memory_space<hbm>>) dst(%arg15 : memref<160xi32, #tpu.memory_space<vmem>>)
        %ge3A_138 = arith.constant 2 : i32
        %ge3A_139 = arith.cmpi sge, %add3A_122, %ge3A_138 : i32
        %convert_element_type3A_140 = arith.extui %ge3A_139 : i1 to i32
        %cond3A_141 = arith.constant 0 : i32
        %cond3A_142 = arith.cmpi ne, %convert_element_type3A_140, %cond3A_141 : i32
        scf.if %cond3A_142 {
          %dma_wait3A_179 = arith.constant 0 : i32
          %dma_wait3A_180 = arith.constant 0 : i32
          %dma_wait3A_181 = tpu.memref_slice %arg13[%dma_wait3A_179, %dma_wait3A_180] : memref<10112x128xf32, #tpu.memory_space<vmem_shared>> -> memref<10112x128xf32, #tpu.memory_space<vmem_shared>>
          tpu.wait_indirect_dma semaphore(%arg27 : memref<!tpu.dma_semaphore, #tpu.memory_space<semaphore_mem>>) src(%arg19 : memref<160x128xf32, #tpu.memory_space<vmem>>) dst(%dma_wait3A_181 : memref<10112x128xf32, #tpu.memory_space<vmem_shared>>)
          %add3A_182 = arith.constant 1 : i32
          %add3A_183 = arith.addi %add3A_122, %add3A_182 : i32
          %mul3A_184 = arith.constant 126 : i32
          %mul3A_185 = arith.muli %arg1, %mul3A_184 : i32
          %add3A_186 = arith.addi %mul3A_185, %add3A_183 : i32
          %mul3A_187 = arith.constant 160 : i32
          %mul3A_188 = arith.muli %add3A_186, %mul3A_187 : i32
          %multiple_of3A_189 = tpu.assume_multiple %mul3A_188, 160 : i32
          %dma_start3A_190 = tpu.memref_slice %arg7[%multiple_of3A_189] : memref<322560xi32, #tpu.memory_space<hbm>> -> memref<160xi32, #tpu.memory_space<hbm>>
          %dma_start3A_191 = tpu.memref_slice %arg7[%multiple_of3A_189] : memref<322560xi32, #tpu.memory_space<hbm>> -> memref<160xi32, #tpu.memory_space<hbm>>
          tpu.enqueue_dma source(%dma_start3A_191 : memref<160xi32, #tpu.memory_space<hbm>>) target(%arg17 : memref<160xi32, #tpu.memory_space<vmem>>) target_semaphore(%arg23 : memref<!tpu.dma_semaphore, #tpu.memory_space<semaphore_mem>>)
        } else {
        }
        %dma_start3A_143 = arith.constant 0 : i32
        %dma_start3A_144 = arith.constant 0 : i32
        %dma_start3A_145 = tpu.memref_slice %arg2[%dma_start3A_143, %dma_start3A_144] : memref<10000x128xf32, #tpu.memory_space<hbm>> -> memref<10000x128xf32, #tpu.memory_space<hbm>>
        tpu.enqueue_indirect_dma source(%dma_start3A_145 : memref<10000x128xf32, #tpu.memory_space<hbm>>) target(%arg19 : memref<160x128xf32, #tpu.memory_space<vmem>>) offsets(%arg15 : memref<160xi32, #tpu.memory_space<vmem>>) semaphore(%arg25 : memref<!tpu.dma_semaphore, #tpu.memory_space<semaphore_mem>>)
        %dma_wait3A_146 = arith.constant 0 : i32
        %dma_wait3A_147 = arith.constant 0 : i32
        %dma_wait3A_148 = tpu.memref_slice %arg2[%dma_wait3A_146, %dma_wait3A_147] : memref<10000x128xf32, #tpu.memory_space<hbm>> -> memref<10000x128xf32, #tpu.memory_space<hbm>>
        tpu.wait_indirect_dma semaphore(%arg24 : memref<!tpu.dma_semaphore, #tpu.memory_space<semaphore_mem>>) src(%dma_wait3A_148 : memref<10000x128xf32, #tpu.memory_space<hbm>>) dst(%arg18 : memref<160x128xf32, #tpu.memory_space<vmem>>)
        %add3A_149 = arith.constant 2 : i32
        %add3A_150 = arith.addi %add3A_122, %add3A_149 : i32
        %lt3A = arith.constant 126 : i32
        %lt3A_151 = arith.cmpi slt, %add3A_150, %lt3A : i32
        %convert_element_type3A_152 = arith.extui %lt3A_151 : i1 to i32
        %cond3A_153 = arith.constant 0 : i32
        %cond3A_154 = arith.cmpi ne, %convert_element_type3A_152, %cond3A_153 : i32
        scf.if %cond3A_154 {
          %add3A_179 = arith.constant 2 : i32
          %add3A_180 = arith.addi %add3A_122, %add3A_179 : i32
          %mul3A_181 = arith.constant 126 : i32
          %mul3A_182 = arith.muli %arg1, %mul3A_181 : i32
          %add3A_183 = arith.addi %mul3A_182, %add3A_180 : i32
          %mul3A_184 = arith.constant 160 : i32
          %mul3A_185 = arith.muli %add3A_183, %mul3A_184 : i32
          %multiple_of3A_186 = tpu.assume_multiple %mul3A_185, 160 : i32
          %dma_start3A_187 = tpu.memref_slice %arg6[%multiple_of3A_186] : memref<322560xi32, #tpu.memory_space<hbm>> -> memref<160xi32, #tpu.memory_space<hbm>>
          %dma_start3A_188 = tpu.memref_slice %arg6[%multiple_of3A_186] : memref<322560xi32, #tpu.memory_space<hbm>> -> memref<160xi32, #tpu.memory_space<hbm>>
          tpu.enqueue_dma source(%dma_start3A_188 : memref<160xi32, #tpu.memory_space<hbm>>) target(%arg14 : memref<160xi32, #tpu.memory_space<vmem>>) target_semaphore(%arg20 : memref<!tpu.dma_semaphore, #tpu.memory_space<semaphore_mem>>)
        } else {
        }
        %dma_wait3A_155 = arith.constant 0 : i32
        %dma_wait3A_156 = tpu.memref_slice %arg7[%dma_wait3A_155] : memref<322560xi32, #tpu.memory_space<hbm>> -> memref<160xi32, #tpu.memory_space<hbm>>
        %dma_wait3A_157 = arith.constant 0 : i32
        %dma_wait3A_158 = tpu.memref_slice %arg7[%dma_wait3A_157] : memref<322560xi32, #tpu.memory_space<hbm>> -> memref<160xi32, #tpu.memory_space<hbm>>
        tpu.wait_dma2 semaphore(%arg22 : memref<!tpu.dma_semaphore, #tpu.memory_space<semaphore_mem>>) src(%dma_wait3A_158 : memref<160xi32, #tpu.memory_space<hbm>>) dst(%arg16 : memref<160xi32, #tpu.memory_space<vmem>>)
        %dma_start3A_159 = arith.constant 0 : i32
        %dma_start3A_160 = arith.constant 0 : i32
        %dma_start3A_161 = tpu.memref_slice %arg13[%dma_start3A_159, %dma_start3A_160] : memref<10112x128xf32, #tpu.memory_space<vmem_shared>> -> memref<10112x128xf32, #tpu.memory_space<vmem_shared>>
        tpu.enqueue_indirect_dma source(%arg18 : memref<160x128xf32, #tpu.memory_space<vmem>>) target(%dma_start3A_161 : memref<10112x128xf32, #tpu.memory_space<vmem_shared>>) offsets(%arg16 : memref<160xi32, #tpu.memory_space<vmem>>) semaphore(%arg26 : memref<!tpu.dma_semaphore, #tpu.memory_space<semaphore_mem>>) {add = true}
        %dma_wait3A_162 = arith.constant 0 : i32
        %dma_wait3A_163 = arith.constant 0 : i32
        %dma_wait3A_164 = tpu.memref_slice %arg2[%dma_wait3A_162, %dma_wait3A_163] : memref<10000x128xf32, #tpu.memory_space<hbm>> -> memref<10000x128xf32, #tpu.memory_space<hbm>>
        tpu.wait_indirect_dma semaphore(%arg25 : memref<!tpu.dma_semaphore, #tpu.memory_space<semaphore_mem>>) src(%dma_wait3A_164 : memref<10000x128xf32, #tpu.memory_space<hbm>>) dst(%arg19 : memref<160x128xf32, #tpu.memory_space<vmem>>)
        %add3A_165 = arith.constant 3 : i32
        %add3A_166 = arith.addi %add3A_122, %add3A_165 : i32
        %lt3A_167 = arith.constant 126 : i32
        %lt3A_168 = arith.cmpi slt, %add3A_166, %lt3A_167 : i32
        %convert_element_type3A_169 = arith.extui %lt3A_168 : i1 to i32
        %cond3A_170 = arith.constant 0 : i32
        %cond3A_171 = arith.cmpi ne, %convert_element_type3A_169, %cond3A_170 : i32
        scf.if %cond3A_171 {
          %add3A_179 = arith.constant 3 : i32
          %add3A_180 = arith.addi %add3A_122, %add3A_179 : i32
          %mul3A_181 = arith.constant 126 : i32
          %mul3A_182 = arith.muli %arg1, %mul3A_181 : i32
          %add3A_183 = arith.addi %mul3A_182, %add3A_180 : i32
          %mul3A_184 = arith.constant 160 : i32
          %mul3A_185 = arith.muli %add3A_183, %mul3A_184 : i32
          %multiple_of3A_186 = tpu.assume_multiple %mul3A_185, 160 : i32
          %dma_start3A_187 = tpu.memref_slice %arg6[%multiple_of3A_186] : memref<322560xi32, #tpu.memory_space<hbm>> -> memref<160xi32, #tpu.memory_space<hbm>>
          %dma_start3A_188 = tpu.memref_slice %arg6[%multiple_of3A_186] : memref<322560xi32, #tpu.memory_space<hbm>> -> memref<160xi32, #tpu.memory_space<hbm>>
          tpu.enqueue_dma source(%dma_start3A_188 : memref<160xi32, #tpu.memory_space<hbm>>) target(%arg15 : memref<160xi32, #tpu.memory_space<vmem>>) target_semaphore(%arg21 : memref<!tpu.dma_semaphore, #tpu.memory_space<semaphore_mem>>)
        } else {
        }
        %dma_wait3A_172 = arith.constant 0 : i32
        %dma_wait3A_173 = tpu.memref_slice %arg7[%dma_wait3A_172] : memref<322560xi32, #tpu.memory_space<hbm>> -> memref<160xi32, #tpu.memory_space<hbm>>
        %dma_wait3A_174 = arith.constant 0 : i32
        %dma_wait3A_175 = tpu.memref_slice %arg7[%dma_wait3A_174] : memref<322560xi32, #tpu.memory_space<hbm>> -> memref<160xi32, #tpu.memory_space<hbm>>
        tpu.wait_dma2 semaphore(%arg23 : memref<!tpu.dma_semaphore, #tpu.memory_space<semaphore_mem>>) src(%dma_wait3A_175 : memref<160xi32, #tpu.memory_space<hbm>>) dst(%arg17 : memref<160xi32, #tpu.memory_space<vmem>>)
        %dma_start3A_176 = arith.constant 0 : i32
        %dma_start3A_177 = arith.constant 0 : i32
        %dma_start3A_178 = tpu.memref_slice %arg13[%dma_start3A_176, %dma_start3A_177] : memref<10112x128xf32, #tpu.memory_space<vmem_shared>> -> memref<10112x128xf32, #tpu.memory_space<vmem_shared>>
        tpu.enqueue_indirect_dma source(%arg19 : memref<160x128xf32, #tpu.memory_space<vmem>>) target(%dma_start3A_178 : memref<10112x128xf32, #tpu.memory_space<vmem_shared>>) offsets(%arg17 : memref<160xi32, #tpu.memory_space<vmem>>) semaphore(%arg27 : memref<!tpu.dma_semaphore, #tpu.memory_space<semaphore_mem>>) {add = true}
      }
      %scan3A_45 = arith.constant 63 : i32
      %dma_wait3A = arith.constant 0 : i32
      %dma_wait3A_46 = arith.constant 0 : i32
      %dma_wait3A_47 = tpu.memref_slice %arg13[%dma_wait3A, %dma_wait3A_46] : memref<10112x128xf32, #tpu.memory_space<vmem_shared>> -> memref<10112x128xf32, #tpu.memory_space<vmem_shared>>
      tpu.wait_indirect_dma semaphore(%arg26 : memref<!tpu.dma_semaphore, #tpu.memory_space<semaphore_mem>>) src(%arg18 : memref<160x128xf32, #tpu.memory_space<vmem>>) dst(%dma_wait3A_47 : memref<10112x128xf32, #tpu.memory_space<vmem_shared>>)
      %dma_wait3A_48 = arith.constant 0 : i32
      %dma_wait3A_49 = arith.constant 0 : i32
      %dma_wait3A_50 = tpu.memref_slice %arg13[%dma_wait3A_48, %dma_wait3A_49] : memref<10112x128xf32, #tpu.memory_space<vmem_shared>> -> memref<10112x128xf32, #tpu.memory_space<vmem_shared>>
      tpu.wait_indirect_dma semaphore(%arg27 : memref<!tpu.dma_semaphore, #tpu.memory_space<semaphore_mem>>) src(%arg19 : memref<160x128xf32, #tpu.memory_space<vmem>>) dst(%dma_wait3A_50 : memref<10112x128xf32, #tpu.memory_space<vmem_shared>>)
      %barrier3A_51 = arith.constant 0 : index
      tpu.barrier barrier_id(%barrier3A_51)
      %mul3A_52 = arith.constant 632 : i32
      %mul3A_53 = arith.muli %arg1, %mul3A_52 : i32
      %multiple_of3A_54 = tpu.assume_multiple %mul3A_53, 8 : i32
      %mul3A_55 = arith.constant 632 : i32
      %mul3A_56 = arith.muli %arg1, %mul3A_55 : i32
      %multiple_of3A_57 = tpu.assume_multiple %mul3A_56, 8 : i32
      "tpu.region"() ({
        %run_scoped3A = tpu.sem_alloc : memref<!tpu.dma_semaphore, #tpu.memory_space<semaphore_mem>>
        %dma_start3A_118 = arith.constant 0 : i32
        %dma_start3A_119 = tpu.memref_slice %arg9[%multiple_of3A_57, %dma_start3A_118] : memref<10112x128xf32, #tpu.memory_space<hbm>> -> memref<632x128xf32, #tpu.memory_space<hbm>>
        %dma_start3A_120 = arith.constant 0 : i32
        %dma_start3A_121 = tpu.memref_slice %arg13[%multiple_of3A_54, %dma_start3A_120] : memref<10112x128xf32, #tpu.memory_space<vmem_shared>> -> memref<632x128xf32, #tpu.memory_space<vmem_shared>>
        tpu.enqueue_dma source(%dma_start3A_121 : memref<632x128xf32, #tpu.memory_space<vmem_shared>>) target(%dma_start3A_119 : memref<632x128xf32, #tpu.memory_space<hbm>>) target_semaphore(%run_scoped3A : memref<!tpu.dma_semaphore, #tpu.memory_space<semaphore_mem>>)
        %dma_wait3A_122 = arith.constant 0 : i32
        %dma_wait3A_123 = tpu.memref_slice %arg9[%multiple_of3A_57, %dma_wait3A_122] : memref<10112x128xf32, #tpu.memory_space<hbm>> -> memref<632x128xf32, #tpu.memory_space<hbm>>
        %dma_wait3A_124 = arith.constant 0 : i32
        %dma_wait3A_125 = tpu.memref_slice %arg13[%multiple_of3A_54, %dma_wait3A_124] : memref<10112x128xf32, #tpu.memory_space<vmem_shared>> -> memref<632x128xf32, #tpu.memory_space<vmem_shared>>
        tpu.wait_dma2 semaphore(%run_scoped3A : memref<!tpu.dma_semaphore, #tpu.memory_space<semaphore_mem>>) src(%dma_wait3A_125 : memref<632x128xf32, #tpu.memory_space<vmem_shared>>) dst(%dma_wait3A_123 : memref<632x128xf32, #tpu.memory_space<hbm>>)
        tpu.yield
      }) : () -> ()
      %barrier3A_58 = arith.constant 0 : index
      tpu.barrier barrier_id(%barrier3A_58)
      %mul3A_59 = arith.constant 632 : i32
      %mul3A_60 = arith.muli %arg1, %mul3A_59 : i32
      %multiple_of3A_61 = tpu.assume_multiple %mul3A_60, 8 : i32
      "tpu.region"() ({
        %run_scoped3A = tpu.sem_alloc : memref<!tpu.dma_semaphore, #tpu.memory_space<semaphore_mem>>
        %dma_start3A_118 = arith.constant 0 : i32
        %dma_start3A_119 = tpu.memref_slice %arg13[%multiple_of3A_61, %dma_start3A_118] : memref<10112x128xf32, #tpu.memory_space<vmem_shared>> -> memref<632x128xf32, #tpu.memory_space<vmem_shared>>
        tpu.enqueue_dma source(%arg8 : memref<632x128xf32, #tpu.memory_space<hbm>>) target(%dma_start3A_119 : memref<632x128xf32, #tpu.memory_space<vmem_shared>>) target_semaphore(%run_scoped3A : memref<!tpu.dma_semaphore, #tpu.memory_space<semaphore_mem>>)
        %dma_wait3A_120 = arith.constant 0 : i32
        %dma_wait3A_121 = tpu.memref_slice %arg13[%multiple_of3A_61, %dma_wait3A_120] : memref<10112x128xf32, #tpu.memory_space<vmem_shared>> -> memref<632x128xf32, #tpu.memory_space<vmem_shared>>
        tpu.wait_dma2 semaphore(%run_scoped3A : memref<!tpu.dma_semaphore, #tpu.memory_space<semaphore_mem>>) src(%arg8 : memref<632x128xf32, #tpu.memory_space<hbm>>) dst(%dma_wait3A_121 : memref<632x128xf32, #tpu.memory_space<vmem_shared>>)
        tpu.yield
      }) : () -> ()
      %mul3A_62 = arith.constant 126 : i32
      %mul3A_63 = arith.muli %arg1, %mul3A_62 : i32
      %add3A_64 = arith.constant 0 : i32
      %add3A_65 = arith.addi %mul3A_63, %add3A_64 : i32
      %mul3A_66 = arith.constant 160 : i32
      %mul3A_67 = arith.muli %add3A_65, %mul3A_66 : i32
      %multiple_of3A_68 = tpu.assume_multiple %mul3A_67, 160 : i32
      %dma_start3A_69 = tpu.memref_slice %arg6[%multiple_of3A_68] : memref<322560xi32, #tpu.memory_space<hbm>> -> memref<160xi32, #tpu.memory_space<hbm>>
      %dma_start3A_70 = tpu.memref_slice %arg6[%multiple_of3A_68] : memref<322560xi32, #tpu.memory_space<hbm>> -> memref<160xi32, #tpu.memory_space<hbm>>
      tpu.enqueue_dma source(%dma_start3A_70 : memref<160xi32, #tpu.memory_space<hbm>>) target(%arg14 : memref<160xi32, #tpu.memory_space<vmem>>) target_semaphore(%arg20 : memref<!tpu.dma_semaphore, #tpu.memory_space<semaphore_mem>>)
      %mul3A_71 = arith.constant 126 : i32
      %mul3A_72 = arith.muli %arg1, %mul3A_71 : i32
      %add3A_73 = arith.constant 1 : i32
      %add3A_74 = arith.addi %mul3A_72, %add3A_73 : i32
      %mul3A_75 = arith.constant 160 : i32
      %mul3A_76 = arith.muli %add3A_74, %mul3A_75 : i32
      %multiple_of3A_77 = tpu.assume_multiple %mul3A_76, 160 : i32
      %dma_start3A_78 = tpu.memref_slice %arg6[%multiple_of3A_77] : memref<322560xi32, #tpu.memory_space<hbm>> -> memref<160xi32, #tpu.memory_space<hbm>>
      %dma_start3A_79 = tpu.memref_slice %arg6[%multiple_of3A_77] : memref<322560xi32, #tpu.memory_space<hbm>> -> memref<160xi32, #tpu.memory_space<hbm>>
      tpu.enqueue_dma source(%dma_start3A_79 : memref<160xi32, #tpu.memory_space<hbm>>) target(%arg15 : memref<160xi32, #tpu.memory_space<vmem>>) target_semaphore(%arg21 : memref<!tpu.dma_semaphore, #tpu.memory_space<semaphore_mem>>)
      %mul3A_80 = arith.constant 126 : i32
      %mul3A_81 = arith.muli %arg1, %mul3A_80 : i32
      %add3A_82 = arith.constant 0 : i32
      %add3A_83 = arith.addi %mul3A_81, %add3A_82 : i32
      %mul3A_84 = arith.constant 160 : i32
      %mul3A_85 = arith.muli %add3A_83, %mul3A_84 : i32
      %multiple_of3A_86 = tpu.assume_multiple %mul3A_85, 160 : i32
      %dma_start3A_87 = tpu.memref_slice %arg7[%multiple_of3A_86] : memref<322560xi32, #tpu.memory_space<hbm>> -> memref<160xi32, #tpu.memory_space<hbm>>
      %dma_start3A_88 = tpu.memref_slice %arg7[%multiple_of3A_86] : memref<322560xi32, #tpu.memory_space<hbm>> -> memref<160xi32, #tpu.memory_space<hbm>>
      tpu.enqueue_dma source(%dma_start3A_88 : memref<160xi32, #tpu.memory_space<hbm>>) target(%arg16 : memref<160xi32, #tpu.memory_space<vmem>>) target_semaphore(%arg22 : memref<!tpu.dma_semaphore, #tpu.memory_space<semaphore_mem>>)
      %mul3A_89 = arith.constant 126 : i32
      %mul3A_90 = arith.muli %arg1, %mul3A_89 : i32
      %add3A_91 = arith.constant 1 : i32
      %add3A_92 = arith.addi %mul3A_90, %add3A_91 : i32
      %mul3A_93 = arith.constant 160 : i32
      %mul3A_94 = arith.muli %add3A_92, %mul3A_93 : i32
      %multiple_of3A_95 = tpu.assume_multiple %mul3A_94, 160 : i32
      %dma_start3A_96 = tpu.memref_slice %arg7[%multiple_of3A_95] : memref<322560xi32, #tpu.memory_space<hbm>> -> memref<160xi32, #tpu.memory_space<hbm>>
      %dma_start3A_97 = tpu.memref_slice %arg7[%multiple_of3A_95] : memref<322560xi32, #tpu.memory_space<hbm>> -> memref<160xi32, #tpu.memory_space<hbm>>
      tpu.enqueue_dma source(%dma_start3A_97 : memref<160xi32, #tpu.memory_space<hbm>>) target(%arg17 : memref<160xi32, #tpu.memory_space<vmem>>) target_semaphore(%arg23 : memref<!tpu.dma_semaphore, #tpu.memory_space<semaphore_mem>>)
      %barrier3A_98 = arith.constant 0 : index
      tpu.barrier barrier_id(%barrier3A_98)
      %scan3A_99 = arith.constant 0 : i32
      %scan3A_100 = arith.constant 63 : i32
      %scan3A_101 = arith.addi %scan3A_99, %scan3A_100 : i32
      %scan3A_102 = arith.constant 1 : i32
      scf.for %scan3A_118 = %scan3A_99 to %scan3A_101 step %scan3A_102  : i32 {
        %mul3A_119 = arith.constant 2 : i32
        %mul3A_120 = arith.muli %scan3A_118, %mul3A_119 : i32
        %add3A_121 = arith.constant 0 : i32
        %add3A_122 = arith.addi %add3A_121, %mul3A_120 : i32
        %dma_wait3A_123 = arith.constant 0 : i32
        %dma_wait3A_124 = tpu.memref_slice %arg6[%dma_wait3A_123] : memref<322560xi32, #tpu.memory_space<hbm>> -> memref<160xi32, #tpu.memory_space<hbm>>
        %dma_wait3A_125 = arith.constant 0 : i32
        %dma_wait3A_126 = tpu.memref_slice %arg6[%dma_wait3A_125] : memref<322560xi32, #tpu.memory_space<hbm>> -> memref<160xi32, #tpu.memory_space<hbm>>
        tpu.wait_dma2 semaphore(%arg20 : memref<!tpu.dma_semaphore, #tpu.memory_space<semaphore_mem>>) src(%dma_wait3A_126 : memref<160xi32, #tpu.memory_space<hbm>>) dst(%arg14 : memref<160xi32, #tpu.memory_space<vmem>>)
        %ge3A = arith.constant 2 : i32
        %ge3A_127 = arith.cmpi sge, %add3A_122, %ge3A : i32
        %convert_element_type3A_128 = arith.extui %ge3A_127 : i1 to i32
        %cond3A_129 = arith.constant 0 : i32
        %cond3A_130 = arith.cmpi ne, %convert_element_type3A_128, %cond3A_129 : i32
        scf.if %cond3A_130 {
          %dma_wait3A_179 = arith.constant 0 : i32
          %dma_wait3A_180 = arith.constant 0 : i32
          %dma_wait3A_181 = tpu.memref_slice %arg13[%dma_wait3A_179, %dma_wait3A_180] : memref<10112x128xf32, #tpu.memory_space<vmem_shared>> -> memref<10112x128xf32, #tpu.memory_space<vmem_shared>>
          tpu.wait_indirect_dma semaphore(%arg26 : memref<!tpu.dma_semaphore, #tpu.memory_space<semaphore_mem>>) src(%arg18 : memref<160x128xf32, #tpu.memory_space<vmem>>) dst(%dma_wait3A_181 : memref<10112x128xf32, #tpu.memory_space<vmem_shared>>)
          %mul3A_182 = arith.constant 126 : i32
          %mul3A_183 = arith.muli %arg1, %mul3A_182 : i32
          %add3A_184 = arith.addi %mul3A_183, %add3A_122 : i32
          %mul3A_185 = arith.constant 160 : i32
          %mul3A_186 = arith.muli %add3A_184, %mul3A_185 : i32
          %multiple_of3A_187 = tpu.assume_multiple %mul3A_186, 160 : i32
          %dma_start3A_188 = tpu.memref_slice %arg7[%multiple_of3A_187] : memref<322560xi32, #tpu.memory_space<hbm>> -> memref<160xi32, #tpu.memory_space<hbm>>
          %dma_start3A_189 = tpu.memref_slice %arg7[%multiple_of3A_187] : memref<322560xi32, #tpu.memory_space<hbm>> -> memref<160xi32, #tpu.memory_space<hbm>>
          tpu.enqueue_dma source(%dma_start3A_189 : memref<160xi32, #tpu.memory_space<hbm>>) target(%arg16 : memref<160xi32, #tpu.memory_space<vmem>>) target_semaphore(%arg22 : memref<!tpu.dma_semaphore, #tpu.memory_space<semaphore_mem>>)
        } else {
        }
        %dma_start3A_131 = arith.constant 0 : i32
        %dma_start3A_132 = arith.constant 0 : i32
        %dma_start3A_133 = tpu.memref_slice %arg3[%dma_start3A_131, %dma_start3A_132] : memref<10000x128xf32, #tpu.memory_space<hbm>> -> memref<10000x128xf32, #tpu.memory_space<hbm>>
        tpu.enqueue_indirect_dma source(%dma_start3A_133 : memref<10000x128xf32, #tpu.memory_space<hbm>>) target(%arg18 : memref<160x128xf32, #tpu.memory_space<vmem>>) offsets(%arg14 : memref<160xi32, #tpu.memory_space<vmem>>) semaphore(%arg24 : memref<!tpu.dma_semaphore, #tpu.memory_space<semaphore_mem>>)
        %dma_wait3A_134 = arith.constant 0 : i32
        %dma_wait3A_135 = tpu.memref_slice %arg6[%dma_wait3A_134] : memref<322560xi32, #tpu.memory_space<hbm>> -> memref<160xi32, #tpu.memory_space<hbm>>
        %dma_wait3A_136 = arith.constant 0 : i32
        %dma_wait3A_137 = tpu.memref_slice %arg6[%dma_wait3A_136] : memref<322560xi32, #tpu.memory_space<hbm>> -> memref<160xi32, #tpu.memory_space<hbm>>
        tpu.wait_dma2 semaphore(%arg21 : memref<!tpu.dma_semaphore, #tpu.memory_space<semaphore_mem>>) src(%dma_wait3A_137 : memref<160xi32, #tpu.memory_space<hbm>>) dst(%arg15 : memref<160xi32, #tpu.memory_space<vmem>>)
        %ge3A_138 = arith.constant 2 : i32
        %ge3A_139 = arith.cmpi sge, %add3A_122, %ge3A_138 : i32
        %convert_element_type3A_140 = arith.extui %ge3A_139 : i1 to i32
        %cond3A_141 = arith.constant 0 : i32
        %cond3A_142 = arith.cmpi ne, %convert_element_type3A_140, %cond3A_141 : i32
        scf.if %cond3A_142 {
          %dma_wait3A_179 = arith.constant 0 : i32
          %dma_wait3A_180 = arith.constant 0 : i32
          %dma_wait3A_181 = tpu.memref_slice %arg13[%dma_wait3A_179, %dma_wait3A_180] : memref<10112x128xf32, #tpu.memory_space<vmem_shared>> -> memref<10112x128xf32, #tpu.memory_space<vmem_shared>>
          tpu.wait_indirect_dma semaphore(%arg27 : memref<!tpu.dma_semaphore, #tpu.memory_space<semaphore_mem>>) src(%arg19 : memref<160x128xf32, #tpu.memory_space<vmem>>) dst(%dma_wait3A_181 : memref<10112x128xf32, #tpu.memory_space<vmem_shared>>)
          %add3A_182 = arith.constant 1 : i32
          %add3A_183 = arith.addi %add3A_122, %add3A_182 : i32
          %mul3A_184 = arith.constant 126 : i32
          %mul3A_185 = arith.muli %arg1, %mul3A_184 : i32
          %add3A_186 = arith.addi %mul3A_185, %add3A_183 : i32
          %mul3A_187 = arith.constant 160 : i32
          %mul3A_188 = arith.muli %add3A_186, %mul3A_187 : i32
          %multiple_of3A_189 = tpu.assume_multiple %mul3A_188, 160 : i32
          %dma_start3A_190 = tpu.memref_slice %arg7[%multiple_of3A_189] : memref<322560xi32, #tpu.memory_space<hbm>> -> memref<160xi32, #tpu.memory_space<hbm>>
          %dma_start3A_191 = tpu.memref_slice %arg7[%multiple_of3A_189] : memref<322560xi32, #tpu.memory_space<hbm>> -> memref<160xi32, #tpu.memory_space<hbm>>
          tpu.enqueue_dma source(%dma_start3A_191 : memref<160xi32, #tpu.memory_space<hbm>>) target(%arg17 : memref<160xi32, #tpu.memory_space<vmem>>) target_semaphore(%arg23 : memref<!tpu.dma_semaphore, #tpu.memory_space<semaphore_mem>>)
        } else {
        }
        %dma_start3A_143 = arith.constant 0 : i32
        %dma_start3A_144 = arith.constant 0 : i32
        %dma_start3A_145 = tpu.memref_slice %arg3[%dma_start3A_143, %dma_start3A_144] : memref<10000x128xf32, #tpu.memory_space<hbm>> -> memref<10000x128xf32, #tpu.memory_space<hbm>>
        tpu.enqueue_indirect_dma source(%dma_start3A_145 : memref<10000x128xf32, #tpu.memory_space<hbm>>) target(%arg19 : memref<160x128xf32, #tpu.memory_space<vmem>>) offsets(%arg15 : memref<160xi32, #tpu.memory_space<vmem>>) semaphore(%arg25 : memref<!tpu.dma_semaphore, #tpu.memory_space<semaphore_mem>>)
        %dma_wait3A_146 = arith.constant 0 : i32
        %dma_wait3A_147 = arith.constant 0 : i32
        %dma_wait3A_148 = tpu.memref_slice %arg3[%dma_wait3A_146, %dma_wait3A_147] : memref<10000x128xf32, #tpu.memory_space<hbm>> -> memref<10000x128xf32, #tpu.memory_space<hbm>>
        tpu.wait_indirect_dma semaphore(%arg24 : memref<!tpu.dma_semaphore, #tpu.memory_space<semaphore_mem>>) src(%dma_wait3A_148 : memref<10000x128xf32, #tpu.memory_space<hbm>>) dst(%arg18 : memref<160x128xf32, #tpu.memory_space<vmem>>)
        %add3A_149 = arith.constant 2 : i32
        %add3A_150 = arith.addi %add3A_122, %add3A_149 : i32
        %lt3A = arith.constant 126 : i32
        %lt3A_151 = arith.cmpi slt, %add3A_150, %lt3A : i32
        %convert_element_type3A_152 = arith.extui %lt3A_151 : i1 to i32
        %cond3A_153 = arith.constant 0 : i32
        %cond3A_154 = arith.cmpi ne, %convert_element_type3A_152, %cond3A_153 : i32
        scf.if %cond3A_154 {
          %add3A_179 = arith.constant 2 : i32
          %add3A_180 = arith.addi %add3A_122, %add3A_179 : i32
          %mul3A_181 = arith.constant 126 : i32
          %mul3A_182 = arith.muli %arg1, %mul3A_181 : i32
          %add3A_183 = arith.addi %mul3A_182, %add3A_180 : i32
          %mul3A_184 = arith.constant 160 : i32
          %mul3A_185 = arith.muli %add3A_183, %mul3A_184 : i32
          %multiple_of3A_186 = tpu.assume_multiple %mul3A_185, 160 : i32
          %dma_start3A_187 = tpu.memref_slice %arg6[%multiple_of3A_186] : memref<322560xi32, #tpu.memory_space<hbm>> -> memref<160xi32, #tpu.memory_space<hbm>>
          %dma_start3A_188 = tpu.memref_slice %arg6[%multiple_of3A_186] : memref<322560xi32, #tpu.memory_space<hbm>> -> memref<160xi32, #tpu.memory_space<hbm>>
          tpu.enqueue_dma source(%dma_start3A_188 : memref<160xi32, #tpu.memory_space<hbm>>) target(%arg14 : memref<160xi32, #tpu.memory_space<vmem>>) target_semaphore(%arg20 : memref<!tpu.dma_semaphore, #tpu.memory_space<semaphore_mem>>)
        } else {
        }
        %dma_wait3A_155 = arith.constant 0 : i32
        %dma_wait3A_156 = tpu.memref_slice %arg7[%dma_wait3A_155] : memref<322560xi32, #tpu.memory_space<hbm>> -> memref<160xi32, #tpu.memory_space<hbm>>
        %dma_wait3A_157 = arith.constant 0 : i32
        %dma_wait3A_158 = tpu.memref_slice %arg7[%dma_wait3A_157] : memref<322560xi32, #tpu.memory_space<hbm>> -> memref<160xi32, #tpu.memory_space<hbm>>
        tpu.wait_dma2 semaphore(%arg22 : memref<!tpu.dma_semaphore, #tpu.memory_space<semaphore_mem>>) src(%dma_wait3A_158 : memref<160xi32, #tpu.memory_space<hbm>>) dst(%arg16 : memref<160xi32, #tpu.memory_space<vmem>>)
        %dma_start3A_159 = arith.constant 0 : i32
        %dma_start3A_160 = arith.constant 0 : i32
        %dma_start3A_161 = tpu.memref_slice %arg13[%dma_start3A_159, %dma_start3A_160] : memref<10112x128xf32, #tpu.memory_space<vmem_shared>> -> memref<10112x128xf32, #tpu.memory_space<vmem_shared>>
        tpu.enqueue_indirect_dma source(%arg18 : memref<160x128xf32, #tpu.memory_space<vmem>>) target(%dma_start3A_161 : memref<10112x128xf32, #tpu.memory_space<vmem_shared>>) offsets(%arg16 : memref<160xi32, #tpu.memory_space<vmem>>) semaphore(%arg26 : memref<!tpu.dma_semaphore, #tpu.memory_space<semaphore_mem>>) {add = true}
        %dma_wait3A_162 = arith.constant 0 : i32
        %dma_wait3A_163 = arith.constant 0 : i32
        %dma_wait3A_164 = tpu.memref_slice %arg3[%dma_wait3A_162, %dma_wait3A_163] : memref<10000x128xf32, #tpu.memory_space<hbm>> -> memref<10000x128xf32, #tpu.memory_space<hbm>>
        tpu.wait_indirect_dma semaphore(%arg25 : memref<!tpu.dma_semaphore, #tpu.memory_space<semaphore_mem>>) src(%dma_wait3A_164 : memref<10000x128xf32, #tpu.memory_space<hbm>>) dst(%arg19 : memref<160x128xf32, #tpu.memory_space<vmem>>)
        %add3A_165 = arith.constant 3 : i32
        %add3A_166 = arith.addi %add3A_122, %add3A_165 : i32
        %lt3A_167 = arith.constant 126 : i32
        %lt3A_168 = arith.cmpi slt, %add3A_166, %lt3A_167 : i32
        %convert_element_type3A_169 = arith.extui %lt3A_168 : i1 to i32
        %cond3A_170 = arith.constant 0 : i32
        %cond3A_171 = arith.cmpi ne, %convert_element_type3A_169, %cond3A_170 : i32
        scf.if %cond3A_171 {
          %add3A_179 = arith.constant 3 : i32
          %add3A_180 = arith.addi %add3A_122, %add3A_179 : i32
          %mul3A_181 = arith.constant 126 : i32
          %mul3A_182 = arith.muli %arg1, %mul3A_181 : i32
          %add3A_183 = arith.addi %mul3A_182, %add3A_180 : i32
          %mul3A_184 = arith.constant 160 : i32
          %mul3A_185 = arith.muli %add3A_183, %mul3A_184 : i32
          %multiple_of3A_186 = tpu.assume_multiple %mul3A_185, 160 : i32
          %dma_start3A_187 = tpu.memref_slice %arg6[%multiple_of3A_186] : memref<322560xi32, #tpu.memory_space<hbm>> -> memref<160xi32, #tpu.memory_space<hbm>>
          %dma_start3A_188 = tpu.memref_slice %arg6[%multiple_of3A_186] : memref<322560xi32, #tpu.memory_space<hbm>> -> memref<160xi32, #tpu.memory_space<hbm>>
          tpu.enqueue_dma source(%dma_start3A_188 : memref<160xi32, #tpu.memory_space<hbm>>) target(%arg15 : memref<160xi32, #tpu.memory_space<vmem>>) target_semaphore(%arg21 : memref<!tpu.dma_semaphore, #tpu.memory_space<semaphore_mem>>)
        } else {
        }
        %dma_wait3A_172 = arith.constant 0 : i32
        %dma_wait3A_173 = tpu.memref_slice %arg7[%dma_wait3A_172] : memref<322560xi32, #tpu.memory_space<hbm>> -> memref<160xi32, #tpu.memory_space<hbm>>
        %dma_wait3A_174 = arith.constant 0 : i32
        %dma_wait3A_175 = tpu.memref_slice %arg7[%dma_wait3A_174] : memref<322560xi32, #tpu.memory_space<hbm>> -> memref<160xi32, #tpu.memory_space<hbm>>
        tpu.wait_dma2 semaphore(%arg23 : memref<!tpu.dma_semaphore, #tpu.memory_space<semaphore_mem>>) src(%dma_wait3A_175 : memref<160xi32, #tpu.memory_space<hbm>>) dst(%arg17 : memref<160xi32, #tpu.memory_space<vmem>>)
        %dma_start3A_176 = arith.constant 0 : i32
        %dma_start3A_177 = arith.constant 0 : i32
        %dma_start3A_178 = tpu.memref_slice %arg13[%dma_start3A_176, %dma_start3A_177] : memref<10112x128xf32, #tpu.memory_space<vmem_shared>> -> memref<10112x128xf32, #tpu.memory_space<vmem_shared>>
        tpu.enqueue_indirect_dma source(%arg19 : memref<160x128xf32, #tpu.memory_space<vmem>>) target(%dma_start3A_178 : memref<10112x128xf32, #tpu.memory_space<vmem_shared>>) offsets(%arg17 : memref<160xi32, #tpu.memory_space<vmem>>) semaphore(%arg27 : memref<!tpu.dma_semaphore, #tpu.memory_space<semaphore_mem>>) {add = true}
      }
      %scan3A_103 = arith.constant 63 : i32
      %dma_wait3A_104 = arith.constant 0 : i32
      %dma_wait3A_105 = arith.constant 0 : i32
      %dma_wait3A_106 = tpu.memref_slice %arg13[%dma_wait3A_104, %dma_wait3A_105] : memref<10112x128xf32, #tpu.memory_space<vmem_shared>> -> memref<10112x128xf32, #tpu.memory_space<vmem_shared>>
      tpu.wait_indirect_dma semaphore(%arg26 : memref<!tpu.dma_semaphore, #tpu.memory_space<semaphore_mem>>) src(%arg18 : memref<160x128xf32, #tpu.memory_space<vmem>>) dst(%dma_wait3A_106 : memref<10112x128xf32, #tpu.memory_space<vmem_shared>>)
      %dma_wait3A_107 = arith.constant 0 : i32
      %dma_wait3A_108 = arith.constant 0 : i32
      %dma_wait3A_109 = tpu.memref_slice %arg13[%dma_wait3A_107, %dma_wait3A_108] : memref<10112x128xf32, #tpu.memory_space<vmem_shared>> -> memref<10112x128xf32, #tpu.memory_space<vmem_shared>>
      tpu.wait_indirect_dma semaphore(%arg27 : memref<!tpu.dma_semaphore, #tpu.memory_space<semaphore_mem>>) src(%arg19 : memref<160x128xf32, #tpu.memory_space<vmem>>) dst(%dma_wait3A_109 : memref<10112x128xf32, #tpu.memory_space<vmem_shared>>)
      %barrier3A_110 = arith.constant 0 : index
      tpu.barrier barrier_id(%barrier3A_110)
      %mul3A_111 = arith.constant 632 : i32
      %mul3A_112 = arith.muli %arg1, %mul3A_111 : i32
      %multiple_of3A_113 = tpu.assume_multiple %mul3A_112, 8 : i32
      %mul3A_114 = arith.constant 632 : i32
      %mul3A_115 = arith.muli %arg1, %mul3A_114 : i32
      %multiple_of3A_116 = tpu.assume_multiple %mul3A_115, 8 : i32
      "tpu.region"() ({
        %run_scoped3A = tpu.sem_alloc : memref<!tpu.dma_semaphore, #tpu.memory_space<semaphore_mem>>
        %dma_start3A_118 = arith.constant 0 : i32
        %dma_start3A_119 = tpu.memref_slice %arg10[%multiple_of3A_116, %dma_start3A_118] : memref<10112x128xf32, #tpu.memory_space<hbm>> -> memref<632x128xf32, #tpu.memory_space<hbm>>
        %dma_start3A_120 = arith.constant 0 : i32
        %dma_start3A_121 = tpu.memref_slice %arg13[%multiple_of3A_113, %dma_start3A_120] : memref<10112x128xf32, #tpu.memory_space<vmem_shared>> -> memref<632x128xf32, #tpu.memory_space<vmem_shared>>
        tpu.enqueue_dma source(%dma_start3A_121 : memref<632x128xf32, #tpu.memory_space<vmem_shared>>) target(%dma_start3A_119 : memref<632x128xf32, #tpu.memory_space<hbm>>) target_semaphore(%run_scoped3A : memref<!tpu.dma_semaphore, #tpu.memory_space<semaphore_mem>>)
        %dma_wait3A_122 = arith.constant 0 : i32
        %dma_wait3A_123 = tpu.memref_slice %arg10[%multiple_of3A_116, %dma_wait3A_122] : memref<10112x128xf32, #tpu.memory_space<hbm>> -> memref<632x128xf32, #tpu.memory_space<hbm>>
        %dma_wait3A_124 = arith.constant 0 : i32
        %dma_wait3A_125 = tpu.memref_slice %arg13[%multiple_of3A_113, %dma_wait3A_124] : memref<10112x128xf32, #tpu.memory_space<vmem_shared>> -> memref<632x128xf32, #tpu.memory_space<vmem_shared>>
        tpu.wait_dma2 semaphore(%run_scoped3A : memref<!tpu.dma_semaphore, #tpu.memory_space<semaphore_mem>>) src(%dma_wait3A_125 : memref<632x128xf32, #tpu.memory_space<vmem_shared>>) dst(%dma_wait3A_123 : memref<632x128xf32, #tpu.memory_space<hbm>>)
        tpu.yield
      }) : () -> ()
      %barrier3A_117 = arith.constant 0 : index
      tpu.barrier barrier_id(%barrier3A_117)
    } else {
    }
    %eq3A_2 = arith.constant 1 : i32
    %eq3A_3 = arith.cmpi eq, %arg0, %eq3A_2 : i32
    %convert_element_type3A_4 = arith.extui %eq3A_3 : i1 to i32
    %cond3A_5 = arith.constant 0 : i32
    %cond3A_6 = arith.cmpi ne, %convert_element_type3A_4, %cond3A_5 : i32
    scf.if %cond3A_6 {
      %mul3A = arith.constant 632 : i32
      %mul3A_7 = arith.muli %arg1, %mul3A : i32
      %multiple_of3A = tpu.assume_multiple %mul3A_7, 8 : i32
      "tpu.region"() ({
        %run_scoped3A = tpu.sem_alloc : memref<!tpu.dma_semaphore, #tpu.memory_space<semaphore_mem>>
        %dma_start3A_118 = arith.constant 0 : i32
        %dma_start3A_119 = tpu.memref_slice %arg13[%multiple_of3A, %dma_start3A_118] : memref<10112x128xf32, #tpu.memory_space<vmem_shared>> -> memref<632x128xf32, #tpu.memory_space<vmem_shared>>
        tpu.enqueue_dma source(%arg8 : memref<632x128xf32, #tpu.memory_space<hbm>>) target(%dma_start3A_119 : memref<632x128xf32, #tpu.memory_space<vmem_shared>>) target_semaphore(%run_scoped3A : memref<!tpu.dma_semaphore, #tpu.memory_space<semaphore_mem>>)
        %dma_wait3A_120 = arith.constant 0 : i32
        %dma_wait3A_121 = tpu.memref_slice %arg13[%multiple_of3A, %dma_wait3A_120] : memref<10112x128xf32, #tpu.memory_space<vmem_shared>> -> memref<632x128xf32, #tpu.memory_space<vmem_shared>>
        tpu.wait_dma2 semaphore(%run_scoped3A : memref<!tpu.dma_semaphore, #tpu.memory_space<semaphore_mem>>) src(%arg8 : memref<632x128xf32, #tpu.memory_space<hbm>>) dst(%dma_wait3A_121 : memref<632x128xf32, #tpu.memory_space<vmem_shared>>)
        tpu.yield
      }) : () -> ()
      %mul3A_8 = arith.constant 126 : i32
      %mul3A_9 = arith.muli %arg1, %mul3A_8 : i32
      %add3A = arith.constant 0 : i32
      %add3A_10 = arith.addi %mul3A_9, %add3A : i32
      %mul3A_11 = arith.constant 160 : i32
      %mul3A_12 = arith.muli %add3A_10, %mul3A_11 : i32
      %multiple_of3A_13 = tpu.assume_multiple %mul3A_12, 160 : i32
      %dma_start3A = tpu.memref_slice %arg6[%multiple_of3A_13] : memref<322560xi32, #tpu.memory_space<hbm>> -> memref<160xi32, #tpu.memory_space<hbm>>
      %dma_start3A_14 = tpu.memref_slice %arg6[%multiple_of3A_13] : memref<322560xi32, #tpu.memory_space<hbm>> -> memref<160xi32, #tpu.memory_space<hbm>>
      tpu.enqueue_dma source(%dma_start3A_14 : memref<160xi32, #tpu.memory_space<hbm>>) target(%arg14 : memref<160xi32, #tpu.memory_space<vmem>>) target_semaphore(%arg20 : memref<!tpu.dma_semaphore, #tpu.memory_space<semaphore_mem>>)
      %mul3A_15 = arith.constant 126 : i32
      %mul3A_16 = arith.muli %arg1, %mul3A_15 : i32
      %add3A_17 = arith.constant 1 : i32
      %add3A_18 = arith.addi %mul3A_16, %add3A_17 : i32
      %mul3A_19 = arith.constant 160 : i32
      %mul3A_20 = arith.muli %add3A_18, %mul3A_19 : i32
      %multiple_of3A_21 = tpu.assume_multiple %mul3A_20, 160 : i32
      %dma_start3A_22 = tpu.memref_slice %arg6[%multiple_of3A_21] : memref<322560xi32, #tpu.memory_space<hbm>> -> memref<160xi32, #tpu.memory_space<hbm>>
      %dma_start3A_23 = tpu.memref_slice %arg6[%multiple_of3A_21] : memref<322560xi32, #tpu.memory_space<hbm>> -> memref<160xi32, #tpu.memory_space<hbm>>
      tpu.enqueue_dma source(%dma_start3A_23 : memref<160xi32, #tpu.memory_space<hbm>>) target(%arg15 : memref<160xi32, #tpu.memory_space<vmem>>) target_semaphore(%arg21 : memref<!tpu.dma_semaphore, #tpu.memory_space<semaphore_mem>>)
      %mul3A_24 = arith.constant 126 : i32
      %mul3A_25 = arith.muli %arg1, %mul3A_24 : i32
      %add3A_26 = arith.constant 0 : i32
      %add3A_27 = arith.addi %mul3A_25, %add3A_26 : i32
      %mul3A_28 = arith.constant 160 : i32
      %mul3A_29 = arith.muli %add3A_27, %mul3A_28 : i32
      %multiple_of3A_30 = tpu.assume_multiple %mul3A_29, 160 : i32
      %dma_start3A_31 = tpu.memref_slice %arg7[%multiple_of3A_30] : memref<322560xi32, #tpu.memory_space<hbm>> -> memref<160xi32, #tpu.memory_space<hbm>>
      %dma_start3A_32 = tpu.memref_slice %arg7[%multiple_of3A_30] : memref<322560xi32, #tpu.memory_space<hbm>> -> memref<160xi32, #tpu.memory_space<hbm>>
      tpu.enqueue_dma source(%dma_start3A_32 : memref<160xi32, #tpu.memory_space<hbm>>) target(%arg16 : memref<160xi32, #tpu.memory_space<vmem>>) target_semaphore(%arg22 : memref<!tpu.dma_semaphore, #tpu.memory_space<semaphore_mem>>)
      %mul3A_33 = arith.constant 126 : i32
      %mul3A_34 = arith.muli %arg1, %mul3A_33 : i32
      %add3A_35 = arith.constant 1 : i32
      %add3A_36 = arith.addi %mul3A_34, %add3A_35 : i32
      %mul3A_37 = arith.constant 160 : i32
      %mul3A_38 = arith.muli %add3A_36, %mul3A_37 : i32
      %multiple_of3A_39 = tpu.assume_multiple %mul3A_38, 160 : i32
      %dma_start3A_40 = tpu.memref_slice %arg7[%multiple_of3A_39] : memref<322560xi32, #tpu.memory_space<hbm>> -> memref<160xi32, #tpu.memory_space<hbm>>
      %dma_start3A_41 = tpu.memref_slice %arg7[%multiple_of3A_39] : memref<322560xi32, #tpu.memory_space<hbm>> -> memref<160xi32, #tpu.memory_space<hbm>>
      tpu.enqueue_dma source(%dma_start3A_41 : memref<160xi32, #tpu.memory_space<hbm>>) target(%arg17 : memref<160xi32, #tpu.memory_space<vmem>>) target_semaphore(%arg23 : memref<!tpu.dma_semaphore, #tpu.memory_space<semaphore_mem>>)
      %barrier3A = arith.constant 0 : index
      tpu.barrier barrier_id(%barrier3A)
      %scan3A = arith.constant 0 : i32
      %scan3A_42 = arith.constant 63 : i32
      %scan3A_43 = arith.addi %scan3A, %scan3A_42 : i32
      %scan3A_44 = arith.constant 1 : i32
      scf.for %scan3A_118 = %scan3A to %scan3A_43 step %scan3A_44  : i32 {
        %mul3A_119 = arith.constant 2 : i32
        %mul3A_120 = arith.muli %scan3A_118, %mul3A_119 : i32
        %add3A_121 = arith.constant 0 : i32
        %add3A_122 = arith.addi %add3A_121, %mul3A_120 : i32
        %dma_wait3A_123 = arith.constant 0 : i32
        %dma_wait3A_124 = tpu.memref_slice %arg6[%dma_wait3A_123] : memref<322560xi32, #tpu.memory_space<hbm>> -> memref<160xi32, #tpu.memory_space<hbm>>
        %dma_wait3A_125 = arith.constant 0 : i32
        %dma_wait3A_126 = tpu.memref_slice %arg6[%dma_wait3A_125] : memref<322560xi32, #tpu.memory_space<hbm>> -> memref<160xi32, #tpu.memory_space<hbm>>
        tpu.wait_dma2 semaphore(%arg20 : memref<!tpu.dma_semaphore, #tpu.memory_space<semaphore_mem>>) src(%dma_wait3A_126 : memref<160xi32, #tpu.memory_space<hbm>>) dst(%arg14 : memref<160xi32, #tpu.memory_space<vmem>>)
        %ge3A = arith.constant 2 : i32
        %ge3A_127 = arith.cmpi sge, %add3A_122, %ge3A : i32
        %convert_element_type3A_128 = arith.extui %ge3A_127 : i1 to i32
        %cond3A_129 = arith.constant 0 : i32
        %cond3A_130 = arith.cmpi ne, %convert_element_type3A_128, %cond3A_129 : i32
        scf.if %cond3A_130 {
          %dma_wait3A_179 = arith.constant 0 : i32
          %dma_wait3A_180 = arith.constant 0 : i32
          %dma_wait3A_181 = tpu.memref_slice %arg13[%dma_wait3A_179, %dma_wait3A_180] : memref<10112x128xf32, #tpu.memory_space<vmem_shared>> -> memref<10112x128xf32, #tpu.memory_space<vmem_shared>>
          tpu.wait_indirect_dma semaphore(%arg26 : memref<!tpu.dma_semaphore, #tpu.memory_space<semaphore_mem>>) src(%arg18 : memref<160x128xf32, #tpu.memory_space<vmem>>) dst(%dma_wait3A_181 : memref<10112x128xf32, #tpu.memory_space<vmem_shared>>)
          %mul3A_182 = arith.constant 126 : i32
          %mul3A_183 = arith.muli %arg1, %mul3A_182 : i32
          %add3A_184 = arith.addi %mul3A_183, %add3A_122 : i32
          %mul3A_185 = arith.constant 160 : i32
          %mul3A_186 = arith.muli %add3A_184, %mul3A_185 : i32
          %multiple_of3A_187 = tpu.assume_multiple %mul3A_186, 160 : i32
          %dma_start3A_188 = tpu.memref_slice %arg7[%multiple_of3A_187] : memref<322560xi32, #tpu.memory_space<hbm>> -> memref<160xi32, #tpu.memory_space<hbm>>
          %dma_start3A_189 = tpu.memref_slice %arg7[%multiple_of3A_187] : memref<322560xi32, #tpu.memory_space<hbm>> -> memref<160xi32, #tpu.memory_space<hbm>>
          tpu.enqueue_dma source(%dma_start3A_189 : memref<160xi32, #tpu.memory_space<hbm>>) target(%arg16 : memref<160xi32, #tpu.memory_space<vmem>>) target_semaphore(%arg22 : memref<!tpu.dma_semaphore, #tpu.memory_space<semaphore_mem>>)
        } else {
        }
        %dma_start3A_131 = arith.constant 0 : i32
        %dma_start3A_132 = arith.constant 0 : i32
        %dma_start3A_133 = tpu.memref_slice %arg4[%dma_start3A_131, %dma_start3A_132] : memref<10000x128xf32, #tpu.memory_space<hbm>> -> memref<10000x128xf32, #tpu.memory_space<hbm>>
        tpu.enqueue_indirect_dma source(%dma_start3A_133 : memref<10000x128xf32, #tpu.memory_space<hbm>>) target(%arg18 : memref<160x128xf32, #tpu.memory_space<vmem>>) offsets(%arg14 : memref<160xi32, #tpu.memory_space<vmem>>) semaphore(%arg24 : memref<!tpu.dma_semaphore, #tpu.memory_space<semaphore_mem>>)
        %dma_wait3A_134 = arith.constant 0 : i32
        %dma_wait3A_135 = tpu.memref_slice %arg6[%dma_wait3A_134] : memref<322560xi32, #tpu.memory_space<hbm>> -> memref<160xi32, #tpu.memory_space<hbm>>
        %dma_wait3A_136 = arith.constant 0 : i32
        %dma_wait3A_137 = tpu.memref_slice %arg6[%dma_wait3A_136] : memref<322560xi32, #tpu.memory_space<hbm>> -> memref<160xi32, #tpu.memory_space<hbm>>
        tpu.wait_dma2 semaphore(%arg21 : memref<!tpu.dma_semaphore, #tpu.memory_space<semaphore_mem>>) src(%dma_wait3A_137 : memref<160xi32, #tpu.memory_space<hbm>>) dst(%arg15 : memref<160xi32, #tpu.memory_space<vmem>>)
        %ge3A_138 = arith.constant 2 : i32
        %ge3A_139 = arith.cmpi sge, %add3A_122, %ge3A_138 : i32
        %convert_element_type3A_140 = arith.extui %ge3A_139 : i1 to i32
        %cond3A_141 = arith.constant 0 : i32
        %cond3A_142 = arith.cmpi ne, %convert_element_type3A_140, %cond3A_141 : i32
        scf.if %cond3A_142 {
          %dma_wait3A_179 = arith.constant 0 : i32
          %dma_wait3A_180 = arith.constant 0 : i32
          %dma_wait3A_181 = tpu.memref_slice %arg13[%dma_wait3A_179, %dma_wait3A_180] : memref<10112x128xf32, #tpu.memory_space<vmem_shared>> -> memref<10112x128xf32, #tpu.memory_space<vmem_shared>>
          tpu.wait_indirect_dma semaphore(%arg27 : memref<!tpu.dma_semaphore, #tpu.memory_space<semaphore_mem>>) src(%arg19 : memref<160x128xf32, #tpu.memory_space<vmem>>) dst(%dma_wait3A_181 : memref<10112x128xf32, #tpu.memory_space<vmem_shared>>)
          %add3A_182 = arith.constant 1 : i32
          %add3A_183 = arith.addi %add3A_122, %add3A_182 : i32
          %mul3A_184 = arith.constant 126 : i32
          %mul3A_185 = arith.muli %arg1, %mul3A_184 : i32
          %add3A_186 = arith.addi %mul3A_185, %add3A_183 : i32
          %mul3A_187 = arith.constant 160 : i32
          %mul3A_188 = arith.muli %add3A_186, %mul3A_187 : i32
          %multiple_of3A_189 = tpu.assume_multiple %mul3A_188, 160 : i32
          %dma_start3A_190 = tpu.memref_slice %arg7[%multiple_of3A_189] : memref<322560xi32, #tpu.memory_space<hbm>> -> memref<160xi32, #tpu.memory_space<hbm>>
          %dma_start3A_191 = tpu.memref_slice %arg7[%multiple_of3A_189] : memref<322560xi32, #tpu.memory_space<hbm>> -> memref<160xi32, #tpu.memory_space<hbm>>
          tpu.enqueue_dma source(%dma_start3A_191 : memref<160xi32, #tpu.memory_space<hbm>>) target(%arg17 : memref<160xi32, #tpu.memory_space<vmem>>) target_semaphore(%arg23 : memref<!tpu.dma_semaphore, #tpu.memory_space<semaphore_mem>>)
        } else {
        }
        %dma_start3A_143 = arith.constant 0 : i32
        %dma_start3A_144 = arith.constant 0 : i32
        %dma_start3A_145 = tpu.memref_slice %arg4[%dma_start3A_143, %dma_start3A_144] : memref<10000x128xf32, #tpu.memory_space<hbm>> -> memref<10000x128xf32, #tpu.memory_space<hbm>>
        tpu.enqueue_indirect_dma source(%dma_start3A_145 : memref<10000x128xf32, #tpu.memory_space<hbm>>) target(%arg19 : memref<160x128xf32, #tpu.memory_space<vmem>>) offsets(%arg15 : memref<160xi32, #tpu.memory_space<vmem>>) semaphore(%arg25 : memref<!tpu.dma_semaphore, #tpu.memory_space<semaphore_mem>>)
        %dma_wait3A_146 = arith.constant 0 : i32
        %dma_wait3A_147 = arith.constant 0 : i32
        %dma_wait3A_148 = tpu.memref_slice %arg4[%dma_wait3A_146, %dma_wait3A_147] : memref<10000x128xf32, #tpu.memory_space<hbm>> -> memref<10000x128xf32, #tpu.memory_space<hbm>>
        tpu.wait_indirect_dma semaphore(%arg24 : memref<!tpu.dma_semaphore, #tpu.memory_space<semaphore_mem>>) src(%dma_wait3A_148 : memref<10000x128xf32, #tpu.memory_space<hbm>>) dst(%arg18 : memref<160x128xf32, #tpu.memory_space<vmem>>)
        %add3A_149 = arith.constant 2 : i32
        %add3A_150 = arith.addi %add3A_122, %add3A_149 : i32
        %lt3A = arith.constant 126 : i32
        %lt3A_151 = arith.cmpi slt, %add3A_150, %lt3A : i32
        %convert_element_type3A_152 = arith.extui %lt3A_151 : i1 to i32
        %cond3A_153 = arith.constant 0 : i32
        %cond3A_154 = arith.cmpi ne, %convert_element_type3A_152, %cond3A_153 : i32
        scf.if %cond3A_154 {
          %add3A_179 = arith.constant 2 : i32
          %add3A_180 = arith.addi %add3A_122, %add3A_179 : i32
          %mul3A_181 = arith.constant 126 : i32
          %mul3A_182 = arith.muli %arg1, %mul3A_181 : i32
          %add3A_183 = arith.addi %mul3A_182, %add3A_180 : i32
          %mul3A_184 = arith.constant 160 : i32
          %mul3A_185 = arith.muli %add3A_183, %mul3A_184 : i32
          %multiple_of3A_186 = tpu.assume_multiple %mul3A_185, 160 : i32
          %dma_start3A_187 = tpu.memref_slice %arg6[%multiple_of3A_186] : memref<322560xi32, #tpu.memory_space<hbm>> -> memref<160xi32, #tpu.memory_space<hbm>>
          %dma_start3A_188 = tpu.memref_slice %arg6[%multiple_of3A_186] : memref<322560xi32, #tpu.memory_space<hbm>> -> memref<160xi32, #tpu.memory_space<hbm>>
          tpu.enqueue_dma source(%dma_start3A_188 : memref<160xi32, #tpu.memory_space<hbm>>) target(%arg14 : memref<160xi32, #tpu.memory_space<vmem>>) target_semaphore(%arg20 : memref<!tpu.dma_semaphore, #tpu.memory_space<semaphore_mem>>)
        } else {
        }
        %dma_wait3A_155 = arith.constant 0 : i32
        %dma_wait3A_156 = tpu.memref_slice %arg7[%dma_wait3A_155] : memref<322560xi32, #tpu.memory_space<hbm>> -> memref<160xi32, #tpu.memory_space<hbm>>
        %dma_wait3A_157 = arith.constant 0 : i32
        %dma_wait3A_158 = tpu.memref_slice %arg7[%dma_wait3A_157] : memref<322560xi32, #tpu.memory_space<hbm>> -> memref<160xi32, #tpu.memory_space<hbm>>
        tpu.wait_dma2 semaphore(%arg22 : memref<!tpu.dma_semaphore, #tpu.memory_space<semaphore_mem>>) src(%dma_wait3A_158 : memref<160xi32, #tpu.memory_space<hbm>>) dst(%arg16 : memref<160xi32, #tpu.memory_space<vmem>>)
        %dma_start3A_159 = arith.constant 0 : i32
        %dma_start3A_160 = arith.constant 0 : i32
        %dma_start3A_161 = tpu.memref_slice %arg13[%dma_start3A_159, %dma_start3A_160] : memref<10112x128xf32, #tpu.memory_space<vmem_shared>> -> memref<10112x128xf32, #tpu.memory_space<vmem_shared>>
        tpu.enqueue_indirect_dma source(%arg18 : memref<160x128xf32, #tpu.memory_space<vmem>>) target(%dma_start3A_161 : memref<10112x128xf32, #tpu.memory_space<vmem_shared>>) offsets(%arg16 : memref<160xi32, #tpu.memory_space<vmem>>) semaphore(%arg26 : memref<!tpu.dma_semaphore, #tpu.memory_space<semaphore_mem>>) {add = true}
        %dma_wait3A_162 = arith.constant 0 : i32
        %dma_wait3A_163 = arith.constant 0 : i32
        %dma_wait3A_164 = tpu.memref_slice %arg4[%dma_wait3A_162, %dma_wait3A_163] : memref<10000x128xf32, #tpu.memory_space<hbm>> -> memref<10000x128xf32, #tpu.memory_space<hbm>>
        tpu.wait_indirect_dma semaphore(%arg25 : memref<!tpu.dma_semaphore, #tpu.memory_space<semaphore_mem>>) src(%dma_wait3A_164 : memref<10000x128xf32, #tpu.memory_space<hbm>>) dst(%arg19 : memref<160x128xf32, #tpu.memory_space<vmem>>)
        %add3A_165 = arith.constant 3 : i32
        %add3A_166 = arith.addi %add3A_122, %add3A_165 : i32
        %lt3A_167 = arith.constant 126 : i32
        %lt3A_168 = arith.cmpi slt, %add3A_166, %lt3A_167 : i32
        %convert_element_type3A_169 = arith.extui %lt3A_168 : i1 to i32
        %cond3A_170 = arith.constant 0 : i32
        %cond3A_171 = arith.cmpi ne, %convert_element_type3A_169, %cond3A_170 : i32
        scf.if %cond3A_171 {
          %add3A_179 = arith.constant 3 : i32
          %add3A_180 = arith.addi %add3A_122, %add3A_179 : i32
          %mul3A_181 = arith.constant 126 : i32
          %mul3A_182 = arith.muli %arg1, %mul3A_181 : i32
          %add3A_183 = arith.addi %mul3A_182, %add3A_180 : i32
          %mul3A_184 = arith.constant 160 : i32
          %mul3A_185 = arith.muli %add3A_183, %mul3A_184 : i32
          %multiple_of3A_186 = tpu.assume_multiple %mul3A_185, 160 : i32
          %dma_start3A_187 = tpu.memref_slice %arg6[%multiple_of3A_186] : memref<322560xi32, #tpu.memory_space<hbm>> -> memref<160xi32, #tpu.memory_space<hbm>>
          %dma_start3A_188 = tpu.memref_slice %arg6[%multiple_of3A_186] : memref<322560xi32, #tpu.memory_space<hbm>> -> memref<160xi32, #tpu.memory_space<hbm>>
          tpu.enqueue_dma source(%dma_start3A_188 : memref<160xi32, #tpu.memory_space<hbm>>) target(%arg15 : memref<160xi32, #tpu.memory_space<vmem>>) target_semaphore(%arg21 : memref<!tpu.dma_semaphore, #tpu.memory_space<semaphore_mem>>)
        } else {
        }
        %dma_wait3A_172 = arith.constant 0 : i32
        %dma_wait3A_173 = tpu.memref_slice %arg7[%dma_wait3A_172] : memref<322560xi32, #tpu.memory_space<hbm>> -> memref<160xi32, #tpu.memory_space<hbm>>
        %dma_wait3A_174 = arith.constant 0 : i32
        %dma_wait3A_175 = tpu.memref_slice %arg7[%dma_wait3A_174] : memref<322560xi32, #tpu.memory_space<hbm>> -> memref<160xi32, #tpu.memory_space<hbm>>
        tpu.wait_dma2 semaphore(%arg23 : memref<!tpu.dma_semaphore, #tpu.memory_space<semaphore_mem>>) src(%dma_wait3A_175 : memref<160xi32, #tpu.memory_space<hbm>>) dst(%arg17 : memref<160xi32, #tpu.memory_space<vmem>>)
        %dma_start3A_176 = arith.constant 0 : i32
        %dma_start3A_177 = arith.constant 0 : i32
        %dma_start3A_178 = tpu.memref_slice %arg13[%dma_start3A_176, %dma_start3A_177] : memref<10112x128xf32, #tpu.memory_space<vmem_shared>> -> memref<10112x128xf32, #tpu.memory_space<vmem_shared>>
        tpu.enqueue_indirect_dma source(%arg19 : memref<160x128xf32, #tpu.memory_space<vmem>>) target(%dma_start3A_178 : memref<10112x128xf32, #tpu.memory_space<vmem_shared>>) offsets(%arg17 : memref<160xi32, #tpu.memory_space<vmem>>) semaphore(%arg27 : memref<!tpu.dma_semaphore, #tpu.memory_space<semaphore_mem>>) {add = true}
      }
      %scan3A_45 = arith.constant 63 : i32
      %dma_wait3A = arith.constant 0 : i32
      %dma_wait3A_46 = arith.constant 0 : i32
      %dma_wait3A_47 = tpu.memref_slice %arg13[%dma_wait3A, %dma_wait3A_46] : memref<10112x128xf32, #tpu.memory_space<vmem_shared>> -> memref<10112x128xf32, #tpu.memory_space<vmem_shared>>
      tpu.wait_indirect_dma semaphore(%arg26 : memref<!tpu.dma_semaphore, #tpu.memory_space<semaphore_mem>>) src(%arg18 : memref<160x128xf32, #tpu.memory_space<vmem>>) dst(%dma_wait3A_47 : memref<10112x128xf32, #tpu.memory_space<vmem_shared>>)
      %dma_wait3A_48 = arith.constant 0 : i32
      %dma_wait3A_49 = arith.constant 0 : i32
      %dma_wait3A_50 = tpu.memref_slice %arg13[%dma_wait3A_48, %dma_wait3A_49] : memref<10112x128xf32, #tpu.memory_space<vmem_shared>> -> memref<10112x128xf32, #tpu.memory_space<vmem_shared>>
      tpu.wait_indirect_dma semaphore(%arg27 : memref<!tpu.dma_semaphore, #tpu.memory_space<semaphore_mem>>) src(%arg19 : memref<160x128xf32, #tpu.memory_space<vmem>>) dst(%dma_wait3A_50 : memref<10112x128xf32, #tpu.memory_space<vmem_shared>>)
      %barrier3A_51 = arith.constant 0 : index
      tpu.barrier barrier_id(%barrier3A_51)
      %mul3A_52 = arith.constant 632 : i32
      %mul3A_53 = arith.muli %arg1, %mul3A_52 : i32
      %multiple_of3A_54 = tpu.assume_multiple %mul3A_53, 8 : i32
      %mul3A_55 = arith.constant 632 : i32
      %mul3A_56 = arith.muli %arg1, %mul3A_55 : i32
      %multiple_of3A_57 = tpu.assume_multiple %mul3A_56, 8 : i32
      "tpu.region"() ({
        %run_scoped3A = tpu.sem_alloc : memref<!tpu.dma_semaphore, #tpu.memory_space<semaphore_mem>>
        %dma_start3A_118 = arith.constant 0 : i32
        %dma_start3A_119 = tpu.memref_slice %arg11[%multiple_of3A_57, %dma_start3A_118] : memref<10112x128xf32, #tpu.memory_space<hbm>> -> memref<632x128xf32, #tpu.memory_space<hbm>>
        %dma_start3A_120 = arith.constant 0 : i32
        %dma_start3A_121 = tpu.memref_slice %arg13[%multiple_of3A_54, %dma_start3A_120] : memref<10112x128xf32, #tpu.memory_space<vmem_shared>> -> memref<632x128xf32, #tpu.memory_space<vmem_shared>>
        tpu.enqueue_dma source(%dma_start3A_121 : memref<632x128xf32, #tpu.memory_space<vmem_shared>>) target(%dma_start3A_119 : memref<632x128xf32, #tpu.memory_space<hbm>>) target_semaphore(%run_scoped3A : memref<!tpu.dma_semaphore, #tpu.memory_space<semaphore_mem>>)
        %dma_wait3A_122 = arith.constant 0 : i32
        %dma_wait3A_123 = tpu.memref_slice %arg11[%multiple_of3A_57, %dma_wait3A_122] : memref<10112x128xf32, #tpu.memory_space<hbm>> -> memref<632x128xf32, #tpu.memory_space<hbm>>
        %dma_wait3A_124 = arith.constant 0 : i32
        %dma_wait3A_125 = tpu.memref_slice %arg13[%multiple_of3A_54, %dma_wait3A_124] : memref<10112x128xf32, #tpu.memory_space<vmem_shared>> -> memref<632x128xf32, #tpu.memory_space<vmem_shared>>
        tpu.wait_dma2 semaphore(%run_scoped3A : memref<!tpu.dma_semaphore, #tpu.memory_space<semaphore_mem>>) src(%dma_wait3A_125 : memref<632x128xf32, #tpu.memory_space<vmem_shared>>) dst(%dma_wait3A_123 : memref<632x128xf32, #tpu.memory_space<hbm>>)
        tpu.yield
      }) : () -> ()
      %barrier3A_58 = arith.constant 0 : index
      tpu.barrier barrier_id(%barrier3A_58)
      %mul3A_59 = arith.constant 632 : i32
      %mul3A_60 = arith.muli %arg1, %mul3A_59 : i32
      %multiple_of3A_61 = tpu.assume_multiple %mul3A_60, 8 : i32
      "tpu.region"() ({
        %run_scoped3A = tpu.sem_alloc : memref<!tpu.dma_semaphore, #tpu.memory_space<semaphore_mem>>
        %dma_start3A_118 = arith.constant 0 : i32
        %dma_start3A_119 = tpu.memref_slice %arg13[%multiple_of3A_61, %dma_start3A_118] : memref<10112x128xf32, #tpu.memory_space<vmem_shared>> -> memref<632x128xf32, #tpu.memory_space<vmem_shared>>
        tpu.enqueue_dma source(%arg8 : memref<632x128xf32, #tpu.memory_space<hbm>>) target(%dma_start3A_119 : memref<632x128xf32, #tpu.memory_space<vmem_shared>>) target_semaphore(%run_scoped3A : memref<!tpu.dma_semaphore, #tpu.memory_space<semaphore_mem>>)
        %dma_wait3A_120 = arith.constant 0 : i32
        %dma_wait3A_121 = tpu.memref_slice %arg13[%multiple_of3A_61, %dma_wait3A_120] : memref<10112x128xf32, #tpu.memory_space<vmem_shared>> -> memref<632x128xf32, #tpu.memory_space<vmem_shared>>
        tpu.wait_dma2 semaphore(%run_scoped3A : memref<!tpu.dma_semaphore, #tpu.memory_space<semaphore_mem>>) src(%arg8 : memref<632x128xf32, #tpu.memory_space<hbm>>) dst(%dma_wait3A_121 : memref<632x128xf32, #tpu.memory_space<vmem_shared>>)
        tpu.yield
      }) : () -> ()
      %mul3A_62 = arith.constant 126 : i32
      %mul3A_63 = arith.muli %arg1, %mul3A_62 : i32
      %add3A_64 = arith.constant 0 : i32
      %add3A_65 = arith.addi %mul3A_63, %add3A_64 : i32
      %mul3A_66 = arith.constant 160 : i32
      %mul3A_67 = arith.muli %add3A_65, %mul3A_66 : i32
      %multiple_of3A_68 = tpu.assume_multiple %mul3A_67, 160 : i32
      %dma_start3A_69 = tpu.memref_slice %arg6[%multiple_of3A_68] : memref<322560xi32, #tpu.memory_space<hbm>> -> memref<160xi32, #tpu.memory_space<hbm>>
      %dma_start3A_70 = tpu.memref_slice %arg6[%multiple_of3A_68] : memref<322560xi32, #tpu.memory_space<hbm>> -> memref<160xi32, #tpu.memory_space<hbm>>
      tpu.enqueue_dma source(%dma_start3A_70 : memref<160xi32, #tpu.memory_space<hbm>>) target(%arg14 : memref<160xi32, #tpu.memory_space<vmem>>) target_semaphore(%arg20 : memref<!tpu.dma_semaphore, #tpu.memory_space<semaphore_mem>>)
      %mul3A_71 = arith.constant 126 : i32
      %mul3A_72 = arith.muli %arg1, %mul3A_71 : i32
      %add3A_73 = arith.constant 1 : i32
      %add3A_74 = arith.addi %mul3A_72, %add3A_73 : i32
      %mul3A_75 = arith.constant 160 : i32
      %mul3A_76 = arith.muli %add3A_74, %mul3A_75 : i32
      %multiple_of3A_77 = tpu.assume_multiple %mul3A_76, 160 : i32
      %dma_start3A_78 = tpu.memref_slice %arg6[%multiple_of3A_77] : memref<322560xi32, #tpu.memory_space<hbm>> -> memref<160xi32, #tpu.memory_space<hbm>>
      %dma_start3A_79 = tpu.memref_slice %arg6[%multiple_of3A_77] : memref<322560xi32, #tpu.memory_space<hbm>> -> memref<160xi32, #tpu.memory_space<hbm>>
      tpu.enqueue_dma source(%dma_start3A_79 : memref<160xi32, #tpu.memory_space<hbm>>) target(%arg15 : memref<160xi32, #tpu.memory_space<vmem>>) target_semaphore(%arg21 : memref<!tpu.dma_semaphore, #tpu.memory_space<semaphore_mem>>)
      %mul3A_80 = arith.constant 126 : i32
      %mul3A_81 = arith.muli %arg1, %mul3A_80 : i32
      %add3A_82 = arith.constant 0 : i32
      %add3A_83 = arith.addi %mul3A_81, %add3A_82 : i32
      %mul3A_84 = arith.constant 160 : i32
      %mul3A_85 = arith.muli %add3A_83, %mul3A_84 : i32
      %multiple_of3A_86 = tpu.assume_multiple %mul3A_85, 160 : i32
      %dma_start3A_87 = tpu.memref_slice %arg7[%multiple_of3A_86] : memref<322560xi32, #tpu.memory_space<hbm>> -> memref<160xi32, #tpu.memory_space<hbm>>
      %dma_start3A_88 = tpu.memref_slice %arg7[%multiple_of3A_86] : memref<322560xi32, #tpu.memory_space<hbm>> -> memref<160xi32, #tpu.memory_space<hbm>>
      tpu.enqueue_dma source(%dma_start3A_88 : memref<160xi32, #tpu.memory_space<hbm>>) target(%arg16 : memref<160xi32, #tpu.memory_space<vmem>>) target_semaphore(%arg22 : memref<!tpu.dma_semaphore, #tpu.memory_space<semaphore_mem>>)
      %mul3A_89 = arith.constant 126 : i32
      %mul3A_90 = arith.muli %arg1, %mul3A_89 : i32
      %add3A_91 = arith.constant 1 : i32
      %add3A_92 = arith.addi %mul3A_90, %add3A_91 : i32
      %mul3A_93 = arith.constant 160 : i32
      %mul3A_94 = arith.muli %add3A_92, %mul3A_93 : i32
      %multiple_of3A_95 = tpu.assume_multiple %mul3A_94, 160 : i32
      %dma_start3A_96 = tpu.memref_slice %arg7[%multiple_of3A_95] : memref<322560xi32, #tpu.memory_space<hbm>> -> memref<160xi32, #tpu.memory_space<hbm>>
      %dma_start3A_97 = tpu.memref_slice %arg7[%multiple_of3A_95] : memref<322560xi32, #tpu.memory_space<hbm>> -> memref<160xi32, #tpu.memory_space<hbm>>
      tpu.enqueue_dma source(%dma_start3A_97 : memref<160xi32, #tpu.memory_space<hbm>>) target(%arg17 : memref<160xi32, #tpu.memory_space<vmem>>) target_semaphore(%arg23 : memref<!tpu.dma_semaphore, #tpu.memory_space<semaphore_mem>>)
      %barrier3A_98 = arith.constant 0 : index
      tpu.barrier barrier_id(%barrier3A_98)
      %scan3A_99 = arith.constant 0 : i32
      %scan3A_100 = arith.constant 63 : i32
      %scan3A_101 = arith.addi %scan3A_99, %scan3A_100 : i32
      %scan3A_102 = arith.constant 1 : i32
      scf.for %scan3A_118 = %scan3A_99 to %scan3A_101 step %scan3A_102  : i32 {
        %mul3A_119 = arith.constant 2 : i32
        %mul3A_120 = arith.muli %scan3A_118, %mul3A_119 : i32
        %add3A_121 = arith.constant 0 : i32
        %add3A_122 = arith.addi %add3A_121, %mul3A_120 : i32
        %dma_wait3A_123 = arith.constant 0 : i32
        %dma_wait3A_124 = tpu.memref_slice %arg6[%dma_wait3A_123] : memref<322560xi32, #tpu.memory_space<hbm>> -> memref<160xi32, #tpu.memory_space<hbm>>
        %dma_wait3A_125 = arith.constant 0 : i32
        %dma_wait3A_126 = tpu.memref_slice %arg6[%dma_wait3A_125] : memref<322560xi32, #tpu.memory_space<hbm>> -> memref<160xi32, #tpu.memory_space<hbm>>
        tpu.wait_dma2 semaphore(%arg20 : memref<!tpu.dma_semaphore, #tpu.memory_space<semaphore_mem>>) src(%dma_wait3A_126 : memref<160xi32, #tpu.memory_space<hbm>>) dst(%arg14 : memref<160xi32, #tpu.memory_space<vmem>>)
        %ge3A = arith.constant 2 : i32
        %ge3A_127 = arith.cmpi sge, %add3A_122, %ge3A : i32
        %convert_element_type3A_128 = arith.extui %ge3A_127 : i1 to i32
        %cond3A_129 = arith.constant 0 : i32
        %cond3A_130 = arith.cmpi ne, %convert_element_type3A_128, %cond3A_129 : i32
        scf.if %cond3A_130 {
          %dma_wait3A_179 = arith.constant 0 : i32
          %dma_wait3A_180 = arith.constant 0 : i32
          %dma_wait3A_181 = tpu.memref_slice %arg13[%dma_wait3A_179, %dma_wait3A_180] : memref<10112x128xf32, #tpu.memory_space<vmem_shared>> -> memref<10112x128xf32, #tpu.memory_space<vmem_shared>>
          tpu.wait_indirect_dma semaphore(%arg26 : memref<!tpu.dma_semaphore, #tpu.memory_space<semaphore_mem>>) src(%arg18 : memref<160x128xf32, #tpu.memory_space<vmem>>) dst(%dma_wait3A_181 : memref<10112x128xf32, #tpu.memory_space<vmem_shared>>)
          %mul3A_182 = arith.constant 126 : i32
          %mul3A_183 = arith.muli %arg1, %mul3A_182 : i32
          %add3A_184 = arith.addi %mul3A_183, %add3A_122 : i32
          %mul3A_185 = arith.constant 160 : i32
          %mul3A_186 = arith.muli %add3A_184, %mul3A_185 : i32
          %multiple_of3A_187 = tpu.assume_multiple %mul3A_186, 160 : i32
          %dma_start3A_188 = tpu.memref_slice %arg7[%multiple_of3A_187] : memref<322560xi32, #tpu.memory_space<hbm>> -> memref<160xi32, #tpu.memory_space<hbm>>
          %dma_start3A_189 = tpu.memref_slice %arg7[%multiple_of3A_187] : memref<322560xi32, #tpu.memory_space<hbm>> -> memref<160xi32, #tpu.memory_space<hbm>>
          tpu.enqueue_dma source(%dma_start3A_189 : memref<160xi32, #tpu.memory_space<hbm>>) target(%arg16 : memref<160xi32, #tpu.memory_space<vmem>>) target_semaphore(%arg22 : memref<!tpu.dma_semaphore, #tpu.memory_space<semaphore_mem>>)
        } else {
        }
        %dma_start3A_131 = arith.constant 0 : i32
        %dma_start3A_132 = arith.constant 0 : i32
        %dma_start3A_133 = tpu.memref_slice %arg5[%dma_start3A_131, %dma_start3A_132] : memref<10000x128xf32, #tpu.memory_space<hbm>> -> memref<10000x128xf32, #tpu.memory_space<hbm>>
        tpu.enqueue_indirect_dma source(%dma_start3A_133 : memref<10000x128xf32, #tpu.memory_space<hbm>>) target(%arg18 : memref<160x128xf32, #tpu.memory_space<vmem>>) offsets(%arg14 : memref<160xi32, #tpu.memory_space<vmem>>) semaphore(%arg24 : memref<!tpu.dma_semaphore, #tpu.memory_space<semaphore_mem>>)
        %dma_wait3A_134 = arith.constant 0 : i32
        %dma_wait3A_135 = tpu.memref_slice %arg6[%dma_wait3A_134] : memref<322560xi32, #tpu.memory_space<hbm>> -> memref<160xi32, #tpu.memory_space<hbm>>
        %dma_wait3A_136 = arith.constant 0 : i32
        %dma_wait3A_137 = tpu.memref_slice %arg6[%dma_wait3A_136] : memref<322560xi32, #tpu.memory_space<hbm>> -> memref<160xi32, #tpu.memory_space<hbm>>
        tpu.wait_dma2 semaphore(%arg21 : memref<!tpu.dma_semaphore, #tpu.memory_space<semaphore_mem>>) src(%dma_wait3A_137 : memref<160xi32, #tpu.memory_space<hbm>>) dst(%arg15 : memref<160xi32, #tpu.memory_space<vmem>>)
        %ge3A_138 = arith.constant 2 : i32
        %ge3A_139 = arith.cmpi sge, %add3A_122, %ge3A_138 : i32
        %convert_element_type3A_140 = arith.extui %ge3A_139 : i1 to i32
        %cond3A_141 = arith.constant 0 : i32
        %cond3A_142 = arith.cmpi ne, %convert_element_type3A_140, %cond3A_141 : i32
        scf.if %cond3A_142 {
          %dma_wait3A_179 = arith.constant 0 : i32
          %dma_wait3A_180 = arith.constant 0 : i32
          %dma_wait3A_181 = tpu.memref_slice %arg13[%dma_wait3A_179, %dma_wait3A_180] : memref<10112x128xf32, #tpu.memory_space<vmem_shared>> -> memref<10112x128xf32, #tpu.memory_space<vmem_shared>>
          tpu.wait_indirect_dma semaphore(%arg27 : memref<!tpu.dma_semaphore, #tpu.memory_space<semaphore_mem>>) src(%arg19 : memref<160x128xf32, #tpu.memory_space<vmem>>) dst(%dma_wait3A_181 : memref<10112x128xf32, #tpu.memory_space<vmem_shared>>)
          %add3A_182 = arith.constant 1 : i32
          %add3A_183 = arith.addi %add3A_122, %add3A_182 : i32
          %mul3A_184 = arith.constant 126 : i32
          %mul3A_185 = arith.muli %arg1, %mul3A_184 : i32
          %add3A_186 = arith.addi %mul3A_185, %add3A_183 : i32
          %mul3A_187 = arith.constant 160 : i32
          %mul3A_188 = arith.muli %add3A_186, %mul3A_187 : i32
          %multiple_of3A_189 = tpu.assume_multiple %mul3A_188, 160 : i32
          %dma_start3A_190 = tpu.memref_slice %arg7[%multiple_of3A_189] : memref<322560xi32, #tpu.memory_space<hbm>> -> memref<160xi32, #tpu.memory_space<hbm>>
          %dma_start3A_191 = tpu.memref_slice %arg7[%multiple_of3A_189] : memref<322560xi32, #tpu.memory_space<hbm>> -> memref<160xi32, #tpu.memory_space<hbm>>
          tpu.enqueue_dma source(%dma_start3A_191 : memref<160xi32, #tpu.memory_space<hbm>>) target(%arg17 : memref<160xi32, #tpu.memory_space<vmem>>) target_semaphore(%arg23 : memref<!tpu.dma_semaphore, #tpu.memory_space<semaphore_mem>>)
        } else {
        }
        %dma_start3A_143 = arith.constant 0 : i32
        %dma_start3A_144 = arith.constant 0 : i32
        %dma_start3A_145 = tpu.memref_slice %arg5[%dma_start3A_143, %dma_start3A_144] : memref<10000x128xf32, #tpu.memory_space<hbm>> -> memref<10000x128xf32, #tpu.memory_space<hbm>>
        tpu.enqueue_indirect_dma source(%dma_start3A_145 : memref<10000x128xf32, #tpu.memory_space<hbm>>) target(%arg19 : memref<160x128xf32, #tpu.memory_space<vmem>>) offsets(%arg15 : memref<160xi32, #tpu.memory_space<vmem>>) semaphore(%arg25 : memref<!tpu.dma_semaphore, #tpu.memory_space<semaphore_mem>>)
        %dma_wait3A_146 = arith.constant 0 : i32
        %dma_wait3A_147 = arith.constant 0 : i32
        %dma_wait3A_148 = tpu.memref_slice %arg5[%dma_wait3A_146, %dma_wait3A_147] : memref<10000x128xf32, #tpu.memory_space<hbm>> -> memref<10000x128xf32, #tpu.memory_space<hbm>>
        tpu.wait_indirect_dma semaphore(%arg24 : memref<!tpu.dma_semaphore, #tpu.memory_space<semaphore_mem>>) src(%dma_wait3A_148 : memref<10000x128xf32, #tpu.memory_space<hbm>>) dst(%arg18 : memref<160x128xf32, #tpu.memory_space<vmem>>)
        %add3A_149 = arith.constant 2 : i32
        %add3A_150 = arith.addi %add3A_122, %add3A_149 : i32
        %lt3A = arith.constant 126 : i32
        %lt3A_151 = arith.cmpi slt, %add3A_150, %lt3A : i32
        %convert_element_type3A_152 = arith.extui %lt3A_151 : i1 to i32
        %cond3A_153 = arith.constant 0 : i32
        %cond3A_154 = arith.cmpi ne, %convert_element_type3A_152, %cond3A_153 : i32
        scf.if %cond3A_154 {
          %add3A_179 = arith.constant 2 : i32
          %add3A_180 = arith.addi %add3A_122, %add3A_179 : i32
          %mul3A_181 = arith.constant 126 : i32
          %mul3A_182 = arith.muli %arg1, %mul3A_181 : i32
          %add3A_183 = arith.addi %mul3A_182, %add3A_180 : i32
          %mul3A_184 = arith.constant 160 : i32
          %mul3A_185 = arith.muli %add3A_183, %mul3A_184 : i32
          %multiple_of3A_186 = tpu.assume_multiple %mul3A_185, 160 : i32
          %dma_start3A_187 = tpu.memref_slice %arg6[%multiple_of3A_186] : memref<322560xi32, #tpu.memory_space<hbm>> -> memref<160xi32, #tpu.memory_space<hbm>>
          %dma_start3A_188 = tpu.memref_slice %arg6[%multiple_of3A_186] : memref<322560xi32, #tpu.memory_space<hbm>> -> memref<160xi32, #tpu.memory_space<hbm>>
          tpu.enqueue_dma source(%dma_start3A_188 : memref<160xi32, #tpu.memory_space<hbm>>) target(%arg14 : memref<160xi32, #tpu.memory_space<vmem>>) target_semaphore(%arg20 : memref<!tpu.dma_semaphore, #tpu.memory_space<semaphore_mem>>)
        } else {
        }
        %dma_wait3A_155 = arith.constant 0 : i32
        %dma_wait3A_156 = tpu.memref_slice %arg7[%dma_wait3A_155] : memref<322560xi32, #tpu.memory_space<hbm>> -> memref<160xi32, #tpu.memory_space<hbm>>
        %dma_wait3A_157 = arith.constant 0 : i32
        %dma_wait3A_158 = tpu.memref_slice %arg7[%dma_wait3A_157] : memref<322560xi32, #tpu.memory_space<hbm>> -> memref<160xi32, #tpu.memory_space<hbm>>
        tpu.wait_dma2 semaphore(%arg22 : memref<!tpu.dma_semaphore, #tpu.memory_space<semaphore_mem>>) src(%dma_wait3A_158 : memref<160xi32, #tpu.memory_space<hbm>>) dst(%arg16 : memref<160xi32, #tpu.memory_space<vmem>>)
        %dma_start3A_159 = arith.constant 0 : i32
        %dma_start3A_160 = arith.constant 0 : i32
        %dma_start3A_161 = tpu.memref_slice %arg13[%dma_start3A_159, %dma_start3A_160] : memref<10112x128xf32, #tpu.memory_space<vmem_shared>> -> memref<10112x128xf32, #tpu.memory_space<vmem_shared>>
        tpu.enqueue_indirect_dma source(%arg18 : memref<160x128xf32, #tpu.memory_space<vmem>>) target(%dma_start3A_161 : memref<10112x128xf32, #tpu.memory_space<vmem_shared>>) offsets(%arg16 : memref<160xi32, #tpu.memory_space<vmem>>) semaphore(%arg26 : memref<!tpu.dma_semaphore, #tpu.memory_space<semaphore_mem>>) {add = true}
        %dma_wait3A_162 = arith.constant 0 : i32
        %dma_wait3A_163 = arith.constant 0 : i32
        %dma_wait3A_164 = tpu.memref_slice %arg5[%dma_wait3A_162, %dma_wait3A_163] : memref<10000x128xf32, #tpu.memory_space<hbm>> -> memref<10000x128xf32, #tpu.memory_space<hbm>>
        tpu.wait_indirect_dma semaphore(%arg25 : memref<!tpu.dma_semaphore, #tpu.memory_space<semaphore_mem>>) src(%dma_wait3A_164 : memref<10000x128xf32, #tpu.memory_space<hbm>>) dst(%arg19 : memref<160x128xf32, #tpu.memory_space<vmem>>)
        %add3A_165 = arith.constant 3 : i32
        %add3A_166 = arith.addi %add3A_122, %add3A_165 : i32
        %lt3A_167 = arith.constant 126 : i32
        %lt3A_168 = arith.cmpi slt, %add3A_166, %lt3A_167 : i32
        %convert_element_type3A_169 = arith.extui %lt3A_168 : i1 to i32
        %cond3A_170 = arith.constant 0 : i32
        %cond3A_171 = arith.cmpi ne, %convert_element_type3A_169, %cond3A_170 : i32
        scf.if %cond3A_171 {
          %add3A_179 = arith.constant 3 : i32
          %add3A_180 = arith.addi %add3A_122, %add3A_179 : i32
          %mul3A_181 = arith.constant 126 : i32
          %mul3A_182 = arith.muli %arg1, %mul3A_181 : i32
          %add3A_183 = arith.addi %mul3A_182, %add3A_180 : i32
          %mul3A_184 = arith.constant 160 : i32
          %mul3A_185 = arith.muli %add3A_183, %mul3A_184 : i32
          %multiple_of3A_186 = tpu.assume_multiple %mul3A_185, 160 : i32
          %dma_start3A_187 = tpu.memref_slice %arg6[%multiple_of3A_186] : memref<322560xi32, #tpu.memory_space<hbm>> -> memref<160xi32, #tpu.memory_space<hbm>>
          %dma_start3A_188 = tpu.memref_slice %arg6[%multiple_of3A_186] : memref<322560xi32, #tpu.memory_space<hbm>> -> memref<160xi32, #tpu.memory_space<hbm>>
          tpu.enqueue_dma source(%dma_start3A_188 : memref<160xi32, #tpu.memory_space<hbm>>) target(%arg15 : memref<160xi32, #tpu.memory_space<vmem>>) target_semaphore(%arg21 : memref<!tpu.dma_semaphore, #tpu.memory_space<semaphore_mem>>)
        } else {
        }
        %dma_wait3A_172 = arith.constant 0 : i32
        %dma_wait3A_173 = tpu.memref_slice %arg7[%dma_wait3A_172] : memref<322560xi32, #tpu.memory_space<hbm>> -> memref<160xi32, #tpu.memory_space<hbm>>
        %dma_wait3A_174 = arith.constant 0 : i32
        %dma_wait3A_175 = tpu.memref_slice %arg7[%dma_wait3A_174] : memref<322560xi32, #tpu.memory_space<hbm>> -> memref<160xi32, #tpu.memory_space<hbm>>
        tpu.wait_dma2 semaphore(%arg23 : memref<!tpu.dma_semaphore, #tpu.memory_space<semaphore_mem>>) src(%dma_wait3A_175 : memref<160xi32, #tpu.memory_space<hbm>>) dst(%arg17 : memref<160xi32, #tpu.memory_space<vmem>>)
        %dma_start3A_176 = arith.constant 0 : i32
        %dma_start3A_177 = arith.constant 0 : i32
        %dma_start3A_178 = tpu.memref_slice %arg13[%dma_start3A_176, %dma_start3A_177] : memref<10112x128xf32, #tpu.memory_space<vmem_shared>> -> memref<10112x128xf32, #tpu.memory_space<vmem_shared>>
        tpu.enqueue_indirect_dma source(%arg19 : memref<160x128xf32, #tpu.memory_space<vmem>>) target(%dma_start3A_178 : memref<10112x128xf32, #tpu.memory_space<vmem_shared>>) offsets(%arg17 : memref<160xi32, #tpu.memory_space<vmem>>) semaphore(%arg27 : memref<!tpu.dma_semaphore, #tpu.memory_space<semaphore_mem>>) {add = true}
      }
      %scan3A_103 = arith.constant 63 : i32
      %dma_wait3A_104 = arith.constant 0 : i32
      %dma_wait3A_105 = arith.constant 0 : i32
      %dma_wait3A_106 = tpu.memref_slice %arg13[%dma_wait3A_104, %dma_wait3A_105] : memref<10112x128xf32, #tpu.memory_space<vmem_shared>> -> memref<10112x128xf32, #tpu.memory_space<vmem_shared>>
      tpu.wait_indirect_dma semaphore(%arg26 : memref<!tpu.dma_semaphore, #tpu.memory_space<semaphore_mem>>) src(%arg18 : memref<160x128xf32, #tpu.memory_space<vmem>>) dst(%dma_wait3A_106 : memref<10112x128xf32, #tpu.memory_space<vmem_shared>>)
      %dma_wait3A_107 = arith.constant 0 : i32
      %dma_wait3A_108 = arith.constant 0 : i32
      %dma_wait3A_109 = tpu.memref_slice %arg13[%dma_wait3A_107, %dma_wait3A_108] : memref<10112x128xf32, #tpu.memory_space<vmem_shared>> -> memref<10112x128xf32, #tpu.memory_space<vmem_shared>>
      tpu.wait_indirect_dma semaphore(%arg27 : memref<!tpu.dma_semaphore, #tpu.memory_space<semaphore_mem>>) src(%arg19 : memref<160x128xf32, #tpu.memory_space<vmem>>) dst(%dma_wait3A_109 : memref<10112x128xf32, #tpu.memory_space<vmem_shared>>)
      %barrier3A_110 = arith.constant 0 : index
      tpu.barrier barrier_id(%barrier3A_110)
      %mul3A_111 = arith.constant 632 : i32
      %mul3A_112 = arith.muli %arg1, %mul3A_111 : i32
      %multiple_of3A_113 = tpu.assume_multiple %mul3A_112, 8 : i32
      %mul3A_114 = arith.constant 632 : i32
      %mul3A_115 = arith.muli %arg1, %mul3A_114 : i32
      %multiple_of3A_116 = tpu.assume_multiple %mul3A_115, 8 : i32
      "tpu.region"() ({
        %run_scoped3A = tpu.sem_alloc : memref<!tpu.dma_semaphore, #tpu.memory_space<semaphore_mem>>
        %dma_start3A_118 = arith.constant 0 : i32
        %dma_start3A_119 = tpu.memref_slice %arg12[%multiple_of3A_116, %dma_start3A_118] : memref<10112x128xf32, #tpu.memory_space<hbm>> -> memref<632x128xf32, #tpu.memory_space<hbm>>
        %dma_start3A_120 = arith.constant 0 : i32
        %dma_start3A_121 = tpu.memref_slice %arg13[%multiple_of3A_113, %dma_start3A_120] : memref<10112x128xf32, #tpu.memory_space<vmem_shared>> -> memref<632x128xf32, #tpu.memory_space<vmem_shared>>
        tpu.enqueue_dma source(%dma_start3A_121 : memref<632x128xf32, #tpu.memory_space<vmem_shared>>) target(%dma_start3A_119 : memref<632x128xf32, #tpu.memory_space<hbm>>) target_semaphore(%run_scoped3A : memref<!tpu.dma_semaphore, #tpu.memory_space<semaphore_mem>>)
        %dma_wait3A_122 = arith.constant 0 : i32
        %dma_wait3A_123 = tpu.memref_slice %arg12[%multiple_of3A_116, %dma_wait3A_122] : memref<10112x128xf32, #tpu.memory_space<hbm>> -> memref<632x128xf32, #tpu.memory_space<hbm>>
        %dma_wait3A_124 = arith.constant 0 : i32
        %dma_wait3A_125 = tpu.memref_slice %arg13[%multiple_of3A_113, %dma_wait3A_124] : memref<10112x128xf32, #tpu.memory_space<vmem_shared>> -> memref<632x128xf32, #tpu.memory_space<vmem_shared>>
        tpu.wait_dma2 semaphore(%run_scoped3A : memref<!tpu.dma_semaphore, #tpu.memory_space<semaphore_mem>>) src(%dma_wait3A_125 : memref<632x128xf32, #tpu.memory_space<vmem_shared>>) dst(%dma_wait3A_123 : memref<632x128xf32, #tpu.memory_space<hbm>>)
        tpu.yield
      }) : () -> ()
      %barrier3A_117 = arith.constant 0 : index
      tpu.barrier barrier_id(%barrier3A_117)
    } else {
    }
    return
  }
}

#map = affine_map<(d0, d1) -> (0, 0)>
#map1 = affine_map<(d0, d1) -> (0)>
module attributes {stable_mosaic.version = 14 : i64} {
  func.func @_sc_agg_body(%arg0: i32, %arg1: i32, %arg2: memref<10000x128xf32, #tpu.memory_space<hbm>>, %arg3: memref<10000x128xf32, #tpu.memory_space<hbm>>, %arg4: memref<10000x128xf32, #tpu.memory_space<hbm>>, %arg5: memref<10000x128xf32, #tpu.memory_space<hbm>>, %arg6: memref<322560xi32, #tpu.memory_space<hbm>>, %arg7: memref<322560xi32, #tpu.memory_space<hbm>>, %arg8: memref<632x128xf32, #tpu.memory_space<hbm>>, %arg9: memref<10112x128xf32, #tpu.memory_space<hbm>>, %arg10: memref<10112x128xf32, #tpu.memory_space<hbm>>, %arg11: memref<10112x128xf32, #tpu.memory_space<hbm>>, %arg12: memref<10112x128xf32, #tpu.memory_space<hbm>>, %arg13: memref<10112x128xf32, #tpu.memory_space<vmem_shared>>, %arg14: memref<160xi32, #tpu.memory_space<vmem>>, %arg15: memref<160xi32, #tpu.memory_space<vmem>>, %arg16: memref<160xi32, #tpu.memory_space<vmem>>, %arg17: memref<160xi32, #tpu.memory_space<vmem>>, %arg18: memref<160x128xf32, #tpu.memory_space<vmem>>, %arg19: memref<160x128xf32, #tpu.memory_space<vmem>>, %arg20: memref<!tpu.dma_semaphore, #tpu.memory_space<semaphore_mem>>, %arg21: memref<!tpu.dma_semaphore, #tpu.memory_space<semaphore_mem>>, %arg22: memref<!tpu.dma_semaphore, #tpu.memory_space<semaphore_mem>>, %arg23: memref<!tpu.dma_semaphore, #tpu.memory_space<semaphore_mem>>, %arg24: memref<!tpu.dma_semaphore, #tpu.memory_space<semaphore_mem>>, %arg25: memref<!tpu.dma_semaphore, #tpu.memory_space<semaphore_mem>>, %arg26: memref<!tpu.dma_semaphore, #tpu.memory_space<semaphore_mem>>, %arg27: memref<!tpu.dma_semaphore, #tpu.memory_space<semaphore_mem>>) attributes {dimension_semantics = [#tpu.dimension_semantics<core_parallel>, #tpu.dimension_semantics<subcore_parallel>], iteration_bounds = array<i64: 2, 16>, scalar_prefetch = 0 : i64, scratch_operands = 15 : i64, tpu.core_type = #tpu.core_type<sc_vector_subcore>, window_params = [{transform_indices = #map}, {transform_indices = #map}, {transform_indices = #map}, {transform_indices = #map}, {transform_indices = #map1}, {transform_indices = #map1}, {transform_indices = #map}, {transform_indices = #map}, {transform_indices = #map}, {transform_indices = #map}, {transform_indices = #map}]} {
    %eq3A = arith.constant 0 : i32
    %eq3A_0 = arith.cmpi eq, %arg0, %eq3A : i32
    %convert_element_type3A = arith.extui %eq3A_0 : i1 to i32
    %cond3A = arith.constant 0 : i32
    %cond3A_1 = arith.cmpi ne, %convert_element_type3A, %cond3A : i32
    scf.if %cond3A_1 {
      %mul3A = arith.constant 632 : i32
      %mul3A_7 = arith.muli %arg1, %mul3A : i32
      %multiple_of3A = tpu.assume_multiple %mul3A_7, 8 : i32
      "tpu.region"() ({
        %run_scoped3A = tpu.sem_alloc : memref<!tpu.dma_semaphore, #tpu.memory_space<semaphore_mem>>
        %dma_start3A_118 = arith.constant 0 : i32
        %dma_start3A_119 = tpu.memref_slice %arg13[%multiple_of3A, %dma_start3A_118] : memref<10112x128xf32, #tpu.memory_space<vmem_shared>> -> memref<632x128xf32, #tpu.memory_space<vmem_shared>>
        tpu.enqueue_dma source(%arg8 : memref<632x128xf32, #tpu.memory_space<hbm>>) target(%dma_start3A_119 : memref<632x128xf32, #tpu.memory_space<vmem_shared>>) target_semaphore(%run_scoped3A : memref<!tpu.dma_semaphore, #tpu.memory_space<semaphore_mem>>)
        %dma_wait3A_120 = arith.constant 0 : i32
        %dma_wait3A_121 = tpu.memref_slice %arg13[%multiple_of3A, %dma_wait3A_120] : memref<10112x128xf32, #tpu.memory_space<vmem_shared>> -> memref<632x128xf32, #tpu.memory_space<vmem_shared>>
        tpu.wait_dma2 semaphore(%run_scoped3A : memref<!tpu.dma_semaphore, #tpu.memory_space<semaphore_mem>>) src(%arg8 : memref<632x128xf32, #tpu.memory_space<hbm>>) dst(%dma_wait3A_121 : memref<632x128xf32, #tpu.memory_space<vmem_shared>>)
        tpu.yield
      }) : () -> ()
      %mul3A_8 = arith.constant 126 : i32
      %mul3A_9 = arith.muli %arg1, %mul3A_8 : i32
      %add3A = arith.constant 0 : i32
      %add3A_10 = arith.addi %mul3A_9, %add3A : i32
      %mul3A_11 = arith.constant 160 : i32
      %mul3A_12 = arith.muli %add3A_10, %mul3A_11 : i32
      %multiple_of3A_13 = tpu.assume_multiple %mul3A_12, 160 : i32
      %dma_start3A = tpu.memref_slice %arg6[%multiple_of3A_13] : memref<322560xi32, #tpu.memory_space<hbm>> -> memref<160xi32, #tpu.memory_space<hbm>>
      %dma_start3A_14 = tpu.memref_slice %arg6[%multiple_of3A_13] : memref<322560xi32, #tpu.memory_space<hbm>> -> memref<160xi32, #tpu.memory_space<hbm>>
      tpu.enqueue_dma source(%dma_start3A_14 : memref<160xi32, #tpu.memory_space<hbm>>) target(%arg14 : memref<160xi32, #tpu.memory_space<vmem>>) target_semaphore(%arg20 : memref<!tpu.dma_semaphore, #tpu.memory_space<semaphore_mem>>)
      %mul3A_15 = arith.constant 126 : i32
      %mul3A_16 = arith.muli %arg1, %mul3A_15 : i32
      %add3A_17 = arith.constant 1 : i32
      %add3A_18 = arith.addi %mul3A_16, %add3A_17 : i32
      %mul3A_19 = arith.constant 160 : i32
      %mul3A_20 = arith.muli %add3A_18, %mul3A_19 : i32
      %multiple_of3A_21 = tpu.assume_multiple %mul3A_20, 160 : i32
      %dma_start3A_22 = tpu.memref_slice %arg6[%multiple_of3A_21] : memref<322560xi32, #tpu.memory_space<hbm>> -> memref<160xi32, #tpu.memory_space<hbm>>
      %dma_start3A_23 = tpu.memref_slice %arg6[%multiple_of3A_21] : memref<322560xi32, #tpu.memory_space<hbm>> -> memref<160xi32, #tpu.memory_space<hbm>>
      tpu.enqueue_dma source(%dma_start3A_23 : memref<160xi32, #tpu.memory_space<hbm>>) target(%arg15 : memref<160xi32, #tpu.memory_space<vmem>>) target_semaphore(%arg21 : memref<!tpu.dma_semaphore, #tpu.memory_space<semaphore_mem>>)
      %mul3A_24 = arith.constant 126 : i32
      %mul3A_25 = arith.muli %arg1, %mul3A_24 : i32
      %add3A_26 = arith.constant 0 : i32
      %add3A_27 = arith.addi %mul3A_25, %add3A_26 : i32
      %mul3A_28 = arith.constant 160 : i32
      %mul3A_29 = arith.muli %add3A_27, %mul3A_28 : i32
      %multiple_of3A_30 = tpu.assume_multiple %mul3A_29, 160 : i32
      %dma_start3A_31 = tpu.memref_slice %arg7[%multiple_of3A_30] : memref<322560xi32, #tpu.memory_space<hbm>> -> memref<160xi32, #tpu.memory_space<hbm>>
      %dma_start3A_32 = tpu.memref_slice %arg7[%multiple_of3A_30] : memref<322560xi32, #tpu.memory_space<hbm>> -> memref<160xi32, #tpu.memory_space<hbm>>
      tpu.enqueue_dma source(%dma_start3A_32 : memref<160xi32, #tpu.memory_space<hbm>>) target(%arg16 : memref<160xi32, #tpu.memory_space<vmem>>) target_semaphore(%arg22 : memref<!tpu.dma_semaphore, #tpu.memory_space<semaphore_mem>>)
      %mul3A_33 = arith.constant 126 : i32
      %mul3A_34 = arith.muli %arg1, %mul3A_33 : i32
      %add3A_35 = arith.constant 1 : i32
      %add3A_36 = arith.addi %mul3A_34, %add3A_35 : i32
      %mul3A_37 = arith.constant 160 : i32
      %mul3A_38 = arith.muli %add3A_36, %mul3A_37 : i32
      %multiple_of3A_39 = tpu.assume_multiple %mul3A_38, 160 : i32
      %dma_start3A_40 = tpu.memref_slice %arg7[%multiple_of3A_39] : memref<322560xi32, #tpu.memory_space<hbm>> -> memref<160xi32, #tpu.memory_space<hbm>>
      %dma_start3A_41 = tpu.memref_slice %arg7[%multiple_of3A_39] : memref<322560xi32, #tpu.memory_space<hbm>> -> memref<160xi32, #tpu.memory_space<hbm>>
      tpu.enqueue_dma source(%dma_start3A_41 : memref<160xi32, #tpu.memory_space<hbm>>) target(%arg17 : memref<160xi32, #tpu.memory_space<vmem>>) target_semaphore(%arg23 : memref<!tpu.dma_semaphore, #tpu.memory_space<semaphore_mem>>)
      %barrier3A = arith.constant 0 : index
      tpu.barrier barrier_id(%barrier3A)
      %scan3A = arith.constant 0 : i32
      %scan3A_42 = arith.constant 63 : i32
      %scan3A_43 = arith.addi %scan3A, %scan3A_42 : i32
      %scan3A_44 = arith.constant 1 : i32
      scf.for %scan3A_118 = %scan3A to %scan3A_43 step %scan3A_44  : i32 {
        %mul3A_119 = arith.constant 2 : i32
        %mul3A_120 = arith.muli %scan3A_118, %mul3A_119 : i32
        %add3A_121 = arith.constant 0 : i32
        %add3A_122 = arith.addi %add3A_121, %mul3A_120 : i32
        %dma_wait3A_123 = arith.constant 0 : i32
        %dma_wait3A_124 = tpu.memref_slice %arg6[%dma_wait3A_123] : memref<322560xi32, #tpu.memory_space<hbm>> -> memref<160xi32, #tpu.memory_space<hbm>>
        %dma_wait3A_125 = arith.constant 0 : i32
        %dma_wait3A_126 = tpu.memref_slice %arg6[%dma_wait3A_125] : memref<322560xi32, #tpu.memory_space<hbm>> -> memref<160xi32, #tpu.memory_space<hbm>>
        tpu.wait_dma2 semaphore(%arg20 : memref<!tpu.dma_semaphore, #tpu.memory_space<semaphore_mem>>) src(%dma_wait3A_126 : memref<160xi32, #tpu.memory_space<hbm>>) dst(%arg14 : memref<160xi32, #tpu.memory_space<vmem>>)
        %ge3A = arith.constant 2 : i32
        %ge3A_127 = arith.cmpi sge, %add3A_122, %ge3A : i32
        %convert_element_type3A_128 = arith.extui %ge3A_127 : i1 to i32
        %cond3A_129 = arith.constant 0 : i32
        %cond3A_130 = arith.cmpi ne, %convert_element_type3A_128, %cond3A_129 : i32
        scf.if %cond3A_130 {
          %dma_wait3A_179 = arith.constant 0 : i32
          %dma_wait3A_180 = arith.constant 0 : i32
          %dma_wait3A_181 = tpu.memref_slice %arg13[%dma_wait3A_179, %dma_wait3A_180] : memref<10112x128xf32, #tpu.memory_space<vmem_shared>> -> memref<10112x128xf32, #tpu.memory_space<vmem_shared>>
          tpu.wait_indirect_dma semaphore(%arg26 : memref<!tpu.dma_semaphore, #tpu.memory_space<semaphore_mem>>) src(%arg18 : memref<160x128xf32, #tpu.memory_space<vmem>>) dst(%dma_wait3A_181 : memref<10112x128xf32, #tpu.memory_space<vmem_shared>>)
          %mul3A_182 = arith.constant 126 : i32
          %mul3A_183 = arith.muli %arg1, %mul3A_182 : i32
          %add3A_184 = arith.addi %mul3A_183, %add3A_122 : i32
          %mul3A_185 = arith.constant 160 : i32
          %mul3A_186 = arith.muli %add3A_184, %mul3A_185 : i32
          %multiple_of3A_187 = tpu.assume_multiple %mul3A_186, 160 : i32
          %dma_start3A_188 = tpu.memref_slice %arg7[%multiple_of3A_187] : memref<322560xi32, #tpu.memory_space<hbm>> -> memref<160xi32, #tpu.memory_space<hbm>>
          %dma_start3A_189 = tpu.memref_slice %arg7[%multiple_of3A_187] : memref<322560xi32, #tpu.memory_space<hbm>> -> memref<160xi32, #tpu.memory_space<hbm>>
          tpu.enqueue_dma source(%dma_start3A_189 : memref<160xi32, #tpu.memory_space<hbm>>) target(%arg16 : memref<160xi32, #tpu.memory_space<vmem>>) target_semaphore(%arg22 : memref<!tpu.dma_semaphore, #tpu.memory_space<semaphore_mem>>)
        } else {
        }
        %dma_start3A_131 = arith.constant 0 : i32
        %dma_start3A_132 = arith.constant 0 : i32
        %dma_start3A_133 = tpu.memref_slice %arg2[%dma_start3A_131, %dma_start3A_132] : memref<10000x128xf32, #tpu.memory_space<hbm>> -> memref<10000x128xf32, #tpu.memory_space<hbm>>
        tpu.enqueue_indirect_dma source(%dma_start3A_133 : memref<10000x128xf32, #tpu.memory_space<hbm>>) target(%arg18 : memref<160x128xf32, #tpu.memory_space<vmem>>) offsets(%arg14 : memref<160xi32, #tpu.memory_space<vmem>>) semaphore(%arg24 : memref<!tpu.dma_semaphore, #tpu.memory_space<semaphore_mem>>)
        %dma_wait3A_134 = arith.constant 0 : i32
        %dma_wait3A_135 = tpu.memref_slice %arg6[%dma_wait3A_134] : memref<322560xi32, #tpu.memory_space<hbm>> -> memref<160xi32, #tpu.memory_space<hbm>>
        %dma_wait3A_136 = arith.constant 0 : i32
        %dma_wait3A_137 = tpu.memref_slice %arg6[%dma_wait3A_136] : memref<322560xi32, #tpu.memory_space<hbm>> -> memref<160xi32, #tpu.memory_space<hbm>>
        tpu.wait_dma2 semaphore(%arg21 : memref<!tpu.dma_semaphore, #tpu.memory_space<semaphore_mem>>) src(%dma_wait3A_137 : memref<160xi32, #tpu.memory_space<hbm>>) dst(%arg15 : memref<160xi32, #tpu.memory_space<vmem>>)
        %ge3A_138 = arith.constant 2 : i32
        %ge3A_139 = arith.cmpi sge, %add3A_122, %ge3A_138 : i32
        %convert_element_type3A_140 = arith.extui %ge3A_139 : i1 to i32
        %cond3A_141 = arith.constant 0 : i32
        %cond3A_142 = arith.cmpi ne, %convert_element_type3A_140, %cond3A_141 : i32
        scf.if %cond3A_142 {
          %dma_wait3A_179 = arith.constant 0 : i32
          %dma_wait3A_180 = arith.constant 0 : i32
          %dma_wait3A_181 = tpu.memref_slice %arg13[%dma_wait3A_179, %dma_wait3A_180] : memref<10112x128xf32, #tpu.memory_space<vmem_shared>> -> memref<10112x128xf32, #tpu.memory_space<vmem_shared>>
          tpu.wait_indirect_dma semaphore(%arg27 : memref<!tpu.dma_semaphore, #tpu.memory_space<semaphore_mem>>) src(%arg19 : memref<160x128xf32, #tpu.memory_space<vmem>>) dst(%dma_wait3A_181 : memref<10112x128xf32, #tpu.memory_space<vmem_shared>>)
          %add3A_182 = arith.constant 1 : i32
          %add3A_183 = arith.addi %add3A_122, %add3A_182 : i32
          %mul3A_184 = arith.constant 126 : i32
          %mul3A_185 = arith.muli %arg1, %mul3A_184 : i32
          %add3A_186 = arith.addi %mul3A_185, %add3A_183 : i32
          %mul3A_187 = arith.constant 160 : i32
          %mul3A_188 = arith.muli %add3A_186, %mul3A_187 : i32
          %multiple_of3A_189 = tpu.assume_multiple %mul3A_188, 160 : i32
          %dma_start3A_190 = tpu.memref_slice %arg7[%multiple_of3A_189] : memref<322560xi32, #tpu.memory_space<hbm>> -> memref<160xi32, #tpu.memory_space<hbm>>
          %dma_start3A_191 = tpu.memref_slice %arg7[%multiple_of3A_189] : memref<322560xi32, #tpu.memory_space<hbm>> -> memref<160xi32, #tpu.memory_space<hbm>>
          tpu.enqueue_dma source(%dma_start3A_191 : memref<160xi32, #tpu.memory_space<hbm>>) target(%arg17 : memref<160xi32, #tpu.memory_space<vmem>>) target_semaphore(%arg23 : memref<!tpu.dma_semaphore, #tpu.memory_space<semaphore_mem>>)
        } else {
        }
        %dma_start3A_143 = arith.constant 0 : i32
        %dma_start3A_144 = arith.constant 0 : i32
        %dma_start3A_145 = tpu.memref_slice %arg2[%dma_start3A_143, %dma_start3A_144] : memref<10000x128xf32, #tpu.memory_space<hbm>> -> memref<10000x128xf32, #tpu.memory_space<hbm>>
        tpu.enqueue_indirect_dma source(%dma_start3A_145 : memref<10000x128xf32, #tpu.memory_space<hbm>>) target(%arg19 : memref<160x128xf32, #tpu.memory_space<vmem>>) offsets(%arg15 : memref<160xi32, #tpu.memory_space<vmem>>) semaphore(%arg25 : memref<!tpu.dma_semaphore, #tpu.memory_space<semaphore_mem>>)
        %dma_wait3A_146 = arith.constant 0 : i32
        %dma_wait3A_147 = arith.constant 0 : i32
        %dma_wait3A_148 = tpu.memref_slice %arg2[%dma_wait3A_146, %dma_wait3A_147] : memref<10000x128xf32, #tpu.memory_space<hbm>> -> memref<10000x128xf32, #tpu.memory_space<hbm>>
        tpu.wait_indirect_dma semaphore(%arg24 : memref<!tpu.dma_semaphore, #tpu.memory_space<semaphore_mem>>) src(%dma_wait3A_148 : memref<10000x128xf32, #tpu.memory_space<hbm>>) dst(%arg18 : memref<160x128xf32, #tpu.memory_space<vmem>>)
        %add3A_149 = arith.constant 2 : i32
        %add3A_150 = arith.addi %add3A_122, %add3A_149 : i32
        %lt3A = arith.constant 126 : i32
        %lt3A_151 = arith.cmpi slt, %add3A_150, %lt3A : i32
        %convert_element_type3A_152 = arith.extui %lt3A_151 : i1 to i32
        %cond3A_153 = arith.constant 0 : i32
        %cond3A_154 = arith.cmpi ne, %convert_element_type3A_152, %cond3A_153 : i32
        scf.if %cond3A_154 {
          %add3A_179 = arith.constant 2 : i32
          %add3A_180 = arith.addi %add3A_122, %add3A_179 : i32
          %mul3A_181 = arith.constant 126 : i32
          %mul3A_182 = arith.muli %arg1, %mul3A_181 : i32
          %add3A_183 = arith.addi %mul3A_182, %add3A_180 : i32
          %mul3A_184 = arith.constant 160 : i32
          %mul3A_185 = arith.muli %add3A_183, %mul3A_184 : i32
          %multiple_of3A_186 = tpu.assume_multiple %mul3A_185, 160 : i32
          %dma_start3A_187 = tpu.memref_slice %arg6[%multiple_of3A_186] : memref<322560xi32, #tpu.memory_space<hbm>> -> memref<160xi32, #tpu.memory_space<hbm>>
          %dma_start3A_188 = tpu.memref_slice %arg6[%multiple_of3A_186] : memref<322560xi32, #tpu.memory_space<hbm>> -> memref<160xi32, #tpu.memory_space<hbm>>
          tpu.enqueue_dma source(%dma_start3A_188 : memref<160xi32, #tpu.memory_space<hbm>>) target(%arg14 : memref<160xi32, #tpu.memory_space<vmem>>) target_semaphore(%arg20 : memref<!tpu.dma_semaphore, #tpu.memory_space<semaphore_mem>>)
        } else {
        }
        %dma_wait3A_155 = arith.constant 0 : i32
        %dma_wait3A_156 = tpu.memref_slice %arg7[%dma_wait3A_155] : memref<322560xi32, #tpu.memory_space<hbm>> -> memref<160xi32, #tpu.memory_space<hbm>>
        %dma_wait3A_157 = arith.constant 0 : i32
        %dma_wait3A_158 = tpu.memref_slice %arg7[%dma_wait3A_157] : memref<322560xi32, #tpu.memory_space<hbm>> -> memref<160xi32, #tpu.memory_space<hbm>>
        tpu.wait_dma2 semaphore(%arg22 : memref<!tpu.dma_semaphore, #tpu.memory_space<semaphore_mem>>) src(%dma_wait3A_158 : memref<160xi32, #tpu.memory_space<hbm>>) dst(%arg16 : memref<160xi32, #tpu.memory_space<vmem>>)
        %dma_start3A_159 = arith.constant 0 : i32
        %dma_start3A_160 = arith.constant 0 : i32
        %dma_start3A_161 = tpu.memref_slice %arg13[%dma_start3A_159, %dma_start3A_160] : memref<10112x128xf32, #tpu.memory_space<vmem_shared>> -> memref<10112x128xf32, #tpu.memory_space<vmem_shared>>
        tpu.enqueue_indirect_dma source(%arg18 : memref<160x128xf32, #tpu.memory_space<vmem>>) target(%dma_start3A_161 : memref<10112x128xf32, #tpu.memory_space<vmem_shared>>) offsets(%arg16 : memref<160xi32, #tpu.memory_space<vmem>>) semaphore(%arg26 : memref<!tpu.dma_semaphore, #tpu.memory_space<semaphore_mem>>) {add = true}
        %dma_wait3A_162 = arith.constant 0 : i32
        %dma_wait3A_163 = arith.constant 0 : i32
        %dma_wait3A_164 = tpu.memref_slice %arg2[%dma_wait3A_162, %dma_wait3A_163] : memref<10000x128xf32, #tpu.memory_space<hbm>> -> memref<10000x128xf32, #tpu.memory_space<hbm>>
        tpu.wait_indirect_dma semaphore(%arg25 : memref<!tpu.dma_semaphore, #tpu.memory_space<semaphore_mem>>) src(%dma_wait3A_164 : memref<10000x128xf32, #tpu.memory_space<hbm>>) dst(%arg19 : memref<160x128xf32, #tpu.memory_space<vmem>>)
        %add3A_165 = arith.constant 3 : i32
        %add3A_166 = arith.addi %add3A_122, %add3A_165 : i32
        %lt3A_167 = arith.constant 126 : i32
        %lt3A_168 = arith.cmpi slt, %add3A_166, %lt3A_167 : i32
        %convert_element_type3A_169 = arith.extui %lt3A_168 : i1 to i32
        %cond3A_170 = arith.constant 0 : i32
        %cond3A_171 = arith.cmpi ne, %convert_element_type3A_169, %cond3A_170 : i32
        scf.if %cond3A_171 {
          %add3A_179 = arith.constant 3 : i32
          %add3A_180 = arith.addi %add3A_122, %add3A_179 : i32
          %mul3A_181 = arith.constant 126 : i32
          %mul3A_182 = arith.muli %arg1, %mul3A_181 : i32
          %add3A_183 = arith.addi %mul3A_182, %add3A_180 : i32
          %mul3A_184 = arith.constant 160 : i32
          %mul3A_185 = arith.muli %add3A_183, %mul3A_184 : i32
          %multiple_of3A_186 = tpu.assume_multiple %mul3A_185, 160 : i32
          %dma_start3A_187 = tpu.memref_slice %arg6[%multiple_of3A_186] : memref<322560xi32, #tpu.memory_space<hbm>> -> memref<160xi32, #tpu.memory_space<hbm>>
          %dma_start3A_188 = tpu.memref_slice %arg6[%multiple_of3A_186] : memref<322560xi32, #tpu.memory_space<hbm>> -> memref<160xi32, #tpu.memory_space<hbm>>
          tpu.enqueue_dma source(%dma_start3A_188 : memref<160xi32, #tpu.memory_space<hbm>>) target(%arg15 : memref<160xi32, #tpu.memory_space<vmem>>) target_semaphore(%arg21 : memref<!tpu.dma_semaphore, #tpu.memory_space<semaphore_mem>>)
        } else {
        }
        %dma_wait3A_172 = arith.constant 0 : i32
        %dma_wait3A_173 = tpu.memref_slice %arg7[%dma_wait3A_172] : memref<322560xi32, #tpu.memory_space<hbm>> -> memref<160xi32, #tpu.memory_space<hbm>>
        %dma_wait3A_174 = arith.constant 0 : i32
        %dma_wait3A_175 = tpu.memref_slice %arg7[%dma_wait3A_174] : memref<322560xi32, #tpu.memory_space<hbm>> -> memref<160xi32, #tpu.memory_space<hbm>>
        tpu.wait_dma2 semaphore(%arg23 : memref<!tpu.dma_semaphore, #tpu.memory_space<semaphore_mem>>) src(%dma_wait3A_175 : memref<160xi32, #tpu.memory_space<hbm>>) dst(%arg17 : memref<160xi32, #tpu.memory_space<vmem>>)
        %dma_start3A_176 = arith.constant 0 : i32
        %dma_start3A_177 = arith.constant 0 : i32
        %dma_start3A_178 = tpu.memref_slice %arg13[%dma_start3A_176, %dma_start3A_177] : memref<10112x128xf32, #tpu.memory_space<vmem_shared>> -> memref<10112x128xf32, #tpu.memory_space<vmem_shared>>
        tpu.enqueue_indirect_dma source(%arg19 : memref<160x128xf32, #tpu.memory_space<vmem>>) target(%dma_start3A_178 : memref<10112x128xf32, #tpu.memory_space<vmem_shared>>) offsets(%arg17 : memref<160xi32, #tpu.memory_space<vmem>>) semaphore(%arg27 : memref<!tpu.dma_semaphore, #tpu.memory_space<semaphore_mem>>) {add = true}
      }
      %scan3A_45 = arith.constant 63 : i32
      %dma_wait3A = arith.constant 0 : i32
      %dma_wait3A_46 = arith.constant 0 : i32
      %dma_wait3A_47 = tpu.memref_slice %arg13[%dma_wait3A, %dma_wait3A_46] : memref<10112x128xf32, #tpu.memory_space<vmem_shared>> -> memref<10112x128xf32, #tpu.memory_space<vmem_shared>>
      tpu.wait_indirect_dma semaphore(%arg26 : memref<!tpu.dma_semaphore, #tpu.memory_space<semaphore_mem>>) src(%arg18 : memref<160x128xf32, #tpu.memory_space<vmem>>) dst(%dma_wait3A_47 : memref<10112x128xf32, #tpu.memory_space<vmem_shared>>)
      %dma_wait3A_48 = arith.constant 0 : i32
      %dma_wait3A_49 = arith.constant 0 : i32
      %dma_wait3A_50 = tpu.memref_slice %arg13[%dma_wait3A_48, %dma_wait3A_49] : memref<10112x128xf32, #tpu.memory_space<vmem_shared>> -> memref<10112x128xf32, #tpu.memory_space<vmem_shared>>
      tpu.wait_indirect_dma semaphore(%arg27 : memref<!tpu.dma_semaphore, #tpu.memory_space<semaphore_mem>>) src(%arg19 : memref<160x128xf32, #tpu.memory_space<vmem>>) dst(%dma_wait3A_50 : memref<10112x128xf32, #tpu.memory_space<vmem_shared>>)
      %barrier3A_51 = arith.constant 0 : index
      tpu.barrier barrier_id(%barrier3A_51)
      %mul3A_52 = arith.constant 632 : i32
      %mul3A_53 = arith.muli %arg1, %mul3A_52 : i32
      %multiple_of3A_54 = tpu.assume_multiple %mul3A_53, 8 : i32
      %mul3A_55 = arith.constant 632 : i32
      %mul3A_56 = arith.muli %arg1, %mul3A_55 : i32
      %multiple_of3A_57 = tpu.assume_multiple %mul3A_56, 8 : i32
      "tpu.region"() ({
        %run_scoped3A = tpu.sem_alloc : memref<!tpu.dma_semaphore, #tpu.memory_space<semaphore_mem>>
        %dma_start3A_118 = arith.constant 0 : i32
        %dma_start3A_119 = tpu.memref_slice %arg9[%multiple_of3A_57, %dma_start3A_118] : memref<10112x128xf32, #tpu.memory_space<hbm>> -> memref<632x128xf32, #tpu.memory_space<hbm>>
        %dma_start3A_120 = arith.constant 0 : i32
        %dma_start3A_121 = tpu.memref_slice %arg13[%multiple_of3A_54, %dma_start3A_120] : memref<10112x128xf32, #tpu.memory_space<vmem_shared>> -> memref<632x128xf32, #tpu.memory_space<vmem_shared>>
        tpu.enqueue_dma source(%dma_start3A_121 : memref<632x128xf32, #tpu.memory_space<vmem_shared>>) target(%dma_start3A_119 : memref<632x128xf32, #tpu.memory_space<hbm>>) target_semaphore(%run_scoped3A : memref<!tpu.dma_semaphore, #tpu.memory_space<semaphore_mem>>)
        %dma_wait3A_122 = arith.constant 0 : i32
        %dma_wait3A_123 = tpu.memref_slice %arg9[%multiple_of3A_57, %dma_wait3A_122] : memref<10112x128xf32, #tpu.memory_space<hbm>> -> memref<632x128xf32, #tpu.memory_space<hbm>>
        %dma_wait3A_124 = arith.constant 0 : i32
        %dma_wait3A_125 = tpu.memref_slice %arg13[%multiple_of3A_54, %dma_wait3A_124] : memref<10112x128xf32, #tpu.memory_space<vmem_shared>> -> memref<632x128xf32, #tpu.memory_space<vmem_shared>>
        tpu.wait_dma2 semaphore(%run_scoped3A : memref<!tpu.dma_semaphore, #tpu.memory_space<semaphore_mem>>) src(%dma_wait3A_125 : memref<632x128xf32, #tpu.memory_space<vmem_shared>>) dst(%dma_wait3A_123 : memref<632x128xf32, #tpu.memory_space<hbm>>)
        tpu.yield
      }) : () -> ()
      %barrier3A_58 = arith.constant 0 : index
      tpu.barrier barrier_id(%barrier3A_58)
      %mul3A_59 = arith.constant 632 : i32
      %mul3A_60 = arith.muli %arg1, %mul3A_59 : i32
      %multiple_of3A_61 = tpu.assume_multiple %mul3A_60, 8 : i32
      "tpu.region"() ({
        %run_scoped3A = tpu.sem_alloc : memref<!tpu.dma_semaphore, #tpu.memory_space<semaphore_mem>>
        %dma_start3A_118 = arith.constant 0 : i32
        %dma_start3A_119 = tpu.memref_slice %arg13[%multiple_of3A_61, %dma_start3A_118] : memref<10112x128xf32, #tpu.memory_space<vmem_shared>> -> memref<632x128xf32, #tpu.memory_space<vmem_shared>>
        tpu.enqueue_dma source(%arg8 : memref<632x128xf32, #tpu.memory_space<hbm>>) target(%dma_start3A_119 : memref<632x128xf32, #tpu.memory_space<vmem_shared>>) target_semaphore(%run_scoped3A : memref<!tpu.dma_semaphore, #tpu.memory_space<semaphore_mem>>)
        %dma_wait3A_120 = arith.constant 0 : i32
        %dma_wait3A_121 = tpu.memref_slice %arg13[%multiple_of3A_61, %dma_wait3A_120] : memref<10112x128xf32, #tpu.memory_space<vmem_shared>> -> memref<632x128xf32, #tpu.memory_space<vmem_shared>>
        tpu.wait_dma2 semaphore(%run_scoped3A : memref<!tpu.dma_semaphore, #tpu.memory_space<semaphore_mem>>) src(%arg8 : memref<632x128xf32, #tpu.memory_space<hbm>>) dst(%dma_wait3A_121 : memref<632x128xf32, #tpu.memory_space<vmem_shared>>)
        tpu.yield
      }) : () -> ()
      %mul3A_62 = arith.constant 126 : i32
      %mul3A_63 = arith.muli %arg1, %mul3A_62 : i32
      %add3A_64 = arith.constant 0 : i32
      %add3A_65 = arith.addi %mul3A_63, %add3A_64 : i32
      %mul3A_66 = arith.constant 160 : i32
      %mul3A_67 = arith.muli %add3A_65, %mul3A_66 : i32
      %multiple_of3A_68 = tpu.assume_multiple %mul3A_67, 160 : i32
      %dma_start3A_69 = tpu.memref_slice %arg6[%multiple_of3A_68] : memref<322560xi32, #tpu.memory_space<hbm>> -> memref<160xi32, #tpu.memory_space<hbm>>
      %dma_start3A_70 = tpu.memref_slice %arg6[%multiple_of3A_68] : memref<322560xi32, #tpu.memory_space<hbm>> -> memref<160xi32, #tpu.memory_space<hbm>>
      tpu.enqueue_dma source(%dma_start3A_70 : memref<160xi32, #tpu.memory_space<hbm>>) target(%arg14 : memref<160xi32, #tpu.memory_space<vmem>>) target_semaphore(%arg20 : memref<!tpu.dma_semaphore, #tpu.memory_space<semaphore_mem>>)
      %mul3A_71 = arith.constant 126 : i32
      %mul3A_72 = arith.muli %arg1, %mul3A_71 : i32
      %add3A_73 = arith.constant 1 : i32
      %add3A_74 = arith.addi %mul3A_72, %add3A_73 : i32
      %mul3A_75 = arith.constant 160 : i32
      %mul3A_76 = arith.muli %add3A_74, %mul3A_75 : i32
      %multiple_of3A_77 = tpu.assume_multiple %mul3A_76, 160 : i32
      %dma_start3A_78 = tpu.memref_slice %arg6[%multiple_of3A_77] : memref<322560xi32, #tpu.memory_space<hbm>> -> memref<160xi32, #tpu.memory_space<hbm>>
      %dma_start3A_79 = tpu.memref_slice %arg6[%multiple_of3A_77] : memref<322560xi32, #tpu.memory_space<hbm>> -> memref<160xi32, #tpu.memory_space<hbm>>
      tpu.enqueue_dma source(%dma_start3A_79 : memref<160xi32, #tpu.memory_space<hbm>>) target(%arg15 : memref<160xi32, #tpu.memory_space<vmem>>) target_semaphore(%arg21 : memref<!tpu.dma_semaphore, #tpu.memory_space<semaphore_mem>>)
      %mul3A_80 = arith.constant 126 : i32
      %mul3A_81 = arith.muli %arg1, %mul3A_80 : i32
      %add3A_82 = arith.constant 0 : i32
      %add3A_83 = arith.addi %mul3A_81, %add3A_82 : i32
      %mul3A_84 = arith.constant 160 : i32
      %mul3A_85 = arith.muli %add3A_83, %mul3A_84 : i32
      %multiple_of3A_86 = tpu.assume_multiple %mul3A_85, 160 : i32
      %dma_start3A_87 = tpu.memref_slice %arg7[%multiple_of3A_86] : memref<322560xi32, #tpu.memory_space<hbm>> -> memref<160xi32, #tpu.memory_space<hbm>>
      %dma_start3A_88 = tpu.memref_slice %arg7[%multiple_of3A_86] : memref<322560xi32, #tpu.memory_space<hbm>> -> memref<160xi32, #tpu.memory_space<hbm>>
      tpu.enqueue_dma source(%dma_start3A_88 : memref<160xi32, #tpu.memory_space<hbm>>) target(%arg16 : memref<160xi32, #tpu.memory_space<vmem>>) target_semaphore(%arg22 : memref<!tpu.dma_semaphore, #tpu.memory_space<semaphore_mem>>)
      %mul3A_89 = arith.constant 126 : i32
      %mul3A_90 = arith.muli %arg1, %mul3A_89 : i32
      %add3A_91 = arith.constant 1 : i32
      %add3A_92 = arith.addi %mul3A_90, %add3A_91 : i32
      %mul3A_93 = arith.constant 160 : i32
      %mul3A_94 = arith.muli %add3A_92, %mul3A_93 : i32
      %multiple_of3A_95 = tpu.assume_multiple %mul3A_94, 160 : i32
      %dma_start3A_96 = tpu.memref_slice %arg7[%multiple_of3A_95] : memref<322560xi32, #tpu.memory_space<hbm>> -> memref<160xi32, #tpu.memory_space<hbm>>
      %dma_start3A_97 = tpu.memref_slice %arg7[%multiple_of3A_95] : memref<322560xi32, #tpu.memory_space<hbm>> -> memref<160xi32, #tpu.memory_space<hbm>>
      tpu.enqueue_dma source(%dma_start3A_97 : memref<160xi32, #tpu.memory_space<hbm>>) target(%arg17 : memref<160xi32, #tpu.memory_space<vmem>>) target_semaphore(%arg23 : memref<!tpu.dma_semaphore, #tpu.memory_space<semaphore_mem>>)
      %barrier3A_98 = arith.constant 0 : index
      tpu.barrier barrier_id(%barrier3A_98)
      %scan3A_99 = arith.constant 0 : i32
      %scan3A_100 = arith.constant 63 : i32
      %scan3A_101 = arith.addi %scan3A_99, %scan3A_100 : i32
      %scan3A_102 = arith.constant 1 : i32
      scf.for %scan3A_118 = %scan3A_99 to %scan3A_101 step %scan3A_102  : i32 {
        %mul3A_119 = arith.constant 2 : i32
        %mul3A_120 = arith.muli %scan3A_118, %mul3A_119 : i32
        %add3A_121 = arith.constant 0 : i32
        %add3A_122 = arith.addi %add3A_121, %mul3A_120 : i32
        %dma_wait3A_123 = arith.constant 0 : i32
        %dma_wait3A_124 = tpu.memref_slice %arg6[%dma_wait3A_123] : memref<322560xi32, #tpu.memory_space<hbm>> -> memref<160xi32, #tpu.memory_space<hbm>>
        %dma_wait3A_125 = arith.constant 0 : i32
        %dma_wait3A_126 = tpu.memref_slice %arg6[%dma_wait3A_125] : memref<322560xi32, #tpu.memory_space<hbm>> -> memref<160xi32, #tpu.memory_space<hbm>>
        tpu.wait_dma2 semaphore(%arg20 : memref<!tpu.dma_semaphore, #tpu.memory_space<semaphore_mem>>) src(%dma_wait3A_126 : memref<160xi32, #tpu.memory_space<hbm>>) dst(%arg14 : memref<160xi32, #tpu.memory_space<vmem>>)
        %ge3A = arith.constant 2 : i32
        %ge3A_127 = arith.cmpi sge, %add3A_122, %ge3A : i32
        %convert_element_type3A_128 = arith.extui %ge3A_127 : i1 to i32
        %cond3A_129 = arith.constant 0 : i32
        %cond3A_130 = arith.cmpi ne, %convert_element_type3A_128, %cond3A_129 : i32
        scf.if %cond3A_130 {
          %dma_wait3A_179 = arith.constant 0 : i32
          %dma_wait3A_180 = arith.constant 0 : i32
          %dma_wait3A_181 = tpu.memref_slice %arg13[%dma_wait3A_179, %dma_wait3A_180] : memref<10112x128xf32, #tpu.memory_space<vmem_shared>> -> memref<10112x128xf32, #tpu.memory_space<vmem_shared>>
          tpu.wait_indirect_dma semaphore(%arg26 : memref<!tpu.dma_semaphore, #tpu.memory_space<semaphore_mem>>) src(%arg18 : memref<160x128xf32, #tpu.memory_space<vmem>>) dst(%dma_wait3A_181 : memref<10112x128xf32, #tpu.memory_space<vmem_shared>>)
          %mul3A_182 = arith.constant 126 : i32
          %mul3A_183 = arith.muli %arg1, %mul3A_182 : i32
          %add3A_184 = arith.addi %mul3A_183, %add3A_122 : i32
          %mul3A_185 = arith.constant 160 : i32
          %mul3A_186 = arith.muli %add3A_184, %mul3A_185 : i32
          %multiple_of3A_187 = tpu.assume_multiple %mul3A_186, 160 : i32
          %dma_start3A_188 = tpu.memref_slice %arg7[%multiple_of3A_187] : memref<322560xi32, #tpu.memory_space<hbm>> -> memref<160xi32, #tpu.memory_space<hbm>>
          %dma_start3A_189 = tpu.memref_slice %arg7[%multiple_of3A_187] : memref<322560xi32, #tpu.memory_space<hbm>> -> memref<160xi32, #tpu.memory_space<hbm>>
          tpu.enqueue_dma source(%dma_start3A_189 : memref<160xi32, #tpu.memory_space<hbm>>) target(%arg16 : memref<160xi32, #tpu.memory_space<vmem>>) target_semaphore(%arg22 : memref<!tpu.dma_semaphore, #tpu.memory_space<semaphore_mem>>)
        } else {
        }
        %dma_start3A_131 = arith.constant 0 : i32
        %dma_start3A_132 = arith.constant 0 : i32
        %dma_start3A_133 = tpu.memref_slice %arg3[%dma_start3A_131, %dma_start3A_132] : memref<10000x128xf32, #tpu.memory_space<hbm>> -> memref<10000x128xf32, #tpu.memory_space<hbm>>
        tpu.enqueue_indirect_dma source(%dma_start3A_133 : memref<10000x128xf32, #tpu.memory_space<hbm>>) target(%arg18 : memref<160x128xf32, #tpu.memory_space<vmem>>) offsets(%arg14 : memref<160xi32, #tpu.memory_space<vmem>>) semaphore(%arg24 : memref<!tpu.dma_semaphore, #tpu.memory_space<semaphore_mem>>)
        %dma_wait3A_134 = arith.constant 0 : i32
        %dma_wait3A_135 = tpu.memref_slice %arg6[%dma_wait3A_134] : memref<322560xi32, #tpu.memory_space<hbm>> -> memref<160xi32, #tpu.memory_space<hbm>>
        %dma_wait3A_136 = arith.constant 0 : i32
        %dma_wait3A_137 = tpu.memref_slice %arg6[%dma_wait3A_136] : memref<322560xi32, #tpu.memory_space<hbm>> -> memref<160xi32, #tpu.memory_space<hbm>>
        tpu.wait_dma2 semaphore(%arg21 : memref<!tpu.dma_semaphore, #tpu.memory_space<semaphore_mem>>) src(%dma_wait3A_137 : memref<160xi32, #tpu.memory_space<hbm>>) dst(%arg15 : memref<160xi32, #tpu.memory_space<vmem>>)
        %ge3A_138 = arith.constant 2 : i32
        %ge3A_139 = arith.cmpi sge, %add3A_122, %ge3A_138 : i32
        %convert_element_type3A_140 = arith.extui %ge3A_139 : i1 to i32
        %cond3A_141 = arith.constant 0 : i32
        %cond3A_142 = arith.cmpi ne, %convert_element_type3A_140, %cond3A_141 : i32
        scf.if %cond3A_142 {
          %dma_wait3A_179 = arith.constant 0 : i32
          %dma_wait3A_180 = arith.constant 0 : i32
          %dma_wait3A_181 = tpu.memref_slice %arg13[%dma_wait3A_179, %dma_wait3A_180] : memref<10112x128xf32, #tpu.memory_space<vmem_shared>> -> memref<10112x128xf32, #tpu.memory_space<vmem_shared>>
          tpu.wait_indirect_dma semaphore(%arg27 : memref<!tpu.dma_semaphore, #tpu.memory_space<semaphore_mem>>) src(%arg19 : memref<160x128xf32, #tpu.memory_space<vmem>>) dst(%dma_wait3A_181 : memref<10112x128xf32, #tpu.memory_space<vmem_shared>>)
          %add3A_182 = arith.constant 1 : i32
          %add3A_183 = arith.addi %add3A_122, %add3A_182 : i32
          %mul3A_184 = arith.constant 126 : i32
          %mul3A_185 = arith.muli %arg1, %mul3A_184 : i32
          %add3A_186 = arith.addi %mul3A_185, %add3A_183 : i32
          %mul3A_187 = arith.constant 160 : i32
          %mul3A_188 = arith.muli %add3A_186, %mul3A_187 : i32
          %multiple_of3A_189 = tpu.assume_multiple %mul3A_188, 160 : i32
          %dma_start3A_190 = tpu.memref_slice %arg7[%multiple_of3A_189] : memref<322560xi32, #tpu.memory_space<hbm>> -> memref<160xi32, #tpu.memory_space<hbm>>
          %dma_start3A_191 = tpu.memref_slice %arg7[%multiple_of3A_189] : memref<322560xi32, #tpu.memory_space<hbm>> -> memref<160xi32, #tpu.memory_space<hbm>>
          tpu.enqueue_dma source(%dma_start3A_191 : memref<160xi32, #tpu.memory_space<hbm>>) target(%arg17 : memref<160xi32, #tpu.memory_space<vmem>>) target_semaphore(%arg23 : memref<!tpu.dma_semaphore, #tpu.memory_space<semaphore_mem>>)
        } else {
        }
        %dma_start3A_143 = arith.constant 0 : i32
        %dma_start3A_144 = arith.constant 0 : i32
        %dma_start3A_145 = tpu.memref_slice %arg3[%dma_start3A_143, %dma_start3A_144] : memref<10000x128xf32, #tpu.memory_space<hbm>> -> memref<10000x128xf32, #tpu.memory_space<hbm>>
        tpu.enqueue_indirect_dma source(%dma_start3A_145 : memref<10000x128xf32, #tpu.memory_space<hbm>>) target(%arg19 : memref<160x128xf32, #tpu.memory_space<vmem>>) offsets(%arg15 : memref<160xi32, #tpu.memory_space<vmem>>) semaphore(%arg25 : memref<!tpu.dma_semaphore, #tpu.memory_space<semaphore_mem>>)
        %dma_wait3A_146 = arith.constant 0 : i32
        %dma_wait3A_147 = arith.constant 0 : i32
        %dma_wait3A_148 = tpu.memref_slice %arg3[%dma_wait3A_146, %dma_wait3A_147] : memref<10000x128xf32, #tpu.memory_space<hbm>> -> memref<10000x128xf32, #tpu.memory_space<hbm>>
        tpu.wait_indirect_dma semaphore(%arg24 : memref<!tpu.dma_semaphore, #tpu.memory_space<semaphore_mem>>) src(%dma_wait3A_148 : memref<10000x128xf32, #tpu.memory_space<hbm>>) dst(%arg18 : memref<160x128xf32, #tpu.memory_space<vmem>>)
        %add3A_149 = arith.constant 2 : i32
        %add3A_150 = arith.addi %add3A_122, %add3A_149 : i32
        %lt3A = arith.constant 126 : i32
        %lt3A_151 = arith.cmpi slt, %add3A_150, %lt3A : i32
        %convert_element_type3A_152 = arith.extui %lt3A_151 : i1 to i32
        %cond3A_153 = arith.constant 0 : i32
        %cond3A_154 = arith.cmpi ne, %convert_element_type3A_152, %cond3A_153 : i32
        scf.if %cond3A_154 {
          %add3A_179 = arith.constant 2 : i32
          %add3A_180 = arith.addi %add3A_122, %add3A_179 : i32
          %mul3A_181 = arith.constant 126 : i32
          %mul3A_182 = arith.muli %arg1, %mul3A_181 : i32
          %add3A_183 = arith.addi %mul3A_182, %add3A_180 : i32
          %mul3A_184 = arith.constant 160 : i32
          %mul3A_185 = arith.muli %add3A_183, %mul3A_184 : i32
          %multiple_of3A_186 = tpu.assume_multiple %mul3A_185, 160 : i32
          %dma_start3A_187 = tpu.memref_slice %arg6[%multiple_of3A_186] : memref<322560xi32, #tpu.memory_space<hbm>> -> memref<160xi32, #tpu.memory_space<hbm>>
          %dma_start3A_188 = tpu.memref_slice %arg6[%multiple_of3A_186] : memref<322560xi32, #tpu.memory_space<hbm>> -> memref<160xi32, #tpu.memory_space<hbm>>
          tpu.enqueue_dma source(%dma_start3A_188 : memref<160xi32, #tpu.memory_space<hbm>>) target(%arg14 : memref<160xi32, #tpu.memory_space<vmem>>) target_semaphore(%arg20 : memref<!tpu.dma_semaphore, #tpu.memory_space<semaphore_mem>>)
        } else {
        }
        %dma_wait3A_155 = arith.constant 0 : i32
        %dma_wait3A_156 = tpu.memref_slice %arg7[%dma_wait3A_155] : memref<322560xi32, #tpu.memory_space<hbm>> -> memref<160xi32, #tpu.memory_space<hbm>>
        %dma_wait3A_157 = arith.constant 0 : i32
        %dma_wait3A_158 = tpu.memref_slice %arg7[%dma_wait3A_157] : memref<322560xi32, #tpu.memory_space<hbm>> -> memref<160xi32, #tpu.memory_space<hbm>>
        tpu.wait_dma2 semaphore(%arg22 : memref<!tpu.dma_semaphore, #tpu.memory_space<semaphore_mem>>) src(%dma_wait3A_158 : memref<160xi32, #tpu.memory_space<hbm>>) dst(%arg16 : memref<160xi32, #tpu.memory_space<vmem>>)
        %dma_start3A_159 = arith.constant 0 : i32
        %dma_start3A_160 = arith.constant 0 : i32
        %dma_start3A_161 = tpu.memref_slice %arg13[%dma_start3A_159, %dma_start3A_160] : memref<10112x128xf32, #tpu.memory_space<vmem_shared>> -> memref<10112x128xf32, #tpu.memory_space<vmem_shared>>
        tpu.enqueue_indirect_dma source(%arg18 : memref<160x128xf32, #tpu.memory_space<vmem>>) target(%dma_start3A_161 : memref<10112x128xf32, #tpu.memory_space<vmem_shared>>) offsets(%arg16 : memref<160xi32, #tpu.memory_space<vmem>>) semaphore(%arg26 : memref<!tpu.dma_semaphore, #tpu.memory_space<semaphore_mem>>) {add = true}
        %dma_wait3A_162 = arith.constant 0 : i32
        %dma_wait3A_163 = arith.constant 0 : i32
        %dma_wait3A_164 = tpu.memref_slice %arg3[%dma_wait3A_162, %dma_wait3A_163] : memref<10000x128xf32, #tpu.memory_space<hbm>> -> memref<10000x128xf32, #tpu.memory_space<hbm>>
        tpu.wait_indirect_dma semaphore(%arg25 : memref<!tpu.dma_semaphore, #tpu.memory_space<semaphore_mem>>) src(%dma_wait3A_164 : memref<10000x128xf32, #tpu.memory_space<hbm>>) dst(%arg19 : memref<160x128xf32, #tpu.memory_space<vmem>>)
        %add3A_165 = arith.constant 3 : i32
        %add3A_166 = arith.addi %add3A_122, %add3A_165 : i32
        %lt3A_167 = arith.constant 126 : i32
        %lt3A_168 = arith.cmpi slt, %add3A_166, %lt3A_167 : i32
        %convert_element_type3A_169 = arith.extui %lt3A_168 : i1 to i32
        %cond3A_170 = arith.constant 0 : i32
        %cond3A_171 = arith.cmpi ne, %convert_element_type3A_169, %cond3A_170 : i32
        scf.if %cond3A_171 {
          %add3A_179 = arith.constant 3 : i32
          %add3A_180 = arith.addi %add3A_122, %add3A_179 : i32
          %mul3A_181 = arith.constant 126 : i32
          %mul3A_182 = arith.muli %arg1, %mul3A_181 : i32
          %add3A_183 = arith.addi %mul3A_182, %add3A_180 : i32
          %mul3A_184 = arith.constant 160 : i32
          %mul3A_185 = arith.muli %add3A_183, %mul3A_184 : i32
          %multiple_of3A_186 = tpu.assume_multiple %mul3A_185, 160 : i32
          %dma_start3A_187 = tpu.memref_slice %arg6[%multiple_of3A_186] : memref<322560xi32, #tpu.memory_space<hbm>> -> memref<160xi32, #tpu.memory_space<hbm>>
          %dma_start3A_188 = tpu.memref_slice %arg6[%multiple_of3A_186] : memref<322560xi32, #tpu.memory_space<hbm>> -> memref<160xi32, #tpu.memory_space<hbm>>
          tpu.enqueue_dma source(%dma_start3A_188 : memref<160xi32, #tpu.memory_space<hbm>>) target(%arg15 : memref<160xi32, #tpu.memory_space<vmem>>) target_semaphore(%arg21 : memref<!tpu.dma_semaphore, #tpu.memory_space<semaphore_mem>>)
        } else {
        }
        %dma_wait3A_172 = arith.constant 0 : i32
        %dma_wait3A_173 = tpu.memref_slice %arg7[%dma_wait3A_172] : memref<322560xi32, #tpu.memory_space<hbm>> -> memref<160xi32, #tpu.memory_space<hbm>>
        %dma_wait3A_174 = arith.constant 0 : i32
        %dma_wait3A_175 = tpu.memref_slice %arg7[%dma_wait3A_174] : memref<322560xi32, #tpu.memory_space<hbm>> -> memref<160xi32, #tpu.memory_space<hbm>>
        tpu.wait_dma2 semaphore(%arg23 : memref<!tpu.dma_semaphore, #tpu.memory_space<semaphore_mem>>) src(%dma_wait3A_175 : memref<160xi32, #tpu.memory_space<hbm>>) dst(%arg17 : memref<160xi32, #tpu.memory_space<vmem>>)
        %dma_start3A_176 = arith.constant 0 : i32
        %dma_start3A_177 = arith.constant 0 : i32
        %dma_start3A_178 = tpu.memref_slice %arg13[%dma_start3A_176, %dma_start3A_177] : memref<10112x128xf32, #tpu.memory_space<vmem_shared>> -> memref<10112x128xf32, #tpu.memory_space<vmem_shared>>
        tpu.enqueue_indirect_dma source(%arg19 : memref<160x128xf32, #tpu.memory_space<vmem>>) target(%dma_start3A_178 : memref<10112x128xf32, #tpu.memory_space<vmem_shared>>) offsets(%arg17 : memref<160xi32, #tpu.memory_space<vmem>>) semaphore(%arg27 : memref<!tpu.dma_semaphore, #tpu.memory_space<semaphore_mem>>) {add = true}
      }
      %scan3A_103 = arith.constant 63 : i32
      %dma_wait3A_104 = arith.constant 0 : i32
      %dma_wait3A_105 = arith.constant 0 : i32
      %dma_wait3A_106 = tpu.memref_slice %arg13[%dma_wait3A_104, %dma_wait3A_105] : memref<10112x128xf32, #tpu.memory_space<vmem_shared>> -> memref<10112x128xf32, #tpu.memory_space<vmem_shared>>
      tpu.wait_indirect_dma semaphore(%arg26 : memref<!tpu.dma_semaphore, #tpu.memory_space<semaphore_mem>>) src(%arg18 : memref<160x128xf32, #tpu.memory_space<vmem>>) dst(%dma_wait3A_106 : memref<10112x128xf32, #tpu.memory_space<vmem_shared>>)
      %dma_wait3A_107 = arith.constant 0 : i32
      %dma_wait3A_108 = arith.constant 0 : i32
      %dma_wait3A_109 = tpu.memref_slice %arg13[%dma_wait3A_107, %dma_wait3A_108] : memref<10112x128xf32, #tpu.memory_space<vmem_shared>> -> memref<10112x128xf32, #tpu.memory_space<vmem_shared>>
      tpu.wait_indirect_dma semaphore(%arg27 : memref<!tpu.dma_semaphore, #tpu.memory_space<semaphore_mem>>) src(%arg19 : memref<160x128xf32, #tpu.memory_space<vmem>>) dst(%dma_wait3A_109 : memref<10112x128xf32, #tpu.memory_space<vmem_shared>>)
      %barrier3A_110 = arith.constant 0 : index
      tpu.barrier barrier_id(%barrier3A_110)
      %mul3A_111 = arith.constant 632 : i32
      %mul3A_112 = arith.muli %arg1, %mul3A_111 : i32
      %multiple_of3A_113 = tpu.assume_multiple %mul3A_112, 8 : i32
      %mul3A_114 = arith.constant 632 : i32
      %mul3A_115 = arith.muli %arg1, %mul3A_114 : i32
      %multiple_of3A_116 = tpu.assume_multiple %mul3A_115, 8 : i32
      "tpu.region"() ({
        %run_scoped3A = tpu.sem_alloc : memref<!tpu.dma_semaphore, #tpu.memory_space<semaphore_mem>>
        %dma_start3A_118 = arith.constant 0 : i32
        %dma_start3A_119 = tpu.memref_slice %arg10[%multiple_of3A_116, %dma_start3A_118] : memref<10112x128xf32, #tpu.memory_space<hbm>> -> memref<632x128xf32, #tpu.memory_space<hbm>>
        %dma_start3A_120 = arith.constant 0 : i32
        %dma_start3A_121 = tpu.memref_slice %arg13[%multiple_of3A_113, %dma_start3A_120] : memref<10112x128xf32, #tpu.memory_space<vmem_shared>> -> memref<632x128xf32, #tpu.memory_space<vmem_shared>>
        tpu.enqueue_dma source(%dma_start3A_121 : memref<632x128xf32, #tpu.memory_space<vmem_shared>>) target(%dma_start3A_119 : memref<632x128xf32, #tpu.memory_space<hbm>>) target_semaphore(%run_scoped3A : memref<!tpu.dma_semaphore, #tpu.memory_space<semaphore_mem>>)
        %dma_wait3A_122 = arith.constant 0 : i32
        %dma_wait3A_123 = tpu.memref_slice %arg10[%multiple_of3A_116, %dma_wait3A_122] : memref<10112x128xf32, #tpu.memory_space<hbm>> -> memref<632x128xf32, #tpu.memory_space<hbm>>
        %dma_wait3A_124 = arith.constant 0 : i32
        %dma_wait3A_125 = tpu.memref_slice %arg13[%multiple_of3A_113, %dma_wait3A_124] : memref<10112x128xf32, #tpu.memory_space<vmem_shared>> -> memref<632x128xf32, #tpu.memory_space<vmem_shared>>
        tpu.wait_dma2 semaphore(%run_scoped3A : memref<!tpu.dma_semaphore, #tpu.memory_space<semaphore_mem>>) src(%dma_wait3A_125 : memref<632x128xf32, #tpu.memory_space<vmem_shared>>) dst(%dma_wait3A_123 : memref<632x128xf32, #tpu.memory_space<hbm>>)
        tpu.yield
      }) : () -> ()
      %barrier3A_117 = arith.constant 0 : index
      tpu.barrier barrier_id(%barrier3A_117)
    } else {
    }
    %eq3A_2 = arith.constant 1 : i32
    %eq3A_3 = arith.cmpi eq, %arg0, %eq3A_2 : i32
    %convert_element_type3A_4 = arith.extui %eq3A_3 : i1 to i32
    %cond3A_5 = arith.constant 0 : i32
    %cond3A_6 = arith.cmpi ne, %convert_element_type3A_4, %cond3A_5 : i32
    scf.if %cond3A_6 {
      %mul3A = arith.constant 632 : i32
      %mul3A_7 = arith.muli %arg1, %mul3A : i32
      %multiple_of3A = tpu.assume_multiple %mul3A_7, 8 : i32
      "tpu.region"() ({
        %run_scoped3A = tpu.sem_alloc : memref<!tpu.dma_semaphore, #tpu.memory_space<semaphore_mem>>
        %dma_start3A_118 = arith.constant 0 : i32
        %dma_start3A_119 = tpu.memref_slice %arg13[%multiple_of3A, %dma_start3A_118] : memref<10112x128xf32, #tpu.memory_space<vmem_shared>> -> memref<632x128xf32, #tpu.memory_space<vmem_shared>>
        tpu.enqueue_dma source(%arg8 : memref<632x128xf32, #tpu.memory_space<hbm>>) target(%dma_start3A_119 : memref<632x128xf32, #tpu.memory_space<vmem_shared>>) target_semaphore(%run_scoped3A : memref<!tpu.dma_semaphore, #tpu.memory_space<semaphore_mem>>)
        %dma_wait3A_120 = arith.constant 0 : i32
        %dma_wait3A_121 = tpu.memref_slice %arg13[%multiple_of3A, %dma_wait3A_120] : memref<10112x128xf32, #tpu.memory_space<vmem_shared>> -> memref<632x128xf32, #tpu.memory_space<vmem_shared>>
        tpu.wait_dma2 semaphore(%run_scoped3A : memref<!tpu.dma_semaphore, #tpu.memory_space<semaphore_mem>>) src(%arg8 : memref<632x128xf32, #tpu.memory_space<hbm>>) dst(%dma_wait3A_121 : memref<632x128xf32, #tpu.memory_space<vmem_shared>>)
        tpu.yield
      }) : () -> ()
      %mul3A_8 = arith.constant 126 : i32
      %mul3A_9 = arith.muli %arg1, %mul3A_8 : i32
      %add3A = arith.constant 0 : i32
      %add3A_10 = arith.addi %mul3A_9, %add3A : i32
      %mul3A_11 = arith.constant 160 : i32
      %mul3A_12 = arith.muli %add3A_10, %mul3A_11 : i32
      %multiple_of3A_13 = tpu.assume_multiple %mul3A_12, 160 : i32
      %dma_start3A = tpu.memref_slice %arg6[%multiple_of3A_13] : memref<322560xi32, #tpu.memory_space<hbm>> -> memref<160xi32, #tpu.memory_space<hbm>>
      %dma_start3A_14 = tpu.memref_slice %arg6[%multiple_of3A_13] : memref<322560xi32, #tpu.memory_space<hbm>> -> memref<160xi32, #tpu.memory_space<hbm>>
      tpu.enqueue_dma source(%dma_start3A_14 : memref<160xi32, #tpu.memory_space<hbm>>) target(%arg14 : memref<160xi32, #tpu.memory_space<vmem>>) target_semaphore(%arg20 : memref<!tpu.dma_semaphore, #tpu.memory_space<semaphore_mem>>)
      %mul3A_15 = arith.constant 126 : i32
      %mul3A_16 = arith.muli %arg1, %mul3A_15 : i32
      %add3A_17 = arith.constant 1 : i32
      %add3A_18 = arith.addi %mul3A_16, %add3A_17 : i32
      %mul3A_19 = arith.constant 160 : i32
      %mul3A_20 = arith.muli %add3A_18, %mul3A_19 : i32
      %multiple_of3A_21 = tpu.assume_multiple %mul3A_20, 160 : i32
      %dma_start3A_22 = tpu.memref_slice %arg6[%multiple_of3A_21] : memref<322560xi32, #tpu.memory_space<hbm>> -> memref<160xi32, #tpu.memory_space<hbm>>
      %dma_start3A_23 = tpu.memref_slice %arg6[%multiple_of3A_21] : memref<322560xi32, #tpu.memory_space<hbm>> -> memref<160xi32, #tpu.memory_space<hbm>>
      tpu.enqueue_dma source(%dma_start3A_23 : memref<160xi32, #tpu.memory_space<hbm>>) target(%arg15 : memref<160xi32, #tpu.memory_space<vmem>>) target_semaphore(%arg21 : memref<!tpu.dma_semaphore, #tpu.memory_space<semaphore_mem>>)
      %mul3A_24 = arith.constant 126 : i32
      %mul3A_25 = arith.muli %arg1, %mul3A_24 : i32
      %add3A_26 = arith.constant 0 : i32
      %add3A_27 = arith.addi %mul3A_25, %add3A_26 : i32
      %mul3A_28 = arith.constant 160 : i32
      %mul3A_29 = arith.muli %add3A_27, %mul3A_28 : i32
      %multiple_of3A_30 = tpu.assume_multiple %mul3A_29, 160 : i32
      %dma_start3A_31 = tpu.memref_slice %arg7[%multiple_of3A_30] : memref<322560xi32, #tpu.memory_space<hbm>> -> memref<160xi32, #tpu.memory_space<hbm>>
      %dma_start3A_32 = tpu.memref_slice %arg7[%multiple_of3A_30] : memref<322560xi32, #tpu.memory_space<hbm>> -> memref<160xi32, #tpu.memory_space<hbm>>
      tpu.enqueue_dma source(%dma_start3A_32 : memref<160xi32, #tpu.memory_space<hbm>>) target(%arg16 : memref<160xi32, #tpu.memory_space<vmem>>) target_semaphore(%arg22 : memref<!tpu.dma_semaphore, #tpu.memory_space<semaphore_mem>>)
      %mul3A_33 = arith.constant 126 : i32
      %mul3A_34 = arith.muli %arg1, %mul3A_33 : i32
      %add3A_35 = arith.constant 1 : i32
      %add3A_36 = arith.addi %mul3A_34, %add3A_35 : i32
      %mul3A_37 = arith.constant 160 : i32
      %mul3A_38 = arith.muli %add3A_36, %mul3A_37 : i32
      %multiple_of3A_39 = tpu.assume_multiple %mul3A_38, 160 : i32
      %dma_start3A_40 = tpu.memref_slice %arg7[%multiple_of3A_39] : memref<322560xi32, #tpu.memory_space<hbm>> -> memref<160xi32, #tpu.memory_space<hbm>>
      %dma_start3A_41 = tpu.memref_slice %arg7[%multiple_of3A_39] : memref<322560xi32, #tpu.memory_space<hbm>> -> memref<160xi32, #tpu.memory_space<hbm>>
      tpu.enqueue_dma source(%dma_start3A_41 : memref<160xi32, #tpu.memory_space<hbm>>) target(%arg17 : memref<160xi32, #tpu.memory_space<vmem>>) target_semaphore(%arg23 : memref<!tpu.dma_semaphore, #tpu.memory_space<semaphore_mem>>)
      %barrier3A = arith.constant 0 : index
      tpu.barrier barrier_id(%barrier3A)
      %scan3A = arith.constant 0 : i32
      %scan3A_42 = arith.constant 63 : i32
      %scan3A_43 = arith.addi %scan3A, %scan3A_42 : i32
      %scan3A_44 = arith.constant 1 : i32
      scf.for %scan3A_118 = %scan3A to %scan3A_43 step %scan3A_44  : i32 {
        %mul3A_119 = arith.constant 2 : i32
        %mul3A_120 = arith.muli %scan3A_118, %mul3A_119 : i32
        %add3A_121 = arith.constant 0 : i32
        %add3A_122 = arith.addi %add3A_121, %mul3A_120 : i32
        %dma_wait3A_123 = arith.constant 0 : i32
        %dma_wait3A_124 = tpu.memref_slice %arg6[%dma_wait3A_123] : memref<322560xi32, #tpu.memory_space<hbm>> -> memref<160xi32, #tpu.memory_space<hbm>>
        %dma_wait3A_125 = arith.constant 0 : i32
        %dma_wait3A_126 = tpu.memref_slice %arg6[%dma_wait3A_125] : memref<322560xi32, #tpu.memory_space<hbm>> -> memref<160xi32, #tpu.memory_space<hbm>>
        tpu.wait_dma2 semaphore(%arg20 : memref<!tpu.dma_semaphore, #tpu.memory_space<semaphore_mem>>) src(%dma_wait3A_126 : memref<160xi32, #tpu.memory_space<hbm>>) dst(%arg14 : memref<160xi32, #tpu.memory_space<vmem>>)
        %ge3A = arith.constant 2 : i32
        %ge3A_127 = arith.cmpi sge, %add3A_122, %ge3A : i32
        %convert_element_type3A_128 = arith.extui %ge3A_127 : i1 to i32
        %cond3A_129 = arith.constant 0 : i32
        %cond3A_130 = arith.cmpi ne, %convert_element_type3A_128, %cond3A_129 : i32
        scf.if %cond3A_130 {
          %dma_wait3A_179 = arith.constant 0 : i32
          %dma_wait3A_180 = arith.constant 0 : i32
          %dma_wait3A_181 = tpu.memref_slice %arg13[%dma_wait3A_179, %dma_wait3A_180] : memref<10112x128xf32, #tpu.memory_space<vmem_shared>> -> memref<10112x128xf32, #tpu.memory_space<vmem_shared>>
          tpu.wait_indirect_dma semaphore(%arg26 : memref<!tpu.dma_semaphore, #tpu.memory_space<semaphore_mem>>) src(%arg18 : memref<160x128xf32, #tpu.memory_space<vmem>>) dst(%dma_wait3A_181 : memref<10112x128xf32, #tpu.memory_space<vmem_shared>>)
          %mul3A_182 = arith.constant 126 : i32
          %mul3A_183 = arith.muli %arg1, %mul3A_182 : i32
          %add3A_184 = arith.addi %mul3A_183, %add3A_122 : i32
          %mul3A_185 = arith.constant 160 : i32
          %mul3A_186 = arith.muli %add3A_184, %mul3A_185 : i32
          %multiple_of3A_187 = tpu.assume_multiple %mul3A_186, 160 : i32
          %dma_start3A_188 = tpu.memref_slice %arg7[%multiple_of3A_187] : memref<322560xi32, #tpu.memory_space<hbm>> -> memref<160xi32, #tpu.memory_space<hbm>>
          %dma_start3A_189 = tpu.memref_slice %arg7[%multiple_of3A_187] : memref<322560xi32, #tpu.memory_space<hbm>> -> memref<160xi32, #tpu.memory_space<hbm>>
          tpu.enqueue_dma source(%dma_start3A_189 : memref<160xi32, #tpu.memory_space<hbm>>) target(%arg16 : memref<160xi32, #tpu.memory_space<vmem>>) target_semaphore(%arg22 : memref<!tpu.dma_semaphore, #tpu.memory_space<semaphore_mem>>)
        } else {
        }
        %dma_start3A_131 = arith.constant 0 : i32
        %dma_start3A_132 = arith.constant 0 : i32
        %dma_start3A_133 = tpu.memref_slice %arg4[%dma_start3A_131, %dma_start3A_132] : memref<10000x128xf32, #tpu.memory_space<hbm>> -> memref<10000x128xf32, #tpu.memory_space<hbm>>
        tpu.enqueue_indirect_dma source(%dma_start3A_133 : memref<10000x128xf32, #tpu.memory_space<hbm>>) target(%arg18 : memref<160x128xf32, #tpu.memory_space<vmem>>) offsets(%arg14 : memref<160xi32, #tpu.memory_space<vmem>>) semaphore(%arg24 : memref<!tpu.dma_semaphore, #tpu.memory_space<semaphore_mem>>)
        %dma_wait3A_134 = arith.constant 0 : i32
        %dma_wait3A_135 = tpu.memref_slice %arg6[%dma_wait3A_134] : memref<322560xi32, #tpu.memory_space<hbm>> -> memref<160xi32, #tpu.memory_space<hbm>>
        %dma_wait3A_136 = arith.constant 0 : i32
        %dma_wait3A_137 = tpu.memref_slice %arg6[%dma_wait3A_136] : memref<322560xi32, #tpu.memory_space<hbm>> -> memref<160xi32, #tpu.memory_space<hbm>>
        tpu.wait_dma2 semaphore(%arg21 : memref<!tpu.dma_semaphore, #tpu.memory_space<semaphore_mem>>) src(%dma_wait3A_137 : memref<160xi32, #tpu.memory_space<hbm>>) dst(%arg15 : memref<160xi32, #tpu.memory_space<vmem>>)
        %ge3A_138 = arith.constant 2 : i32
        %ge3A_139 = arith.cmpi sge, %add3A_122, %ge3A_138 : i32
        %convert_element_type3A_140 = arith.extui %ge3A_139 : i1 to i32
        %cond3A_141 = arith.constant 0 : i32
        %cond3A_142 = arith.cmpi ne, %convert_element_type3A_140, %cond3A_141 : i32
        scf.if %cond3A_142 {
          %dma_wait3A_179 = arith.constant 0 : i32
          %dma_wait3A_180 = arith.constant 0 : i32
          %dma_wait3A_181 = tpu.memref_slice %arg13[%dma_wait3A_179, %dma_wait3A_180] : memref<10112x128xf32, #tpu.memory_space<vmem_shared>> -> memref<10112x128xf32, #tpu.memory_space<vmem_shared>>
          tpu.wait_indirect_dma semaphore(%arg27 : memref<!tpu.dma_semaphore, #tpu.memory_space<semaphore_mem>>) src(%arg19 : memref<160x128xf32, #tpu.memory_space<vmem>>) dst(%dma_wait3A_181 : memref<10112x128xf32, #tpu.memory_space<vmem_shared>>)
          %add3A_182 = arith.constant 1 : i32
          %add3A_183 = arith.addi %add3A_122, %add3A_182 : i32
          %mul3A_184 = arith.constant 126 : i32
          %mul3A_185 = arith.muli %arg1, %mul3A_184 : i32
          %add3A_186 = arith.addi %mul3A_185, %add3A_183 : i32
          %mul3A_187 = arith.constant 160 : i32
          %mul3A_188 = arith.muli %add3A_186, %mul3A_187 : i32
          %multiple_of3A_189 = tpu.assume_multiple %mul3A_188, 160 : i32
          %dma_start3A_190 = tpu.memref_slice %arg7[%multiple_of3A_189] : memref<322560xi32, #tpu.memory_space<hbm>> -> memref<160xi32, #tpu.memory_space<hbm>>
          %dma_start3A_191 = tpu.memref_slice %arg7[%multiple_of3A_189] : memref<322560xi32, #tpu.memory_space<hbm>> -> memref<160xi32, #tpu.memory_space<hbm>>
          tpu.enqueue_dma source(%dma_start3A_191 : memref<160xi32, #tpu.memory_space<hbm>>) target(%arg17 : memref<160xi32, #tpu.memory_space<vmem>>) target_semaphore(%arg23 : memref<!tpu.dma_semaphore, #tpu.memory_space<semaphore_mem>>)
        } else {
        }
        %dma_start3A_143 = arith.constant 0 : i32
        %dma_start3A_144 = arith.constant 0 : i32
        %dma_start3A_145 = tpu.memref_slice %arg4[%dma_start3A_143, %dma_start3A_144] : memref<10000x128xf32, #tpu.memory_space<hbm>> -> memref<10000x128xf32, #tpu.memory_space<hbm>>
        tpu.enqueue_indirect_dma source(%dma_start3A_145 : memref<10000x128xf32, #tpu.memory_space<hbm>>) target(%arg19 : memref<160x128xf32, #tpu.memory_space<vmem>>) offsets(%arg15 : memref<160xi32, #tpu.memory_space<vmem>>) semaphore(%arg25 : memref<!tpu.dma_semaphore, #tpu.memory_space<semaphore_mem>>)
        %dma_wait3A_146 = arith.constant 0 : i32
        %dma_wait3A_147 = arith.constant 0 : i32
        %dma_wait3A_148 = tpu.memref_slice %arg4[%dma_wait3A_146, %dma_wait3A_147] : memref<10000x128xf32, #tpu.memory_space<hbm>> -> memref<10000x128xf32, #tpu.memory_space<hbm>>
        tpu.wait_indirect_dma semaphore(%arg24 : memref<!tpu.dma_semaphore, #tpu.memory_space<semaphore_mem>>) src(%dma_wait3A_148 : memref<10000x128xf32, #tpu.memory_space<hbm>>) dst(%arg18 : memref<160x128xf32, #tpu.memory_space<vmem>>)
        %add3A_149 = arith.constant 2 : i32
        %add3A_150 = arith.addi %add3A_122, %add3A_149 : i32
        %lt3A = arith.constant 126 : i32
        %lt3A_151 = arith.cmpi slt, %add3A_150, %lt3A : i32
        %convert_element_type3A_152 = arith.extui %lt3A_151 : i1 to i32
        %cond3A_153 = arith.constant 0 : i32
        %cond3A_154 = arith.cmpi ne, %convert_element_type3A_152, %cond3A_153 : i32
        scf.if %cond3A_154 {
          %add3A_179 = arith.constant 2 : i32
          %add3A_180 = arith.addi %add3A_122, %add3A_179 : i32
          %mul3A_181 = arith.constant 126 : i32
          %mul3A_182 = arith.muli %arg1, %mul3A_181 : i32
          %add3A_183 = arith.addi %mul3A_182, %add3A_180 : i32
          %mul3A_184 = arith.constant 160 : i32
          %mul3A_185 = arith.muli %add3A_183, %mul3A_184 : i32
          %multiple_of3A_186 = tpu.assume_multiple %mul3A_185, 160 : i32
          %dma_start3A_187 = tpu.memref_slice %arg6[%multiple_of3A_186] : memref<322560xi32, #tpu.memory_space<hbm>> -> memref<160xi32, #tpu.memory_space<hbm>>
          %dma_start3A_188 = tpu.memref_slice %arg6[%multiple_of3A_186] : memref<322560xi32, #tpu.memory_space<hbm>> -> memref<160xi32, #tpu.memory_space<hbm>>
          tpu.enqueue_dma source(%dma_start3A_188 : memref<160xi32, #tpu.memory_space<hbm>>) target(%arg14 : memref<160xi32, #tpu.memory_space<vmem>>) target_semaphore(%arg20 : memref<!tpu.dma_semaphore, #tpu.memory_space<semaphore_mem>>)
        } else {
        }
        %dma_wait3A_155 = arith.constant 0 : i32
        %dma_wait3A_156 = tpu.memref_slice %arg7[%dma_wait3A_155] : memref<322560xi32, #tpu.memory_space<hbm>> -> memref<160xi32, #tpu.memory_space<hbm>>
        %dma_wait3A_157 = arith.constant 0 : i32
        %dma_wait3A_158 = tpu.memref_slice %arg7[%dma_wait3A_157] : memref<322560xi32, #tpu.memory_space<hbm>> -> memref<160xi32, #tpu.memory_space<hbm>>
        tpu.wait_dma2 semaphore(%arg22 : memref<!tpu.dma_semaphore, #tpu.memory_space<semaphore_mem>>) src(%dma_wait3A_158 : memref<160xi32, #tpu.memory_space<hbm>>) dst(%arg16 : memref<160xi32, #tpu.memory_space<vmem>>)
        %dma_start3A_159 = arith.constant 0 : i32
        %dma_start3A_160 = arith.constant 0 : i32
        %dma_start3A_161 = tpu.memref_slice %arg13[%dma_start3A_159, %dma_start3A_160] : memref<10112x128xf32, #tpu.memory_space<vmem_shared>> -> memref<10112x128xf32, #tpu.memory_space<vmem_shared>>
        tpu.enqueue_indirect_dma source(%arg18 : memref<160x128xf32, #tpu.memory_space<vmem>>) target(%dma_start3A_161 : memref<10112x128xf32, #tpu.memory_space<vmem_shared>>) offsets(%arg16 : memref<160xi32, #tpu.memory_space<vmem>>) semaphore(%arg26 : memref<!tpu.dma_semaphore, #tpu.memory_space<semaphore_mem>>) {add = true}
        %dma_wait3A_162 = arith.constant 0 : i32
        %dma_wait3A_163 = arith.constant 0 : i32
        %dma_wait3A_164 = tpu.memref_slice %arg4[%dma_wait3A_162, %dma_wait3A_163] : memref<10000x128xf32, #tpu.memory_space<hbm>> -> memref<10000x128xf32, #tpu.memory_space<hbm>>
        tpu.wait_indirect_dma semaphore(%arg25 : memref<!tpu.dma_semaphore, #tpu.memory_space<semaphore_mem>>) src(%dma_wait3A_164 : memref<10000x128xf32, #tpu.memory_space<hbm>>) dst(%arg19 : memref<160x128xf32, #tpu.memory_space<vmem>>)
        %add3A_165 = arith.constant 3 : i32
        %add3A_166 = arith.addi %add3A_122, %add3A_165 : i32
        %lt3A_167 = arith.constant 126 : i32
        %lt3A_168 = arith.cmpi slt, %add3A_166, %lt3A_167 : i32
        %convert_element_type3A_169 = arith.extui %lt3A_168 : i1 to i32
        %cond3A_170 = arith.constant 0 : i32
        %cond3A_171 = arith.cmpi ne, %convert_element_type3A_169, %cond3A_170 : i32
        scf.if %cond3A_171 {
          %add3A_179 = arith.constant 3 : i32
          %add3A_180 = arith.addi %add3A_122, %add3A_179 : i32
          %mul3A_181 = arith.constant 126 : i32
          %mul3A_182 = arith.muli %arg1, %mul3A_181 : i32
          %add3A_183 = arith.addi %mul3A_182, %add3A_180 : i32
          %mul3A_184 = arith.constant 160 : i32
          %mul3A_185 = arith.muli %add3A_183, %mul3A_184 : i32
          %multiple_of3A_186 = tpu.assume_multiple %mul3A_185, 160 : i32
          %dma_start3A_187 = tpu.memref_slice %arg6[%multiple_of3A_186] : memref<322560xi32, #tpu.memory_space<hbm>> -> memref<160xi32, #tpu.memory_space<hbm>>
          %dma_start3A_188 = tpu.memref_slice %arg6[%multiple_of3A_186] : memref<322560xi32, #tpu.memory_space<hbm>> -> memref<160xi32, #tpu.memory_space<hbm>>
          tpu.enqueue_dma source(%dma_start3A_188 : memref<160xi32, #tpu.memory_space<hbm>>) target(%arg15 : memref<160xi32, #tpu.memory_space<vmem>>) target_semaphore(%arg21 : memref<!tpu.dma_semaphore, #tpu.memory_space<semaphore_mem>>)
        } else {
        }
        %dma_wait3A_172 = arith.constant 0 : i32
        %dma_wait3A_173 = tpu.memref_slice %arg7[%dma_wait3A_172] : memref<322560xi32, #tpu.memory_space<hbm>> -> memref<160xi32, #tpu.memory_space<hbm>>
        %dma_wait3A_174 = arith.constant 0 : i32
        %dma_wait3A_175 = tpu.memref_slice %arg7[%dma_wait3A_174] : memref<322560xi32, #tpu.memory_space<hbm>> -> memref<160xi32, #tpu.memory_space<hbm>>
        tpu.wait_dma2 semaphore(%arg23 : memref<!tpu.dma_semaphore, #tpu.memory_space<semaphore_mem>>) src(%dma_wait3A_175 : memref<160xi32, #tpu.memory_space<hbm>>) dst(%arg17 : memref<160xi32, #tpu.memory_space<vmem>>)
        %dma_start3A_176 = arith.constant 0 : i32
        %dma_start3A_177 = arith.constant 0 : i32
        %dma_start3A_178 = tpu.memref_slice %arg13[%dma_start3A_176, %dma_start3A_177] : memref<10112x128xf32, #tpu.memory_space<vmem_shared>> -> memref<10112x128xf32, #tpu.memory_space<vmem_shared>>
        tpu.enqueue_indirect_dma source(%arg19 : memref<160x128xf32, #tpu.memory_space<vmem>>) target(%dma_start3A_178 : memref<10112x128xf32, #tpu.memory_space<vmem_shared>>) offsets(%arg17 : memref<160xi32, #tpu.memory_space<vmem>>) semaphore(%arg27 : memref<!tpu.dma_semaphore, #tpu.memory_space<semaphore_mem>>) {add = true}
      }
      %scan3A_45 = arith.constant 63 : i32
      %dma_wait3A = arith.constant 0 : i32
      %dma_wait3A_46 = arith.constant 0 : i32
      %dma_wait3A_47 = tpu.memref_slice %arg13[%dma_wait3A, %dma_wait3A_46] : memref<10112x128xf32, #tpu.memory_space<vmem_shared>> -> memref<10112x128xf32, #tpu.memory_space<vmem_shared>>
      tpu.wait_indirect_dma semaphore(%arg26 : memref<!tpu.dma_semaphore, #tpu.memory_space<semaphore_mem>>) src(%arg18 : memref<160x128xf32, #tpu.memory_space<vmem>>) dst(%dma_wait3A_47 : memref<10112x128xf32, #tpu.memory_space<vmem_shared>>)
      %dma_wait3A_48 = arith.constant 0 : i32
      %dma_wait3A_49 = arith.constant 0 : i32
      %dma_wait3A_50 = tpu.memref_slice %arg13[%dma_wait3A_48, %dma_wait3A_49] : memref<10112x128xf32, #tpu.memory_space<vmem_shared>> -> memref<10112x128xf32, #tpu.memory_space<vmem_shared>>
      tpu.wait_indirect_dma semaphore(%arg27 : memref<!tpu.dma_semaphore, #tpu.memory_space<semaphore_mem>>) src(%arg19 : memref<160x128xf32, #tpu.memory_space<vmem>>) dst(%dma_wait3A_50 : memref<10112x128xf32, #tpu.memory_space<vmem_shared>>)
      %barrier3A_51 = arith.constant 0 : index
      tpu.barrier barrier_id(%barrier3A_51)
      %mul3A_52 = arith.constant 632 : i32
      %mul3A_53 = arith.muli %arg1, %mul3A_52 : i32
      %multiple_of3A_54 = tpu.assume_multiple %mul3A_53, 8 : i32
      %mul3A_55 = arith.constant 632 : i32
      %mul3A_56 = arith.muli %arg1, %mul3A_55 : i32
      %multiple_of3A_57 = tpu.assume_multiple %mul3A_56, 8 : i32
      "tpu.region"() ({
        %run_scoped3A = tpu.sem_alloc : memref<!tpu.dma_semaphore, #tpu.memory_space<semaphore_mem>>
        %dma_start3A_118 = arith.constant 0 : i32
        %dma_start3A_119 = tpu.memref_slice %arg11[%multiple_of3A_57, %dma_start3A_118] : memref<10112x128xf32, #tpu.memory_space<hbm>> -> memref<632x128xf32, #tpu.memory_space<hbm>>
        %dma_start3A_120 = arith.constant 0 : i32
        %dma_start3A_121 = tpu.memref_slice %arg13[%multiple_of3A_54, %dma_start3A_120] : memref<10112x128xf32, #tpu.memory_space<vmem_shared>> -> memref<632x128xf32, #tpu.memory_space<vmem_shared>>
        tpu.enqueue_dma source(%dma_start3A_121 : memref<632x128xf32, #tpu.memory_space<vmem_shared>>) target(%dma_start3A_119 : memref<632x128xf32, #tpu.memory_space<hbm>>) target_semaphore(%run_scoped3A : memref<!tpu.dma_semaphore, #tpu.memory_space<semaphore_mem>>)
        %dma_wait3A_122 = arith.constant 0 : i32
        %dma_wait3A_123 = tpu.memref_slice %arg11[%multiple_of3A_57, %dma_wait3A_122] : memref<10112x128xf32, #tpu.memory_space<hbm>> -> memref<632x128xf32, #tpu.memory_space<hbm>>
        %dma_wait3A_124 = arith.constant 0 : i32
        %dma_wait3A_125 = tpu.memref_slice %arg13[%multiple_of3A_54, %dma_wait3A_124] : memref<10112x128xf32, #tpu.memory_space<vmem_shared>> -> memref<632x128xf32, #tpu.memory_space<vmem_shared>>
        tpu.wait_dma2 semaphore(%run_scoped3A : memref<!tpu.dma_semaphore, #tpu.memory_space<semaphore_mem>>) src(%dma_wait3A_125 : memref<632x128xf32, #tpu.memory_space<vmem_shared>>) dst(%dma_wait3A_123 : memref<632x128xf32, #tpu.memory_space<hbm>>)
        tpu.yield
      }) : () -> ()
      %barrier3A_58 = arith.constant 0 : index
      tpu.barrier barrier_id(%barrier3A_58)
      %mul3A_59 = arith.constant 632 : i32
      %mul3A_60 = arith.muli %arg1, %mul3A_59 : i32
      %multiple_of3A_61 = tpu.assume_multiple %mul3A_60, 8 : i32
      "tpu.region"() ({
        %run_scoped3A = tpu.sem_alloc : memref<!tpu.dma_semaphore, #tpu.memory_space<semaphore_mem>>
        %dma_start3A_118 = arith.constant 0 : i32
        %dma_start3A_119 = tpu.memref_slice %arg13[%multiple_of3A_61, %dma_start3A_118] : memref<10112x128xf32, #tpu.memory_space<vmem_shared>> -> memref<632x128xf32, #tpu.memory_space<vmem_shared>>
        tpu.enqueue_dma source(%arg8 : memref<632x128xf32, #tpu.memory_space<hbm>>) target(%dma_start3A_119 : memref<632x128xf32, #tpu.memory_space<vmem_shared>>) target_semaphore(%run_scoped3A : memref<!tpu.dma_semaphore, #tpu.memory_space<semaphore_mem>>)
        %dma_wait3A_120 = arith.constant 0 : i32
        %dma_wait3A_121 = tpu.memref_slice %arg13[%multiple_of3A_61, %dma_wait3A_120] : memref<10112x128xf32, #tpu.memory_space<vmem_shared>> -> memref<632x128xf32, #tpu.memory_space<vmem_shared>>
        tpu.wait_dma2 semaphore(%run_scoped3A : memref<!tpu.dma_semaphore, #tpu.memory_space<semaphore_mem>>) src(%arg8 : memref<632x128xf32, #tpu.memory_space<hbm>>) dst(%dma_wait3A_121 : memref<632x128xf32, #tpu.memory_space<vmem_shared>>)
        tpu.yield
      }) : () -> ()
      %mul3A_62 = arith.constant 126 : i32
      %mul3A_63 = arith.muli %arg1, %mul3A_62 : i32
      %add3A_64 = arith.constant 0 : i32
      %add3A_65 = arith.addi %mul3A_63, %add3A_64 : i32
      %mul3A_66 = arith.constant 160 : i32
      %mul3A_67 = arith.muli %add3A_65, %mul3A_66 : i32
      %multiple_of3A_68 = tpu.assume_multiple %mul3A_67, 160 : i32
      %dma_start3A_69 = tpu.memref_slice %arg6[%multiple_of3A_68] : memref<322560xi32, #tpu.memory_space<hbm>> -> memref<160xi32, #tpu.memory_space<hbm>>
      %dma_start3A_70 = tpu.memref_slice %arg6[%multiple_of3A_68] : memref<322560xi32, #tpu.memory_space<hbm>> -> memref<160xi32, #tpu.memory_space<hbm>>
      tpu.enqueue_dma source(%dma_start3A_70 : memref<160xi32, #tpu.memory_space<hbm>>) target(%arg14 : memref<160xi32, #tpu.memory_space<vmem>>) target_semaphore(%arg20 : memref<!tpu.dma_semaphore, #tpu.memory_space<semaphore_mem>>)
      %mul3A_71 = arith.constant 126 : i32
      %mul3A_72 = arith.muli %arg1, %mul3A_71 : i32
      %add3A_73 = arith.constant 1 : i32
      %add3A_74 = arith.addi %mul3A_72, %add3A_73 : i32
      %mul3A_75 = arith.constant 160 : i32
      %mul3A_76 = arith.muli %add3A_74, %mul3A_75 : i32
      %multiple_of3A_77 = tpu.assume_multiple %mul3A_76, 160 : i32
      %dma_start3A_78 = tpu.memref_slice %arg6[%multiple_of3A_77] : memref<322560xi32, #tpu.memory_space<hbm>> -> memref<160xi32, #tpu.memory_space<hbm>>
      %dma_start3A_79 = tpu.memref_slice %arg6[%multiple_of3A_77] : memref<322560xi32, #tpu.memory_space<hbm>> -> memref<160xi32, #tpu.memory_space<hbm>>
      tpu.enqueue_dma source(%dma_start3A_79 : memref<160xi32, #tpu.memory_space<hbm>>) target(%arg15 : memref<160xi32, #tpu.memory_space<vmem>>) target_semaphore(%arg21 : memref<!tpu.dma_semaphore, #tpu.memory_space<semaphore_mem>>)
      %mul3A_80 = arith.constant 126 : i32
      %mul3A_81 = arith.muli %arg1, %mul3A_80 : i32
      %add3A_82 = arith.constant 0 : i32
      %add3A_83 = arith.addi %mul3A_81, %add3A_82 : i32
      %mul3A_84 = arith.constant 160 : i32
      %mul3A_85 = arith.muli %add3A_83, %mul3A_84 : i32
      %multiple_of3A_86 = tpu.assume_multiple %mul3A_85, 160 : i32
      %dma_start3A_87 = tpu.memref_slice %arg7[%multiple_of3A_86] : memref<322560xi32, #tpu.memory_space<hbm>> -> memref<160xi32, #tpu.memory_space<hbm>>
      %dma_start3A_88 = tpu.memref_slice %arg7[%multiple_of3A_86] : memref<322560xi32, #tpu.memory_space<hbm>> -> memref<160xi32, #tpu.memory_space<hbm>>
      tpu.enqueue_dma source(%dma_start3A_88 : memref<160xi32, #tpu.memory_space<hbm>>) target(%arg16 : memref<160xi32, #tpu.memory_space<vmem>>) target_semaphore(%arg22 : memref<!tpu.dma_semaphore, #tpu.memory_space<semaphore_mem>>)
      %mul3A_89 = arith.constant 126 : i32
      %mul3A_90 = arith.muli %arg1, %mul3A_89 : i32
      %add3A_91 = arith.constant 1 : i32
      %add3A_92 = arith.addi %mul3A_90, %add3A_91 : i32
      %mul3A_93 = arith.constant 160 : i32
      %mul3A_94 = arith.muli %add3A_92, %mul3A_93 : i32
      %multiple_of3A_95 = tpu.assume_multiple %mul3A_94, 160 : i32
      %dma_start3A_96 = tpu.memref_slice %arg7[%multiple_of3A_95] : memref<322560xi32, #tpu.memory_space<hbm>> -> memref<160xi32, #tpu.memory_space<hbm>>
      %dma_start3A_97 = tpu.memref_slice %arg7[%multiple_of3A_95] : memref<322560xi32, #tpu.memory_space<hbm>> -> memref<160xi32, #tpu.memory_space<hbm>>
      tpu.enqueue_dma source(%dma_start3A_97 : memref<160xi32, #tpu.memory_space<hbm>>) target(%arg17 : memref<160xi32, #tpu.memory_space<vmem>>) target_semaphore(%arg23 : memref<!tpu.dma_semaphore, #tpu.memory_space<semaphore_mem>>)
      %barrier3A_98 = arith.constant 0 : index
      tpu.barrier barrier_id(%barrier3A_98)
      %scan3A_99 = arith.constant 0 : i32
      %scan3A_100 = arith.constant 63 : i32
      %scan3A_101 = arith.addi %scan3A_99, %scan3A_100 : i32
      %scan3A_102 = arith.constant 1 : i32
      scf.for %scan3A_118 = %scan3A_99 to %scan3A_101 step %scan3A_102  : i32 {
        %mul3A_119 = arith.constant 2 : i32
        %mul3A_120 = arith.muli %scan3A_118, %mul3A_119 : i32
        %add3A_121 = arith.constant 0 : i32
        %add3A_122 = arith.addi %add3A_121, %mul3A_120 : i32
        %dma_wait3A_123 = arith.constant 0 : i32
        %dma_wait3A_124 = tpu.memref_slice %arg6[%dma_wait3A_123] : memref<322560xi32, #tpu.memory_space<hbm>> -> memref<160xi32, #tpu.memory_space<hbm>>
        %dma_wait3A_125 = arith.constant 0 : i32
        %dma_wait3A_126 = tpu.memref_slice %arg6[%dma_wait3A_125] : memref<322560xi32, #tpu.memory_space<hbm>> -> memref<160xi32, #tpu.memory_space<hbm>>
        tpu.wait_dma2 semaphore(%arg20 : memref<!tpu.dma_semaphore, #tpu.memory_space<semaphore_mem>>) src(%dma_wait3A_126 : memref<160xi32, #tpu.memory_space<hbm>>) dst(%arg14 : memref<160xi32, #tpu.memory_space<vmem>>)
        %ge3A = arith.constant 2 : i32
        %ge3A_127 = arith.cmpi sge, %add3A_122, %ge3A : i32
        %convert_element_type3A_128 = arith.extui %ge3A_127 : i1 to i32
        %cond3A_129 = arith.constant 0 : i32
        %cond3A_130 = arith.cmpi ne, %convert_element_type3A_128, %cond3A_129 : i32
        scf.if %cond3A_130 {
          %dma_wait3A_179 = arith.constant 0 : i32
          %dma_wait3A_180 = arith.constant 0 : i32
          %dma_wait3A_181 = tpu.memref_slice %arg13[%dma_wait3A_179, %dma_wait3A_180] : memref<10112x128xf32, #tpu.memory_space<vmem_shared>> -> memref<10112x128xf32, #tpu.memory_space<vmem_shared>>
          tpu.wait_indirect_dma semaphore(%arg26 : memref<!tpu.dma_semaphore, #tpu.memory_space<semaphore_mem>>) src(%arg18 : memref<160x128xf32, #tpu.memory_space<vmem>>) dst(%dma_wait3A_181 : memref<10112x128xf32, #tpu.memory_space<vmem_shared>>)
          %mul3A_182 = arith.constant 126 : i32
          %mul3A_183 = arith.muli %arg1, %mul3A_182 : i32
          %add3A_184 = arith.addi %mul3A_183, %add3A_122 : i32
          %mul3A_185 = arith.constant 160 : i32
          %mul3A_186 = arith.muli %add3A_184, %mul3A_185 : i32
          %multiple_of3A_187 = tpu.assume_multiple %mul3A_186, 160 : i32
          %dma_start3A_188 = tpu.memref_slice %arg7[%multiple_of3A_187] : memref<322560xi32, #tpu.memory_space<hbm>> -> memref<160xi32, #tpu.memory_space<hbm>>
          %dma_start3A_189 = tpu.memref_slice %arg7[%multiple_of3A_187] : memref<322560xi32, #tpu.memory_space<hbm>> -> memref<160xi32, #tpu.memory_space<hbm>>
          tpu.enqueue_dma source(%dma_start3A_189 : memref<160xi32, #tpu.memory_space<hbm>>) target(%arg16 : memref<160xi32, #tpu.memory_space<vmem>>) target_semaphore(%arg22 : memref<!tpu.dma_semaphore, #tpu.memory_space<semaphore_mem>>)
        } else {
        }
        %dma_start3A_131 = arith.constant 0 : i32
        %dma_start3A_132 = arith.constant 0 : i32
        %dma_start3A_133 = tpu.memref_slice %arg5[%dma_start3A_131, %dma_start3A_132] : memref<10000x128xf32, #tpu.memory_space<hbm>> -> memref<10000x128xf32, #tpu.memory_space<hbm>>
        tpu.enqueue_indirect_dma source(%dma_start3A_133 : memref<10000x128xf32, #tpu.memory_space<hbm>>) target(%arg18 : memref<160x128xf32, #tpu.memory_space<vmem>>) offsets(%arg14 : memref<160xi32, #tpu.memory_space<vmem>>) semaphore(%arg24 : memref<!tpu.dma_semaphore, #tpu.memory_space<semaphore_mem>>)
        %dma_wait3A_134 = arith.constant 0 : i32
        %dma_wait3A_135 = tpu.memref_slice %arg6[%dma_wait3A_134] : memref<322560xi32, #tpu.memory_space<hbm>> -> memref<160xi32, #tpu.memory_space<hbm>>
        %dma_wait3A_136 = arith.constant 0 : i32
        %dma_wait3A_137 = tpu.memref_slice %arg6[%dma_wait3A_136] : memref<322560xi32, #tpu.memory_space<hbm>> -> memref<160xi32, #tpu.memory_space<hbm>>
        tpu.wait_dma2 semaphore(%arg21 : memref<!tpu.dma_semaphore, #tpu.memory_space<semaphore_mem>>) src(%dma_wait3A_137 : memref<160xi32, #tpu.memory_space<hbm>>) dst(%arg15 : memref<160xi32, #tpu.memory_space<vmem>>)
        %ge3A_138 = arith.constant 2 : i32
        %ge3A_139 = arith.cmpi sge, %add3A_122, %ge3A_138 : i32
        %convert_element_type3A_140 = arith.extui %ge3A_139 : i1 to i32
        %cond3A_141 = arith.constant 0 : i32
        %cond3A_142 = arith.cmpi ne, %convert_element_type3A_140, %cond3A_141 : i32
        scf.if %cond3A_142 {
          %dma_wait3A_179 = arith.constant 0 : i32
          %dma_wait3A_180 = arith.constant 0 : i32
          %dma_wait3A_181 = tpu.memref_slice %arg13[%dma_wait3A_179, %dma_wait3A_180] : memref<10112x128xf32, #tpu.memory_space<vmem_shared>> -> memref<10112x128xf32, #tpu.memory_space<vmem_shared>>
          tpu.wait_indirect_dma semaphore(%arg27 : memref<!tpu.dma_semaphore, #tpu.memory_space<semaphore_mem>>) src(%arg19 : memref<160x128xf32, #tpu.memory_space<vmem>>) dst(%dma_wait3A_181 : memref<10112x128xf32, #tpu.memory_space<vmem_shared>>)
          %add3A_182 = arith.constant 1 : i32
          %add3A_183 = arith.addi %add3A_122, %add3A_182 : i32
          %mul3A_184 = arith.constant 126 : i32
          %mul3A_185 = arith.muli %arg1, %mul3A_184 : i32
          %add3A_186 = arith.addi %mul3A_185, %add3A_183 : i32
          %mul3A_187 = arith.constant 160 : i32
          %mul3A_188 = arith.muli %add3A_186, %mul3A_187 : i32
          %multiple_of3A_189 = tpu.assume_multiple %mul3A_188, 160 : i32
          %dma_start3A_190 = tpu.memref_slice %arg7[%multiple_of3A_189] : memref<322560xi32, #tpu.memory_space<hbm>> -> memref<160xi32, #tpu.memory_space<hbm>>
          %dma_start3A_191 = tpu.memref_slice %arg7[%multiple_of3A_189] : memref<322560xi32, #tpu.memory_space<hbm>> -> memref<160xi32, #tpu.memory_space<hbm>>
          tpu.enqueue_dma source(%dma_start3A_191 : memref<160xi32, #tpu.memory_space<hbm>>) target(%arg17 : memref<160xi32, #tpu.memory_space<vmem>>) target_semaphore(%arg23 : memref<!tpu.dma_semaphore, #tpu.memory_space<semaphore_mem>>)
        } else {
        }
        %dma_start3A_143 = arith.constant 0 : i32
        %dma_start3A_144 = arith.constant 0 : i32
        %dma_start3A_145 = tpu.memref_slice %arg5[%dma_start3A_143, %dma_start3A_144] : memref<10000x128xf32, #tpu.memory_space<hbm>> -> memref<10000x128xf32, #tpu.memory_space<hbm>>
        tpu.enqueue_indirect_dma source(%dma_start3A_145 : memref<10000x128xf32, #tpu.memory_space<hbm>>) target(%arg19 : memref<160x128xf32, #tpu.memory_space<vmem>>) offsets(%arg15 : memref<160xi32, #tpu.memory_space<vmem>>) semaphore(%arg25 : memref<!tpu.dma_semaphore, #tpu.memory_space<semaphore_mem>>)
        %dma_wait3A_146 = arith.constant 0 : i32
        %dma_wait3A_147 = arith.constant 0 : i32
        %dma_wait3A_148 = tpu.memref_slice %arg5[%dma_wait3A_146, %dma_wait3A_147] : memref<10000x128xf32, #tpu.memory_space<hbm>> -> memref<10000x128xf32, #tpu.memory_space<hbm>>
        tpu.wait_indirect_dma semaphore(%arg24 : memref<!tpu.dma_semaphore, #tpu.memory_space<semaphore_mem>>) src(%dma_wait3A_148 : memref<10000x128xf32, #tpu.memory_space<hbm>>) dst(%arg18 : memref<160x128xf32, #tpu.memory_space<vmem>>)
        %add3A_149 = arith.constant 2 : i32
        %add3A_150 = arith.addi %add3A_122, %add3A_149 : i32
        %lt3A = arith.constant 126 : i32
        %lt3A_151 = arith.cmpi slt, %add3A_150, %lt3A : i32
        %convert_element_type3A_152 = arith.extui %lt3A_151 : i1 to i32
        %cond3A_153 = arith.constant 0 : i32
        %cond3A_154 = arith.cmpi ne, %convert_element_type3A_152, %cond3A_153 : i32
        scf.if %cond3A_154 {
          %add3A_179 = arith.constant 2 : i32
          %add3A_180 = arith.addi %add3A_122, %add3A_179 : i32
          %mul3A_181 = arith.constant 126 : i32
          %mul3A_182 = arith.muli %arg1, %mul3A_181 : i32
          %add3A_183 = arith.addi %mul3A_182, %add3A_180 : i32
          %mul3A_184 = arith.constant 160 : i32
          %mul3A_185 = arith.muli %add3A_183, %mul3A_184 : i32
          %multiple_of3A_186 = tpu.assume_multiple %mul3A_185, 160 : i32
          %dma_start3A_187 = tpu.memref_slice %arg6[%multiple_of3A_186] : memref<322560xi32, #tpu.memory_space<hbm>> -> memref<160xi32, #tpu.memory_space<hbm>>
          %dma_start3A_188 = tpu.memref_slice %arg6[%multiple_of3A_186] : memref<322560xi32, #tpu.memory_space<hbm>> -> memref<160xi32, #tpu.memory_space<hbm>>
          tpu.enqueue_dma source(%dma_start3A_188 : memref<160xi32, #tpu.memory_space<hbm>>) target(%arg14 : memref<160xi32, #tpu.memory_space<vmem>>) target_semaphore(%arg20 : memref<!tpu.dma_semaphore, #tpu.memory_space<semaphore_mem>>)
        } else {
        }
        %dma_wait3A_155 = arith.constant 0 : i32
        %dma_wait3A_156 = tpu.memref_slice %arg7[%dma_wait3A_155] : memref<322560xi32, #tpu.memory_space<hbm>> -> memref<160xi32, #tpu.memory_space<hbm>>
        %dma_wait3A_157 = arith.constant 0 : i32
        %dma_wait3A_158 = tpu.memref_slice %arg7[%dma_wait3A_157] : memref<322560xi32, #tpu.memory_space<hbm>> -> memref<160xi32, #tpu.memory_space<hbm>>
        tpu.wait_dma2 semaphore(%arg22 : memref<!tpu.dma_semaphore, #tpu.memory_space<semaphore_mem>>) src(%dma_wait3A_158 : memref<160xi32, #tpu.memory_space<hbm>>) dst(%arg16 : memref<160xi32, #tpu.memory_space<vmem>>)
        %dma_start3A_159 = arith.constant 0 : i32
        %dma_start3A_160 = arith.constant 0 : i32
        %dma_start3A_161 = tpu.memref_slice %arg13[%dma_start3A_159, %dma_start3A_160] : memref<10112x128xf32, #tpu.memory_space<vmem_shared>> -> memref<10112x128xf32, #tpu.memory_space<vmem_shared>>
        tpu.enqueue_indirect_dma source(%arg18 : memref<160x128xf32, #tpu.memory_space<vmem>>) target(%dma_start3A_161 : memref<10112x128xf32, #tpu.memory_space<vmem_shared>>) offsets(%arg16 : memref<160xi32, #tpu.memory_space<vmem>>) semaphore(%arg26 : memref<!tpu.dma_semaphore, #tpu.memory_space<semaphore_mem>>) {add = true}
        %dma_wait3A_162 = arith.constant 0 : i32
        %dma_wait3A_163 = arith.constant 0 : i32
        %dma_wait3A_164 = tpu.memref_slice %arg5[%dma_wait3A_162, %dma_wait3A_163] : memref<10000x128xf32, #tpu.memory_space<hbm>> -> memref<10000x128xf32, #tpu.memory_space<hbm>>
        tpu.wait_indirect_dma semaphore(%arg25 : memref<!tpu.dma_semaphore, #tpu.memory_space<semaphore_mem>>) src(%dma_wait3A_164 : memref<10000x128xf32, #tpu.memory_space<hbm>>) dst(%arg19 : memref<160x128xf32, #tpu.memory_space<vmem>>)
        %add3A_165 = arith.constant 3 : i32
        %add3A_166 = arith.addi %add3A_122, %add3A_165 : i32
        %lt3A_167 = arith.constant 126 : i32
        %lt3A_168 = arith.cmpi slt, %add3A_166, %lt3A_167 : i32
        %convert_element_type3A_169 = arith.extui %lt3A_168 : i1 to i32
        %cond3A_170 = arith.constant 0 : i32
        %cond3A_171 = arith.cmpi ne, %convert_element_type3A_169, %cond3A_170 : i32
        scf.if %cond3A_171 {
          %add3A_179 = arith.constant 3 : i32
          %add3A_180 = arith.addi %add3A_122, %add3A_179 : i32
          %mul3A_181 = arith.constant 126 : i32
          %mul3A_182 = arith.muli %arg1, %mul3A_181 : i32
          %add3A_183 = arith.addi %mul3A_182, %add3A_180 : i32
          %mul3A_184 = arith.constant 160 : i32
          %mul3A_185 = arith.muli %add3A_183, %mul3A_184 : i32
          %multiple_of3A_186 = tpu.assume_multiple %mul3A_185, 160 : i32
          %dma_start3A_187 = tpu.memref_slice %arg6[%multiple_of3A_186] : memref<322560xi32, #tpu.memory_space<hbm>> -> memref<160xi32, #tpu.memory_space<hbm>>
          %dma_start3A_188 = tpu.memref_slice %arg6[%multiple_of3A_186] : memref<322560xi32, #tpu.memory_space<hbm>> -> memref<160xi32, #tpu.memory_space<hbm>>
          tpu.enqueue_dma source(%dma_start3A_188 : memref<160xi32, #tpu.memory_space<hbm>>) target(%arg15 : memref<160xi32, #tpu.memory_space<vmem>>) target_semaphore(%arg21 : memref<!tpu.dma_semaphore, #tpu.memory_space<semaphore_mem>>)
        } else {
        }
        %dma_wait3A_172 = arith.constant 0 : i32
        %dma_wait3A_173 = tpu.memref_slice %arg7[%dma_wait3A_172] : memref<322560xi32, #tpu.memory_space<hbm>> -> memref<160xi32, #tpu.memory_space<hbm>>
        %dma_wait3A_174 = arith.constant 0 : i32
        %dma_wait3A_175 = tpu.memref_slice %arg7[%dma_wait3A_174] : memref<322560xi32, #tpu.memory_space<hbm>> -> memref<160xi32, #tpu.memory_space<hbm>>
        tpu.wait_dma2 semaphore(%arg23 : memref<!tpu.dma_semaphore, #tpu.memory_space<semaphore_mem>>) src(%dma_wait3A_175 : memref<160xi32, #tpu.memory_space<hbm>>) dst(%arg17 : memref<160xi32, #tpu.memory_space<vmem>>)
        %dma_start3A_176 = arith.constant 0 : i32
        %dma_start3A_177 = arith.constant 0 : i32
        %dma_start3A_178 = tpu.memref_slice %arg13[%dma_start3A_176, %dma_start3A_177] : memref<10112x128xf32, #tpu.memory_space<vmem_shared>> -> memref<10112x128xf32, #tpu.memory_space<vmem_shared>>
        tpu.enqueue_indirect_dma source(%arg19 : memref<160x128xf32, #tpu.memory_space<vmem>>) target(%dma_start3A_178 : memref<10112x128xf32, #tpu.memory_space<vmem_shared>>) offsets(%arg17 : memref<160xi32, #tpu.memory_space<vmem>>) semaphore(%arg27 : memref<!tpu.dma_semaphore, #tpu.memory_space<semaphore_mem>>) {add = true}
      }
      %scan3A_103 = arith.constant 63 : i32
      %dma_wait3A_104 = arith.constant 0 : i32
      %dma_wait3A_105 = arith.constant 0 : i32
      %dma_wait3A_106 = tpu.memref_slice %arg13[%dma_wait3A_104, %dma_wait3A_105] : memref<10112x128xf32, #tpu.memory_space<vmem_shared>> -> memref<10112x128xf32, #tpu.memory_space<vmem_shared>>
      tpu.wait_indirect_dma semaphore(%arg26 : memref<!tpu.dma_semaphore, #tpu.memory_space<semaphore_mem>>) src(%arg18 : memref<160x128xf32, #tpu.memory_space<vmem>>) dst(%dma_wait3A_106 : memref<10112x128xf32, #tpu.memory_space<vmem_shared>>)
      %dma_wait3A_107 = arith.constant 0 : i32
      %dma_wait3A_108 = arith.constant 0 : i32
      %dma_wait3A_109 = tpu.memref_slice %arg13[%dma_wait3A_107, %dma_wait3A_108] : memref<10112x128xf32, #tpu.memory_space<vmem_shared>> -> memref<10112x128xf32, #tpu.memory_space<vmem_shared>>
      tpu.wait_indirect_dma semaphore(%arg27 : memref<!tpu.dma_semaphore, #tpu.memory_space<semaphore_mem>>) src(%arg19 : memref<160x128xf32, #tpu.memory_space<vmem>>) dst(%dma_wait3A_109 : memref<10112x128xf32, #tpu.memory_space<vmem_shared>>)
      %barrier3A_110 = arith.constant 0 : index
      tpu.barrier barrier_id(%barrier3A_110)
      %mul3A_111 = arith.constant 632 : i32
      %mul3A_112 = arith.muli %arg1, %mul3A_111 : i32
      %multiple_of3A_113 = tpu.assume_multiple %mul3A_112, 8 : i32
      %mul3A_114 = arith.constant 632 : i32
      %mul3A_115 = arith.muli %arg1, %mul3A_114 : i32
      %multiple_of3A_116 = tpu.assume_multiple %mul3A_115, 8 : i32
      "tpu.region"() ({
        %run_scoped3A = tpu.sem_alloc : memref<!tpu.dma_semaphore, #tpu.memory_space<semaphore_mem>>
        %dma_start3A_118 = arith.constant 0 : i32
        %dma_start3A_119 = tpu.memref_slice %arg12[%multiple_of3A_116, %dma_start3A_118] : memref<10112x128xf32, #tpu.memory_space<hbm>> -> memref<632x128xf32, #tpu.memory_space<hbm>>
        %dma_start3A_120 = arith.constant 0 : i32
        %dma_start3A_121 = tpu.memref_slice %arg13[%multiple_of3A_113, %dma_start3A_120] : memref<10112x128xf32, #tpu.memory_space<vmem_shared>> -> memref<632x128xf32, #tpu.memory_space<vmem_shared>>
        tpu.enqueue_dma source(%dma_start3A_121 : memref<632x128xf32, #tpu.memory_space<vmem_shared>>) target(%dma_start3A_119 : memref<632x128xf32, #tpu.memory_space<hbm>>) target_semaphore(%run_scoped3A : memref<!tpu.dma_semaphore, #tpu.memory_space<semaphore_mem>>)
        %dma_wait3A_122 = arith.constant 0 : i32
        %dma_wait3A_123 = tpu.memref_slice %arg12[%multiple_of3A_116, %dma_wait3A_122] : memref<10112x128xf32, #tpu.memory_space<hbm>> -> memref<632x128xf32, #tpu.memory_space<hbm>>
        %dma_wait3A_124 = arith.constant 0 : i32
        %dma_wait3A_125 = tpu.memref_slice %arg13[%multiple_of3A_113, %dma_wait3A_124] : memref<10112x128xf32, #tpu.memory_space<vmem_shared>> -> memref<632x128xf32, #tpu.memory_space<vmem_shared>>
        tpu.wait_dma2 semaphore(%run_scoped3A : memref<!tpu.dma_semaphore, #tpu.memory_space<semaphore_mem>>) src(%dma_wait3A_125 : memref<632x128xf32, #tpu.memory_space<vmem_shared>>) dst(%dma_wait3A_123 : memref<632x128xf32, #tpu.memory_space<hbm>>)
        tpu.yield
      }) : () -> ()
      %barrier3A_117 = arith.constant 0 : index
      tpu.barrier barrier_id(%barrier3A_117)
    } else {
    }
    return
  }
}

module attributes {stable_mosaic.version = 14 : i64} {
  func.func @_proj_body(%arg0: i32, %arg1: memref<2000x384xf32, #tpu.memory_space<vmem>>, %arg2: memref<512x384xf32, #tpu.memory_space<vmem>>, %arg3: memref<1x512xf32, #tpu.memory_space<vmem>>, %arg4: memref<4x2000x128xf32, #tpu.memory_space<vmem>>) attributes {dimension_semantics = [#tpu.dimension_semantics<arbitrary>], iteration_bounds = array<i64: 5>, scalar_prefetch = 0 : i64, scratch_operands = 0 : i64, tpu.core_type = #tpu.core_type<tc>, window_params = [{transform_indices = @transform_0, window_bounds = array<i64: 2000, 384>}, {pipeline_mode = #tpu.pipeline_mode<synchronous>, transform_indices = @transform_1, window_bounds = array<i64: 512, 384>}, {pipeline_mode = #tpu.pipeline_mode<synchronous>, transform_indices = @transform_2, window_bounds = array<i64: 1, 512>}, {transform_indices = @transform_3, window_bounds = array<i64: 4, 2000, 128>}]} {
    %get3A = arith.constant 0 : index
    %get3A_0 = arith.constant 0 : index
    %get3A_1 = vector.load %arg1[%get3A, %get3A_0] : memref<2000x384xf32, #tpu.memory_space<vmem>>, vector<2000x384xf32>
    %get3A_2 = arith.constant 0 : index
    %get3A_3 = arith.constant 0 : index
    %get3A_4 = vector.load %arg2[%get3A_2, %get3A_3] : memref<512x384xf32, #tpu.memory_space<vmem>>, vector<512x384xf32>
    %dot_general3A = arith.constant dense<0.000000e+00> : vector<2000x512xf32>
    %dot_general3A_5 = tpu.matmul %get3A_1, %get3A_4, %dot_general3A {dimension_numbers = #tpu.dot_dimension_numbers<[1], [1], [0], [0], [0, 0, 1, 0], [], []>, transpose_lhs_hint = false} : vector<2000x384xf32>, vector<512x384xf32>, vector<2000x512xf32> -> vector<2000x512xf32>
    %get3A_6 = arith.constant 0 : index
    %get3A_7 = arith.constant 0 : index
    %get3A_8 = vector.load %arg3[%get3A_6, %get3A_7] : memref<1x512xf32, #tpu.memory_space<vmem>>, vector<1x512xf32>
    %add3A = vector.broadcast %get3A_8 : vector<1x512xf32> to vector<2000x512xf32>
    %add3A_9 = arith.addf %dot_general3A_5, %add3A : vector<2000x512xf32>
    %slice3A = vector.extract_strided_slice %add3A_9 {offsets = [0, 0], sizes = [2000, 128], strides = [1, 1]} : vector<2000x512xf32> to vector<2000x128xf32>
    %swap3A = arith.constant 0 : index
    %swap3A_10 = arith.constant 0 : index
    %swap3A_11 = arith.constant 0 : index
    %swap3A_12 = vector.load %arg4[%swap3A, %swap3A_10, %swap3A_11] : memref<4x2000x128xf32, #tpu.memory_space<vmem>>, vector<1x2000x128xf32>
    %swap3A_13 = vector.shape_cast %swap3A_12 : vector<1x2000x128xf32> to vector<2000x128xf32>
    %swap3A_14 = vector.shape_cast %slice3A : vector<2000x128xf32> to vector<1x2000x128xf32>
    tpu.vector_store %arg4[%swap3A, %swap3A_10, %swap3A_11], %swap3A_14 {strides = array<i32>} : memref<4x2000x128xf32, #tpu.memory_space<vmem>>, vector<1x2000x128xf32>,
    %slice3A_15 = vector.extract_strided_slice %add3A_9 {offsets = [0, 128], sizes = [2000, 128], strides = [1, 1]} : vector<2000x512xf32> to vector<2000x128xf32>
    %swap3A_16 = arith.constant 1 : index
    %swap3A_17 = arith.constant 0 : index
    %swap3A_18 = arith.constant 0 : index
    %swap3A_19 = vector.load %arg4[%swap3A_16, %swap3A_17, %swap3A_18] : memref<4x2000x128xf32, #tpu.memory_space<vmem>>, vector<1x2000x128xf32>
    %swap3A_20 = vector.shape_cast %swap3A_19 : vector<1x2000x128xf32> to vector<2000x128xf32>
    %swap3A_21 = vector.shape_cast %slice3A_15 : vector<2000x128xf32> to vector<1x2000x128xf32>
    tpu.vector_store %arg4[%swap3A_16, %swap3A_17, %swap3A_18], %swap3A_21 {strides = array<i32>} : memref<4x2000x128xf32, #tpu.memory_space<vmem>>, vector<1x2000x128xf32>,
    %slice3A_22 = vector.extract_strided_slice %add3A_9 {offsets = [0, 256], sizes = [2000, 128], strides = [1, 1]} : vector<2000x512xf32> to vector<2000x128xf32>
    %swap3A_23 = arith.constant 2 : index
    %swap3A_24 = arith.constant 0 : index
    %swap3A_25 = arith.constant 0 : index
    %swap3A_26 = vector.load %arg4[%swap3A_23, %swap3A_24, %swap3A_25] : memref<4x2000x128xf32, #tpu.memory_space<vmem>>, vector<1x2000x128xf32>
    %swap3A_27 = vector.shape_cast %swap3A_26 : vector<1x2000x128xf32> to vector<2000x128xf32>
    %swap3A_28 = vector.shape_cast %slice3A_22 : vector<2000x128xf32> to vector<1x2000x128xf32>
    tpu.vector_store %arg4[%swap3A_23, %swap3A_24, %swap3A_25], %swap3A_28 {strides = array<i32>} : memref<4x2000x128xf32, #tpu.memory_space<vmem>>, vector<1x2000x128xf32>,
    %slice3A_29 = vector.extract_strided_slice %add3A_9 {offsets = [0, 384], sizes = [2000, 128], strides = [1, 1]} : vector<2000x512xf32> to vector<2000x128xf32>
    %swap3A_30 = arith.constant 3 : index
    %swap3A_31 = arith.constant 0 : index
    %swap3A_32 = arith.constant 0 : index
    %swap3A_33 = vector.load %arg4[%swap3A_30, %swap3A_31, %swap3A_32] : memref<4x2000x128xf32, #tpu.memory_space<vmem>>, vector<1x2000x128xf32>
    %swap3A_34 = vector.shape_cast %swap3A_33 : vector<1x2000x128xf32> to vector<2000x128xf32>
    %swap3A_35 = vector.shape_cast %slice3A_29 : vector<2000x128xf32> to vector<1x2000x128xf32>
    tpu.vector_store %arg4[%swap3A_30, %swap3A_31, %swap3A_32], %swap3A_35 {strides = array<i32>} : memref<4x2000x128xf32, #tpu.memory_space<vmem>>, vector<1x2000x128xf32>,
    return
  }
  func.func @transform_0(%arg0: i32) -> (i32, i32) {
    %c0_i32 = arith.constant 0 : i32
    %c0_i32_0 = arith.constant 0 : i32
    return %arg0, %c0_i32 : i32, i32
  }
  func.func @transform_1(%arg0: i32) -> (i32, i32) {
    %c0_i32 = arith.constant 0 : i32
    %c0_i32_0 = arith.constant 0 : i32
    %c0_i32_1 = arith.constant 0 : i32
    return %c0_i32, %c0_i32_0 : i32, i32
  }
  func.func @transform_2(%arg0: i32) -> (i32, i32) {
    %c0_i32 = arith.constant 0 : i32
    %c0_i32_0 = arith.constant 0 : i32
    %c0_i32_1 = arith.constant 0 : i32
    return %c0_i32, %c0_i32_0 : i32, i32
  }
  func.func @transform_3(%arg0: i32) -> (i32, i32, i32) {
    %c0_i32 = arith.constant 0 : i32
    %c0_i32_0 = arith.constant 0 : i32
    %c0_i32_1 = arith.constant 0 : i32
    return %c0_i32, %arg0, %c0_i32_0 : i32, i32, i32
  }
}

module attributes {stable_mosaic.version = 14 : i64} {
  func.func @_step_body(%arg0: i32, %arg1: memref<4x2000x128xf32, #tpu.memory_space<vmem>>, %arg2: memref<2000x128xf32, #tpu.memory_space<vmem>>, %arg3: memref<2000x128xf32, #tpu.memory_space<vmem>>, %arg4: memref<2000x128xf32, #tpu.memory_space<vmem>>, %arg5: memref<2000x128xf32, #tpu.memory_space<vmem>>, %arg6: memref<2000x128xf32, #tpu.memory_space<vmem>>, %arg7: memref<512x512xf32, #tpu.memory_space<vmem>>, %arg8: memref<1x512xf32, #tpu.memory_space<vmem>>, %arg9: memref<4x2000x128xf32, #tpu.memory_space<vmem>>) attributes {dimension_semantics = [#tpu.dimension_semantics<arbitrary>], iteration_bounds = array<i64: 5>, scalar_prefetch = 0 : i64, scratch_operands = 0 : i64, tpu.core_type = #tpu.core_type<tc>, window_params = [{transform_indices = @transform_0, window_bounds = array<i64: 4, 2000, 128>}, {transform_indices = @transform_1, window_bounds = array<i64: 2000, 128>}, {transform_indices = @transform_2, window_bounds = array<i64: 2000, 128>}, {transform_indices = @transform_3, window_bounds = array<i64: 2000, 128>}, {transform_indices = @transform_4, window_bounds = array<i64: 2000, 128>}, {transform_indices = @transform_5, window_bounds = array<i64: 2000, 128>}, {pipeline_mode = #tpu.pipeline_mode<synchronous>, transform_indices = @transform_6, window_bounds = array<i64: 512, 512>}, {pipeline_mode = #tpu.pipeline_mode<synchronous>, transform_indices = @transform_7, window_bounds = array<i64: 1, 512>}, {transform_indices = @transform_8, window_bounds = array<i64: 4, 2000, 128>}]} {
    %get3A = arith.constant 0 : index
    %get3A_0 = arith.constant 0 : index
    %get3A_1 = vector.load %arg6[%get3A, %get3A_0] : memref<2000x128xf32, #tpu.memory_space<vmem>>, vector<2000x1xf32>
    %max3A = arith.constant 1.000000e+00 : f32
    %max3A_2 = vector.broadcast %max3A : f32 to vector<2000x1xf32>
    %max3A_3 = arith.maximumf %get3A_1, %max3A_2 : vector<2000x1xf32>
    %div3A = arith.constant 1.000000e+00 : f32
    %div3A_4 = vector.broadcast %div3A : f32 to vector<2000x1xf32>
    %div3A_5 = arith.divf %div3A_4, %max3A_3 : vector<2000x1xf32>
    %get3A_6 = arith.constant 0 : index
    %get3A_7 = arith.constant 0 : index
    %get3A_8 = vector.load %arg8[%get3A_6, %get3A_7] : memref<1x512xf32, #tpu.memory_space<vmem>>, vector<1x512xf32>
    %get3A_9 = arith.constant 0 : index
    %get3A_10 = arith.constant 0 : index
    %get3A_11 = vector.load %arg2[%get3A_9, %get3A_10] : memref<2000x128xf32, #tpu.memory_space<vmem>>, vector<2000x128xf32>
    %mul3A = vector.broadcast %div3A_5 : vector<2000x1xf32> to vector<2000x128xf32>
    %mul3A_12 = arith.mulf %get3A_11, %mul3A : vector<2000x128xf32>
    %get3A_13 = arith.constant 0 : index
    %get3A_14 = arith.constant 0 : index
    %get3A_15 = vector.load %arg7[%get3A_13, %get3A_14] : memref<512x512xf32, #tpu.memory_space<vmem>>, vector<512x128xf32>
    %dot_general3A = arith.constant dense<0.000000e+00> : vector<2000x512xf32>
    %dot_general3A_16 = tpu.matmul %mul3A_12, %get3A_15, %dot_general3A {dimension_numbers = #tpu.dot_dimension_numbers<[1], [1], [0], [0], [0, 0, 1, 0], [], []>, transpose_lhs_hint = false} : vector<2000x128xf32>, vector<512x128xf32>, vector<2000x512xf32> -> vector<2000x512xf32>
    %add3A = vector.broadcast %get3A_8 : vector<1x512xf32> to vector<2000x512xf32>
    %add3A_17 = arith.addf %add3A, %dot_general3A_16 : vector<2000x512xf32>
    %get3A_18 = arith.constant 0 : index
    %get3A_19 = arith.constant 0 : index
    %get3A_20 = vector.load %arg3[%get3A_18, %get3A_19] : memref<2000x128xf32, #tpu.memory_space<vmem>>, vector<2000x128xf32>
    %mul3A_21 = vector.broadcast %div3A_5 : vector<2000x1xf32> to vector<2000x128xf32>
    %mul3A_22 = arith.mulf %get3A_20, %mul3A_21 : vector<2000x128xf32>
    %get3A_23 = arith.constant 0 : index
    %get3A_24 = arith.constant 128 : index
    %get3A_25 = vector.load %arg7[%get3A_23, %get3A_24] : memref<512x512xf32, #tpu.memory_space<vmem>>, vector<512x128xf32>
    %dot_general3A_26 = arith.constant dense<0.000000e+00> : vector<2000x512xf32>
    %dot_general3A_27 = tpu.matmul %mul3A_22, %get3A_25, %dot_general3A_26 {dimension_numbers = #tpu.dot_dimension_numbers<[1], [1], [0], [0], [0, 0, 1, 0], [], []>, transpose_lhs_hint = false} : vector<2000x128xf32>, vector<512x128xf32>, vector<2000x512xf32> -> vector<2000x512xf32>
    %add3A_28 = arith.addf %add3A_17, %dot_general3A_27 : vector<2000x512xf32>
    %get3A_29 = arith.constant 0 : index
    %get3A_30 = arith.constant 0 : index
    %get3A_31 = vector.load %arg4[%get3A_29, %get3A_30] : memref<2000x128xf32, #tpu.memory_space<vmem>>, vector<2000x128xf32>
    %mul3A_32 = vector.broadcast %div3A_5 : vector<2000x1xf32> to vector<2000x128xf32>
    %mul3A_33 = arith.mulf %get3A_31, %mul3A_32 : vector<2000x128xf32>
    %get3A_34 = arith.constant 0 : index
    %get3A_35 = arith.constant 256 : index
    %get3A_36 = vector.load %arg7[%get3A_34, %get3A_35] : memref<512x512xf32, #tpu.memory_space<vmem>>, vector<512x128xf32>
    %dot_general3A_37 = arith.constant dense<0.000000e+00> : vector<2000x512xf32>
    %dot_general3A_38 = tpu.matmul %mul3A_33, %get3A_36, %dot_general3A_37 {dimension_numbers = #tpu.dot_dimension_numbers<[1], [1], [0], [0], [0, 0, 1, 0], [], []>, transpose_lhs_hint = false} : vector<2000x128xf32>, vector<512x128xf32>, vector<2000x512xf32> -> vector<2000x512xf32>
    %add3A_39 = arith.addf %add3A_28, %dot_general3A_38 : vector<2000x512xf32>
    %get3A_40 = arith.constant 0 : index
    %get3A_41 = arith.constant 0 : index
    %get3A_42 = vector.load %arg5[%get3A_40, %get3A_41] : memref<2000x128xf32, #tpu.memory_space<vmem>>, vector<2000x128xf32>
    %mul3A_43 = vector.broadcast %div3A_5 : vector<2000x1xf32> to vector<2000x128xf32>
    %mul3A_44 = arith.mulf %get3A_42, %mul3A_43 : vector<2000x128xf32>
    %get3A_45 = arith.constant 0 : index
    %get3A_46 = arith.constant 384 : index
    %get3A_47 = vector.load %arg7[%get3A_45, %get3A_46] : memref<512x512xf32, #tpu.memory_space<vmem>>, vector<512x128xf32>
    %dot_general3A_48 = arith.constant dense<0.000000e+00> : vector<2000x512xf32>
    %dot_general3A_49 = tpu.matmul %mul3A_44, %get3A_47, %dot_general3A_48 {dimension_numbers = #tpu.dot_dimension_numbers<[1], [1], [0], [0], [0, 0, 1, 0], [], []>, transpose_lhs_hint = false} : vector<2000x128xf32>, vector<512x128xf32>, vector<2000x512xf32> -> vector<2000x512xf32>
    %add3A_50 = arith.addf %add3A_39, %dot_general3A_49 : vector<2000x512xf32>
    %mul3A_51 = arith.constant 5.000000e-01 : f32
    %mul3A_52 = vector.broadcast %mul3A_51 : f32 to vector<2000x512xf32>
    %mul3A_53 = arith.mulf %mul3A_52, %add3A_50 : vector<2000x512xf32>
    %mul3A_54 = arith.constant 0.707106769 : f32
    %mul3A_55 = vector.broadcast %mul3A_54 : f32 to vector<2000x512xf32>
    %mul3A_56 = arith.mulf %add3A_50, %mul3A_55 : vector<2000x512xf32>
    %erf3A = math.erf %mul3A_56 : vector<2000x512xf32>
    %add3A_57 = arith.constant 1.000000e+00 : f32
    %add3A_58 = vector.broadcast %add3A_57 : f32 to vector<2000x512xf32>
    %add3A_59 = arith.addf %add3A_58, %erf3A : vector<2000x512xf32>
    %mul3A_60 = arith.mulf %mul3A_53, %add3A_59 : vector<2000x512xf32>
    %get3A_61 = arith.constant 0 : index
    %get3A_62 = arith.constant 0 : index
    %get3A_63 = arith.constant 0 : index
    %get3A_64 = vector.load %arg1[%get3A_61, %get3A_62, %get3A_63] : memref<4x2000x128xf32, #tpu.memory_space<vmem>>, vector<1x2000x128xf32>
    %get3A_65 = vector.shape_cast %get3A_64 : vector<1x2000x128xf32> to vector<2000x128xf32>
    %slice3A = vector.extract_strided_slice %mul3A_60 {offsets = [0, 0], sizes = [2000, 128], strides = [1, 1]} : vector<2000x512xf32> to vector<2000x128xf32>
    %add3A_66 = arith.addf %get3A_65, %slice3A : vector<2000x128xf32>
    %get3A_67 = arith.constant 1 : index
    %get3A_68 = arith.constant 0 : index
    %get3A_69 = arith.constant 0 : index
    %get3A_70 = vector.load %arg1[%get3A_67, %get3A_68, %get3A_69] : memref<4x2000x128xf32, #tpu.memory_space<vmem>>, vector<1x2000x128xf32>
    %get3A_71 = vector.shape_cast %get3A_70 : vector<1x2000x128xf32> to vector<2000x128xf32>
    %slice3A_72 = vector.extract_strided_slice %mul3A_60 {offsets = [0, 128], sizes = [2000, 128], strides = [1, 1]} : vector<2000x512xf32> to vector<2000x128xf32>
    %add3A_73 = arith.addf %get3A_71, %slice3A_72 : vector<2000x128xf32>
    %get3A_74 = arith.constant 2 : index
    %get3A_75 = arith.constant 0 : index
    %get3A_76 = arith.constant 0 : index
    %get3A_77 = vector.load %arg1[%get3A_74, %get3A_75, %get3A_76] : memref<4x2000x128xf32, #tpu.memory_space<vmem>>, vector<1x2000x128xf32>
    %get3A_78 = vector.shape_cast %get3A_77 : vector<1x2000x128xf32> to vector<2000x128xf32>
    %slice3A_79 = vector.extract_strided_slice %mul3A_60 {offsets = [0, 256], sizes = [2000, 128], strides = [1, 1]} : vector<2000x512xf32> to vector<2000x128xf32>
    %add3A_80 = arith.addf %get3A_78, %slice3A_79 : vector<2000x128xf32>
    %get3A_81 = arith.constant 3 : index
    %get3A_82 = arith.constant 0 : index
    %get3A_83 = arith.constant 0 : index
    %get3A_84 = vector.load %arg1[%get3A_81, %get3A_82, %get3A_83] : memref<4x2000x128xf32, #tpu.memory_space<vmem>>, vector<1x2000x128xf32>
    %get3A_85 = vector.shape_cast %get3A_84 : vector<1x2000x128xf32> to vector<2000x128xf32>
    %slice3A_86 = vector.extract_strided_slice %mul3A_60 {offsets = [0, 384], sizes = [2000, 128], strides = [1, 1]} : vector<2000x512xf32> to vector<2000x128xf32>
    %add3A_87 = arith.addf %get3A_85, %slice3A_86 : vector<2000x128xf32>
    %swap3A = arith.constant 0 : index
    %swap3A_88 = arith.constant 0 : index
    %swap3A_89 = arith.constant 0 : index
    %swap3A_90 = vector.load %arg9[%swap3A, %swap3A_88, %swap3A_89] : memref<4x2000x128xf32, #tpu.memory_space<vmem>>, vector<1x2000x128xf32>
    %swap3A_91 = vector.shape_cast %swap3A_90 : vector<1x2000x128xf32> to vector<2000x128xf32>
    %swap3A_92 = vector.shape_cast %add3A_66 : vector<2000x128xf32> to vector<1x2000x128xf32>
    tpu.vector_store %arg9[%swap3A, %swap3A_88, %swap3A_89], %swap3A_92 {strides = array<i32>} : memref<4x2000x128xf32, #tpu.memory_space<vmem>>, vector<1x2000x128xf32>,
    %swap3A_93 = arith.constant 1 : index
    %swap3A_94 = arith.constant 0 : index
    %swap3A_95 = arith.constant 0 : index
    %swap3A_96 = vector.load %arg9[%swap3A_93, %swap3A_94, %swap3A_95] : memref<4x2000x128xf32, #tpu.memory_space<vmem>>, vector<1x2000x128xf32>
    %swap3A_97 = vector.shape_cast %swap3A_96 : vector<1x2000x128xf32> to vector<2000x128xf32>
    %swap3A_98 = vector.shape_cast %add3A_73 : vector<2000x128xf32> to vector<1x2000x128xf32>
    tpu.vector_store %arg9[%swap3A_93, %swap3A_94, %swap3A_95], %swap3A_98 {strides = array<i32>} : memref<4x2000x128xf32, #tpu.memory_space<vmem>>, vector<1x2000x128xf32>,
    %swap3A_99 = arith.constant 2 : index
    %swap3A_100 = arith.constant 0 : index
    %swap3A_101 = arith.constant 0 : index
    %swap3A_102 = vector.load %arg9[%swap3A_99, %swap3A_100, %swap3A_101] : memref<4x2000x128xf32, #tpu.memory_space<vmem>>, vector<1x2000x128xf32>
    %swap3A_103 = vector.shape_cast %swap3A_102 : vector<1x2000x128xf32> to vector<2000x128xf32>
    %swap3A_104 = vector.shape_cast %add3A_80 : vector<2000x128xf32> to vector<1x2000x128xf32>
    tpu.vector_store %arg9[%swap3A_99, %swap3A_100, %swap3A_101], %swap3A_104 {strides = array<i32>} : memref<4x2000x128xf32, #tpu.memory_space<vmem>>, vector<1x2000x128xf32>,
    %swap3A_105 = arith.constant 3 : index
    %swap3A_106 = arith.constant 0 : index
    %swap3A_107 = arith.constant 0 : index
    %swap3A_108 = vector.load %arg9[%swap3A_105, %swap3A_106, %swap3A_107] : memref<4x2000x128xf32, #tpu.memory_space<vmem>>, vector<1x2000x128xf32>
    %swap3A_109 = vector.shape_cast %swap3A_108 : vector<1x2000x128xf32> to vector<2000x128xf32>
    %swap3A_110 = vector.shape_cast %add3A_87 : vector<2000x128xf32> to vector<1x2000x128xf32>
    tpu.vector_store %arg9[%swap3A_105, %swap3A_106, %swap3A_107], %swap3A_110 {strides = array<i32>} : memref<4x2000x128xf32, #tpu.memory_space<vmem>>, vector<1x2000x128xf32>,
    return
  }
  func.func @transform_0(%arg0: i32) -> (i32, i32, i32) {
    %c0_i32 = arith.constant 0 : i32
    %c0_i32_0 = arith.constant 0 : i32
    %c0_i32_1 = arith.constant 0 : i32
    return %c0_i32, %arg0, %c0_i32_0 : i32, i32, i32
  }
  func.func @transform_1(%arg0: i32) -> (i32, i32) {
    %c0_i32 = arith.constant 0 : i32
    %c0_i32_0 = arith.constant 0 : i32
    return %arg0, %c0_i32 : i32, i32
  }
  func.func @transform_2(%arg0: i32) -> (i32, i32) {
    %c0_i32 = arith.constant 0 : i32
    %c0_i32_0 = arith.constant 0 : i32
    return %arg0, %c0_i32 : i32, i32
  }
  func.func @transform_3(%arg0: i32) -> (i32, i32) {
    %c0_i32 = arith.constant 0 : i32
    %c0_i32_0 = arith.constant 0 : i32
    return %arg0, %c0_i32 : i32, i32
  }
  func.func @transform_4(%arg0: i32) -> (i32, i32) {
    %c0_i32 = arith.constant 0 : i32
    %c0_i32_0 = arith.constant 0 : i32
    return %arg0, %c0_i32 : i32, i32
  }
  func.func @transform_5(%arg0: i32) -> (i32, i32) {
    %c0_i32 = arith.constant 0 : i32
    %c0_i32_0 = arith.constant 0 : i32
    return %arg0, %c0_i32 : i32, i32
  }
  func.func @transform_6(%arg0: i32) -> (i32, i32) {
    %c0_i32 = arith.constant 0 : i32
    %c0_i32_0 = arith.constant 0 : i32
    %c0_i32_1 = arith.constant 0 : i32
    return %c0_i32, %c0_i32_0 : i32, i32
  }
  func.func @transform_7(%arg0: i32) -> (i32, i32) {
    %c0_i32 = arith.constant 0 : i32
    %c0_i32_0 = arith.constant 0 : i32
    %c0_i32_1 = arith.constant 0 : i32
    return %c0_i32, %c0_i32_0 : i32, i32
  }
  func.func @transform_8(%arg0: i32) -> (i32, i32, i32) {
    %c0_i32 = arith.constant 0 : i32
    %c0_i32_0 = arith.constant 0 : i32
    %c0_i32_1 = arith.constant 0 : i32
    return %c0_i32, %arg0, %c0_i32_0 : i32, i32, i32
  }
}

module attributes {stable_mosaic.version = 14 : i64} {
  func.func @_final_body(%arg0: i32, %arg1: memref<4x2000x128xf32, #tpu.memory_space<vmem>>, %arg2: memref<2000x128xf32, #tpu.memory_space<vmem>>, %arg3: memref<2000x128xf32, #tpu.memory_space<vmem>>, %arg4: memref<2000x128xf32, #tpu.memory_space<vmem>>, %arg5: memref<2000x128xf32, #tpu.memory_space<vmem>>, %arg6: memref<2000x128xf32, #tpu.memory_space<vmem>>, %arg7: memref<512x512xf32, #tpu.memory_space<vmem>>, %arg8: memref<1x512xf32, #tpu.memory_space<vmem>>, %arg9: memref<100x2000xf32, #tpu.memory_space<vmem>>, %arg10: memref<1x100x512xf32, #tpu.memory_space<vmem>>) attributes {dimension_semantics = [#tpu.dimension_semantics<arbitrary>], iteration_bounds = array<i64: 5>, scalar_prefetch = 0 : i64, scratch_operands = 0 : i64, tpu.core_type = #tpu.core_type<tc>, window_params = [{transform_indices = @transform_0, window_bounds = array<i64: 4, 2000, 128>}, {transform_indices = @transform_1, window_bounds = array<i64: 2000, 128>}, {transform_indices = @transform_2, window_bounds = array<i64: 2000, 128>}, {transform_indices = @transform_3, window_bounds = array<i64: 2000, 128>}, {transform_indices = @transform_4, window_bounds = array<i64: 2000, 128>}, {transform_indices = @transform_5, window_bounds = array<i64: 2000, 128>}, {pipeline_mode = #tpu.pipeline_mode<synchronous>, transform_indices = @transform_6, window_bounds = array<i64: 512, 512>}, {pipeline_mode = #tpu.pipeline_mode<synchronous>, transform_indices = @transform_7, window_bounds = array<i64: 1, 512>}, {pipeline_mode = #tpu.pipeline_mode<synchronous>, transform_indices = @transform_8, window_bounds = array<i64: 100, 2000>}, {transform_indices = @transform_9, window_bounds = array<i64: 1, 100, 512>}]} {
    %get3A = arith.constant 0 : index
    %get3A_0 = arith.constant 0 : index
    %get3A_1 = vector.load %arg6[%get3A, %get3A_0] : memref<2000x128xf32, #tpu.memory_space<vmem>>, vector<2000x1xf32>
    %max3A = arith.constant 1.000000e+00 : f32
    %max3A_2 = vector.broadcast %max3A : f32 to vector<2000x1xf32>
    %max3A_3 = arith.maximumf %get3A_1, %max3A_2 : vector<2000x1xf32>
    %div3A = arith.constant 1.000000e+00 : f32
    %div3A_4 = vector.broadcast %div3A : f32 to vector<2000x1xf32>
    %div3A_5 = arith.divf %div3A_4, %max3A_3 : vector<2000x1xf32>
    %get3A_6 = arith.constant 0 : index
    %get3A_7 = arith.constant 0 : index
    %get3A_8 = vector.load %arg8[%get3A_6, %get3A_7] : memref<1x512xf32, #tpu.memory_space<vmem>>, vector<1x512xf32>
    %get3A_9 = arith.constant 0 : index
    %get3A_10 = arith.constant 0 : index
    %get3A_11 = vector.load %arg2[%get3A_9, %get3A_10] : memref<2000x128xf32, #tpu.memory_space<vmem>>, vector<2000x128xf32>
    %mul3A = vector.broadcast %div3A_5 : vector<2000x1xf32> to vector<2000x128xf32>
    %mul3A_12 = arith.mulf %get3A_11, %mul3A : vector<2000x128xf32>
    %get3A_13 = arith.constant 0 : index
    %get3A_14 = arith.constant 0 : index
    %get3A_15 = vector.load %arg7[%get3A_13, %get3A_14] : memref<512x512xf32, #tpu.memory_space<vmem>>, vector<512x128xf32>
    %dot_general3A = arith.constant dense<0.000000e+00> : vector<2000x512xf32>
    %dot_general3A_16 = tpu.matmul %mul3A_12, %get3A_15, %dot_general3A {dimension_numbers = #tpu.dot_dimension_numbers<[1], [1], [0], [0], [0, 0, 1, 0], [], []>, transpose_lhs_hint = false} : vector<2000x128xf32>, vector<512x128xf32>, vector<2000x512xf32> -> vector<2000x512xf32>
    %add3A = vector.broadcast %get3A_8 : vector<1x512xf32> to vector<2000x512xf32>
    %add3A_17 = arith.addf %add3A, %dot_general3A_16 : vector<2000x512xf32>
    %get3A_18 = arith.constant 0 : index
    %get3A_19 = arith.constant 0 : index
    %get3A_20 = vector.load %arg3[%get3A_18, %get3A_19] : memref<2000x128xf32, #tpu.memory_space<vmem>>, vector<2000x128xf32>
    %mul3A_21 = vector.broadcast %div3A_5 : vector<2000x1xf32> to vector<2000x128xf32>
    %mul3A_22 = arith.mulf %get3A_20, %mul3A_21 : vector<2000x128xf32>
    %get3A_23 = arith.constant 0 : index
    %get3A_24 = arith.constant 128 : index
    %get3A_25 = vector.load %arg7[%get3A_23, %get3A_24] : memref<512x512xf32, #tpu.memory_space<vmem>>, vector<512x128xf32>
    %dot_general3A_26 = arith.constant dense<0.000000e+00> : vector<2000x512xf32>
    %dot_general3A_27 = tpu.matmul %mul3A_22, %get3A_25, %dot_general3A_26 {dimension_numbers = #tpu.dot_dimension_numbers<[1], [1], [0], [0], [0, 0, 1, 0], [], []>, transpose_lhs_hint = false} : vector<2000x128xf32>, vector<512x128xf32>, vector<2000x512xf32> -> vector<2000x512xf32>
    %add3A_28 = arith.addf %add3A_17, %dot_general3A_27 : vector<2000x512xf32>
    %get3A_29 = arith.constant 0 : index
    %get3A_30 = arith.constant 0 : index
    %get3A_31 = vector.load %arg4[%get3A_29, %get3A_30] : memref<2000x128xf32, #tpu.memory_space<vmem>>, vector<2000x128xf32>
    %mul3A_32 = vector.broadcast %div3A_5 : vector<2000x1xf32> to vector<2000x128xf32>
    %mul3A_33 = arith.mulf %get3A_31, %mul3A_32 : vector<2000x128xf32>
    %get3A_34 = arith.constant 0 : index
    %get3A_35 = arith.constant 256 : index
    %get3A_36 = vector.load %arg7[%get3A_34, %get3A_35] : memref<512x512xf32, #tpu.memory_space<vmem>>, vector<512x128xf32>
    %dot_general3A_37 = arith.constant dense<0.000000e+00> : vector<2000x512xf32>
    %dot_general3A_38 = tpu.matmul %mul3A_33, %get3A_36, %dot_general3A_37 {dimension_numbers = #tpu.dot_dimension_numbers<[1], [1], [0], [0], [0, 0, 1, 0], [], []>, transpose_lhs_hint = false} : vector<2000x128xf32>, vector<512x128xf32>, vector<2000x512xf32> -> vector<2000x512xf32>
    %add3A_39 = arith.addf %add3A_28, %dot_general3A_38 : vector<2000x512xf32>
    %get3A_40 = arith.constant 0 : index
    %get3A_41 = arith.constant 0 : index
    %get3A_42 = vector.load %arg5[%get3A_40, %get3A_41] : memref<2000x128xf32, #tpu.memory_space<vmem>>, vector<2000x128xf32>
    %mul3A_43 = vector.broadcast %div3A_5 : vector<2000x1xf32> to vector<2000x128xf32>
    %mul3A_44 = arith.mulf %get3A_42, %mul3A_43 : vector<2000x128xf32>
    %get3A_45 = arith.constant 0 : index
    %get3A_46 = arith.constant 384 : index
    %get3A_47 = vector.load %arg7[%get3A_45, %get3A_46] : memref<512x512xf32, #tpu.memory_space<vmem>>, vector<512x128xf32>
    %dot_general3A_48 = arith.constant dense<0.000000e+00> : vector<2000x512xf32>
    %dot_general3A_49 = tpu.matmul %mul3A_44, %get3A_47, %dot_general3A_48 {dimension_numbers = #tpu.dot_dimension_numbers<[1], [1], [0], [0], [0, 0, 1, 0], [], []>, transpose_lhs_hint = false} : vector<2000x128xf32>, vector<512x128xf32>, vector<2000x512xf32> -> vector<2000x512xf32>
    %add3A_50 = arith.addf %add3A_39, %dot_general3A_49 : vector<2000x512xf32>
    %mul3A_51 = arith.constant 5.000000e-01 : f32
    %mul3A_52 = vector.broadcast %mul3A_51 : f32 to vector<2000x512xf32>
    %mul3A_53 = arith.mulf %mul3A_52, %add3A_50 : vector<2000x512xf32>
    %mul3A_54 = arith.constant 0.707106769 : f32
    %mul3A_55 = vector.broadcast %mul3A_54 : f32 to vector<2000x512xf32>
    %mul3A_56 = arith.mulf %add3A_50, %mul3A_55 : vector<2000x512xf32>
    %erf3A = math.erf %mul3A_56 : vector<2000x512xf32>
    %add3A_57 = arith.constant 1.000000e+00 : f32
    %add3A_58 = vector.broadcast %add3A_57 : f32 to vector<2000x512xf32>
    %add3A_59 = arith.addf %add3A_58, %erf3A : vector<2000x512xf32>
    %mul3A_60 = arith.mulf %mul3A_53, %add3A_59 : vector<2000x512xf32>
    %get3A_61 = arith.constant 0 : index
    %get3A_62 = arith.constant 0 : index
    %get3A_63 = arith.constant 0 : index
    %get3A_64 = vector.load %arg1[%get3A_61, %get3A_62, %get3A_63] : memref<4x2000x128xf32, #tpu.memory_space<vmem>>, vector<1x2000x128xf32>
    %get3A_65 = vector.shape_cast %get3A_64 : vector<1x2000x128xf32> to vector<2000x128xf32>
    %slice3A = vector.extract_strided_slice %mul3A_60 {offsets = [0, 0], sizes = [2000, 128], strides = [1, 1]} : vector<2000x512xf32> to vector<2000x128xf32>
    %add3A_66 = arith.addf %get3A_65, %slice3A : vector<2000x128xf32>
    %get3A_67 = arith.constant 1 : index
    %get3A_68 = arith.constant 0 : index
    %get3A_69 = arith.constant 0 : index
    %get3A_70 = vector.load %arg1[%get3A_67, %get3A_68, %get3A_69] : memref<4x2000x128xf32, #tpu.memory_space<vmem>>, vector<1x2000x128xf32>
    %get3A_71 = vector.shape_cast %get3A_70 : vector<1x2000x128xf32> to vector<2000x128xf32>
    %slice3A_72 = vector.extract_strided_slice %mul3A_60 {offsets = [0, 128], sizes = [2000, 128], strides = [1, 1]} : vector<2000x512xf32> to vector<2000x128xf32>
    %add3A_73 = arith.addf %get3A_71, %slice3A_72 : vector<2000x128xf32>
    %get3A_74 = arith.constant 2 : index
    %get3A_75 = arith.constant 0 : index
    %get3A_76 = arith.constant 0 : index
    %get3A_77 = vector.load %arg1[%get3A_74, %get3A_75, %get3A_76] : memref<4x2000x128xf32, #tpu.memory_space<vmem>>, vector<1x2000x128xf32>
    %get3A_78 = vector.shape_cast %get3A_77 : vector<1x2000x128xf32> to vector<2000x128xf32>
    %slice3A_79 = vector.extract_strided_slice %mul3A_60 {offsets = [0, 256], sizes = [2000, 128], strides = [1, 1]} : vector<2000x512xf32> to vector<2000x128xf32>
    %add3A_80 = arith.addf %get3A_78, %slice3A_79 : vector<2000x128xf32>
    %get3A_81 = arith.constant 3 : index
    %get3A_82 = arith.constant 0 : index
    %get3A_83 = arith.constant 0 : index
    %get3A_84 = vector.load %arg1[%get3A_81, %get3A_82, %get3A_83] : memref<4x2000x128xf32, #tpu.memory_space<vmem>>, vector<1x2000x128xf32>
    %get3A_85 = vector.shape_cast %get3A_84 : vector<1x2000x128xf32> to vector<2000x128xf32>
    %slice3A_86 = vector.extract_strided_slice %mul3A_60 {offsets = [0, 384], sizes = [2000, 128], strides = [1, 1]} : vector<2000x512xf32> to vector<2000x128xf32>
    %add3A_87 = arith.addf %get3A_85, %slice3A_86 : vector<2000x128xf32>
    %concatenate3A = tpu.concatenate %add3A_66, %add3A_73, %add3A_80, %add3A_87 in 1 : vector<2000x128xf32>, vector<2000x128xf32>, vector<2000x128xf32>, vector<2000x128xf32> -> vector<2000x512xf32>
    %get3A_88 = arith.constant 0 : index
    %get3A_89 = arith.constant 0 : index
    %get3A_90 = vector.load %arg9[%get3A_88, %get3A_89] : memref<100x2000xf32, #tpu.memory_space<vmem>>, vector<100x2000xf32>
    %dot_general3A_91 = arith.constant dense<0.000000e+00> : vector<100x512xf32>
    %dot_general3A_92 = tpu.matmul %get3A_90, %concatenate3A, %dot_general3A_91 {dimension_numbers = #tpu.dot_dimension_numbers<[1], [0], [0], [1], [0, 0, 1, 1], [], []>, transpose_lhs_hint = false} : vector<100x2000xf32>, vector<2000x512xf32>, vector<100x512xf32> -> vector<100x512xf32>
    %swap3A = arith.constant 0 : index
    %swap3A_93 = arith.constant 0 : index
    %swap3A_94 = arith.constant 0 : index
    %swap3A_95 = vector.load %arg10[%swap3A, %swap3A_93, %swap3A_94] : memref<1x100x512xf32, #tpu.memory_space<vmem>>, vector<1x100x512xf32>
    %swap3A_96 = vector.shape_cast %swap3A_95 : vector<1x100x512xf32> to vector<100x512xf32>
    %swap3A_97 = vector.shape_cast %dot_general3A_92 : vector<100x512xf32> to vector<1x100x512xf32>
    tpu.vector_store %arg10[%swap3A, %swap3A_93, %swap3A_94], %swap3A_97 {strides = array<i32>} : memref<1x100x512xf32, #tpu.memory_space<vmem>>, vector<1x100x512xf32>,
    return
  }
  func.func @transform_0(%arg0: i32) -> (i32, i32, i32) {
    %c0_i32 = arith.constant 0 : i32
    %c0_i32_0 = arith.constant 0 : i32
    %c0_i32_1 = arith.constant 0 : i32
    return %c0_i32, %arg0, %c0_i32_0 : i32, i32, i32
  }
  func.func @transform_1(%arg0: i32) -> (i32, i32) {
    %c0_i32 = arith.constant 0 : i32
    %c0_i32_0 = arith.constant 0 : i32
    return %arg0, %c0_i32 : i32, i32
  }
  func.func @transform_2(%arg0: i32) -> (i32, i32) {
    %c0_i32 = arith.constant 0 : i32
    %c0_i32_0 = arith.constant 0 : i32
    return %arg0, %c0_i32 : i32, i32
  }
  func.func @transform_3(%arg0: i32) -> (i32, i32) {
    %c0_i32 = arith.constant 0 : i32
    %c0_i32_0 = arith.constant 0 : i32
    return %arg0, %c0_i32 : i32, i32
  }
  func.func @transform_4(%arg0: i32) -> (i32, i32) {
    %c0_i32 = arith.constant 0 : i32
    %c0_i32_0 = arith.constant 0 : i32
    return %arg0, %c0_i32 : i32, i32
  }
  func.func @transform_5(%arg0: i32) -> (i32, i32) {
    %c0_i32 = arith.constant 0 : i32
    %c0_i32_0 = arith.constant 0 : i32
    return %arg0, %c0_i32 : i32, i32
  }
  func.func @transform_6(%arg0: i32) -> (i32, i32) {
    %c0_i32 = arith.constant 0 : i32
    %c0_i32_0 = arith.constant 0 : i32
    %c0_i32_1 = arith.constant 0 : i32
    return %c0_i32, %c0_i32_0 : i32, i32
  }
  func.func @transform_7(%arg0: i32) -> (i32, i32) {
    %c0_i32 = arith.constant 0 : i32
    %c0_i32_0 = arith.constant 0 : i32
    %c0_i32_1 = arith.constant 0 : i32
    return %c0_i32, %c0_i32_0 : i32, i32
  }
  func.func @transform_8(%arg0: i32) -> (i32, i32) {
    %c0_i32 = arith.constant 0 : i32
    %c0_i32_0 = arith.constant 0 : i32
    %c0_i32_1 = arith.constant 0 : i32
    return %c0_i32, %c0_i32_0 : i32, i32
  }
  func.func @transform_9(%arg0: i32) -> (i32, i32, i32) {
    %c0_i32 = arith.constant 0 : i32
    %c0_i32_0 = arith.constant 0 : i32
    %c0_i32_1 = arith.constant 0 : i32
    return %arg0, %c0_i32, %c0_i32_0 : i32, i32, i32
  }
}

</mosaic_0001>

<sc_bundles>
// kernel: kernel.10.cloned.1.call-start
scs
__scs_entry_jumppad:
0x0: {  	(pc) =	sbr.rel $0x88, $3  }
0x1: {  	(tag) =	ssettag $0x0;
	lr =	simm.s32 $0x1  }
0x2: {  	[smem:$0x3F96] =	sst lr;
	_ =	strace $0xD0000000  }
0x3: {  	_ = 	snop  }
0x4: {  	_ = 	snop  }
0x5: {  	_ = 	snop  }
0x6: {  	_ = 	snop  }
0x7: {  	_ = 	snop  }
__scs_overlays_trampoline_lowered:
0x8: {  	[smem:$0x3FA5] =	sst s0  }
0x9: {  	[smem:$0x3FA6] =	sst s1  }
0xa: {  	[smem:$0x3FA7] =	sst s2  }
0xb: {  	[smem:$0x3FA8] =	sst s3  }
0xc: {  	[smem:$0x3FA9] =	sst s4  }
0xd: {  	[smem:$0x3FAA] =	sst s5  }
0xe: {  	[smem:$0x3FAB] =	sst s6  }
0xf: {  	[smem:$0x3FAC] =	sst s7  }
0x10: {  	[smem:$0x3FAD] =	sst s8  }
0x11: {  	[smem:$0x3FAE] =	sst s9;
	s0 =	simm.s32 @!p0 $0x0  }
0x12: {  	s1 =	sld [smem:$0x3F94];
	s0 =	simm.s32 @p0 $0x1  }
0x13: {  	[smem:$0x3FAF] =	sst s0;
	s0 =	simm.s32 @!p1 $0x0  }
0x14: {  	s2 =	sld [smem:$0x3F93];
	s0 =	simm.s32 @p1 $0x1  }
0x15: {  	[smem:$0x3FB0] =	sst s0;
	s0 =	simm.s32 @!p2 $0x0  }
0x16: {  	s3 =	sld [smem:$0x3FDB];
	s0 =	simm.s32 @p2 $0x1  }
0x17: {  	s4 =	simm.s32 $0x1BF5;
	[smem:$0x3FB2] =	sst s0  }
0x18: {  	s0 =	sld [smem:$0x3F95];
	_ =	swait.ge [sflag:s4], $0x0  }
0x19: {  	s7 =	sld [smem:$0x3F96]  }
0x1a: {  	s8 =	sadd.s32 $0xFFFFE003, lr  }
0x1b: {  	s9 =	sadd.s32 $0xFFFFFEF7, lr;
	s5 =	simm.s32 $0xFFFFFFFF;
	p2 =	slt.u32 s8, $0xFFFFF086  }
0x1c: {  	p1 =	slt.u32 s9, $0xF7A;
	s5 =	simm.s32 @!p2 $0x0  }
0x1d: {  	s5 =	simm.s32 @p1 $0x1;
	p0 =	seq.s32 s7, s2  }
0x1e: {  	s7 =	smul.u32 @!p0 $0xF7A, s2;
	p2 =	seq.s32 @!p0 s5, $0x0  }
0x1f: {  	s9 =	smul.u32 $0xF7A, s1;
	s8 =	simm.s32 @!p0 $0x1BF5;
	p2 =	por !p2, p0  }
0x20: {  	[sflag:s8] =	ssyncset.s32 @!p0 $0xFFFFF086;
	s6 =	sadd.s32 @!p0 s3, s7;
	s7 =	simm.s32 @!p0 $0x108  }
0x21: {  	s3 =	sadd.s32 s3, s9;
	s6 =	sadd.s32 @!p0 $0x88, s6;
	s7 =	simm.s32 @p2 $0x1082  }
0x22: {  	[simem:s7], [sflag:s8] =	dma.local @!p0 [hbm:s6], $0xF7A  }
0x23: {  	s9 =	sor.u32 $0xD0000000, s2;
	s6 =	simm.s32 $0x108;
	_ =	swait.ge @!p0 [sflag:s8], $0x0  }
0x24: {  	s3 =	sadd.s32 $0x88, s3;
	s6 =	simm.s32 @!p1 $0x1082;
	[sflag:s4] =	ssyncset.s32 $0xFFFFF086  }
0x25: {  	[simem:s6], [sflag:s4] =	dma.local [hbm:s3], $0xF7A  }
0x26: {  	[smem:$0x3F96] =	sst s1;
	(tag) =	ssettag s2;
	_ =	strace s9  }
0x27: {  	s1 =	sld [smem:$0x3FA6]  }
0x28: {  	s2 =	sld [smem:$0x3FA7]  }
0x29: {  	s4 =	sld [smem:$0x3FA9]  }
0x2a: {  	p0 =	seq.s32 s5, $0x0;
	s5 =	sld [smem:$0x3FAA]  }
0x2b: {  	s6 =	sld [smem:$0x3FAB]  }
0x2c: {  	s7 =	sld [smem:$0x3FAC]  }
0x2d: {  	s3 =	simm.s32 $0x108;
	s8 =	sld [smem:$0x3FAD]  }
0x2e: {  	s3 =	simm.s32 @!p0 $0x1082;
	s9 =	sld [smem:$0x3FAE]  }
0x2f: {  	lr =	sadd.s32 s0, s3;
	s0 =	sld [smem:$0x3FA5]  }
0x30: {  	s3 =	sld [smem:$0x3FA8]  }
0x31: {  	[smem:$0x3FB1] =	sst s10  }
0x32: {  	s10 =	sld [smem:$0x3FAF];
	_ =	sdelay $0x3  }
0x33: {  	p0 =	seq.s32 s10, $0x1;
	s10 =	sld [smem:$0x3FB1];
	_ =	sdelay $0x3  }
0x34: {  	[smem:$0x3FB1] =	sst s10  }
0x35: {  	s10 =	sld [smem:$0x3FB0];
	_ =	sdelay $0x3  }
0x36: {  	p1 =	seq.s32 s10, $0x1;
	s10 =	sld [smem:$0x3FB1];
	_ =	sdelay $0x3  }
0x37: {  	[smem:$0x3FB1] =	sst s10  }
0x38: {  	s10 =	sld [smem:$0x3FB2]  }
0x39: {  	_ = 	snop;
	(pc) =	sbr.ind lr, $3  }
0x3a: {  	_ = 	snop  }
0x3b: {  	_ = 	snop  }
0x3c: {  	p2 =	seq.s32 s10, $0x1;
	s10 =	sld [smem:$0x3FB1]  }
0x3d: {  	_ =	shalt  }
0x3e: {  	_ =	shalt  }
0x3f: {  	_ =	shalt  }
0x40: {  	_ =	shalt  }
0x41: {  	_ =	shalt  }
0x42: {  	_ =	shalt  }
0x43: {  	_ =	shalt  }
0x44: {  	_ =	shalt  }
0x45: {  	_ =	shalt  }
0x46: {  	_ =	shalt  }
0x47: {  	_ =	shalt  }
0x48: {  	_ =	shalt  }
0x49: {  	_ =	shalt  }
0x4a: {  	_ =	shalt  }
0x4b: {  	_ =	shalt  }
0x4c: {  	_ =	shalt  }
0x4d: {  	_ =	shalt  }
0x4e: {  	_ =	shalt  }
0x4f: {  	_ =	shalt  }
0x50: {  	_ =	shalt  }
0x51: {  	_ =	shalt  }
0x52: {  	_ =	shalt  }
0x53: {  	_ =	shalt  }
0x54: {  	_ =	shalt  }
0x55: {  	_ =	shalt  }
0x56: {  	_ =	shalt  }
0x57: {  	_ =	shalt  }
0x58: {  	_ =	shalt  }
0x59: {  	_ =	shalt  }
0x5a: {  	_ =	shalt  }
0x5b: {  	_ =	shalt  }
0x5c: {  	_ =	shalt  }
0x5d: {  	_ =	shalt  }
0x5e: {  	_ =	shalt  }
0x5f: {  	_ =	shalt  }
0x60: {  	_ =	shalt  }
0x61: {  	_ =	shalt  }
0x62: {  	_ =	shalt  }
0x63: {  	_ =	shalt  }
0x64: {  	_ =	shalt  }
0x65: {  	_ =	shalt  }
0x66: {  	_ =	shalt  }
0x67: {  	_ =	shalt  }
0x68: {  	_ =	shalt  }
0x69: {  	_ =	shalt  }
0x6a: {  	_ =	shalt  }
0x6b: {  	_ =	shalt  }
0x6c: {  	_ =	shalt  }
0x6d: {  	_ =	shalt  }
0x6e: {  	_ =	shalt  }
0x6f: {  	_ =	shalt  }
0x70: {  	_ =	shalt  }
0x71: {  	_ =	shalt  }
0x72: {  	_ =	shalt  }
0x73: {  	_ =	shalt  }
0x74: {  	_ =	shalt  }
0x75: {  	_ =	shalt  }
0x76: {  	_ =	shalt  }
0x77: {  	_ =	shalt  }
0x78: {  	_ =	shalt  }
0x79: {  	_ =	shalt  }
0x7a: {  	_ =	shalt  }
0x7b: {  	_ =	shalt  }
0x7c: {  	_ =	shalt  }
0x7d: {  	_ =	shalt  }
0x7e: {  	_ =	shalt  }
0x7f: {  	_ =	shalt  }
0x80: {  	_ =	shalt  }
0x81: {  	_ =	shalt  }
0x82: {  	_ =	shalt  }
0x83: {  	_ =	shalt  }
0x84: {  	_ =	shalt  }
0x85: {  	_ =	shalt  }
0x86: {  	_ =	shalt  }
0x87: {  	_ =	shalt  }
.Lfunc_end0:
.L_simem_size_0:
called_computation_lowered:
.L_overlay_start_0:
0x88: {  	s2 =	sld [smem:$0x3FD9]  }
0x89: {  	s3 =	sld [smem:$0x3FFE];
	_ =	sdelay $0x1  }
0x8a: {  	s1 =	srdreg.scid  }
0x8b: {  	s0 =	sand.u32 $0x1, s1  }
0x8c: {  	s17 =	sshll.u32 s0, $0xA;
	s2 =	sadd.s32 s3, s2  }
0x8d: {  	s2 =	sadd.s32 s2, s17  }
0x8e: {  	[smem:$0x3FBD] =	sst s2  }
0x8f: {  	_ = 	snop  }
0x90: {  	s18 =	sld [smem:$0x3FD0];
	(tm) =	ssettm $0x1  }
0x91: {  	s19 =	sld [smem:$0x3FFB];
	_ =	sdelay $0x3  }
0x92: {  	_ =	strace s19  }
0x93: {  	s2 =	sld [smem:$0x3FFC];
	_ =	sdelay $0x3  }
0x94: {  	_ =	strace s2  }
0x95: {  	s2 =	sld [smem:$0x3FFD];
	_ =	sdelay $0x3  }
0x96: {  	_ =	strace s2  }
0x97: {  	_ =	strace $0x8FFFFFFF  }
0x98: {  	s20 =	sld [smem:$0x3FDB];
	_ =	sdelay $0x1  }
0x99: {  	s4 =	simm.s32 $_scs_section_size  }
0x9a: {  	s5 =	simm.s32 $_size__tile_overlayer_lowered;
	s6 =	simm.s32 $_tile_overlayer_lowered  }
0x9b: {  	s7 =	simm.s32 $0x1BFF;
	s21 =	sshll.u32 s6, $0x1;
	s4 =	sadd.s32 s4, s20  }
0x9c: {  	s22 =	simm.s32 $0x0;
	s5 =	sshll.u32 s5, $0x1;
	s6 =	sadd.s32 s21, s4  }
0x9d: {  	[timem:s22], [sflag:s7] =	dma.local [hbm:s6], s5  }
0x9e: {  	_ =	swait.ge [sflag:s7], s5  }
0x9f: {  	s5 =	ssub.s32 $0x0, s5;
	[sflag:s7] =	ssyncset.done $0x0  }
0xa0: {  	[sflag:s7] =	ssyncadd.s32 s5;
	_ =	sdelay $0x1  }
0xa1: {  	s23 =	simm.s32 $0x1B8B  }
0xa2: {  	_ =	swait.ge [sflag:s23], $0x1  }
0xa3: {  	[sflag:s23] =	ssyncset.done $0x0  }
0xa4: {  	[sflag:s23] =	ssyncadd.s32 $0xFFFFFFFF  }
0xa5: {  	s5 =	sld [smem:$0x0]  }
0xa6: {  	s6 =	sand.u32 $0xFFFFFFFE, s1  }
0xa7: {  	p0 =	sne.s32 s1, s6  }
0xa8: {  	s6 =	sshll.u32 @p0 s6, $0xE  }
0xa9: {  	s6 =	sadd.s32 @p0 $0x11B8D, s6;
	s7 =	sshll.u32 @p0 s5, $0x11  }
0xaa: {  	s6 =	sor.u32 @p0 s7, s6  }
0xab: {  	[sflag:s6] =	ssyncadd.remote.s32 @p0 $0x1;
	_ =	sdelay $0x1  }
0xac: {  	s6 =	simm.s32 @p0 $0x1B8D  }
0xad: {  	_ =	swait.eq @p0 [sflag:s6], $0x1  }
0xae: {  	[sflag:s6] =	ssyncadd.s32 @p0 $0xFFFFFFFF  }
0xaf: {  	s7 =	sshll.u32 @!p0 s1, $0xE  }
0xb0: {  	s7 =	sor.u32 @!p0 $0x4000, s7;
	s6 =	simm.s32 @!p0 $0x1B8D  }
0xb1: {  	s5 =	sshll.u32 @!p0 s5, $0x11;
	s7 =	sadd.s32 @!p0 $0x11B8D, s7;
	_ =	swait.eq @!p0 [sflag:s6], $0x1  }
0xb2: {  	s5 =	sor.u32 @!p0 s5, s7;
	[sflag:s6] =	ssyncadd.s32 @!p0 $0xFFFFFFFF  }
0xb3: {  	s25 =	simm.s32 $0x1B8E;
	s24 =	sld [smem:$0x3FFE];
	[sflag:s5] =	ssyncadd.remote.s32 @!p0 $0x1  }
0xb4: {  	s26 =	simm.s32 $execute0_lowered;
	[smem:$0x3FD2] =	sst s25  }
0xb5: {  	s6 =	sshll.u32 s26, $0x1;
	_ =	strace $0x80000049;
	[dreg:$0x1] =	wrdreg $0xFFFFFFFF  }
0xb6: {  	s28 =	simm.s32 $_size_execute0_lowered;
	s4 =	sadd.s32 s4, s6;
	[dreg:$0x0] =	wrdreg $0x0  }
0xb7: {  	s6 =	sshll.u32 s28, $0x1;
	[dreg:$0x2] =	wrdreg s4  }
0xb8: {  	[dreg:$0x3] =	wrdreg s6  }
0xb9: {  	[dreg:$0x4] =	wrdreg $0xC0  }
0xba: {  	_ =	task [dreg:s22], $0x5FFFF  }
0xbb: {  	[dreg:$0x1] =	wrdreg $0xFFFFFFFF  }
0xbc: {  	[dreg:$0x0] =	wrdreg $0x60  }
0xbd: {  	[dreg:$0x2] =	wrdreg s24  }
0xbe: {  	[dreg:$0x3] =	wrdreg s18  }
0xbf: {  	[dreg:$0x4] =	wrdreg $0x0  }
0xc0: {  	[dreg:$0x5] =	wrdreg $0x9  }
0xc1: {  	_ =	task.clear_ibuf [dreg:s22], $0x6FFFF;
	_ =	strace $0x90000049  }
0xc2: {  	s29 =	simm.s32 $0x9;
	_ =	strace $0x8000004B  }
0xc3: {  	_ =	swait.ge [sflag:s29], $0x1  }
0xc4: {  	[sflag:s29] =	ssyncadd.s32 $0xFFFFFFFF  }
0xc5: {  	_ =	strace $0x9000004B  }
0xc6: {  	_ =	sfence  }
0xc7: {  	s30 =	sld [smem:$0x0];
	_ =	sdelay $0x2  }
0xc8: {  	s31 =	sshll.u32 s1, $0xD;
	s1 =	sshrl.u32 s1, $0x2  }
0xc9: {  	s4 =	sand.u32 $0x4000, s31;
	s1 =	sadd.s32 s1, s30  }
0xca: {  	s0 =	sor.u32 s4, s0;
	s1 =	sshll.u32 s1, $0x11  }
0xcb: {  	s0 =	sor.u32 s1, s0  }
0xcc: {  	s0 =	sadd.s32 $0x8F2B, s0  }
0xcd: {  	[sflag:s0] =	ssyncadd.remote.s32 $0x1  }
0xce: {  	_ =	sfence.sel $0xFFFF  }
0xcf: {  	[dreg:$0x0] =	wrdreg $0xFFFFFFFF;
	(pc) =	sbr.abs _section_cstart, $3  }
0xd0: {  	[dreg:$0x1] =	wrdreg $0xFFFFFFFF  }
0xd1: {  	_ =	task.clear_ibuf [dreg:s22], $0x2FFFF;
	_ =	strace $0x9FFFFFFF  }
0xd2: {  	(tm) =	ssettm $0x7FFFFFFF  }
0xd3: {  	_ =	shalt  }
tec
execute0_lowered:
.L_overlay_start_1:
0x0: {  	(tag) =	ssettag $0x1  }
0x1: {  	s6 =	rddreg [dreg:$0x0]  }
0x2: {  	s1 =	rddreg [dreg:$0x1]  }
0x3: {  	s2 =	rddreg [dreg:$0x2]  }
0x4: {  	s0 =	rddreg [dreg:$0x3];
	s4 =	simm.s32 $0x0  }
0x5: {  	s3 =	stileid.u32;
	s9 =	srdreg.scid;
	s14 =	simm.s32 $0x13C00  }
0x6: {  	s15 =	simm.s32 $0x13D00;
	s16 =	simm.s32 $0x1;
	s8 =	smul.u32 $0x2780, s3  }
0x7: {  	s17 =	simm.s32 $0xA0;
	s20 =	simm.s32 $0x0;
	s28 =	smul.u32 $0x4EC0, s3  }
0x8: {  	[smem:$0x7FF] =	sst s4;
	s7 =	sadd.s32 $0x13CE00, s6;
	s10 =	smul.u32 $0x4F000, s3  }
0x9: {  	s5 =	sadd.s32 $0x1EEA00, s6;
	s18 =	sand.u32 $0x1, s9;
	s12 =	smul.u32 $0x9D8, s3  }
0xa: {  	s31 =	sshll.u32 s3, $0x6;
	_ =	strace $0x8000004A;
	s29 =	ssub.s32 $0x2, s18  }
0xb: {  	p0 =	sne.s32 s18, $0x0;
	s18 =	simm.s32 $0x2;
	s8 =	sadd.s32 s8, s6  }
0xc: {  	s11 =	sshrl.u32 s29, $0x1;
	s9 =	sshrl.u32 s28, $0x3;
	s30 =	sshrl.u32 s10, $0x2  }
0xd: {  	s6 =	sadd.s32 s7, s12;
	s10 =	simm.s32 $0x13E00;
	s12 =	sor.u32 $0x1C03, s31  }
0xe: {  	s11 =	ssub.s32 s29, s11;
	s9 =	sadd.s32 s7, s9;
	s19 =	sadd.s32 s30, s2  }
0xf: {  	s8 =	sadd.s32 $0x1EF400, s8;
	s7 =	sadd.s32 $0x14, s9;
	s9 =	smax.u32 s11, $0x1  }
0x10: {  	s11 =	simm.s32 $0x3;
	s13 =	sshrl.u32 s19, $0x3;
	s19 =	sshrl.u32 @!p0 s19, $0x3  }
.LBB2_1:
0x11: {  	[tilespmem:s10], [sflag:$0x3] =	stream.linear.gather [hbm4b:s5+s4], $0x5000, $0x38;
	[tilespmem:$0x18E00] =	vst v63  }
0x12: {  	_ =	swait.ge [sflag:s11], $0x5000  }
0x13: {  	[sflag:s11] =	ssyncset.done $0x0  }
0x14: {  	[sflag:s11] =	ssyncadd.s32 $0xFFFFB000  }
0x15: {  	[spmem:s13], [sflag:s12] =	dma.local [hbm:s1], $0x2780  }
0x16: {  	_ =	swait.ge [sflag:s11], $0x2780  }
0x17: {  	[sflag:s11] =	ssyncset.done $0x0  }
0x18: {  	[sflag:s11] =	ssyncadd.s32 $0xFFFFD880  }
0x19: {  	[tilespmem:s14], [sflag:$0x1] =	stream.linear.gather [hbm4b:s6+s4], $0xA0, $0x38;
	[tilespmem:$0x18E00] =	vst v63  }
0x1a: {  	_ = 	snop  }
0x1b: {  	[tilespmem:s15], [sflag:$0x2] =	stream.linear.gather [hbm4b:s7+s4], $0xA0, $0x38;
	[tilespmem:$0x18E00] =	vst v63  }
0x1c: {  	[bflag:$0x0] =	sbarrier.arrive $0xFFFF  }
0x1d: {  	_ =	swait.ge [sflag:s16], $0xA0  }
0x1e: {  	[sflag:s16] =	ssyncset.done $0x0  }
0x1f: {  	[sflag:s16] =	ssyncadd.s32 $0xFFFFFF60  }
0x20: {  	[spmem:s2] =	stream.indirect.scatter.add.f32 [tilespmem:s10], [sflag:$0x3], $0x80, s14, s17, $0xb8;
	[tilespmem:$0x18E00] =	vst v63  }
0x21: {  	_ =	swait.ge [sflag:s11], $0x5000  }
0x22: {  	s22 =	sadd.s32 $0xFFFFF650, s6;
	[sflag:s11] =	ssyncset.done $0x0  }
0x23: {  	s21 =	sadd.s32 $0x9D8, s22;
	[sflag:s11] =	ssyncadd.s32 $0xFFFFB000  }
0x24: {  	[tilespmem:s14], [sflag:$0x1] =	stream.linear.gather [hbm4b:s21+s4], $0xA0, $0x38;
	[tilespmem:$0x18E00] =	vst v63  }
0x25: {  	_ =	swait.ge [sflag:s18], $0xA0  }
0x26: {  	[sflag:s18] =	ssyncset.done $0x0  }
0x27: {  	[sflag:s18] =	ssyncadd.s32 $0xFFFFFF60  }
0x28: {  	[spmem:s2] =	stream.indirect.scatter.add.f32 [tilespmem:s10], [sflag:$0x3], $0x80, s15, s17, $0xb8;
	[tilespmem:$0x18E00] =	vst v63  }
0x29: {  	_ =	swait.ge [sflag:s11], $0x5000  }
0x2a: {  	[sflag:s11] =	ssyncset.done $0x0  }
0x2b: {  	s22 =	sadd.s32 $0x9EC, s22;
	s21 =	simm.s32 $0xFFFFF678;
	[sflag:s11] =	ssyncadd.s32 $0xFFFFB000  }
.LBB2_2:
0x2c: {  	[tilespmem:s15], [sflag:$0x2] =	stream.linear.gather [hbm4b:s22+s4], $0xA0, $0x38;
	[tilespmem:$0x18E00] =	vst v63  }
0x2d: {  	s22 =	smov.u32 s21  }
0x2e: {  	p1 =	sne.s32 s21, $0xFFFFFFD8;
	s21 =	sadd.s32 $0x28, s21;
	_ =	swait.ge [sflag:s16], $0xA0  }
0x2f: {  	[sflag:s16] =	ssyncset.done $0x0  }
0x30: {  	[sflag:s16] =	ssyncadd.s32 $0xFFFFFF60  }
0x31: {  	[spmem:s2] =	stream.indirect.scatter.add.f32 [tilespmem:s10], [sflag:$0x3], $0x80, s14, s17, $0xb8;
	[tilespmem:$0x18E00] =	vst v63  }
0x32: {  	_ =	swait.ge [sflag:s11], $0x5000  }
0x33: {  	s22 =	sadd.s32 s22, s6;
	[sflag:s11] =	ssyncset.done $0x0  }
0x34: {  	s23 =	sadd.s32 $0x9D8, s22;
	[sflag:s11] =	ssyncadd.s32 $0xFFFFB000  }
0x35: {  	[tilespmem:s14], [sflag:$0x1] =	stream.linear.gather [hbm4b:s23+s4], $0xA0, $0x38;
	[tilespmem:$0x18E00] =	vst v63  }
0x36: {  	_ =	swait.ge [sflag:s18], $0xA0  }
0x37: {  	[sflag:s18] =	ssyncset.done $0x0  }
.Ltmp0:
0x38: {  	[sflag:s18] =	ssyncadd.s32 $0xFFFFFF60;
	(pc) =	sbr.rel @p1 .LBB2_2-.Ltmp0, $4  }
0x39: {  	[spmem:s2] =	stream.indirect.scatter.add.f32 [tilespmem:s10], [sflag:$0x3], $0x80, s15, s17, $0xb8;
	[tilespmem:$0x18E00] =	vst v63  }
0x3a: {  	_ =	swait.ge [sflag:s11], $0x5000  }
0x3b: {  	[sflag:s11] =	ssyncset.done $0x0  }
0x3c: {  	s22 =	sadd.s32 $0x9EC, s22;
	[sflag:s11] =	ssyncadd.s32 $0xFFFFB000  }
0x3d: {  	[tilespmem:s15], [sflag:$0x2] =	stream.linear.gather [hbm4b:s22+s4], $0xA0, $0x38;
	[tilespmem:$0x18E00] =	vst v63  }
0x3e: {  	_ =	swait.ge [sflag:s16], $0xA0  }
0x3f: {  	[sflag:s16] =	ssyncset.done $0x0  }
0x40: {  	[sflag:s16] =	ssyncadd.s32 $0xFFFFFF60  }
0x41: {  	[spmem:s2] =	stream.indirect.scatter.add.f32 [tilespmem:s10], [sflag:$0x3], $0x80, s14, s17, $0xb8;
	[tilespmem:$0x18E00] =	vst v63  }
0x42: {  	_ =	swait.ge [sflag:s11], $0x5000  }
0x43: {  	[sflag:s11] =	ssyncset.done $0x0  }
0x44: {  	[sflag:s11] =	ssyncadd.s32 $0xFFFFB000  }
0x45: {  	_ =	swait.ge [sflag:s18], $0xA0  }
0x46: {  	[sflag:s18] =	ssyncset.done $0x0  }
0x47: {  	[sflag:s18] =	ssyncadd.s32 $0xFFFFFF60  }
0x48: {  	[spmem:s2] =	stream.indirect.scatter.add.f32 [tilespmem:s10], [sflag:$0x3], $0x80, s15, s17, $0xb8;
	[tilespmem:$0x18E00] =	vst v63  }
0x49: {  	_ =	swait.ge [sflag:s11], $0x5000  }
0x4a: {  	s20 =	sadd.s32 $0x1, s20;
	[sflag:s11] =	ssyncset.done $0x0  }
0x4b: {  	p1 =	sne.s32 s20, s9;
	[sflag:s11] =	ssyncadd.s32 $0xFFFFB000  }
.Ltmp1:
0x4c: {  	s21 =	simm.s32 @!p0 $0x3;
	[bflag:$0x0] =	sbarrier.arrive $0xFFFF;
	(pc) =	sbr.rel @p1 .LBB2_1-.Ltmp1, $4  }
0x4d: {  	[hbm:s8], [sflag:s12] =	dma.local @!p0 [spmem:s19], $0x2780  }
0x4e: {  	_ =	swait.ge @!p0 [sflag:s21], $0x2780  }
0x4f: {  	[sflag:s21] =	ssyncset.done @!p0 $0x0  }
0x50: {  	[sflag:s21] =	ssyncadd.s32 @!p0 $0xFFFFD880  }
0x51: {  	_ =	sfence.sel $0x180000  }
0x52: {  	[bflag:$0x0] =	sbarrier.arrive $0xFFFF  }
0x53: {  	p0 =	sne.s32 s3, $0x0;
	_ =	strace $0x9000004A  }
0x54: {  	s0 =	sadd.s32 @!p0 $0x100000, s0;
	[bflag:$0x2] =	sbarrier.arrive $0xFFFF  }
0x55: {  	[sflag:s0] =	ssyncadd.tile.s32 @!p0 $0x1;
	_ =	shalt  }
.Lfunc_end2:
_tile_overlayer_lowered:
.L_overlay_start_2:
0x56: {  	(tag) =	ssettag $0x2  }
0x57: {  	s0 =	rddreg [dreg:$0x0];
	s2 =	stileid.u32  }
0x58: {  	s1 =	rddreg [dreg:$0x1];
	p0 =	sne.s32 s2, $0x0  }
0x59: {  	s3 =	rddreg [dreg:$0x2];
	[bflag:$0x3] =	sbarrier.arrive $0xFFFF;
	s2 =	simm.s32 @!p0 $0x1C03  }
0x5a: {  	[timem:s3], [sflag:s2] =	dma.local @!p0 [hbm:s0], s1  }
0x5b: {  	s0 =	simm.s32 @!p0 $0x3  }
0x5c: {  	_ =	swait.ge @!p0 [sflag:s0], s1  }
0x5d: {  	s1 =	ssub.s32 @!p0 $0x0, s1;
	[sflag:s0] =	ssyncset.done @!p0 $0x0  }
0x5e: {  	[sflag:s0] =	ssyncadd.s32 @!p0 s1  }
0x5f: {  	[bflag:$0x3] =	sbarrier.arrive $0xFFFF  }
0x60: {  	_ =	shalt  }

// kernel: kernel.13.cloned.1.call-start
scs
__scs_entry_jumppad:
0x0: {  	(pc) =	sbr.rel $0x88, $3  }
0x1: {  	(tag) =	ssettag $0x0;
	lr =	simm.s32 $0x1  }
0x2: {  	[smem:$0x3F96] =	sst lr;
	_ =	strace $0xD0000000  }
0x3: {  	_ = 	snop  }
0x4: {  	_ = 	snop  }
0x5: {  	_ = 	snop  }
0x6: {  	_ = 	snop  }
0x7: {  	_ = 	snop  }
__scs_overlays_trampoline_lowered:
0x8: {  	[smem:$0x3FA5] =	sst s0  }
0x9: {  	[smem:$0x3FA6] =	sst s1  }
0xa: {  	[smem:$0x3FA7] =	sst s2  }
0xb: {  	[smem:$0x3FA8] =	sst s3  }
0xc: {  	[smem:$0x3FA9] =	sst s4  }
0xd: {  	[smem:$0x3FAA] =	sst s5  }
0xe: {  	[smem:$0x3FAB] =	sst s6  }
0xf: {  	[smem:$0x3FAC] =	sst s7  }
0x10: {  	[smem:$0x3FAD] =	sst s8  }
0x11: {  	[smem:$0x3FAE] =	sst s9;
	s0 =	simm.s32 @!p0 $0x0  }
0x12: {  	s1 =	sld [smem:$0x3F94];
	s0 =	simm.s32 @p0 $0x1  }
0x13: {  	[smem:$0x3FAF] =	sst s0;
	s0 =	simm.s32 @!p1 $0x0  }
0x14: {  	s2 =	sld [smem:$0x3F93];
	s0 =	simm.s32 @p1 $0x1  }
0x15: {  	[smem:$0x3FB0] =	sst s0;
	s0 =	simm.s32 @!p2 $0x0  }
0x16: {  	s3 =	sld [smem:$0x3FDB];
	s0 =	simm.s32 @p2 $0x1  }
0x17: {  	s4 =	simm.s32 $0x1BF5;
	[smem:$0x3FB2] =	sst s0  }
0x18: {  	s0 =	sld [smem:$0x3F95];
	_ =	swait.ge [sflag:s4], $0x0  }
0x19: {  	s7 =	sld [smem:$0x3F96]  }
0x1a: {  	s8 =	sadd.s32 $0xFFFFE003, lr  }
0x1b: {  	s9 =	sadd.s32 $0xFFFFFEF7, lr;
	s5 =	simm.s32 $0xFFFFFFFF;
	p2 =	slt.u32 s8, $0xFFFFF086  }
0x1c: {  	p1 =	slt.u32 s9, $0xF7A;
	s5 =	simm.s32 @!p2 $0x0  }
0x1d: {  	s5 =	simm.s32 @p1 $0x1;
	p0 =	seq.s32 s7, s2  }
0x1e: {  	s7 =	smul.u32 @!p0 $0xF7A, s2;
	p2 =	seq.s32 @!p0 s5, $0x0  }
0x1f: {  	s9 =	smul.u32 $0xF7A, s1;
	s8 =	simm.s32 @!p0 $0x1BF5;
	p2 =	por !p2, p0  }
0x20: {  	[sflag:s8] =	ssyncset.s32 @!p0 $0xFFFFF086;
	s6 =	sadd.s32 @!p0 s3, s7;
	s7 =	simm.s32 @!p0 $0x108  }
0x21: {  	s3 =	sadd.s32 s3, s9;
	s6 =	sadd.s32 @!p0 $0x88, s6;
	s7 =	simm.s32 @p2 $0x1082  }
0x22: {  	[simem:s7], [sflag:s8] =	dma.local @!p0 [hbm:s6], $0xF7A  }
0x23: {  	s9 =	sor.u32 $0xD0000000, s2;
	s6 =	simm.s32 $0x108;
	_ =	swait.ge @!p0 [sflag:s8], $0x0  }
0x24: {  	s3 =	sadd.s32 $0x88, s3;
	s6 =	simm.s32 @!p1 $0x1082;
	[sflag:s4] =	ssyncset.s32 $0xFFFFF086  }
0x25: {  	[simem:s6], [sflag:s4] =	dma.local [hbm:s3], $0xF7A  }
0x26: {  	[smem:$0x3F96] =	sst s1;
	(tag) =	ssettag s2;
	_ =	strace s9  }
0x27: {  	s1 =	sld [smem:$0x3FA6]  }
0x28: {  	s2 =	sld [smem:$0x3FA7]  }
0x29: {  	s4 =	sld [smem:$0x3FA9]  }
0x2a: {  	p0 =	seq.s32 s5, $0x0;
	s5 =	sld [smem:$0x3FAA]  }
0x2b: {  	s6 =	sld [smem:$0x3FAB]  }
0x2c: {  	s7 =	sld [smem:$0x3FAC]  }
0x2d: {  	s3 =	simm.s32 $0x108;
	s8 =	sld [smem:$0x3FAD]  }
0x2e: {  	s3 =	simm.s32 @!p0 $0x1082;
	s9 =	sld [smem:$0x3FAE]  }
0x2f: {  	lr =	sadd.s32 s0, s3;
	s0 =	sld [smem:$0x3FA5]  }
0x30: {  	s3 =	sld [smem:$0x3FA8]  }
0x31: {  	[smem:$0x3FB1] =	sst s10  }
0x32: {  	s10 =	sld [smem:$0x3FAF];
	_ =	sdelay $0x3  }
0x33: {  	p0 =	seq.s32 s10, $0x1;
	s10 =	sld [smem:$0x3FB1];
	_ =	sdelay $0x3  }
0x34: {  	[smem:$0x3FB1] =	sst s10  }
0x35: {  	s10 =	sld [smem:$0x3FB0];
	_ =	sdelay $0x3  }
0x36: {  	p1 =	seq.s32 s10, $0x1;
	s10 =	sld [smem:$0x3FB1];
	_ =	sdelay $0x3  }
0x37: {  	[smem:$0x3FB1] =	sst s10  }
0x38: {  	s10 =	sld [smem:$0x3FB2]  }
0x39: {  	_ = 	snop;
	(pc) =	sbr.ind lr, $3  }
0x3a: {  	_ = 	snop  }
0x3b: {  	_ = 	snop  }
0x3c: {  	p2 =	seq.s32 s10, $0x1;
	s10 =	sld [smem:$0x3FB1]  }
0x3d: {  	_ =	shalt  }
0x3e: {  	_ =	shalt  }
0x3f: {  	_ =	shalt  }
0x40: {  	_ =	shalt  }
0x41: {  	_ =	shalt  }
0x42: {  	_ =	shalt  }
0x43: {  	_ =	shalt  }
0x44: {  	_ =	shalt  }
0x45: {  	_ =	shalt  }
0x46: {  	_ =	shalt  }
0x47: {  	_ =	shalt  }
0x48: {  	_ =	shalt  }
0x49: {  	_ =	shalt  }
0x4a: {  	_ =	shalt  }
0x4b: {  	_ =	shalt  }
0x4c: {  	_ =	shalt  }
0x4d: {  	_ =	shalt  }
0x4e: {  	_ =	shalt  }
0x4f: {  	_ =	shalt  }
0x50: {  	_ =	shalt  }
0x51: {  	_ =	shalt  }
0x52: {  	_ =	shalt  }
0x53: {  	_ =	shalt  }
0x54: {  	_ =	shalt  }
0x55: {  	_ =	shalt  }
0x56: {  	_ =	shalt  }
0x57: {  	_ =	shalt  }
0x58: {  	_ =	shalt  }
0x59: {  	_ =	shalt  }
0x5a: {  	_ =	shalt  }
0x5b: {  	_ =	shalt  }
0x5c: {  	_ =	shalt  }
0x5d: {  	_ =	shalt  }
0x5e: {  	_ =	shalt  }
0x5f: {  	_ =	shalt  }
0x60: {  	_ =	shalt  }
0x61: {  	_ =	shalt  }
0x62: {  	_ =	shalt  }
0x63: {  	_ =	shalt  }
0x64: {  	_ =	shalt  }
0x65: {  	_ =	shalt  }
0x66: {  	_ =	shalt  }
0x67: {  	_ =	shalt  }
0x68: {  	_ =	shalt  }
0x69: {  	_ =	shalt  }
0x6a: {  	_ =	shalt  }
0x6b: {  	_ =	shalt  }
0x6c: {  	_ =	shalt  }
0x6d: {  	_ =	shalt  }
0x6e: {  	_ =	shalt  }
0x6f: {  	_ =	shalt  }
0x70: {  	_ =	shalt  }
0x71: {  	_ =	shalt  }
0x72: {  	_ =	shalt  }
0x73: {  	_ =	shalt  }
0x74: {  	_ =	shalt  }
0x75: {  	_ =	shalt  }
0x76: {  	_ =	shalt  }
0x77: {  	_ =	shalt  }
0x78: {  	_ =	shalt  }
0x79: {  	_ =	shalt  }
0x7a: {  	_ =	shalt  }
0x7b: {  	_ =	shalt  }
0x7c: {  	_ =	shalt  }
0x7d: {  	_ =	shalt  }
0x7e: {  	_ =	shalt  }
0x7f: {  	_ =	shalt  }
0x80: {  	_ =	shalt  }
0x81: {  	_ =	shalt  }
0x82: {  	_ =	shalt  }
0x83: {  	_ =	shalt  }
0x84: {  	_ =	shalt  }
0x85: {  	_ =	shalt  }
0x86: {  	_ =	shalt  }
0x87: {  	_ =	shalt  }
.Lfunc_end0:
.L_simem_size_0:
called_computation.1_lowered:
.L_overlay_start_0:
0x88: {  	s2 =	sld [smem:$0x3FD9]  }
0x89: {  	s3 =	sld [smem:$0x3FFE];
	_ =	sdelay $0x1  }
0x8a: {  	s1 =	srdreg.scid  }
0x8b: {  	s0 =	sand.u32 $0x1, s1  }
0x8c: {  	s17 =	sshll.u32 s0, $0xA;
	s2 =	sadd.s32 s3, s2  }
0x8d: {  	s2 =	sadd.s32 s2, s17  }
0x8e: {  	[smem:$0x3FBD] =	sst s2  }
0x8f: {  	_ = 	snop  }
0x90: {  	s2 =	sld [smem:$0x3FD0];
	(tm) =	ssettm $0x1  }
0x91: {  	s18 =	sld [smem:$0x3FFB];
	_ =	sdelay $0x3  }
0x92: {  	_ =	strace s18  }
0x93: {  	s3 =	sld [smem:$0x3FFC];
	_ =	sdelay $0x3  }
0x94: {  	_ =	strace s3  }
0x95: {  	s3 =	sld [smem:$0x3FFD];
	_ =	sdelay $0x3  }
0x96: {  	_ =	strace s3  }
0x97: {  	_ =	strace $0x8FFFFFFF  }
0x98: {  	s19 =	sld [smem:$0x3FDB];
	_ =	sdelay $0x1  }
0x99: {  	s4 =	simm.s32 $_scs_section_size  }
0x9a: {  	s5 =	simm.s32 $_size__tile_overlayer_lowered;
	s6 =	simm.s32 $_tile_overlayer_lowered  }
0x9b: {  	s22 =	simm.s32 $0x1BFF;
	s21 =	sshll.u32 s6, $0x1;
	s3 =	sadd.s32 s4, s19  }
0x9c: {  	s7 =	simm.s32 $0x0;
	s20 =	sshll.u32 s5, $0x1;
	s5 =	sadd.s32 s21, s3  }
0x9d: {  	[timem:s7], [sflag:s22] =	dma.local [hbm:s5], s20  }
0x9e: {  	_ =	swait.ge [sflag:s22], s20  }
0x9f: {  	s4 =	ssub.s32 $0x0, s20;
	[sflag:s22] =	ssyncset.done $0x0  }
0xa0: {  	[sflag:s22] =	ssyncadd.s32 s4;
	_ =	sdelay $0x1  }
0xa1: {  	s23 =	simm.s32 $0x1B8B  }
0xa2: {  	_ =	swait.ge [sflag:s23], $0x1  }
0xa3: {  	[sflag:s23] =	ssyncset.done $0x0  }
0xa4: {  	s25 =	simm.s32 $0x1B8E;
	s24 =	sld [smem:$0x3FFE];
	[sflag:s23] =	ssyncadd.s32 $0xFFFFFFFF  }
0xa5: {  	s26 =	simm.s32 $execute0_lowered;
	[smem:$0x3FD2] =	sst s25  }
0xa6: {  	s5 =	sshll.u32 s26, $0x1;
	_ =	strace $0x80000046;
	[dreg:$0x1] =	wrdreg $0xFFFFFFFF  }
0xa7: {  	s28 =	simm.s32 $_size_execute0_lowered;
	s3 =	sadd.s32 s3, s5;
	[dreg:$0x0] =	wrdreg $0x0  }
0xa8: {  	s5 =	sshll.u32 s28, $0x1;
	[dreg:$0x2] =	wrdreg s3  }
0xa9: {  	[dreg:$0x3] =	wrdreg s5  }
0xaa: {  	[dreg:$0x4] =	wrdreg $0xC0  }
0xab: {  	_ =	task [dreg:s7], $0x5FFFF  }
0xac: {  	[dreg:$0x1] =	wrdreg $0xFFFFFFFF  }
0xad: {  	[dreg:$0x0] =	wrdreg $0x60  }
0xae: {  	[dreg:$0x2] =	wrdreg s24  }
0xaf: {  	[dreg:$0x3] =	wrdreg s2  }
0xb0: {  	[dreg:$0x4] =	wrdreg $0x0  }
0xb1: {  	[dreg:$0x5] =	wrdreg $0xA  }
0xb2: {  	_ =	task.clear_ibuf [dreg:s7], $0x6FFFF;
	_ =	strace $0x90000046  }
0xb3: {  	s29 =	simm.s32 $0xA;
	_ =	strace $0x80000048  }
0xb4: {  	_ =	swait.ge [sflag:s29], $0x1  }
0xb5: {  	[sflag:s29] =	ssyncadd.s32 $0xFFFFFFFF  }
0xb6: {  	_ =	strace $0x90000048  }
0xb7: {  	_ =	sfence  }
0xb8: {  	s30 =	sld [smem:$0x0];
	_ =	sdelay $0x2  }
0xb9: {  	s31 =	sshll.u32 s1, $0xD;
	s1 =	sshrl.u32 s1, $0x2  }
0xba: {  	s3 =	sand.u32 $0x4000, s31;
	s1 =	sadd.s32 s1, s30  }
0xbb: {  	s0 =	sor.u32 s3, s0;
	s1 =	sshll.u32 s1, $0x11  }
0xbc: {  	s0 =	sor.u32 s1, s0  }
0xbd: {  	s0 =	sadd.s32 $0x8F2B, s0  }
0xbe: {  	[sflag:s0] =	ssyncadd.remote.s32 $0x1  }
0xbf: {  	_ =	sfence.sel $0xFFFF  }
0xc0: {  	[dreg:$0x0] =	wrdreg $0xFFFFFFFF;
	(pc) =	sbr.abs _section_cstart, $3  }
0xc1: {  	[dreg:$0x1] =	wrdreg $0xFFFFFFFF  }
0xc2: {  	_ =	task.clear_ibuf [dreg:s7], $0x2FFFF;
	_ =	strace $0x9FFFFFFF  }
0xc3: {  	(tm) =	ssettm $0x7FFFFFFF  }
tec
execute0_lowered:
.L_overlay_start_1:
0x0: {  	(tag) =	ssettag $0x1  }
0x1: {  	s0 =	rddreg [dreg:$0x0]  }
0x2: {  	s2 =	rddreg [dreg:$0x2];
	s3 =	simm.s32 $0x0  }
0x3: {  	s1 =	stileid.u32;
	s10 =	srdreg.scid;
	s28 =	simm.s32 $0xA0  }
0x4: {  	s29 =	simm.s32 $0x19000;
	s30 =	simm.s32 $0x5;
	s31 =	simm.s32 $0x4  }
0x5: {  	[smem:$0x7FF] =	sst s3;
	s5 =	sadd.s32 $0x115C00, s0;
	s6 =	sadd.s32 $0xEEA00, s0  }
0x6: {  	s7 =	sadd.s32 $0xC7800, s0;
	s4 =	sadd.s32 $0x146C00, s0;
	s9 =	smul.u32 $0x2780, s1  }
0x7: {  	s8 =	sadd.s32 $0xA0600, s0;
	s11 =	sadd.s32 $0x13CE00, s0;
	s13 =	smul.u32 $0x4EC0, s1  }
0x8: {  	s12 =	sadd.s32 $0x178200, s0;
	s10 =	sand.u32 $0x1, s10;
	s14 =	smul.u32 $0x4F000, s1  }
0x9: {  	s15 =	smul.u32 $0x9D8, s1;
	s26 =	sshll.u32 s1, $0x6;
	_ =	strace $0x80000047  }
0xa: {  	[dreg:$0x5] =	wrdreg s12;
	s20 =	ssub.s32 $0x2, s10;
	p0 =	seq.s32 s10, $0x1  }
0xb: {  	s19 =	sor.u32 $0x1C09, s26;
	s26 =	simm.s32 $0x1;
	[dreg:$0x4] =	wrdreg s9  }
0xc: {  	s16 =	sadd.s32 s9, s0;
	s0 =	sadd.s32 $0x1C7200, s0;
	s21 =	sshrl.u32 s20, $0x1  }
0xd: {  	s22 =	sshrl.u32 s13, $0x3;
	s23 =	sshrl.u32 s14, $0x2;
	s12 =	sadd.s32 s4, s15  }
0xe: {  	s14 =	sadd.s32 s11, s15;
	[dreg:$0x6] =	wrdreg s0;
	s0 =	ssub.s32 s20, s21  }
0xf: {  	s17 =	sadd.s32 $0x14, s22;
	s10 =	sadd.s32 s23, s2;
	s24 =	sadd.s32 $0x150A00, s16  }
.Ltmp0:
0x10: {  	s25 =	sadd.s32 $0x19FA00, s16;
	s21 =	simm.s32 $0x9;
	(pc) =	sbr.rel .LBB2_1-.Ltmp0, $4  }
0x11: {  	s23 =	simm.s32 $0x13D00;
	s13 =	sadd.s32 s4, s17;
	[dreg:$0x7] =	wrdreg s24  }
0x12: {  	s15 =	sadd.s32 s11, s17;
	[dreg:$0x8] =	wrdreg s25;
	s0 =	smax.u32 s0, $0x1  }
0x13: {  	s20 =	sshrl.u32 s10, $0x3;
	s25 =	simm.s32 $0x13F00;
	s4 =	simm.s32 $0x8  }
0x14: {  	s10 =	simm.s32 $0x0;
	[dreg:$0x9] =	wrdreg s0;
	s0 =	simm.s32 $0x7  }
.LBB2_11:
0x15: {  	[sflag:s31] =	ssyncadd.s32 $0xFFFFFF60;
	s11 =	rddreg [dreg:$0x6]  }
0x16: {  	[spmem:s2] =	stream.indirect.scatter.add.f32 [tilespmem:s29], [sflag:$0x8], $0x80, s25, s28, $0xb8;
	[tilespmem:$0x1E000] =	vst v63  }
.LBB2_12:
0x17: {  	_ =	swait.ge [sflag:s0], $0x5000  }
0x18: {  	[sflag:s0] =	ssyncset.done $0x0  }
0x19: {  	[sflag:s0] =	ssyncadd.s32 $0xFFFFB000  }
0x1a: {  	_ =	swait.ge [sflag:s4], $0x5000  }
0x1b: {  	[sflag:s4] =	ssyncset.done $0x0  }
0x1c: {  	s1 =	rddreg [dreg:$0x4];
	[sflag:s4] =	ssyncadd.s32 $0xFFFFB000  }
0x1d: {  	s1 =	sadd.s32 s11, s1;
	[bflag:$0x0] =	sbarrier.arrive $0xFFFF  }
0x1e: {  	[hbm:s1], [sflag:s19] =	dma.local [spmem:s20], $0x2780  }
0x1f: {  	_ =	swait.ge [sflag:s21], $0x2780  }
0x20: {  	s10 =	sadd.s32 $0x1, s10;
	s24 =	rddreg [dreg:$0x9]  }
0x21: {  	p1 =	sne.s32 s10, s24  }
.Ltmp1:
0x22: {  	_ = 	snop;
	(pc) =	sbr.rel @!p1 .LBB2_13-.Ltmp1, $3  }
0x23: {  	[sflag:s21] =	ssyncset.done $0x0  }
0x24: {  	[sflag:s21] =	ssyncadd.s32 $0xFFFFD880  }
0x25: {  	[bflag:$0x0] =	sbarrier.arrive $0xFFFF;
	_ =	sdelay $0x1  }
.LBB2_1:
0x26: {  	s1 =	rddreg [dreg:$0x1]  }
0x27: {  	[spmem:s20], [sflag:s19] =	dma.local [hbm:s1], $0x2780  }
0x28: {  	_ =	swait.ge [sflag:s21], $0x2780  }
0x29: {  	[sflag:s21] =	ssyncset.done $0x0  }
0x2a: {  	s22 =	simm.s32 $0x13C00;
	[sflag:s21] =	ssyncadd.s32 $0xFFFFD880  }
0x2b: {  	[tilespmem:s22], [sflag:$0x1] =	stream.linear.gather [hbm4b:s12+s3], $0xA0, $0x38;
	[tilespmem:$0x1E000] =	vst v63  }
0x2c: {  	_ = 	snop  }
0x2d: {  	[tilespmem:s23], [sflag:$0x2] =	stream.linear.gather [hbm4b:s13+s3], $0xA0, $0x38;
	[tilespmem:$0x1E000] =	vst v63  }
0x2e: {  	s24 =	simm.s32 $0x13E00  }
0x2f: {  	[tilespmem:s24], [sflag:$0x3] =	stream.linear.gather [hbm4b:s14+s3], $0xA0, $0x38;
	[tilespmem:$0x1E000] =	vst v63  }
.Ltmp2:
0x30: {  	_ = 	snop;
	(pc) =	sbr.rel @!p0 .LBB2_2-.Ltmp2, $3  }
0x31: {  	_ = 	snop  }
0x32: {  	[tilespmem:s25], [sflag:$0x4] =	stream.linear.gather [hbm4b:s15+s3], $0xA0, $0x38;
	[tilespmem:$0x1E000] =	vst v63  }
0x33: {  	[bflag:$0x0] =	sbarrier.arrive $0xFFFF;
	_ =	sdelay $0x1  }
0x34: {  	_ =	swait.ge [sflag:s26], $0xA0;
	p1 =	por $0x1, $0x1  }
0x35: {  	[sflag:s26] =	ssyncset.done $0x0;
	s1 =	simm.s32 @p1 $0xA0;
	s9 =	simm.s32 @p1 $0x13C00  }
0x36: {  	s11 =	simm.s32 @p1 $0x14000;
	s16 =	simm.s32 @p1 $0x2;
	[sflag:s26] =	ssyncadd.s32 $0xFFFFFF60  }
0x37: {  	[tilespmem:s11], [sflag:$0x5] =	stream.indirect.gather @p1 [hbm4b:s7+s1], $0x80, s9, s1, $0xb8;
	[tilespmem:$0x1E000] =	vst v63  }
0x38: {  	_ =	swait.ge @p1 [sflag:s16], $0xA0  }
0x39: {  	[sflag:s16] =	ssyncset.done @p1 $0x0  }
0x3a: {  	s1 =	simm.s32 @!p1 $0x7;
	[sflag:s16] =	ssyncadd.s32 @p1 $0xFFFFFF60  }
0x3b: {  	_ =	swait.ge @!p1 [sflag:s1], $0x5000  }
0x3c: {  	s17 =	simm.s32 @!p1 $0x0;
	s18 =	simm.s32 @!p1 $0x2;
	[sflag:s1] =	ssyncset.done @!p1 $0x0  }
0x3d: {  	s9 =	simm.s32 @!p1 $0x13E00;
	s16 =	sadd.s32 @!p1 $0x0, s14;
	[sflag:s1] =	ssyncadd.s32 @!p1 $0xFFFFB000  }
0x3e: {  	[tilespmem:s9], [sflag:$0x3] =	stream.linear.gather @!p1 [hbm4b:s16+s17], $0xA0, $0x38;
	[tilespmem:$0x1E000] =	vst v63  }
0x3f: {  	s11 =	simm.s32 @!p1 $0x14000;
	s1 =	simm.s32 @!p1 $0xA0;
	s9 =	simm.s32 @!p1 $0x13C00  }
0x40: {  	[tilespmem:s11], [sflag:$0x5] =	stream.indirect.gather @!p1 [hbm4b:s7+s1], $0x80, s9, s1, $0xb8;
	[tilespmem:$0x1E000] =	vst v63  }
0x41: {  	_ =	swait.ge @!p1 [sflag:s18], $0xA0  }
0x42: {  	[sflag:s18] =	ssyncset.done @!p1 $0x0  }
0x43: {  	s1 =	simm.s32 @!p1 $0x8;
	[sflag:s18] =	ssyncadd.s32 @!p1 $0xFFFFFF60  }
0x44: {  	_ =	swait.ge @!p1 [sflag:s1], $0x5000  }
0x45: {  	[sflag:s1] =	ssyncset.done @!p1 $0x0  }
0x46: {  	s9 =	sadd.s32 @!p1 $0x14, s16;
	s11 =	simm.s32 @!p1 $0x13F00;
	[sflag:s1] =	ssyncadd.s32 @!p1 $0xFFFFB000  }
0x47: {  	[tilespmem:s11], [sflag:$0x4] =	stream.linear.gather @!p1 [hbm4b:s9+s17], $0xA0, $0x38;
	[tilespmem:$0x1E000] =	vst v63  }
0x48: {  	_ = 	snop  }
0x49: {  	[tilespmem:s29], [sflag:$0x6] =	stream.indirect.gather [hbm4b:s7+s28], $0x80, s23, s28, $0xb8;
	[tilespmem:$0x1E000] =	vst v63  }
0x4a: {  	_ =	swait.ge [sflag:s30], $0x5000  }
0x4b: {  	p1 =	por $0x0, $0x0;
	[sflag:s30] =	ssyncset.done $0x0  }
0x4c: {  	s1 =	simm.s32 @p1 $0x3;
	[sflag:s30] =	ssyncadd.s32 $0xFFFFB000  }
0x4d: {  	_ =	swait.ge @p1 [sflag:s1], $0xA0  }
0x4e: {  	s9 =	simm.s32 @p1 $0x14000;
	s11 =	simm.s32 @p1 $0xA0;
	[sflag:s1] =	ssyncset.done @p1 $0x0  }
0x4f: {  	s16 =	simm.s32 @p1 $0x13E00;
	[sflag:s1] =	ssyncadd.s32 @p1 $0xFFFFFF60;
	s1 =	simm.s32 @p1 $0x6  }
0x50: {  	[spmem:s2] =	stream.indirect.scatter.add.f32 @p1 [tilespmem:s9], [sflag:$0x7], $0x80, s16, s11, $0xb8;
	[tilespmem:$0x1E000] =	vst v63  }
0x51: {  	s17 =	simm.s32 @!p1 $0x13C00;
	_ =	swait.ge @p1 [sflag:s1], $0x5000  }
0x52: {  	s9 =	sadd.s32 @!p1 $0x0, s12;
	s16 =	simm.s32 @!p1 $0x0;
	[sflag:s1] =	ssyncset.done @p1 $0x0  }
0x53: {  	s11 =	sadd.s32 @!p1 $0x28, s9;
	[sflag:s1] =	ssyncadd.s32 @p1 $0xFFFFB000;
	s1 =	simm.s32 @!p1 $0x3  }
0x54: {  	[tilespmem:s17], [sflag:$0x1] =	stream.linear.gather @!p1 [hbm4b:s11+s16], $0xA0, $0x38;
	[tilespmem:$0x1E000] =	vst v63  }
0x55: {  	_ =	swait.ge @!p1 [sflag:s1], $0xA0  }
0x56: {  	s18 =	simm.s32 @!p1 $0x13E00;
	s11 =	simm.s32 @!p1 $0x14000;
	[sflag:s1] =	ssyncset.done @!p1 $0x0  }
0x57: {  	s17 =	simm.s32 @!p1 $0xA0;
	[sflag:s1] =	ssyncadd.s32 @!p1 $0xFFFFFF60;
	s1 =	simm.s32 @!p1 $0x6  }
0x58: {  	[spmem:s2] =	stream.indirect.scatter.add.f32 @!p1 [tilespmem:s11], [sflag:$0x7], $0x80, s18, s17, $0xb8;
	[tilespmem:$0x1E000] =	vst v63  }
0x59: {  	_ =	swait.ge @!p1 [sflag:s1], $0x5000  }
0x5a: {  	[sflag:s1] =	ssyncset.done @!p1 $0x0  }
0x5b: {  	s9 =	sadd.s32 @!p1 $0x3C, s9;
	s11 =	simm.s32 @!p1 $0x13D00;
	[sflag:s1] =	ssyncadd.s32 @!p1 $0xFFFFB000  }
0x5c: {  	[tilespmem:s11], [sflag:$0x2] =	stream.linear.gather @!p1 [hbm4b:s9+s16], $0xA0, $0x38;
	[tilespmem:$0x1E000] =	vst v63  }
0x5d: {  	_ =	swait.ge [sflag:s31], $0xA0  }
0x5e: {  	s11 =	simm.s32 $0x28;
	[sflag:s31] =	ssyncset.done $0x0  }
.LBB2_8:
0x5f: {  	[sflag:s31] =	ssyncadd.s32 $0xFFFFFF60;
	s16 =	smov.u32 s11;
	s11 =	sadd.s32 $0x28, s11  }
0x60: {  	[spmem:s2] =	stream.indirect.scatter.add.f32 [tilespmem:s29], [sflag:$0x8], $0x80, s25, s28, $0xb8;
	[tilespmem:$0x1E000] =	vst v63  }
0x61: {  	p2 =	seq.s32 s16, $0x0;
	p1 =	sne.s32 s11, $0x9D8;
	_ =	swait.ge [sflag:s26], $0xA0  }
0x62: {  	s1 =	simm.s32 @p2 $0xA0;
	s9 =	simm.s32 @p2 $0x13C00;
	[sflag:s26] =	ssyncset.done $0x0  }
0x63: {  	s17 =	simm.s32 @p2 $0x14000;
	s18 =	simm.s32 @p2 $0x2;
	[sflag:s26] =	ssyncadd.s32 $0xFFFFFF60  }
0x64: {  	[tilespmem:s17], [sflag:$0x5] =	stream.indirect.gather @p2 [hbm4b:s7+s1], $0x80, s9, s1, $0xb8;
	[tilespmem:$0x1E000] =	vst v63  }
0x65: {  	_ =	swait.ge @p2 [sflag:s18], $0xA0  }
0x66: {  	s1 =	simm.s32 @!p2 $0x7;
	[sflag:s18] =	ssyncset.done @p2 $0x0  }
0x67: {  	[sflag:s18] =	ssyncadd.s32 @p2 $0xFFFFFF60  }
0x68: {  	s9 =	simm.s32 @!p2 $0x13E00;
	s17 =	simm.s32 @!p2 $0x14000;
	_ =	swait.ge @!p2 [sflag:s1], $0x5000  }
0x69: {  	s22 =	simm.s32 @!p2 $0x0;
	s18 =	sadd.s32 @!p2 s16, s14;
	[sflag:s1] =	ssyncset.done @!p2 $0x0  }
0x6a: {  	s24 =	simm.s32 @!p2 $0x13C00;
	[sflag:s1] =	ssyncadd.s32 @!p2 $0xFFFFB000;
	s1 =	simm.s32 @!p2 $0xA0  }
0x6b: {  	[tilespmem:s9], [sflag:$0x3] =	stream.linear.gather @!p2 [hbm4b:s18+s22], $0xA0, $0x38;
	[tilespmem:$0x1E000] =	vst v63  }
0x6c: {  	s9 =	simm.s32 @!p2 $0x2;
	s18 =	sadd.s32 @!p2 $0x14, s18  }
0x6d: {  	[tilespmem:s17], [sflag:$0x5] =	stream.indirect.gather @!p2 [hbm4b:s7+s1], $0x80, s24, s1, $0xb8;
	[tilespmem:$0x1E000] =	vst v63  }
0x6e: {  	_ =	swait.ge @!p2 [sflag:s9], $0xA0  }
0x6f: {  	s1 =	simm.s32 @!p2 $0x8;
	[sflag:s9] =	ssyncset.done @!p2 $0x0  }
0x70: {  	[sflag:s9] =	ssyncadd.s32 @!p2 $0xFFFFFF60  }
0x71: {  	_ =	swait.ge @!p2 [sflag:s1], $0x5000  }
0x72: {  	s9 =	simm.s32 @!p2 $0x13F00;
	[sflag:s1] =	ssyncset.done @!p2 $0x0  }
0x73: {  	[sflag:s1] =	ssyncadd.s32 @!p2 $0xFFFFB000  }
0x74: {  	[tilespmem:s9], [sflag:$0x4] =	stream.linear.gather @!p2 [hbm4b:s18+s22], $0xA0, $0x38;
	[tilespmem:$0x1E000] =	vst v63  }
0x75: {  	_ = 	snop  }
0x76: {  	[tilespmem:s29], [sflag:$0x6] =	stream.indirect.gather [hbm4b:s7+s28], $0x80, s23, s28, $0xb8;
	[tilespmem:$0x1E000] =	vst v63  }
0x77: {  	p2 =	seq.s32 s16, $0x9B0;
	_ =	swait.ge [sflag:s30], $0x5000  }
0x78: {  	s1 =	simm.s32 @p2 $0x3;
	s9 =	sadd.s32 @!p2 s16, s12;
	[sflag:s30] =	ssyncset.done $0x0  }
0x79: {  	s16 =	sadd.s32 @!p2 $0x28, s9;
	s9 =	sadd.s32 @!p2 $0x3C, s9;
	[sflag:s30] =	ssyncadd.s32 $0xFFFFB000  }
0x7a: {  	s17 =	simm.s32 @p2 $0x14000;
	_ =	swait.ge @p2 [sflag:s1], $0xA0  }
0x7b: {  	s18 =	simm.s32 @p2 $0xA0;
	s22 =	simm.s32 @p2 $0x13E00;
	[sflag:s1] =	ssyncset.done @p2 $0x0  }
0x7c: {  	[sflag:s1] =	ssyncadd.s32 @p2 $0xFFFFFF60;
	s1 =	simm.s32 @p2 $0x6  }
0x7d: {  	[spmem:s2] =	stream.indirect.scatter.add.f32 @p2 [tilespmem:s17], [sflag:$0x7], $0x80, s22, s18, $0xb8;
	[tilespmem:$0x1E000] =	vst v63  }
0x7e: {  	_ =	swait.ge @p2 [sflag:s1], $0x5000  }
0x7f: {  	s17 =	simm.s32 @!p2 $0x0;
	s18 =	simm.s32 @!p2 $0x13C00;
	[sflag:s1] =	ssyncset.done @p2 $0x0  }
0x80: {  	[sflag:s1] =	ssyncadd.s32 @p2 $0xFFFFB000;
	s1 =	simm.s32 @!p2 $0x3  }
0x81: {  	[tilespmem:s18], [sflag:$0x1] =	stream.linear.gather @!p2 [hbm4b:s16+s17], $0xA0, $0x38;
	[tilespmem:$0x1E000] =	vst v63  }
0x82: {  	s16 =	simm.s32 @!p2 $0x14000;
	_ =	swait.ge @!p2 [sflag:s1], $0xA0  }
0x83: {  	s22 =	simm.s32 @!p2 $0x13E00;
	s18 =	simm.s32 @!p2 $0xA0;
	[sflag:s1] =	ssyncset.done @!p2 $0x0  }
0x84: {  	[sflag:s1] =	ssyncadd.s32 @!p2 $0xFFFFFF60;
	s1 =	simm.s32 @!p2 $0x6  }
0x85: {  	[spmem:s2] =	stream.indirect.scatter.add.f32 @!p2 [tilespmem:s16], [sflag:$0x7], $0x80, s22, s18, $0xb8;
	[tilespmem:$0x1E000] =	vst v63  }
0x86: {  	_ =	swait.ge @!p2 [sflag:s1], $0x5000  }
.Ltmp3:
0x87: {  	s16 =	simm.s32 @!p2 $0x13D00;
	[sflag:s1] =	ssyncset.done @!p2 $0x0;
	(pc) =	sbr.rel @p1 .LBB2_8-.Ltmp3, $4  }
0x88: {  	[sflag:s1] =	ssyncadd.s32 @!p2 $0xFFFFB000  }
0x89: {  	[tilespmem:s16], [sflag:$0x2] =	stream.linear.gather @!p2 [hbm4b:s9+s17], $0xA0, $0x38;
	[tilespmem:$0x1E000] =	vst v63  }
0x8a: {  	_ =	swait.ge [sflag:s31], $0xA0  }
0x8b: {  	[sflag:s31] =	ssyncset.done $0x0  }
0x8c: {  	[sflag:s31] =	ssyncadd.s32 $0xFFFFFF60  }
0x8d: {  	[spmem:s2] =	stream.indirect.scatter.add.f32 [tilespmem:s29], [sflag:$0x8], $0x80, s25, s28, $0xb8;
	[tilespmem:$0x1E000] =	vst v63  }
0x8e: {  	_ =	swait.ge [sflag:s0], $0x5000  }
0x8f: {  	[sflag:s0] =	ssyncset.done $0x0  }
0x90: {  	[sflag:s0] =	ssyncadd.s32 $0xFFFFB000  }
0x91: {  	_ =	swait.ge [sflag:s4], $0x5000  }
0x92: {  	[sflag:s4] =	ssyncset.done $0x0  }
0x93: {  	[sflag:s4] =	ssyncadd.s32 $0xFFFFB000  }
0x94: {  	[bflag:$0x0] =	sbarrier.arrive $0xFFFF  }
0x95: {  	s1 =	rddreg [dreg:$0x8]  }
0x96: {  	[hbm:s1], [sflag:s19] =	dma.local [spmem:s20], $0x2780  }
0x97: {  	_ =	swait.ge [sflag:s21], $0x2780  }
0x98: {  	[sflag:s21] =	ssyncset.done $0x0  }
0x99: {  	[sflag:s21] =	ssyncadd.s32 $0xFFFFD880  }
0x9a: {  	[bflag:$0x0] =	sbarrier.arrive $0xFFFF  }
0x9b: {  	s18 =	rddreg [dreg:$0x1]  }
0x9c: {  	[spmem:s20], [sflag:s19] =	dma.local [hbm:s18], $0x2780  }
0x9d: {  	_ =	swait.ge [sflag:s21], $0x2780  }
0x9e: {  	[sflag:s21] =	ssyncset.done $0x0  }
0x9f: {  	s22 =	simm.s32 $0x0;
	s9 =	simm.s32 $0x13C00;
	[sflag:s21] =	ssyncadd.s32 $0xFFFFD880  }
0xa0: {  	[tilespmem:s9], [sflag:$0x1] =	stream.linear.gather [hbm4b:s12+s22], $0xA0, $0x38;
	[tilespmem:$0x1E000] =	vst v63  }
0xa1: {  	_ = 	snop  }
0xa2: {  	[tilespmem:s23], [sflag:$0x2] =	stream.linear.gather [hbm4b:s13+s22], $0xA0, $0x38;
	[tilespmem:$0x1E000] =	vst v63  }
0xa3: {  	s24 =	simm.s32 $0x13E00  }
0xa4: {  	[tilespmem:s24], [sflag:$0x3] =	stream.linear.gather [hbm4b:s14+s22], $0xA0, $0x38;
	[tilespmem:$0x1E000] =	vst v63  }
0xa5: {  	_ = 	snop  }
0xa6: {  	[tilespmem:s25], [sflag:$0x4] =	stream.linear.gather [hbm4b:s15+s22], $0xA0, $0x38;
	[tilespmem:$0x1E000] =	vst v63  }
0xa7: {  	[bflag:$0x0] =	sbarrier.arrive $0xFFFF  }
0xa8: {  	p1 =	por $0x1, $0x1;
	_ =	swait.ge [sflag:s26], $0xA0  }
0xa9: {  	s11 =	simm.s32 @p1 $0x14000;
	s16 =	simm.s32 @p1 $0x2;
	[sflag:s26] =	ssyncset.done $0x0  }
0xaa: {  	s1 =	simm.s32 @p1 $0xA0;
	s9 =	simm.s32 @p1 $0x13C00;
	[sflag:s26] =	ssyncadd.s32 $0xFFFFFF60  }
0xab: {  	[tilespmem:s11], [sflag:$0x5] =	stream.indirect.gather @p1 [hbm4b:s8+s1], $0x80, s9, s1, $0xb8;
	[tilespmem:$0x1E000] =	vst v63  }
0xac: {  	_ =	swait.ge @p1 [sflag:s16], $0xA0  }
0xad: {  	[sflag:s16] =	ssyncset.done @p1 $0x0  }
0xae: {  	s1 =	simm.s32 @!p1 $0x7;
	[sflag:s16] =	ssyncadd.s32 @p1 $0xFFFFFF60  }
0xaf: {  	_ =	swait.ge @!p1 [sflag:s1], $0x5000  }
0xb0: {  	s9 =	simm.s32 @!p1 $0x13E00;
	[sflag:s1] =	ssyncset.done @!p1 $0x0  }
0xb1: {  	s11 =	sadd.s32 @!p1 $0x0, s14;
	s16 =	simm.s32 @!p1 $0x0;
	[sflag:s1] =	ssyncadd.s32 @!p1 $0xFFFFB000  }
0xb2: {  	[tilespmem:s9], [sflag:$0x3] =	stream.linear.gather @!p1 [hbm4b:s11+s16], $0xA0, $0x38;
	[tilespmem:$0x1E000] =	vst v63  }
0xb3: {  	s17 =	simm.s32 @!p1 $0x13C00;
	s1 =	simm.s32 @!p1 $0x14000;
	s9 =	simm.s32 @!p1 $0xA0  }
0xb4: {  	[tilespmem:s1], [sflag:$0x5] =	stream.indirect.gather @!p1 [hbm4b:s8+s9], $0x80, s17, s9, $0xb8;
	[tilespmem:$0x1E000] =	vst v63  }
0xb5: {  	s1 =	simm.s32 @!p1 $0x2  }
0xb6: {  	_ =	swait.ge @!p1 [sflag:s1], $0xA0  }
0xb7: {  	[sflag:s1] =	ssyncset.done @!p1 $0x0  }
0xb8: {  	s9 =	simm.s32 @!p1 $0x8;
	[sflag:s1] =	ssyncadd.s32 @!p1 $0xFFFFFF60  }
0xb9: {  	_ =	swait.ge @!p1 [sflag:s9], $0x5000  }
0xba: {  	[sflag:s9] =	ssyncset.done @!p1 $0x0  }
0xbb: {  	s1 =	sadd.s32 @!p1 $0x14, s11;
	s11 =	simm.s32 @!p1 $0x13F00;
	[sflag:s9] =	ssyncadd.s32 @!p1 $0xFFFFB000  }
0xbc: {  	[tilespmem:s11], [sflag:$0x4] =	stream.linear.gather @!p1 [hbm4b:s1+s16], $0xA0, $0x38;
	[tilespmem:$0x1E000] =	vst v63  }
0xbd: {  	_ = 	snop  }
0xbe: {  	[tilespmem:s29], [sflag:$0x6] =	stream.indirect.gather [hbm4b:s8+s28], $0x80, s23, s28, $0xb8;
	[tilespmem:$0x1E000] =	vst v63  }
0xbf: {  	_ =	swait.ge [sflag:s30], $0x5000  }
0xc0: {  	p1 =	por $0x0, $0x0;
	[sflag:s30] =	ssyncset.done $0x0  }
0xc1: {  	s1 =	simm.s32 @p1 $0x3;
	[sflag:s30] =	ssyncadd.s32 $0xFFFFB000  }
0xc2: {  	_ =	swait.ge @p1 [sflag:s1], $0xA0  }
0xc3: {  	s9 =	simm.s32 @p1 $0x14000;
	s11 =	simm.s32 @p1 $0xA0;
	[sflag:s1] =	ssyncset.done @p1 $0x0  }
0xc4: {  	s16 =	simm.s32 @p1 $0x13E00;
	[sflag:s1] =	ssyncadd.s32 @p1 $0xFFFFFF60;
	s1 =	simm.s32 @p1 $0x6  }
0xc5: {  	[spmem:s2] =	stream.indirect.scatter.add.f32 @p1 [tilespmem:s9], [sflag:$0x7], $0x80, s16, s11, $0xb8;
	[tilespmem:$0x1E000] =	vst v63  }
0xc6: {  	s17 =	simm.s32 @!p1 $0x13C00;
	_ =	swait.ge @p1 [sflag:s1], $0x5000  }
0xc7: {  	s9 =	sadd.s32 @!p1 $0x0, s12;
	s16 =	simm.s32 @!p1 $0x0;
	[sflag:s1] =	ssyncset.done @p1 $0x0  }
0xc8: {  	s11 =	sadd.s32 @!p1 $0x28, s9;
	[sflag:s1] =	ssyncadd.s32 @p1 $0xFFFFB000;
	s1 =	simm.s32 @!p1 $0x3  }
0xc9: {  	[tilespmem:s17], [sflag:$0x1] =	stream.linear.gather @!p1 [hbm4b:s11+s16], $0xA0, $0x38;
	[tilespmem:$0x1E000] =	vst v63  }
0xca: {  	_ =	swait.ge @!p1 [sflag:s1], $0xA0  }
0xcb: {  	s11 =	simm.s32 @!p1 $0x14000;
	[sflag:s1] =	ssyncset.done @!p1 $0x0  }
0xcc: {  	s17 =	simm.s32 @!p1 $0xA0;
	[sflag:s1] =	ssyncadd.s32 @!p1 $0xFFFFFF60;
	s1 =	simm.s32 @!p1 $0x13E00  }
0xcd: {  	[spmem:s2] =	stream.indirect.scatter.add.f32 @!p1 [tilespmem:s11], [sflag:$0x7], $0x80, s1, s17, $0xb8;
	[tilespmem:$0x1E000] =	vst v63  }
0xce: {  	s1 =	simm.s32 @!p1 $0x6  }
0xcf: {  	_ =	swait.ge @!p1 [sflag:s1], $0x5000  }
0xd0: {  	[sflag:s1] =	ssyncset.done @!p1 $0x0  }
0xd1: {  	s9 =	sadd.s32 @!p1 $0x3C, s9;
	[sflag:s1] =	ssyncadd.s32 @!p1 $0xFFFFB000;
	s1 =	simm.s32 @!p1 $0x13D00  }
0xd2: {  	[tilespmem:s1], [sflag:$0x2] =	stream.linear.gather @!p1 [hbm4b:s9+s16], $0xA0, $0x38;
	[tilespmem:$0x1E000] =	vst v63  }
0xd3: {  	_ =	swait.ge [sflag:s31], $0xA0  }
0xd4: {  	s11 =	simm.s32 $0x28;
	[sflag:s31] =	ssyncset.done $0x0  }
.LBB2_10:
0xd5: {  	[sflag:s31] =	ssyncadd.s32 $0xFFFFFF60;
	s16 =	smov.u32 s11;
	s11 =	sadd.s32 $0x28, s11  }
0xd6: {  	[spmem:s2] =	stream.indirect.scatter.add.f32 [tilespmem:s29], [sflag:$0x8], $0x80, s25, s28, $0xb8;
	[tilespmem:$0x1E000] =	vst v63  }
0xd7: {  	p2 =	seq.s32 s16, $0x0;
	p1 =	sne.s32 s11, $0x9D8;
	_ =	swait.ge [sflag:s26], $0xA0  }
0xd8: {  	s1 =	simm.s32 @p2 $0xA0;
	s9 =	simm.s32 @p2 $0x13C00;
	[sflag:s26] =	ssyncset.done $0x0  }
0xd9: {  	s17 =	simm.s32 @p2 $0x14000;
	s18 =	simm.s32 @p2 $0x2;
	[sflag:s26] =	ssyncadd.s32 $0xFFFFFF60  }
0xda: {  	[tilespmem:s17], [sflag:$0x5] =	stream.indirect.gather @p2 [hbm4b:s8+s1], $0x80, s9, s1, $0xb8;
	[tilespmem:$0x1E000] =	vst v63  }
0xdb: {  	_ =	swait.ge @p2 [sflag:s18], $0xA0  }
0xdc: {  	s1 =	simm.s32 @!p2 $0x7;
	[sflag:s18] =	ssyncset.done @p2 $0x0  }
0xdd: {  	[sflag:s18] =	ssyncadd.s32 @p2 $0xFFFFFF60  }
0xde: {  	s9 =	simm.s32 @!p2 $0x13E00;
	s17 =	simm.s32 @!p2 $0x14000;
	_ =	swait.ge @!p2 [sflag:s1], $0x5000  }
0xdf: {  	s22 =	simm.s32 @!p2 $0x0;
	s18 =	sadd.s32 @!p2 s16, s14;
	[sflag:s1] =	ssyncset.done @!p2 $0x0  }
0xe0: {  	s24 =	simm.s32 @!p2 $0x13C00;
	[sflag:s1] =	ssyncadd.s32 @!p2 $0xFFFFB000;
	s1 =	simm.s32 @!p2 $0xA0  }
0xe1: {  	[tilespmem:s9], [sflag:$0x3] =	stream.linear.gather @!p2 [hbm4b:s18+s22], $0xA0, $0x38;
	[tilespmem:$0x1E000] =	vst v63  }
0xe2: {  	s9 =	simm.s32 @!p2 $0x2;
	s18 =	sadd.s32 @!p2 $0x14, s18  }
0xe3: {  	[tilespmem:s17], [sflag:$0x5] =	stream.indirect.gather @!p2 [hbm4b:s8+s1], $0x80, s24, s1, $0xb8;
	[tilespmem:$0x1E000] =	vst v63  }
0xe4: {  	_ =	swait.ge @!p2 [sflag:s9], $0xA0  }
0xe5: {  	s1 =	simm.s32 @!p2 $0x8;
	[sflag:s9] =	ssyncset.done @!p2 $0x0  }
0xe6: {  	[sflag:s9] =	ssyncadd.s32 @!p2 $0xFFFFFF60  }
0xe7: {  	_ =	swait.ge @!p2 [sflag:s1], $0x5000  }
0xe8: {  	s9 =	simm.s32 @!p2 $0x13F00;
	[sflag:s1] =	ssyncset.done @!p2 $0x0  }
0xe9: {  	[sflag:s1] =	ssyncadd.s32 @!p2 $0xFFFFB000  }
0xea: {  	[tilespmem:s9], [sflag:$0x4] =	stream.linear.gather @!p2 [hbm4b:s18+s22], $0xA0, $0x38;
	[tilespmem:$0x1E000] =	vst v63  }
0xeb: {  	_ = 	snop  }
0xec: {  	[tilespmem:s29], [sflag:$0x6] =	stream.indirect.gather [hbm4b:s8+s28], $0x80, s23, s28, $0xb8;
	[tilespmem:$0x1E000] =	vst v63  }
0xed: {  	p2 =	seq.s32 s16, $0x9B0;
	_ =	swait.ge [sflag:s30], $0x5000  }
0xee: {  	s1 =	simm.s32 @p2 $0x3;
	s9 =	sadd.s32 @!p2 s16, s12;
	[sflag:s30] =	ssyncset.done $0x0  }
0xef: {  	s16 =	sadd.s32 @!p2 $0x28, s9;
	s9 =	sadd.s32 @!p2 $0x3C, s9;
	[sflag:s30] =	ssyncadd.s32 $0xFFFFB000  }
0xf0: {  	s17 =	simm.s32 @p2 $0x14000;
	_ =	swait.ge @p2 [sflag:s1], $0xA0  }
0xf1: {  	s18 =	simm.s32 @p2 $0xA0;
	s22 =	simm.s32 @p2 $0x13E00;
	[sflag:s1] =	ssyncset.done @p2 $0x0  }
0xf2: {  	[sflag:s1] =	ssyncadd.s32 @p2 $0xFFFFFF60;
	s1 =	simm.s32 @p2 $0x6  }
0xf3: {  	[spmem:s2] =	stream.indirect.scatter.add.f32 @p2 [tilespmem:s17], [sflag:$0x7], $0x80, s22, s18, $0xb8;
	[tilespmem:$0x1E000] =	vst v63  }
0xf4: {  	_ =	swait.ge @p2 [sflag:s1], $0x5000  }
0xf5: {  	s17 =	simm.s32 @!p2 $0x0;
	s18 =	simm.s32 @!p2 $0x13C00;
	[sflag:s1] =	ssyncset.done @p2 $0x0  }
0xf6: {  	[sflag:s1] =	ssyncadd.s32 @p2 $0xFFFFB000;
	s1 =	simm.s32 @!p2 $0x3  }
0xf7: {  	[tilespmem:s18], [sflag:$0x1] =	stream.linear.gather @!p2 [hbm4b:s16+s17], $0xA0, $0x38;
	[tilespmem:$0x1E000] =	vst v63  }
0xf8: {  	s16 =	simm.s32 @!p2 $0x14000;
	_ =	swait.ge @!p2 [sflag:s1], $0xA0  }
0xf9: {  	s22 =	simm.s32 @!p2 $0x13E00;
	s18 =	simm.s32 @!p2 $0xA0;
	[sflag:s1] =	ssyncset.done @!p2 $0x0  }
0xfa: {  	[sflag:s1] =	ssyncadd.s32 @!p2 $0xFFFFFF60;
	s1 =	simm.s32 @!p2 $0x6  }
0xfb: {  	[spmem:s2] =	stream.indirect.scatter.add.f32 @!p2 [tilespmem:s16], [sflag:$0x7], $0x80, s22, s18, $0xb8;
	[tilespmem:$0x1E000] =	vst v63  }
0xfc: {  	_ =	swait.ge @!p2 [sflag:s1], $0x5000  }
.Ltmp4:
0xfd: {  	s16 =	simm.s32 @!p2 $0x13D00;
	[sflag:s1] =	ssyncset.done @!p2 $0x0;
	(pc) =	sbr.rel @p1 .LBB2_10-.Ltmp4, $4  }
0xfe: {  	[sflag:s1] =	ssyncadd.s32 @!p2 $0xFFFFB000  }
0xff: {  	[tilespmem:s16], [sflag:$0x2] =	stream.linear.gather @!p2 [hbm4b:s9+s17], $0xA0, $0x38;
	[tilespmem:$0x1E000] =	vst v63  }
0x100: {  	_ =	swait.ge [sflag:s31], $0xA0  }
0x101: {  	[sflag:s31] =	ssyncset.done $0x0  }
.Ltmp5:
0x102: {  	_ = 	snop;
	(pc) =	sbr.rel .LBB2_11-.Ltmp5, $1  }
0x103: {  	_ =	sdelay $0x3  }
.LBB2_2:
0x104: {  	_ =	swait.ge [sflag:s26], $0xA0;
	p1 =	por $0x1, $0x1  }
0x105: {  	[sflag:s26] =	ssyncset.done $0x0;
	s11 =	simm.s32 @p1 $0xA0;
	s16 =	simm.s32 @p1 $0x13C00  }
0x106: {  	s17 =	simm.s32 @p1 $0x14000;
	s1 =	simm.s32 @p1 $0x2;
	[sflag:s26] =	ssyncadd.s32 $0xFFFFFF60  }
0x107: {  	[tilespmem:s17], [sflag:$0x5] =	stream.indirect.gather @p1 [hbm4b:s5+s11], $0x80, s16, s11, $0xb8;
	[tilespmem:$0x1E000] =	vst v63  }
0x108: {  	_ =	swait.ge @p1 [sflag:s1], $0xA0  }
0x109: {  	[sflag:s1] =	ssyncset.done @p1 $0x0  }
0x10a: {  	s11 =	simm.s32 @!p1 $0x7;
	[sflag:s1] =	ssyncadd.s32 @p1 $0xFFFFFF60  }
0x10b: {  	_ =	swait.ge @!p1 [sflag:s11], $0x5000  }
0x10c: {  	s22 =	simm.s32 @!p1 $0x0;
	s24 =	simm.s32 @!p1 $0x2;
	[sflag:s11] =	ssyncset.done @!p1 $0x0  }
0x10d: {  	s17 =	sadd.s32 @!p1 $0x0, s14;
	s1 =	simm.s32 @!p1 $0x13E00;
	[sflag:s11] =	ssyncadd.s32 @!p1 $0xFFFFB000  }
0x10e: {  	[tilespmem:s1], [sflag:$0x3] =	stream.linear.gather @!p1 [hbm4b:s17+s22], $0xA0, $0x38;
	[tilespmem:$0x1E000] =	vst v63  }
0x10f: {  	s16 =	simm.s32 @!p1 $0x14000;
	s11 =	simm.s32 @!p1 $0x13C00;
	s1 =	simm.s32 @!p1 $0xA0  }
0x110: {  	[tilespmem:s16], [sflag:$0x5] =	stream.indirect.gather @!p1 [hbm4b:s5+s1], $0x80, s11, s1, $0xb8;
	[tilespmem:$0x1E000] =	vst v63  }
0x111: {  	_ =	swait.ge @!p1 [sflag:s24], $0xA0  }
0x112: {  	[sflag:s24] =	ssyncset.done @!p1 $0x0  }
0x113: {  	s1 =	simm.s32 @!p1 $0x8;
	[sflag:s24] =	ssyncadd.s32 @!p1 $0xFFFFFF60  }
0x114: {  	_ =	swait.ge @!p1 [sflag:s1], $0x5000  }
0x115: {  	[sflag:s1] =	ssyncset.done @!p1 $0x0  }
0x116: {  	s11 =	sadd.s32 @!p1 $0x14, s17;
	s16 =	simm.s32 @!p1 $0x13F00;
	[sflag:s1] =	ssyncadd.s32 @!p1 $0xFFFFB000  }
0x117: {  	[tilespmem:s16], [sflag:$0x4] =	stream.linear.gather @!p1 [hbm4b:s11+s22], $0xA0, $0x38;
	[tilespmem:$0x1E000] =	vst v63  }
0x118: {  	_ = 	snop  }
0x119: {  	[tilespmem:s29], [sflag:$0x6] =	stream.indirect.gather [hbm4b:s5+s28], $0x80, s23, s28, $0xb8;
	[tilespmem:$0x1E000] =	vst v63  }
0x11a: {  	_ =	swait.ge [sflag:s30], $0x5000  }
0x11b: {  	p1 =	por $0x0, $0x0;
	[sflag:s30] =	ssyncset.done $0x0  }
0x11c: {  	s1 =	simm.s32 @p1 $0x3;
	[sflag:s30] =	ssyncadd.s32 $0xFFFFB000  }
0x11d: {  	_ =	swait.ge @p1 [sflag:s1], $0xA0  }
0x11e: {  	s11 =	simm.s32 @p1 $0x14000;
	s16 =	simm.s32 @p1 $0xA0;
	[sflag:s1] =	ssyncset.done @p1 $0x0  }
0x11f: {  	s17 =	simm.s32 @p1 $0x13E00;
	[sflag:s1] =	ssyncadd.s32 @p1 $0xFFFFFF60;
	s1 =	simm.s32 @p1 $0x6  }
0x120: {  	[spmem:s2] =	stream.indirect.scatter.add.f32 @p1 [tilespmem:s11], [sflag:$0x7], $0x80, s17, s16, $0xb8;
	[tilespmem:$0x1E000] =	vst v63  }
0x121: {  	s22 =	simm.s32 @!p1 $0x13C00;
	_ =	swait.ge @p1 [sflag:s1], $0x5000  }
0x122: {  	s11 =	sadd.s32 @!p1 $0x0, s12;
	s17 =	simm.s32 @!p1 $0x0;
	[sflag:s1] =	ssyncset.done @p1 $0x0  }
0x123: {  	s16 =	sadd.s32 @!p1 $0x28, s11;
	[sflag:s1] =	ssyncadd.s32 @p1 $0xFFFFB000;
	s1 =	simm.s32 @!p1 $0x3  }
0x124: {  	[tilespmem:s22], [sflag:$0x1] =	stream.linear.gather @!p1 [hbm4b:s16+s17], $0xA0, $0x38;
	[tilespmem:$0x1E000] =	vst v63  }
0x125: {  	_ =	swait.ge @!p1 [sflag:s1], $0xA0  }
0x126: {  	s24 =	simm.s32 @!p1 $0x13E00;
	s16 =	simm.s32 @!p1 $0x14000;
	[sflag:s1] =	ssyncset.done @!p1 $0x0  }
0x127: {  	s22 =	simm.s32 @!p1 $0xA0;
	[sflag:s1] =	ssyncadd.s32 @!p1 $0xFFFFFF60;
	s1 =	simm.s32 @!p1 $0x6  }
0x128: {  	[spmem:s2] =	stream.indirect.scatter.add.f32 @!p1 [tilespmem:s16], [sflag:$0x7], $0x80, s24, s22, $0xb8;
	[tilespmem:$0x1E000] =	vst v63  }
0x129: {  	_ =	swait.ge @!p1 [sflag:s1], $0x5000  }
0x12a: {  	[sflag:s1] =	ssyncset.done @!p1 $0x0  }
0x12b: {  	s11 =	sadd.s32 @!p1 $0x3C, s11;
	s16 =	simm.s32 @!p1 $0x13D00;
	[sflag:s1] =	ssyncadd.s32 @!p1 $0xFFFFB000  }
0x12c: {  	[tilespmem:s16], [sflag:$0x2] =	stream.linear.gather @!p1 [hbm4b:s11+s17], $0xA0, $0x38;
	[tilespmem:$0x1E000] =	vst v63  }
0x12d: {  	_ =	swait.ge [sflag:s31], $0xA0  }
0x12e: {  	s11 =	simm.s32 $0x28;
	[sflag:s31] =	ssyncset.done $0x0  }
.LBB2_3:
0x12f: {  	[sflag:s31] =	ssyncadd.s32 $0xFFFFFF60;
	s16 =	smov.u32 s11;
	s11 =	sadd.s32 $0x28, s11  }
0x130: {  	[spmem:s2] =	stream.indirect.scatter.add.f32 [tilespmem:s29], [sflag:$0x8], $0x80, s25, s28, $0xb8;
	[tilespmem:$0x1E000] =	vst v63  }
0x131: {  	p2 =	seq.s32 s16, $0x0;
	p1 =	sne.s32 s11, $0x9D8;
	_ =	swait.ge [sflag:s26], $0xA0  }
0x132: {  	s1 =	simm.s32 @p2 $0xA0;
	s17 =	simm.s32 @p2 $0x13C00;
	[sflag:s26] =	ssyncset.done $0x0  }
0x133: {  	s22 =	simm.s32 @p2 $0x14000;
	s24 =	simm.s32 @p2 $0x2;
	[sflag:s26] =	ssyncadd.s32 $0xFFFFFF60  }
0x134: {  	[tilespmem:s22], [sflag:$0x5] =	stream.indirect.gather @p2 [hbm4b:s5+s1], $0x80, s17, s1, $0xb8;
	[tilespmem:$0x1E000] =	vst v63  }
0x135: {  	_ =	swait.ge @p2 [sflag:s24], $0xA0  }
0x136: {  	s1 =	simm.s32 @!p2 $0x7;
	[sflag:s24] =	ssyncset.done @p2 $0x0  }
0x137: {  	[sflag:s24] =	ssyncadd.s32 @p2 $0xFFFFFF60  }
0x138: {  	s17 =	simm.s32 @!p2 $0x13E00;
	s22 =	simm.s32 @!p2 $0x14000;
	_ =	swait.ge @!p2 [sflag:s1], $0x5000  }
0x139: {  	s18 =	simm.s32 @!p2 $0x0;
	s24 =	sadd.s32 @!p2 s16, s14;
	[sflag:s1] =	ssyncset.done @!p2 $0x0  }
0x13a: {  	s9 =	simm.s32 @!p2 $0x13C00;
	[sflag:s1] =	ssyncadd.s32 @!p2 $0xFFFFB000;
	s1 =	simm.s32 @!p2 $0xA0  }
0x13b: {  	[tilespmem:s17], [sflag:$0x3] =	stream.linear.gather @!p2 [hbm4b:s24+s18], $0xA0, $0x38;
	[tilespmem:$0x1E000] =	vst v63  }
0x13c: {  	s17 =	simm.s32 @!p2 $0x2;
	s24 =	sadd.s32 @!p2 $0x14, s24  }
0x13d: {  	[tilespmem:s22], [sflag:$0x5] =	stream.indirect.gather @!p2 [hbm4b:s5+s1], $0x80, s9, s1, $0xb8;
	[tilespmem:$0x1E000] =	vst v63  }
0x13e: {  	_ =	swait.ge @!p2 [sflag:s17], $0xA0  }
0x13f: {  	s1 =	simm.s32 @!p2 $0x8;
	[sflag:s17] =	ssyncset.done @!p2 $0x0  }
0x140: {  	[sflag:s17] =	ssyncadd.s32 @!p2 $0xFFFFFF60  }
0x141: {  	_ =	swait.ge @!p2 [sflag:s1], $0x5000  }
0x142: {  	s9 =	simm.s32 @!p2 $0x13F00;
	[sflag:s1] =	ssyncset.done @!p2 $0x0  }
0x143: {  	[sflag:s1] =	ssyncadd.s32 @!p2 $0xFFFFB000  }
0x144: {  	[tilespmem:s9], [sflag:$0x4] =	stream.linear.gather @!p2 [hbm4b:s24+s18], $0xA0, $0x38;
	[tilespmem:$0x1E000] =	vst v63  }
0x145: {  	_ = 	snop  }
0x146: {  	[tilespmem:s29], [sflag:$0x6] =	stream.indirect.gather [hbm4b:s5+s28], $0x80, s23, s28, $0xb8;
	[tilespmem:$0x1E000] =	vst v63  }
0x147: {  	p2 =	seq.s32 s16, $0x9B0;
	_ =	swait.ge [sflag:s30], $0x5000  }
0x148: {  	s1 =	simm.s32 @p2 $0x3;
	s9 =	sadd.s32 @!p2 s16, s12;
	[sflag:s30] =	ssyncset.done $0x0  }
0x149: {  	s16 =	sadd.s32 @!p2 $0x28, s9;
	s9 =	sadd.s32 @!p2 $0x3C, s9;
	[sflag:s30] =	ssyncadd.s32 $0xFFFFB000  }
0x14a: {  	s17 =	simm.s32 @p2 $0x14000;
	_ =	swait.ge @p2 [sflag:s1], $0xA0  }
0x14b: {  	s18 =	simm.s32 @p2 $0xA0;
	s22 =	simm.s32 @p2 $0x13E00;
	[sflag:s1] =	ssyncset.done @p2 $0x0  }
0x14c: {  	[sflag:s1] =	ssyncadd.s32 @p2 $0xFFFFFF60;
	s1 =	simm.s32 @p2 $0x6  }
0x14d: {  	[spmem:s2] =	stream.indirect.scatter.add.f32 @p2 [tilespmem:s17], [sflag:$0x7], $0x80, s22, s18, $0xb8;
	[tilespmem:$0x1E000] =	vst v63  }
0x14e: {  	_ =	swait.ge @p2 [sflag:s1], $0x5000  }
0x14f: {  	s17 =	simm.s32 @!p2 $0x0;
	s18 =	simm.s32 @!p2 $0x13C00;
	[sflag:s1] =	ssyncset.done @p2 $0x0  }
0x150: {  	[sflag:s1] =	ssyncadd.s32 @p2 $0xFFFFB000;
	s1 =	simm.s32 @!p2 $0x3  }
0x151: {  	[tilespmem:s18], [sflag:$0x1] =	stream.linear.gather @!p2 [hbm4b:s16+s17], $0xA0, $0x38;
	[tilespmem:$0x1E000] =	vst v63  }
0x152: {  	s16 =	simm.s32 @!p2 $0x14000;
	_ =	swait.ge @!p2 [sflag:s1], $0xA0  }
0x153: {  	s22 =	simm.s32 @!p2 $0x13E00;
	s18 =	simm.s32 @!p2 $0xA0;
	[sflag:s1] =	ssyncset.done @!p2 $0x0  }
0x154: {  	[sflag:s1] =	ssyncadd.s32 @!p2 $0xFFFFFF60;
	s1 =	simm.s32 @!p2 $0x6  }
0x155: {  	[spmem:s2] =	stream.indirect.scatter.add.f32 @!p2 [tilespmem:s16], [sflag:$0x7], $0x80, s22, s18, $0xb8;
	[tilespmem:$0x1E000] =	vst v63  }
0x156: {  	_ =	swait.ge @!p2 [sflag:s1], $0x5000  }
.Ltmp6:
0x157: {  	s16 =	simm.s32 @!p2 $0x13D00;
	[sflag:s1] =	ssyncset.done @!p2 $0x0;
	(pc) =	sbr.rel @p1 .LBB2_3-.Ltmp6, $4  }
0x158: {  	[sflag:s1] =	ssyncadd.s32 @!p2 $0xFFFFB000  }
0x159: {  	[tilespmem:s16], [sflag:$0x2] =	stream.linear.gather @!p2 [hbm4b:s9+s17], $0xA0, $0x38;
	[tilespmem:$0x1E000] =	vst v63  }
0x15a: {  	_ =	swait.ge [sflag:s31], $0xA0  }
0x15b: {  	[sflag:s31] =	ssyncset.done $0x0  }
0x15c: {  	[sflag:s31] =	ssyncadd.s32 $0xFFFFFF60  }
0x15d: {  	[spmem:s2] =	stream.indirect.scatter.add.f32 [tilespmem:s29], [sflag:$0x8], $0x80, s25, s28, $0xb8;
	[tilespmem:$0x1E000] =	vst v63  }
0x15e: {  	_ =	swait.ge [sflag:s0], $0x5000  }
0x15f: {  	[sflag:s0] =	ssyncset.done $0x0  }
0x160: {  	[sflag:s0] =	ssyncadd.s32 $0xFFFFB000  }
0x161: {  	_ =	swait.ge [sflag:s4], $0x5000  }
0x162: {  	[sflag:s4] =	ssyncset.done $0x0  }
0x163: {  	[sflag:s4] =	ssyncadd.s32 $0xFFFFB000  }
0x164: {  	[bflag:$0x0] =	sbarrier.arrive $0xFFFF  }
0x165: {  	s1 =	rddreg [dreg:$0x7]  }
0x166: {  	[hbm:s1], [sflag:s19] =	dma.local [spmem:s20], $0x2780  }
0x167: {  	_ =	swait.ge [sflag:s21], $0x2780  }
0x168: {  	[sflag:s21] =	ssyncset.done $0x0  }
0x169: {  	[sflag:s21] =	ssyncadd.s32 $0xFFFFD880  }
0x16a: {  	[bflag:$0x0] =	sbarrier.arrive $0xFFFF  }
0x16b: {  	s18 =	rddreg [dreg:$0x1]  }
0x16c: {  	[spmem:s20], [sflag:s19] =	dma.local [hbm:s18], $0x2780  }
0x16d: {  	_ =	swait.ge [sflag:s21], $0x2780  }
0x16e: {  	[sflag:s21] =	ssyncset.done $0x0  }
0x16f: {  	s22 =	simm.s32 $0x0;
	s9 =	simm.s32 $0x13C00;
	[sflag:s21] =	ssyncadd.s32 $0xFFFFD880  }
0x170: {  	[tilespmem:s9], [sflag:$0x1] =	stream.linear.gather [hbm4b:s12+s22], $0xA0, $0x38;
	[tilespmem:$0x1E000] =	vst v63  }
0x171: {  	_ = 	snop  }
0x172: {  	[tilespmem:s23], [sflag:$0x2] =	stream.linear.gather [hbm4b:s13+s22], $0xA0, $0x38;
	[tilespmem:$0x1E000] =	vst v63  }
0x173: {  	s24 =	simm.s32 $0x13E00  }
0x174: {  	[tilespmem:s24], [sflag:$0x3] =	stream.linear.gather [hbm4b:s14+s22], $0xA0, $0x38;
	[tilespmem:$0x1E000] =	vst v63  }
0x175: {  	_ = 	snop  }
0x176: {  	[tilespmem:s25], [sflag:$0x4] =	stream.linear.gather [hbm4b:s15+s22], $0xA0, $0x38;
	[tilespmem:$0x1E000] =	vst v63  }
0x177: {  	[bflag:$0x0] =	sbarrier.arrive $0xFFFF  }
0x178: {  	p1 =	por $0x1, $0x1;
	_ =	swait.ge [sflag:s26], $0xA0  }
0x179: {  	s11 =	simm.s32 @p1 $0x14000;
	s16 =	simm.s32 @p1 $0x2;
	[sflag:s26] =	ssyncset.done $0x0  }
0x17a: {  	s1 =	simm.s32 @p1 $0xA0;
	s9 =	simm.s32 @p1 $0x13C00;
	[sflag:s26] =	ssyncadd.s32 $0xFFFFFF60  }
0x17b: {  	[tilespmem:s11], [sflag:$0x5] =	stream.indirect.gather @p1 [hbm4b:s6+s1], $0x80, s9, s1, $0xb8;
	[tilespmem:$0x1E000] =	vst v63  }
0x17c: {  	_ =	swait.ge @p1 [sflag:s16], $0xA0  }
0x17d: {  	[sflag:s16] =	ssyncset.done @p1 $0x0  }
0x17e: {  	s1 =	simm.s32 @!p1 $0x7;
	[sflag:s16] =	ssyncadd.s32 @p1 $0xFFFFFF60  }
0x17f: {  	_ =	swait.ge @!p1 [sflag:s1], $0x5000  }
0x180: {  	s9 =	simm.s32 @!p1 $0x13E00;
	[sflag:s1] =	ssyncset.done @!p1 $0x0  }
0x181: {  	s11 =	sadd.s32 @!p1 $0x0, s14;
	s16 =	simm.s32 @!p1 $0x0;
	[sflag:s1] =	ssyncadd.s32 @!p1 $0xFFFFB000  }
0x182: {  	[tilespmem:s9], [sflag:$0x3] =	stream.linear.gather @!p1 [hbm4b:s11+s16], $0xA0, $0x38;
	[tilespmem:$0x1E000] =	vst v63  }
0x183: {  	s17 =	simm.s32 @!p1 $0x13C00;
	s1 =	simm.s32 @!p1 $0x14000;
	s9 =	simm.s32 @!p1 $0xA0  }
0x184: {  	[tilespmem:s1], [sflag:$0x5] =	stream.indirect.gather @!p1 [hbm4b:s6+s9], $0x80, s17, s9, $0xb8;
	[tilespmem:$0x1E000] =	vst v63  }
0x185: {  	s1 =	simm.s32 @!p1 $0x2  }
0x186: {  	_ =	swait.ge @!p1 [sflag:s1], $0xA0  }
0x187: {  	[sflag:s1] =	ssyncset.done @!p1 $0x0  }
0x188: {  	s9 =	simm.s32 @!p1 $0x8;
	[sflag:s1] =	ssyncadd.s32 @!p1 $0xFFFFFF60  }
0x189: {  	_ =	swait.ge @!p1 [sflag:s9], $0x5000  }
0x18a: {  	[sflag:s9] =	ssyncset.done @!p1 $0x0  }
0x18b: {  	s1 =	sadd.s32 @!p1 $0x14, s11;
	s11 =	simm.s32 @!p1 $0x13F00;
	[sflag:s9] =	ssyncadd.s32 @!p1 $0xFFFFB000  }
0x18c: {  	[tilespmem:s11], [sflag:$0x4] =	stream.linear.gather @!p1 [hbm4b:s1+s16], $0xA0, $0x38;
	[tilespmem:$0x1E000] =	vst v63  }
0x18d: {  	_ = 	snop  }
0x18e: {  	[tilespmem:s29], [sflag:$0x6] =	stream.indirect.gather [hbm4b:s6+s28], $0x80, s23, s28, $0xb8;
	[tilespmem:$0x1E000] =	vst v63  }
0x18f: {  	_ =	swait.ge [sflag:s30], $0x5000  }
0x190: {  	p1 =	por $0x0, $0x0;
	[sflag:s30] =	ssyncset.done $0x0  }
0x191: {  	s1 =	simm.s32 @p1 $0x3;
	[sflag:s30] =	ssyncadd.s32 $0xFFFFB000  }
0x192: {  	_ =	swait.ge @p1 [sflag:s1], $0xA0  }
0x193: {  	s9 =	simm.s32 @p1 $0x14000;
	s11 =	simm.s32 @p1 $0xA0;
	[sflag:s1] =	ssyncset.done @p1 $0x0  }
0x194: {  	s16 =	simm.s32 @p1 $0x13E00;
	[sflag:s1] =	ssyncadd.s32 @p1 $0xFFFFFF60;
	s1 =	simm.s32 @p1 $0x6  }
0x195: {  	[spmem:s2] =	stream.indirect.scatter.add.f32 @p1 [tilespmem:s9], [sflag:$0x7], $0x80, s16, s11, $0xb8;
	[tilespmem:$0x1E000] =	vst v63  }
0x196: {  	s17 =	simm.s32 @!p1 $0x13C00;
	_ =	swait.ge @p1 [sflag:s1], $0x5000  }
0x197: {  	s9 =	sadd.s32 @!p1 $0x0, s12;
	s16 =	simm.s32 @!p1 $0x0;
	[sflag:s1] =	ssyncset.done @p1 $0x0  }
0x198: {  	s11 =	sadd.s32 @!p1 $0x28, s9;
	[sflag:s1] =	ssyncadd.s32 @p1 $0xFFFFB000;
	s1 =	simm.s32 @!p1 $0x3  }
0x199: {  	[tilespmem:s17], [sflag:$0x1] =	stream.linear.gather @!p1 [hbm4b:s11+s16], $0xA0, $0x38;
	[tilespmem:$0x1E000] =	vst v63  }
0x19a: {  	_ =	swait.ge @!p1 [sflag:s1], $0xA0  }
0x19b: {  	s11 =	simm.s32 @!p1 $0x14000;
	[sflag:s1] =	ssyncset.done @!p1 $0x0  }
0x19c: {  	s17 =	simm.s32 @!p1 $0xA0;
	[sflag:s1] =	ssyncadd.s32 @!p1 $0xFFFFFF60;
	s1 =	simm.s32 @!p1 $0x13E00  }
0x19d: {  	[spmem:s2] =	stream.indirect.scatter.add.f32 @!p1 [tilespmem:s11], [sflag:$0x7], $0x80, s1, s17, $0xb8;
	[tilespmem:$0x1E000] =	vst v63  }
0x19e: {  	s1 =	simm.s32 @!p1 $0x6  }
0x19f: {  	_ =	swait.ge @!p1 [sflag:s1], $0x5000  }
0x1a0: {  	[sflag:s1] =	ssyncset.done @!p1 $0x0  }
0x1a1: {  	s9 =	sadd.s32 @!p1 $0x3C, s9;
	[sflag:s1] =	ssyncadd.s32 @!p1 $0xFFFFB000;
	s1 =	simm.s32 @!p1 $0x13D00  }
0x1a2: {  	[tilespmem:s1], [sflag:$0x2] =	stream.linear.gather @!p1 [hbm4b:s9+s16], $0xA0, $0x38;
	[tilespmem:$0x1E000] =	vst v63  }
0x1a3: {  	_ =	swait.ge [sflag:s31], $0xA0  }
0x1a4: {  	s11 =	simm.s32 $0x28;
	[sflag:s31] =	ssyncset.done $0x0  }
.LBB2_5:
0x1a5: {  	[sflag:s31] =	ssyncadd.s32 $0xFFFFFF60;
	s16 =	smov.u32 s11;
	s11 =	sadd.s32 $0x28, s11  }
0x1a6: {  	[spmem:s2] =	stream.indirect.scatter.add.f32 [tilespmem:s29], [sflag:$0x8], $0x80, s25, s28, $0xb8;
	[tilespmem:$0x1E000] =	vst v63  }
0x1a7: {  	p2 =	seq.s32 s16, $0x0;
	p1 =	seq.s32 s11, $0x9D8;
	_ =	swait.ge [sflag:s26], $0xA0  }
0x1a8: {  	s1 =	simm.s32 @p2 $0xA0;
	s9 =	simm.s32 @p2 $0x13C00;
	[sflag:s26] =	ssyncset.done $0x0  }
0x1a9: {  	s17 =	simm.s32 @p2 $0x14000;
	s18 =	simm.s32 @p2 $0x2;
	[sflag:s26] =	ssyncadd.s32 $0xFFFFFF60  }
0x1aa: {  	[tilespmem:s17], [sflag:$0x5] =	stream.indirect.gather @p2 [hbm4b:s6+s1], $0x80, s9, s1, $0xb8;
	[tilespmem:$0x1E000] =	vst v63  }
0x1ab: {  	_ =	swait.ge @p2 [sflag:s18], $0xA0  }
0x1ac: {  	s1 =	simm.s32 @!p2 $0x7;
	[sflag:s18] =	ssyncset.done @p2 $0x0  }
0x1ad: {  	[sflag:s18] =	ssyncadd.s32 @p2 $0xFFFFFF60  }
0x1ae: {  	s9 =	simm.s32 @!p2 $0x13E00;
	s17 =	simm.s32 @!p2 $0x14000;
	_ =	swait.ge @!p2 [sflag:s1], $0x5000  }
0x1af: {  	s22 =	simm.s32 @!p2 $0x0;
	s18 =	sadd.s32 @!p2 s16, s14;
	[sflag:s1] =	ssyncset.done @!p2 $0x0  }
0x1b0: {  	s24 =	simm.s32 @!p2 $0x13C00;
	[sflag:s1] =	ssyncadd.s32 @!p2 $0xFFFFB000;
	s1 =	simm.s32 @!p2 $0xA0  }
0x1b1: {  	[tilespmem:s9], [sflag:$0x3] =	stream.linear.gather @!p2 [hbm4b:s18+s22], $0xA0, $0x38;
	[tilespmem:$0x1E000] =	vst v63  }
0x1b2: {  	s9 =	simm.s32 @!p2 $0x2;
	s18 =	sadd.s32 @!p2 $0x14, s18  }
0x1b3: {  	[tilespmem:s17], [sflag:$0x5] =	stream.indirect.gather @!p2 [hbm4b:s6+s1], $0x80, s24, s1, $0xb8;
	[tilespmem:$0x1E000] =	vst v63  }
0x1b4: {  	_ =	swait.ge @!p2 [sflag:s9], $0xA0  }
0x1b5: {  	s1 =	simm.s32 @!p2 $0x8;
	[sflag:s9] =	ssyncset.done @!p2 $0x0  }
0x1b6: {  	[sflag:s9] =	ssyncadd.s32 @!p2 $0xFFFFFF60  }
0x1b7: {  	_ =	swait.ge @!p2 [sflag:s1], $0x5000  }
0x1b8: {  	s9 =	simm.s32 @!p2 $0x13F00;
	[sflag:s1] =	ssyncset.done @!p2 $0x0  }
0x1b9: {  	[sflag:s1] =	ssyncadd.s32 @!p2 $0xFFFFB000  }
0x1ba: {  	[tilespmem:s9], [sflag:$0x4] =	stream.linear.gather @!p2 [hbm4b:s18+s22], $0xA0, $0x38;
	[tilespmem:$0x1E000] =	vst v63  }
0x1bb: {  	_ = 	snop  }
0x1bc: {  	[tilespmem:s29], [sflag:$0x6] =	stream.indirect.gather [hbm4b:s6+s28], $0x80, s23, s28, $0xb8;
	[tilespmem:$0x1E000] =	vst v63  }
0x1bd: {  	p2 =	seq.s32 s16, $0x9B0;
	_ =	swait.ge [sflag:s30], $0x5000  }
0x1be: {  	s1 =	simm.s32 @p2 $0x3;
	s9 =	sadd.s32 @!p2 s16, s12;
	[sflag:s30] =	ssyncset.done $0x0  }
0x1bf: {  	s16 =	sadd.s32 @!p2 $0x28, s9;
	s9 =	sadd.s32 @!p2 $0x3C, s9;
	[sflag:s30] =	ssyncadd.s32 $0xFFFFB000  }
0x1c0: {  	s17 =	simm.s32 @p2 $0x14000;
	_ =	swait.ge @p2 [sflag:s1], $0xA0  }
0x1c1: {  	s18 =	simm.s32 @p2 $0xA0;
	s22 =	simm.s32 @p2 $0x13E00;
	[sflag:s1] =	ssyncset.done @p2 $0x0  }
0x1c2: {  	[sflag:s1] =	ssyncadd.s32 @p2 $0xFFFFFF60;
	s1 =	simm.s32 @p2 $0x6  }
0x1c3: {  	[spmem:s2] =	stream.indirect.scatter.add.f32 @p2 [tilespmem:s17], [sflag:$0x7], $0x80, s22, s18, $0xb8;
	[tilespmem:$0x1E000] =	vst v63  }
0x1c4: {  	_ =	swait.ge @p2 [sflag:s1], $0x5000  }
0x1c5: {  	s17 =	simm.s32 @!p2 $0x0;
	s18 =	simm.s32 @!p2 $0x13C00;
	[sflag:s1] =	ssyncset.done @p2 $0x0  }
0x1c6: {  	[sflag:s1] =	ssyncadd.s32 @p2 $0xFFFFB000;
	s1 =	simm.s32 @!p2 $0x3  }
0x1c7: {  	[tilespmem:s18], [sflag:$0x1] =	stream.linear.gather @!p2 [hbm4b:s16+s17], $0xA0, $0x38;
	[tilespmem:$0x1E000] =	vst v63  }
0x1c8: {  	s16 =	simm.s32 @!p2 $0x14000;
	_ =	swait.ge @!p2 [sflag:s1], $0xA0  }
0x1c9: {  	s22 =	simm.s32 @!p2 $0x13E00;
	s18 =	simm.s32 @!p2 $0xA0;
	[sflag:s1] =	ssyncset.done @!p2 $0x0  }
0x1ca: {  	[sflag:s1] =	ssyncadd.s32 @!p2 $0xFFFFFF60;
	s1 =	simm.s32 @!p2 $0x6  }
0x1cb: {  	[spmem:s2] =	stream.indirect.scatter.add.f32 @!p2 [tilespmem:s16], [sflag:$0x7], $0x80, s22, s18, $0xb8;
	[tilespmem:$0x1E000] =	vst v63  }
0x1cc: {  	_ =	swait.ge @!p2 [sflag:s1], $0x5000  }
.Ltmp7:
0x1cd: {  	s16 =	simm.s32 @!p2 $0x13D00;
	[sflag:s1] =	ssyncset.done @!p2 $0x0;
	(pc) =	sbr.rel @!p1 .LBB2_5-.Ltmp7, $4  }
0x1ce: {  	[sflag:s1] =	ssyncadd.s32 @!p2 $0xFFFFB000  }
0x1cf: {  	[tilespmem:s16], [sflag:$0x2] =	stream.linear.gather @!p2 [hbm4b:s9+s17], $0xA0, $0x38;
	[tilespmem:$0x1E000] =	vst v63  }
0x1d0: {  	_ =	swait.ge [sflag:s31], $0xA0  }
0x1d1: {  	[sflag:s31] =	ssyncset.done $0x0  }
.Ltmp8:
0x1d2: {  	(pc) =	sbr.rel .LBB2_12-.Ltmp8, $3  }
0x1d3: {  	_ =	sdelay $0x1  }
0x1d4: {  	[sflag:s31] =	ssyncadd.s32 $0xFFFFFF60;
	s11 =	rddreg [dreg:$0x5]  }
0x1d5: {  	[spmem:s2] =	stream.indirect.scatter.add.f32 [tilespmem:s29], [sflag:$0x8], $0x80, s25, s28, $0xb8;
	[tilespmem:$0x1E000] =	vst v63  }
.LBB2_13:
0x1d6: {  	_ =	sfence.sel $0x180000  }
0x1d7: {  	[bflag:$0x0] =	sbarrier.arrive $0xFFFF  }
0x1d8: {  	_ =	strace $0x90000047  }
0x1d9: {  	s0 =	stileid.u32;
	[bflag:$0x2] =	sbarrier.arrive $0xFFFF  }
0x1da: {  	p0 =	sne.s32 s0, $0x0;
	s0 =	rddreg [dreg:$0x3]  }
0x1db: {  	s0 =	sadd.s32 @!p0 $0x100000, s0  }
0x1dc: {  	[sflag:s0] =	ssyncadd.tile.s32 @!p0 $0x1;
	_ =	shalt  }
.Lfunc_end2:
_tile_overlayer_lowered:
.L_overlay_start_2:
0x1dd: {  	(tag) =	ssettag $0x2  }
0x1de: {  	s0 =	rddreg [dreg:$0x0];
	s2 =	stileid.u32  }
0x1df: {  	s1 =	rddreg [dreg:$0x1];
	p0 =	sne.s32 s2, $0x0  }
0x1e0: {  	s3 =	rddreg [dreg:$0x2];
	[bflag:$0x3] =	sbarrier.arrive $0xFFFF;
	s2 =	simm.s32 @!p0 $0x1C09  }
0x1e1: {  	[timem:s3], [sflag:s2] =	dma.local @!p0 [hbm:s0], s1  }
0x1e2: {  	s0 =	simm.s32 @!p0 $0x9  }
0x1e3: {  	_ =	swait.ge @!p0 [sflag:s0], s1  }
0x1e4: {  	s1 =	ssub.s32 @!p0 $0x0, s1;
	[sflag:s0] =	ssyncset.done @!p0 $0x0  }
0x1e5: {  	[sflag:s0] =	ssyncadd.s32 @!p0 s1  }
0x1e6: {  	[bflag:$0x3] =	sbarrier.arrive $0xFFFF  }
0x1e7: {  	_ =	shalt  }

// kernel: kernel.16.cloned.1.call-start
scs
__scs_entry_jumppad:
0x0: {  	(pc) =	sbr.rel $0x88, $3  }
0x1: {  	(tag) =	ssettag $0x0;
	lr =	simm.s32 $0x1  }
0x2: {  	[smem:$0x3F96] =	sst lr;
	_ =	strace $0xD0000000  }
0x3: {  	_ = 	snop  }
0x4: {  	_ = 	snop  }
0x5: {  	_ = 	snop  }
0x6: {  	_ = 	snop  }
0x7: {  	_ = 	snop  }
__scs_overlays_trampoline_lowered:
0x8: {  	[smem:$0x3FA5] =	sst s0  }
0x9: {  	[smem:$0x3FA6] =	sst s1  }
0xa: {  	[smem:$0x3FA7] =	sst s2  }
0xb: {  	[smem:$0x3FA8] =	sst s3  }
0xc: {  	[smem:$0x3FA9] =	sst s4  }
0xd: {  	[smem:$0x3FAA] =	sst s5  }
0xe: {  	[smem:$0x3FAB] =	sst s6  }
0xf: {  	[smem:$0x3FAC] =	sst s7  }
0x10: {  	[smem:$0x3FAD] =	sst s8  }
0x11: {  	[smem:$0x3FAE] =	sst s9;
	s0 =	simm.s32 @!p0 $0x0  }
0x12: {  	s1 =	sld [smem:$0x3F94];
	s0 =	simm.s32 @p0 $0x1  }
0x13: {  	[smem:$0x3FAF] =	sst s0;
	s0 =	simm.s32 @!p1 $0x0  }
0x14: {  	s2 =	sld [smem:$0x3F93];
	s0 =	simm.s32 @p1 $0x1  }
0x15: {  	[smem:$0x3FB0] =	sst s0;
	s0 =	simm.s32 @!p2 $0x0  }
0x16: {  	s3 =	sld [smem:$0x3FDB];
	s0 =	simm.s32 @p2 $0x1  }
0x17: {  	s4 =	simm.s32 $0x1BF5;
	[smem:$0x3FB2] =	sst s0  }
0x18: {  	s0 =	sld [smem:$0x3F95];
	_ =	swait.ge [sflag:s4], $0x0  }
0x19: {  	s7 =	sld [smem:$0x3F96]  }
0x1a: {  	s8 =	sadd.s32 $0xFFFFE003, lr  }
0x1b: {  	s9 =	sadd.s32 $0xFFFFFEF7, lr;
	s5 =	simm.s32 $0xFFFFFFFF;
	p2 =	slt.u32 s8, $0xFFFFF086  }
0x1c: {  	p1 =	slt.u32 s9, $0xF7A;
	s5 =	simm.s32 @!p2 $0x0  }
0x1d: {  	s5 =	simm.s32 @p1 $0x1;
	p0 =	seq.s32 s7, s2  }
0x1e: {  	s7 =	smul.u32 @!p0 $0xF7A, s2;
	p2 =	seq.s32 @!p0 s5, $0x0  }
0x1f: {  	s9 =	smul.u32 $0xF7A, s1;
	s8 =	simm.s32 @!p0 $0x1BF5;
	p2 =	por !p2, p0  }
0x20: {  	[sflag:s8] =	ssyncset.s32 @!p0 $0xFFFFF086;
	s6 =	sadd.s32 @!p0 s3, s7;
	s7 =	simm.s32 @!p0 $0x108  }
0x21: {  	s3 =	sadd.s32 s3, s9;
	s6 =	sadd.s32 @!p0 $0x88, s6;
	s7 =	simm.s32 @p2 $0x1082  }
0x22: {  	[simem:s7], [sflag:s8] =	dma.local @!p0 [hbm:s6], $0xF7A  }
0x23: {  	s9 =	sor.u32 $0xD0000000, s2;
	s6 =	simm.s32 $0x108;
	_ =	swait.ge @!p0 [sflag:s8], $0x0  }
0x24: {  	s3 =	sadd.s32 $0x88, s3;
	s6 =	simm.s32 @!p1 $0x1082;
	[sflag:s4] =	ssyncset.s32 $0xFFFFF086  }
0x25: {  	[simem:s6], [sflag:s4] =	dma.local [hbm:s3], $0xF7A  }
0x26: {  	[smem:$0x3F96] =	sst s1;
	(tag) =	ssettag s2;
	_ =	strace s9  }
0x27: {  	s1 =	sld [smem:$0x3FA6]  }
0x28: {  	s2 =	sld [smem:$0x3FA7]  }
0x29: {  	s4 =	sld [smem:$0x3FA9]  }
0x2a: {  	p0 =	seq.s32 s5, $0x0;
	s5 =	sld [smem:$0x3FAA]  }
0x2b: {  	s6 =	sld [smem:$0x3FAB]  }
0x2c: {  	s7 =	sld [smem:$0x3FAC]  }
0x2d: {  	s3 =	simm.s32 $0x108;
	s8 =	sld [smem:$0x3FAD]  }
0x2e: {  	s3 =	simm.s32 @!p0 $0x1082;
	s9 =	sld [smem:$0x3FAE]  }
0x2f: {  	lr =	sadd.s32 s0, s3;
	s0 =	sld [smem:$0x3FA5]  }
0x30: {  	s3 =	sld [smem:$0x3FA8]  }
0x31: {  	[smem:$0x3FB1] =	sst s10  }
0x32: {  	s10 =	sld [smem:$0x3FAF];
	_ =	sdelay $0x3  }
0x33: {  	p0 =	seq.s32 s10, $0x1;
	s10 =	sld [smem:$0x3FB1];
	_ =	sdelay $0x3  }
0x34: {  	[smem:$0x3FB1] =	sst s10  }
0x35: {  	s10 =	sld [smem:$0x3FB0];
	_ =	sdelay $0x3  }
0x36: {  	p1 =	seq.s32 s10, $0x1;
	s10 =	sld [smem:$0x3FB1];
	_ =	sdelay $0x3  }
0x37: {  	[smem:$0x3FB1] =	sst s10  }
0x38: {  	s10 =	sld [smem:$0x3FB2]  }
0x39: {  	_ = 	snop;
	(pc) =	sbr.ind lr, $3  }
0x3a: {  	_ = 	snop  }
0x3b: {  	_ = 	snop  }
0x3c: {  	p2 =	seq.s32 s10, $0x1;
	s10 =	sld [smem:$0x3FB1]  }
0x3d: {  	_ =	shalt  }
0x3e: {  	_ =	shalt  }
0x3f: {  	_ =	shalt  }
0x40: {  	_ =	shalt  }
0x41: {  	_ =	shalt  }
0x42: {  	_ =	shalt  }
0x43: {  	_ =	shalt  }
0x44: {  	_ =	shalt  }
0x45: {  	_ =	shalt  }
0x46: {  	_ =	shalt  }
0x47: {  	_ =	shalt  }
0x48: {  	_ =	shalt  }
0x49: {  	_ =	shalt  }
0x4a: {  	_ =	shalt  }
0x4b: {  	_ =	shalt  }
0x4c: {  	_ =	shalt  }
0x4d: {  	_ =	shalt  }
0x4e: {  	_ =	shalt  }
0x4f: {  	_ =	shalt  }
0x50: {  	_ =	shalt  }
0x51: {  	_ =	shalt  }
0x52: {  	_ =	shalt  }
0x53: {  	_ =	shalt  }
0x54: {  	_ =	shalt  }
0x55: {  	_ =	shalt  }
0x56: {  	_ =	shalt  }
0x57: {  	_ =	shalt  }
0x58: {  	_ =	shalt  }
0x59: {  	_ =	shalt  }
0x5a: {  	_ =	shalt  }
0x5b: {  	_ =	shalt  }
0x5c: {  	_ =	shalt  }
0x5d: {  	_ =	shalt  }
0x5e: {  	_ =	shalt  }
0x5f: {  	_ =	shalt  }
0x60: {  	_ =	shalt  }
0x61: {  	_ =	shalt  }
0x62: {  	_ =	shalt  }
0x63: {  	_ =	shalt  }
0x64: {  	_ =	shalt  }
0x65: {  	_ =	shalt  }
0x66: {  	_ =	shalt  }
0x67: {  	_ =	shalt  }
0x68: {  	_ =	shalt  }
0x69: {  	_ =	shalt  }
0x6a: {  	_ =	shalt  }
0x6b: {  	_ =	shalt  }
0x6c: {  	_ =	shalt  }
0x6d: {  	_ =	shalt  }
0x6e: {  	_ =	shalt  }
0x6f: {  	_ =	shalt  }
0x70: {  	_ =	shalt  }
0x71: {  	_ =	shalt  }
0x72: {  	_ =	shalt  }
0x73: {  	_ =	shalt  }
0x74: {  	_ =	shalt  }
0x75: {  	_ =	shalt  }
0x76: {  	_ =	shalt  }
0x77: {  	_ =	shalt  }
0x78: {  	_ =	shalt  }
0x79: {  	_ =	shalt  }
0x7a: {  	_ =	shalt  }
0x7b: {  	_ =	shalt  }
0x7c: {  	_ =	shalt  }
0x7d: {  	_ =	shalt  }
0x7e: {  	_ =	shalt  }
0x7f: {  	_ =	shalt  }
0x80: {  	_ =	shalt  }
0x81: {  	_ =	shalt  }
0x82: {  	_ =	shalt  }
0x83: {  	_ =	shalt  }
0x84: {  	_ =	shalt  }
0x85: {  	_ =	shalt  }
0x86: {  	_ =	shalt  }
0x87: {  	_ =	shalt  }
.Lfunc_end0:
.L_simem_size_0:
called_computation.2_lowered:
.L_overlay_start_0:
0x88: {  	s2 =	sld [smem:$0x3FD9]  }
0x89: {  	s3 =	sld [smem:$0x3FFE];
	_ =	sdelay $0x1  }
0x8a: {  	s1 =	srdreg.scid  }
0x8b: {  	s0 =	sand.u32 $0x1, s1  }
0x8c: {  	s17 =	sshll.u32 s0, $0xA;
	s2 =	sadd.s32 s3, s2  }
0x8d: {  	s2 =	sadd.s32 s2, s17  }
0x8e: {  	[smem:$0x3FBD] =	sst s2  }
0x8f: {  	_ = 	snop  }
0x90: {  	s2 =	sld [smem:$0x3FD0];
	(tm) =	ssettm $0x1  }
0x91: {  	s18 =	sld [smem:$0x3FFB];
	_ =	sdelay $0x3  }
0x92: {  	_ =	strace s18  }
0x93: {  	s3 =	sld [smem:$0x3FFC];
	_ =	sdelay $0x3  }
0x94: {  	_ =	strace s3  }
0x95: {  	s3 =	sld [smem:$0x3FFD];
	_ =	sdelay $0x3  }
0x96: {  	_ =	strace s3  }
0x97: {  	_ =	strace $0x8FFFFFFF  }
0x98: {  	s19 =	sld [smem:$0x3FDB];
	_ =	sdelay $0x1  }
0x99: {  	s4 =	simm.s32 $_scs_section_size  }
0x9a: {  	s5 =	simm.s32 $_size__tile_overlayer_lowered;
	s6 =	simm.s32 $_tile_overlayer_lowered  }
0x9b: {  	s22 =	simm.s32 $0x1BFF;
	s21 =	sshll.u32 s6, $0x1;
	s3 =	sadd.s32 s4, s19  }
0x9c: {  	s7 =	simm.s32 $0x0;
	s20 =	sshll.u32 s5, $0x1;
	s5 =	sadd.s32 s21, s3  }
0x9d: {  	[timem:s7], [sflag:s22] =	dma.local [hbm:s5], s20  }
0x9e: {  	_ =	swait.ge [sflag:s22], s20  }
0x9f: {  	s4 =	ssub.s32 $0x0, s20;
	[sflag:s22] =	ssyncset.done $0x0  }
0xa0: {  	[sflag:s22] =	ssyncadd.s32 s4;
	_ =	sdelay $0x1  }
0xa1: {  	s23 =	simm.s32 $0x1B8B  }
0xa2: {  	_ =	swait.ge [sflag:s23], $0x1  }
0xa3: {  	[sflag:s23] =	ssyncset.done $0x0  }
0xa4: {  	s25 =	simm.s32 $0x1B8E;
	s24 =	sld [smem:$0x3FFE];
	[sflag:s23] =	ssyncadd.s32 $0xFFFFFFFF  }
0xa5: {  	s26 =	simm.s32 $execute0_lowered;
	[smem:$0x3FD2] =	sst s25  }
0xa6: {  	s5 =	sshll.u32 s26, $0x1;
	_ =	strace $0x8000004C;
	[dreg:$0x1] =	wrdreg $0xFFFFFFFF  }
0xa7: {  	s28 =	simm.s32 $_size_execute0_lowered;
	s3 =	sadd.s32 s3, s5;
	[dreg:$0x0] =	wrdreg $0x0  }
0xa8: {  	s5 =	sshll.u32 s28, $0x1;
	[dreg:$0x2] =	wrdreg s3  }
0xa9: {  	[dreg:$0x3] =	wrdreg s5  }
0xaa: {  	[dreg:$0x4] =	wrdreg $0xC0  }
0xab: {  	_ =	task [dreg:s7], $0x5FFFF  }
0xac: {  	[dreg:$0x1] =	wrdreg $0xFFFFFFFF  }
0xad: {  	[dreg:$0x0] =	wrdreg $0x60  }
0xae: {  	[dreg:$0x2] =	wrdreg s24  }
0xaf: {  	[dreg:$0x3] =	wrdreg s2  }
0xb0: {  	[dreg:$0x4] =	wrdreg $0x0  }
0xb1: {  	[dreg:$0x5] =	wrdreg $0x9  }
0xb2: {  	_ =	task.clear_ibuf [dreg:s7], $0x6FFFF;
	_ =	strace $0x9000004C  }
0xb3: {  	s29 =	simm.s32 $0x9;
	_ =	strace $0x8000004E  }
0xb4: {  	_ =	swait.ge [sflag:s29], $0x1  }
0xb5: {  	[sflag:s29] =	ssyncadd.s32 $0xFFFFFFFF  }
0xb6: {  	_ =	strace $0x9000004E  }
0xb7: {  	_ =	sfence  }
0xb8: {  	s30 =	sld [smem:$0x0];
	_ =	sdelay $0x2  }
0xb9: {  	s31 =	sshll.u32 s1, $0xD;
	s1 =	sshrl.u32 s1, $0x2  }
0xba: {  	s3 =	sand.u32 $0x4000, s31;
	s1 =	sadd.s32 s1, s30  }
0xbb: {  	s0 =	sor.u32 s3, s0;
	s1 =	sshll.u32 s1, $0x11  }
0xbc: {  	s0 =	sor.u32 s1, s0  }
0xbd: {  	s0 =	sadd.s32 $0x8F2B, s0  }
0xbe: {  	[sflag:s0] =	ssyncadd.remote.s32 $0x1  }
0xbf: {  	_ =	sfence.sel $0xFFFF  }
0xc0: {  	[dreg:$0x0] =	wrdreg $0xFFFFFFFF;
	(pc) =	sbr.abs _section_cstart, $3  }
0xc1: {  	[dreg:$0x1] =	wrdreg $0xFFFFFFFF  }
0xc2: {  	_ =	task.clear_ibuf [dreg:s7], $0x2FFFF;
	_ =	strace $0x9FFFFFFF  }
0xc3: {  	(tm) =	ssettm $0x7FFFFFFF  }
tec
execute0_lowered:
.L_overlay_start_1:
0x0: {  	(tag) =	ssettag $0x1  }
0x1: {  	s0 =	rddreg [dreg:$0x0]  }
0x2: {  	s2 =	rddreg [dreg:$0x2];
	s3 =	simm.s32 $0x0  }
0x3: {  	s1 =	stileid.u32;
	s10 =	srdreg.scid;
	s28 =	simm.s32 $0xA0  }
0x4: {  	s29 =	simm.s32 $0x19000;
	s30 =	simm.s32 $0x5;
	s31 =	simm.s32 $0x4  }
0x5: {  	[smem:$0x7FF] =	sst s3;
	s5 =	sadd.s32 $0x150A00, s0;
	s6 =	sadd.s32 $0x52600, s0  }
0x6: {  	s7 =	sadd.s32 $0x2B400, s0;
	s4 =	sadd.s32 $0x146C00, s0;
	s9 =	smul.u32 $0x2780, s1  }
0x7: {  	s8 =	sadd.s32 $0x4200, s0;
	s11 =	sadd.s32 $0x13CE00, s0;
	s13 =	smul.u32 $0x4EC0, s1  }
0x8: {  	s12 =	sadd.s32 $0x19F400, s0;
	s10 =	sand.u32 $0x1, s10;
	s14 =	smul.u32 $0x4F000, s1  }
0x9: {  	s15 =	smul.u32 $0x9D8, s1;
	s26 =	sshll.u32 s1, $0x6;
	_ =	strace $0x8000004D  }
0xa: {  	[dreg:$0x5] =	wrdreg s12;
	s20 =	ssub.s32 $0x2, s10;
	p0 =	seq.s32 s10, $0x1  }
0xb: {  	s19 =	sor.u32 $0x1C09, s26;
	s26 =	simm.s32 $0x1;
	[dreg:$0x4] =	wrdreg s9  }
0xc: {  	s16 =	sadd.s32 s9, s0;
	s0 =	sadd.s32 $0x216C00, s0;
	s21 =	sshrl.u32 s20, $0x1  }
0xd: {  	s22 =	sshrl.u32 s13, $0x3;
	s23 =	sshrl.u32 s14, $0x2;
	s12 =	sadd.s32 s4, s15  }
0xe: {  	s14 =	sadd.s32 s11, s15;
	[dreg:$0x6] =	wrdreg s0;
	s0 =	ssub.s32 s20, s21  }
0xf: {  	s17 =	sadd.s32 $0x14, s22;
	s10 =	sadd.s32 s23, s2;
	s24 =	sadd.s32 $0x177C00, s16  }
.Ltmp0:
0x10: {  	s25 =	sadd.s32 $0x1C6C00, s16;
	s21 =	simm.s32 $0x9;
	(pc) =	sbr.rel .LBB2_1-.Ltmp0, $4  }
0x11: {  	s23 =	simm.s32 $0x13D00;
	s13 =	sadd.s32 s4, s17;
	[dreg:$0x7] =	wrdreg s24  }
0x12: {  	s15 =	sadd.s32 s11, s17;
	[dreg:$0x8] =	wrdreg s25;
	s0 =	smax.u32 s0, $0x1  }
0x13: {  	s20 =	sshrl.u32 s10, $0x3;
	s25 =	simm.s32 $0x13F00;
	s4 =	simm.s32 $0x8  }
0x14: {  	s10 =	simm.s32 $0x0;
	[dreg:$0x9] =	wrdreg s0;
	s0 =	simm.s32 $0x7  }
.LBB2_11:
0x15: {  	[sflag:s31] =	ssyncadd.s32 $0xFFFFFF60;
	s11 =	rddreg [dreg:$0x6]  }
0x16: {  	[spmem:s2] =	stream.indirect.scatter.add.f32 [tilespmem:s29], [sflag:$0x8], $0x80, s25, s28, $0xb8;
	[tilespmem:$0x1E000] =	vst v63  }
.LBB2_12:
0x17: {  	_ =	swait.ge [sflag:s0], $0x5000  }
0x18: {  	[sflag:s0] =	ssyncset.done $0x0  }
0x19: {  	[sflag:s0] =	ssyncadd.s32 $0xFFFFB000  }
0x1a: {  	_ =	swait.ge [sflag:s4], $0x5000  }
0x1b: {  	[sflag:s4] =	ssyncset.done $0x0  }
0x1c: {  	s1 =	rddreg [dreg:$0x4];
	[sflag:s4] =	ssyncadd.s32 $0xFFFFB000  }
0x1d: {  	s1 =	sadd.s32 s11, s1;
	[bflag:$0x0] =	sbarrier.arrive $0xFFFF  }
0x1e: {  	[hbm:s1], [sflag:s19] =	dma.local [spmem:s20], $0x2780  }
0x1f: {  	_ =	swait.ge [sflag:s21], $0x2780  }
0x20: {  	s10 =	sadd.s32 $0x1, s10;
	s24 =	rddreg [dreg:$0x9]  }
0x21: {  	p1 =	sne.s32 s10, s24  }
.Ltmp1:
0x22: {  	_ = 	snop;
	(pc) =	sbr.rel @!p1 .LBB2_13-.Ltmp1, $3  }
0x23: {  	[sflag:s21] =	ssyncset.done $0x0  }
0x24: {  	[sflag:s21] =	ssyncadd.s32 $0xFFFFD880  }
0x25: {  	[bflag:$0x0] =	sbarrier.arrive $0xFFFF;
	_ =	sdelay $0x1  }
.LBB2_1:
0x26: {  	s1 =	rddreg [dreg:$0x1]  }
0x27: {  	[spmem:s20], [sflag:s19] =	dma.local [hbm:s1], $0x2780  }
0x28: {  	_ =	swait.ge [sflag:s21], $0x2780  }
0x29: {  	[sflag:s21] =	ssyncset.done $0x0  }
0x2a: {  	s22 =	simm.s32 $0x13C00;
	[sflag:s21] =	ssyncadd.s32 $0xFFFFD880  }
0x2b: {  	[tilespmem:s22], [sflag:$0x1] =	stream.linear.gather [hbm4b:s12+s3], $0xA0, $0x38;
	[tilespmem:$0x1E000] =	vst v63  }
0x2c: {  	_ = 	snop  }
0x2d: {  	[tilespmem:s23], [sflag:$0x2] =	stream.linear.gather [hbm4b:s13+s3], $0xA0, $0x38;
	[tilespmem:$0x1E000] =	vst v63  }
0x2e: {  	s24 =	simm.s32 $0x13E00  }
0x2f: {  	[tilespmem:s24], [sflag:$0x3] =	stream.linear.gather [hbm4b:s14+s3], $0xA0, $0x38;
	[tilespmem:$0x1E000] =	vst v63  }
.Ltmp2:
0x30: {  	_ = 	snop;
	(pc) =	sbr.rel @!p0 .LBB2_2-.Ltmp2, $3  }
0x31: {  	_ = 	snop  }
0x32: {  	[tilespmem:s25], [sflag:$0x4] =	stream.linear.gather [hbm4b:s15+s3], $0xA0, $0x38;
	[tilespmem:$0x1E000] =	vst v63  }
0x33: {  	[bflag:$0x0] =	sbarrier.arrive $0xFFFF;
	_ =	sdelay $0x1  }
0x34: {  	_ =	swait.ge [sflag:s26], $0xA0;
	p1 =	por $0x1, $0x1  }
0x35: {  	[sflag:s26] =	ssyncset.done $0x0;
	s1 =	simm.s32 @p1 $0xA0;
	s9 =	simm.s32 @p1 $0x13C00  }
0x36: {  	s11 =	simm.s32 @p1 $0x14000;
	s16 =	simm.s32 @p1 $0x2;
	[sflag:s26] =	ssyncadd.s32 $0xFFFFFF60  }
0x37: {  	[tilespmem:s11], [sflag:$0x5] =	stream.indirect.gather @p1 [hbm4b:s7+s1], $0x80, s9, s1, $0xb8;
	[tilespmem:$0x1E000] =	vst v63  }
0x38: {  	_ =	swait.ge @p1 [sflag:s16], $0xA0  }
0x39: {  	[sflag:s16] =	ssyncset.done @p1 $0x0  }
0x3a: {  	s1 =	simm.s32 @!p1 $0x7;
	[sflag:s16] =	ssyncadd.s32 @p1 $0xFFFFFF60  }
0x3b: {  	_ =	swait.ge @!p1 [sflag:s1], $0x5000  }
0x3c: {  	s17 =	simm.s32 @!p1 $0x0;
	s18 =	simm.s32 @!p1 $0x2;
	[sflag:s1] =	ssyncset.done @!p1 $0x0  }
0x3d: {  	s9 =	simm.s32 @!p1 $0x13E00;
	s16 =	sadd.s32 @!p1 $0x0, s14;
	[sflag:s1] =	ssyncadd.s32 @!p1 $0xFFFFB000  }
0x3e: {  	[tilespmem:s9], [sflag:$0x3] =	stream.linear.gather @!p1 [hbm4b:s16+s17], $0xA0, $0x38;
	[tilespmem:$0x1E000] =	vst v63  }
0x3f: {  	s11 =	simm.s32 @!p1 $0x14000;
	s1 =	simm.s32 @!p1 $0xA0;
	s9 =	simm.s32 @!p1 $0x13C00  }
0x40: {  	[tilespmem:s11], [sflag:$0x5] =	stream.indirect.gather @!p1 [hbm4b:s7+s1], $0x80, s9, s1, $0xb8;
	[tilespmem:$0x1E000] =	vst v63  }
0x41: {  	_ =	swait.ge @!p1 [sflag:s18], $0xA0  }
0x42: {  	[sflag:s18] =	ssyncset.done @!p1 $0x0  }
0x43: {  	s1 =	simm.s32 @!p1 $0x8;
	[sflag:s18] =	ssyncadd.s32 @!p1 $0xFFFFFF60  }
0x44: {  	_ =	swait.ge @!p1 [sflag:s1], $0x5000  }
0x45: {  	[sflag:s1] =	ssyncset.done @!p1 $0x0  }
0x46: {  	s9 =	sadd.s32 @!p1 $0x14, s16;
	s11 =	simm.s32 @!p1 $0x13F00;
	[sflag:s1] =	ssyncadd.s32 @!p1 $0xFFFFB000  }
0x47: {  	[tilespmem:s11], [sflag:$0x4] =	stream.linear.gather @!p1 [hbm4b:s9+s17], $0xA0, $0x38;
	[tilespmem:$0x1E000] =	vst v63  }
0x48: {  	_ = 	snop  }
0x49: {  	[tilespmem:s29], [sflag:$0x6] =	stream.indirect.gather [hbm4b:s7+s28], $0x80, s23, s28, $0xb8;
	[tilespmem:$0x1E000] =	vst v63  }
0x4a: {  	_ =	swait.ge [sflag:s30], $0x5000  }
0x4b: {  	p1 =	por $0x0, $0x0;
	[sflag:s30] =	ssyncset.done $0x0  }
0x4c: {  	s1 =	simm.s32 @p1 $0x3;
	[sflag:s30] =	ssyncadd.s32 $0xFFFFB000  }
0x4d: {  	_ =	swait.ge @p1 [sflag:s1], $0xA0  }
0x4e: {  	s9 =	simm.s32 @p1 $0x14000;
	s11 =	simm.s32 @p1 $0xA0;
	[sflag:s1] =	ssyncset.done @p1 $0x0  }
0x4f: {  	s16 =	simm.s32 @p1 $0x13E00;
	[sflag:s1] =	ssyncadd.s32 @p1 $0xFFFFFF60;
	s1 =	simm.s32 @p1 $0x6  }
0x50: {  	[spmem:s2] =	stream.indirect.scatter.add.f32 @p1 [tilespmem:s9], [sflag:$0x7], $0x80, s16, s11, $0xb8;
	[tilespmem:$0x1E000] =	vst v63  }
0x51: {  	s17 =	simm.s32 @!p1 $0x13C00;
	_ =	swait.ge @p1 [sflag:s1], $0x5000  }
0x52: {  	s9 =	sadd.s32 @!p1 $0x0, s12;
	s16 =	simm.s32 @!p1 $0x0;
	[sflag:s1] =	ssyncset.done @p1 $0x0  }
0x53: {  	s11 =	sadd.s32 @!p1 $0x28, s9;
	[sflag:s1] =	ssyncadd.s32 @p1 $0xFFFFB000;
	s1 =	simm.s32 @!p1 $0x3  }
0x54: {  	[tilespmem:s17], [sflag:$0x1] =	stream.linear.gather @!p1 [hbm4b:s11+s16], $0xA0, $0x38;
	[tilespmem:$0x1E000] =	vst v63  }
0x55: {  	_ =	swait.ge @!p1 [sflag:s1], $0xA0  }
0x56: {  	s18 =	simm.s32 @!p1 $0x13E00;
	s11 =	simm.s32 @!p1 $0x14000;
	[sflag:s1] =	ssyncset.done @!p1 $0x0  }
0x57: {  	s17 =	simm.s32 @!p1 $0xA0;
	[sflag:s1] =	ssyncadd.s32 @!p1 $0xFFFFFF60;
	s1 =	simm.s32 @!p1 $0x6  }
0x58: {  	[spmem:s2] =	stream.indirect.scatter.add.f32 @!p1 [tilespmem:s11], [sflag:$0x7], $0x80, s18, s17, $0xb8;
	[tilespmem:$0x1E000] =	vst v63  }
0x59: {  	_ =	swait.ge @!p1 [sflag:s1], $0x5000  }
0x5a: {  	[sflag:s1] =	ssyncset.done @!p1 $0x0  }
0x5b: {  	s9 =	sadd.s32 @!p1 $0x3C, s9;
	s11 =	simm.s32 @!p1 $0x13D00;
	[sflag:s1] =	ssyncadd.s32 @!p1 $0xFFFFB000  }
0x5c: {  	[tilespmem:s11], [sflag:$0x2] =	stream.linear.gather @!p1 [hbm4b:s9+s16], $0xA0, $0x38;
	[tilespmem:$0x1E000] =	vst v63  }
0x5d: {  	_ =	swait.ge [sflag:s31], $0xA0  }
0x5e: {  	s11 =	simm.s32 $0x28;
	[sflag:s31] =	ssyncset.done $0x0  }
.LBB2_8:
0x5f: {  	[sflag:s31] =	ssyncadd.s32 $0xFFFFFF60;
	s16 =	smov.u32 s11;
	s11 =	sadd.s32 $0x28, s11  }
0x60: {  	[spmem:s2] =	stream.indirect.scatter.add.f32 [tilespmem:s29], [sflag:$0x8], $0x80, s25, s28, $0xb8;
	[tilespmem:$0x1E000] =	vst v63  }
0x61: {  	p2 =	seq.s32 s16, $0x0;
	p1 =	sne.s32 s11, $0x9D8;
	_ =	swait.ge [sflag:s26], $0xA0  }
0x62: {  	s1 =	simm.s32 @p2 $0xA0;
	s9 =	simm.s32 @p2 $0x13C00;
	[sflag:s26] =	ssyncset.done $0x0  }
0x63: {  	s17 =	simm.s32 @p2 $0x14000;
	s18 =	simm.s32 @p2 $0x2;
	[sflag:s26] =	ssyncadd.s32 $0xFFFFFF60  }
0x64: {  	[tilespmem:s17], [sflag:$0x5] =	stream.indirect.gather @p2 [hbm4b:s7+s1], $0x80, s9, s1, $0xb8;
	[tilespmem:$0x1E000] =	vst v63  }
0x65: {  	_ =	swait.ge @p2 [sflag:s18], $0xA0  }
0x66: {  	s1 =	simm.s32 @!p2 $0x7;
	[sflag:s18] =	ssyncset.done @p2 $0x0  }
0x67: {  	[sflag:s18] =	ssyncadd.s32 @p2 $0xFFFFFF60  }
0x68: {  	s9 =	simm.s32 @!p2 $0x13E00;
	s17 =	simm.s32 @!p2 $0x14000;
	_ =	swait.ge @!p2 [sflag:s1], $0x5000  }
0x69: {  	s22 =	simm.s32 @!p2 $0x0;
	s18 =	sadd.s32 @!p2 s16, s14;
	[sflag:s1] =	ssyncset.done @!p2 $0x0  }
0x6a: {  	s24 =	simm.s32 @!p2 $0x13C00;
	[sflag:s1] =	ssyncadd.s32 @!p2 $0xFFFFB000;
	s1 =	simm.s32 @!p2 $0xA0  }
0x6b: {  	[tilespmem:s9], [sflag:$0x3] =	stream.linear.gather @!p2 [hbm4b:s18+s22], $0xA0, $0x38;
	[tilespmem:$0x1E000] =	vst v63  }
0x6c: {  	s9 =	simm.s32 @!p2 $0x2;
	s18 =	sadd.s32 @!p2 $0x14, s18  }
0x6d: {  	[tilespmem:s17], [sflag:$0x5] =	stream.indirect.gather @!p2 [hbm4b:s7+s1], $0x80, s24, s1, $0xb8;
	[tilespmem:$0x1E000] =	vst v63  }
0x6e: {  	_ =	swait.ge @!p2 [sflag:s9], $0xA0  }
0x6f: {  	s1 =	simm.s32 @!p2 $0x8;
	[sflag:s9] =	ssyncset.done @!p2 $0x0  }
0x70: {  	[sflag:s9] =	ssyncadd.s32 @!p2 $0xFFFFFF60  }
0x71: {  	_ =	swait.ge @!p2 [sflag:s1], $0x5000  }
0x72: {  	s9 =	simm.s32 @!p2 $0x13F00;
	[sflag:s1] =	ssyncset.done @!p2 $0x0  }
0x73: {  	[sflag:s1] =	ssyncadd.s32 @!p2 $0xFFFFB000  }
0x74: {  	[tilespmem:s9], [sflag:$0x4] =	stream.linear.gather @!p2 [hbm4b:s18+s22], $0xA0, $0x38;
	[tilespmem:$0x1E000] =	vst v63  }
0x75: {  	_ = 	snop  }
0x76: {  	[tilespmem:s29], [sflag:$0x6] =	stream.indirect.gather [hbm4b:s7+s28], $0x80, s23, s28, $0xb8;
	[tilespmem:$0x1E000] =	vst v63  }
0x77: {  	p2 =	seq.s32 s16, $0x9B0;
	_ =	swait.ge [sflag:s30], $0x5000  }
0x78: {  	s1 =	simm.s32 @p2 $0x3;
	s9 =	sadd.s32 @!p2 s16, s12;
	[sflag:s30] =	ssyncset.done $0x0  }
0x79: {  	s16 =	sadd.s32 @!p2 $0x28, s9;
	s9 =	sadd.s32 @!p2 $0x3C, s9;
	[sflag:s30] =	ssyncadd.s32 $0xFFFFB000  }
0x7a: {  	s17 =	simm.s32 @p2 $0x14000;
	_ =	swait.ge @p2 [sflag:s1], $0xA0  }
0x7b: {  	s18 =	simm.s32 @p2 $0xA0;
	s22 =	simm.s32 @p2 $0x13E00;
	[sflag:s1] =	ssyncset.done @p2 $0x0  }
0x7c: {  	[sflag:s1] =	ssyncadd.s32 @p2 $0xFFFFFF60;
	s1 =	simm.s32 @p2 $0x6  }
0x7d: {  	[spmem:s2] =	stream.indirect.scatter.add.f32 @p2 [tilespmem:s17], [sflag:$0x7], $0x80, s22, s18, $0xb8;
	[tilespmem:$0x1E000] =	vst v63  }
0x7e: {  	_ =	swait.ge @p2 [sflag:s1], $0x5000  }
0x7f: {  	s17 =	simm.s32 @!p2 $0x0;
	s18 =	simm.s32 @!p2 $0x13C00;
	[sflag:s1] =	ssyncset.done @p2 $0x0  }
0x80: {  	[sflag:s1] =	ssyncadd.s32 @p2 $0xFFFFB000;
	s1 =	simm.s32 @!p2 $0x3  }
0x81: {  	[tilespmem:s18], [sflag:$0x1] =	stream.linear.gather @!p2 [hbm4b:s16+s17], $0xA0, $0x38;
	[tilespmem:$0x1E000] =	vst v63  }
0x82: {  	s16 =	simm.s32 @!p2 $0x14000;
	_ =	swait.ge @!p2 [sflag:s1], $0xA0  }
0x83: {  	s22 =	simm.s32 @!p2 $0x13E00;
	s18 =	simm.s32 @!p2 $0xA0;
	[sflag:s1] =	ssyncset.done @!p2 $0x0  }
0x84: {  	[sflag:s1] =	ssyncadd.s32 @!p2 $0xFFFFFF60;
	s1 =	simm.s32 @!p2 $0x6  }
0x85: {  	[spmem:s2] =	stream.indirect.scatter.add.f32 @!p2 [tilespmem:s16], [sflag:$0x7], $0x80, s22, s18, $0xb8;
	[tilespmem:$0x1E000] =	vst v63  }
0x86: {  	_ =	swait.ge @!p2 [sflag:s1], $0x5000  }
.Ltmp3:
0x87: {  	s16 =	simm.s32 @!p2 $0x13D00;
	[sflag:s1] =	ssyncset.done @!p2 $0x0;
	(pc) =	sbr.rel @p1 .LBB2_8-.Ltmp3, $4  }
0x88: {  	[sflag:s1] =	ssyncadd.s32 @!p2 $0xFFFFB000  }
0x89: {  	[tilespmem:s16], [sflag:$0x2] =	stream.linear.gather @!p2 [hbm4b:s9+s17], $0xA0, $0x38;
	[tilespmem:$0x1E000] =	vst v63  }
0x8a: {  	_ =	swait.ge [sflag:s31], $0xA0  }
0x8b: {  	[sflag:s31] =	ssyncset.done $0x0  }
0x8c: {  	[sflag:s31] =	ssyncadd.s32 $0xFFFFFF60  }
0x8d: {  	[spmem:s2] =	stream.indirect.scatter.add.f32 [tilespmem:s29], [sflag:$0x8], $0x80, s25, s28, $0xb8;
	[tilespmem:$0x1E000] =	vst v63  }
0x8e: {  	_ =	swait.ge [sflag:s0], $0x5000  }
0x8f: {  	[sflag:s0] =	ssyncset.done $0x0  }
0x90: {  	[sflag:s0] =	ssyncadd.s32 $0xFFFFB000  }
0x91: {  	_ =	swait.ge [sflag:s4], $0x5000  }
0x92: {  	[sflag:s4] =	ssyncset.done $0x0  }
0x93: {  	[sflag:s4] =	ssyncadd.s32 $0xFFFFB000  }
0x94: {  	[bflag:$0x0] =	sbarrier.arrive $0xFFFF  }
0x95: {  	s1 =	rddreg [dreg:$0x8]  }
0x96: {  	[hbm:s1], [sflag:s19] =	dma.local [spmem:s20], $0x2780  }
0x97: {  	_ =	swait.ge [sflag:s21], $0x2780  }
0x98: {  	[sflag:s21] =	ssyncset.done $0x0  }
0x99: {  	[sflag:s21] =	ssyncadd.s32 $0xFFFFD880  }
0x9a: {  	[bflag:$0x0] =	sbarrier.arrive $0xFFFF  }
0x9b: {  	s18 =	rddreg [dreg:$0x1]  }
0x9c: {  	[spmem:s20], [sflag:s19] =	dma.local [hbm:s18], $0x2780  }
0x9d: {  	_ =	swait.ge [sflag:s21], $0x2780  }
0x9e: {  	[sflag:s21] =	ssyncset.done $0x0  }
0x9f: {  	s22 =	simm.s32 $0x0;
	s9 =	simm.s32 $0x13C00;
	[sflag:s21] =	ssyncadd.s32 $0xFFFFD880  }
0xa0: {  	[tilespmem:s9], [sflag:$0x1] =	stream.linear.gather [hbm4b:s12+s22], $0xA0, $0x38;
	[tilespmem:$0x1E000] =	vst v63  }
0xa1: {  	_ = 	snop  }
0xa2: {  	[tilespmem:s23], [sflag:$0x2] =	stream.linear.gather [hbm4b:s13+s22], $0xA0, $0x38;
	[tilespmem:$0x1E000] =	vst v63  }
0xa3: {  	s24 =	simm.s32 $0x13E00  }
0xa4: {  	[tilespmem:s24], [sflag:$0x3] =	stream.linear.gather [hbm4b:s14+s22], $0xA0, $0x38;
	[tilespmem:$0x1E000] =	vst v63  }
0xa5: {  	_ = 	snop  }
0xa6: {  	[tilespmem:s25], [sflag:$0x4] =	stream.linear.gather [hbm4b:s15+s22], $0xA0, $0x38;
	[tilespmem:$0x1E000] =	vst v63  }
0xa7: {  	[bflag:$0x0] =	sbarrier.arrive $0xFFFF  }
0xa8: {  	p1 =	por $0x1, $0x1;
	_ =	swait.ge [sflag:s26], $0xA0  }
0xa9: {  	s11 =	simm.s32 @p1 $0x14000;
	s16 =	simm.s32 @p1 $0x2;
	[sflag:s26] =	ssyncset.done $0x0  }
0xaa: {  	s1 =	simm.s32 @p1 $0xA0;
	s9 =	simm.s32 @p1 $0x13C00;
	[sflag:s26] =	ssyncadd.s32 $0xFFFFFF60  }
0xab: {  	[tilespmem:s11], [sflag:$0x5] =	stream.indirect.gather @p1 [hbm4b:s8+s1], $0x80, s9, s1, $0xb8;
	[tilespmem:$0x1E000] =	vst v63  }
0xac: {  	_ =	swait.ge @p1 [sflag:s16], $0xA0  }
0xad: {  	[sflag:s16] =	ssyncset.done @p1 $0x0  }
0xae: {  	s1 =	simm.s32 @!p1 $0x7;
	[sflag:s16] =	ssyncadd.s32 @p1 $0xFFFFFF60  }
0xaf: {  	_ =	swait.ge @!p1 [sflag:s1], $0x5000  }
0xb0: {  	s9 =	simm.s32 @!p1 $0x13E00;
	[sflag:s1] =	ssyncset.done @!p1 $0x0  }
0xb1: {  	s11 =	sadd.s32 @!p1 $0x0, s14;
	s16 =	simm.s32 @!p1 $0x0;
	[sflag:s1] =	ssyncadd.s32 @!p1 $0xFFFFB000  }
0xb2: {  	[tilespmem:s9], [sflag:$0x3] =	stream.linear.gather @!p1 [hbm4b:s11+s16], $0xA0, $0x38;
	[tilespmem:$0x1E000] =	vst v63  }
0xb3: {  	s17 =	simm.s32 @!p1 $0x13C00;
	s1 =	simm.s32 @!p1 $0x14000;
	s9 =	simm.s32 @!p1 $0xA0  }
0xb4: {  	[tilespmem:s1], [sflag:$0x5] =	stream.indirect.gather @!p1 [hbm4b:s8+s9], $0x80, s17, s9, $0xb8;
	[tilespmem:$0x1E000] =	vst v63  }
0xb5: {  	s1 =	simm.s32 @!p1 $0x2  }
0xb6: {  	_ =	swait.ge @!p1 [sflag:s1], $0xA0  }
0xb7: {  	[sflag:s1] =	ssyncset.done @!p1 $0x0  }
0xb8: {  	s9 =	simm.s32 @!p1 $0x8;
	[sflag:s1] =	ssyncadd.s32 @!p1 $0xFFFFFF60  }
0xb9: {  	_ =	swait.ge @!p1 [sflag:s9], $0x5000  }
0xba: {  	[sflag:s9] =	ssyncset.done @!p1 $0x0  }
0xbb: {  	s1 =	sadd.s32 @!p1 $0x14, s11;
	s11 =	simm.s32 @!p1 $0x13F00;
	[sflag:s9] =	ssyncadd.s32 @!p1 $0xFFFFB000  }
0xbc: {  	[tilespmem:s11], [sflag:$0x4] =	stream.linear.gather @!p1 [hbm4b:s1+s16], $0xA0, $0x38;
	[tilespmem:$0x1E000] =	vst v63  }
0xbd: {  	_ = 	snop  }
0xbe: {  	[tilespmem:s29], [sflag:$0x6] =	stream.indirect.gather [hbm4b:s8+s28], $0x80, s23, s28, $0xb8;
	[tilespmem:$0x1E000] =	vst v63  }
0xbf: {  	_ =	swait.ge [sflag:s30], $0x5000  }
0xc0: {  	p1 =	por $0x0, $0x0;
	[sflag:s30] =	ssyncset.done $0x0  }
0xc1: {  	s1 =	simm.s32 @p1 $0x3;
	[sflag:s30] =	ssyncadd.s32 $0xFFFFB000  }
0xc2: {  	_ =	swait.ge @p1 [sflag:s1], $0xA0  }
0xc3: {  	s9 =	simm.s32 @p1 $0x14000;
	s11 =	simm.s32 @p1 $0xA0;
	[sflag:s1] =	ssyncset.done @p1 $0x0  }
0xc4: {  	s16 =	simm.s32 @p1 $0x13E00;
	[sflag:s1] =	ssyncadd.s32 @p1 $0xFFFFFF60;
	s1 =	simm.s32 @p1 $0x6  }
0xc5: {  	[spmem:s2] =	stream.indirect.scatter.add.f32 @p1 [tilespmem:s9], [sflag:$0x7], $0x80, s16, s11, $0xb8;
	[tilespmem:$0x1E000] =	vst v63  }
0xc6: {  	s17 =	simm.s32 @!p1 $0x13C00;
	_ =	swait.ge @p1 [sflag:s1], $0x5000  }
0xc7: {  	s9 =	sadd.s32 @!p1 $0x0, s12;
	s16 =	simm.s32 @!p1 $0x0;
	[sflag:s1] =	ssyncset.done @p1 $0x0  }
0xc8: {  	s11 =	sadd.s32 @!p1 $0x28, s9;
	[sflag:s1] =	ssyncadd.s32 @p1 $0xFFFFB000;
	s1 =	simm.s32 @!p1 $0x3  }
0xc9: {  	[tilespmem:s17], [sflag:$0x1] =	stream.linear.gather @!p1 [hbm4b:s11+s16], $0xA0, $0x38;
	[tilespmem:$0x1E000] =	vst v63  }
0xca: {  	_ =	swait.ge @!p1 [sflag:s1], $0xA0  }
0xcb: {  	s11 =	simm.s32 @!p1 $0x14000;
	[sflag:s1] =	ssyncset.done @!p1 $0x0  }
0xcc: {  	s17 =	simm.s32 @!p1 $0xA0;
	[sflag:s1] =	ssyncadd.s32 @!p1 $0xFFFFFF60;
	s1 =	simm.s32 @!p1 $0x13E00  }
0xcd: {  	[spmem:s2] =	stream.indirect.scatter.add.f32 @!p1 [tilespmem:s11], [sflag:$0x7], $0x80, s1, s17, $0xb8;
	[tilespmem:$0x1E000] =	vst v63  }
0xce: {  	s1 =	simm.s32 @!p1 $0x6  }
0xcf: {  	_ =	swait.ge @!p1 [sflag:s1], $0x5000  }
0xd0: {  	[sflag:s1] =	ssyncset.done @!p1 $0x0  }
0xd1: {  	s9 =	sadd.s32 @!p1 $0x3C, s9;
	[sflag:s1] =	ssyncadd.s32 @!p1 $0xFFFFB000;
	s1 =	simm.s32 @!p1 $0x13D00  }
0xd2: {  	[tilespmem:s1], [sflag:$0x2] =	stream.linear.gather @!p1 [hbm4b:s9+s16], $0xA0, $0x38;
	[tilespmem:$0x1E000] =	vst v63  }
0xd3: {  	_ =	swait.ge [sflag:s31], $0xA0  }
0xd4: {  	s11 =	simm.s32 $0x28;
	[sflag:s31] =	ssyncset.done $0x0  }
.LBB2_10:
0xd5: {  	[sflag:s31] =	ssyncadd.s32 $0xFFFFFF60;
	s16 =	smov.u32 s11;
	s11 =	sadd.s32 $0x28, s11  }
0xd6: {  	[spmem:s2] =	stream.indirect.scatter.add.f32 [tilespmem:s29], [sflag:$0x8], $0x80, s25, s28, $0xb8;
	[tilespmem:$0x1E000] =	vst v63  }
0xd7: {  	p2 =	seq.s32 s16, $0x0;
	p1 =	sne.s32 s11, $0x9D8;
	_ =	swait.ge [sflag:s26], $0xA0  }
0xd8: {  	s1 =	simm.s32 @p2 $0xA0;
	s9 =	simm.s32 @p2 $0x13C00;
	[sflag:s26] =	ssyncset.done $0x0  }
0xd9: {  	s17 =	simm.s32 @p2 $0x14000;
	s18 =	simm.s32 @p2 $0x2;
	[sflag:s26] =	ssyncadd.s32 $0xFFFFFF60  }
0xda: {  	[tilespmem:s17], [sflag:$0x5] =	stream.indirect.gather @p2 [hbm4b:s8+s1], $0x80, s9, s1, $0xb8;
	[tilespmem:$0x1E000] =	vst v63  }
0xdb: {  	_ =	swait.ge @p2 [sflag:s18], $0xA0  }
0xdc: {  	s1 =	simm.s32 @!p2 $0x7;
	[sflag:s18] =	ssyncset.done @p2 $0x0  }
0xdd: {  	[sflag:s18] =	ssyncadd.s32 @p2 $0xFFFFFF60  }
0xde: {  	s9 =	simm.s32 @!p2 $0x13E00;
	s17 =	simm.s32 @!p2 $0x14000;
	_ =	swait.ge @!p2 [sflag:s1], $0x5000  }
0xdf: {  	s22 =	simm.s32 @!p2 $0x0;
	s18 =	sadd.s32 @!p2 s16, s14;
	[sflag:s1] =	ssyncset.done @!p2 $0x0  }
0xe0: {  	s24 =	simm.s32 @!p2 $0x13C00;
	[sflag:s1] =	ssyncadd.s32 @!p2 $0xFFFFB000;
	s1 =	simm.s32 @!p2 $0xA0  }
0xe1: {  	[tilespmem:s9], [sflag:$0x3] =	stream.linear.gather @!p2 [hbm4b:s18+s22], $0xA0, $0x38;
	[tilespmem:$0x1E000] =	vst v63  }
0xe2: {  	s9 =	simm.s32 @!p2 $0x2;
	s18 =	sadd.s32 @!p2 $0x14, s18  }
0xe3: {  	[tilespmem:s17], [sflag:$0x5] =	stream.indirect.gather @!p2 [hbm4b:s8+s1], $0x80, s24, s1, $0xb8;
	[tilespmem:$0x1E000] =	vst v63  }
0xe4: {  	_ =	swait.ge @!p2 [sflag:s9], $0xA0  }
0xe5: {  	s1 =	simm.s32 @!p2 $0x8;
	[sflag:s9] =	ssyncset.done @!p2 $0x0  }
0xe6: {  	[sflag:s9] =	ssyncadd.s32 @!p2 $0xFFFFFF60  }
0xe7: {  	_ =	swait.ge @!p2 [sflag:s1], $0x5000  }
0xe8: {  	s9 =	simm.s32 @!p2 $0x13F00;
	[sflag:s1] =	ssyncset.done @!p2 $0x0  }
0xe9: {  	[sflag:s1] =	ssyncadd.s32 @!p2 $0xFFFFB000  }
0xea: {  	[tilespmem:s9], [sflag:$0x4] =	stream.linear.gather @!p2 [hbm4b:s18+s22], $0xA0, $0x38;
	[tilespmem:$0x1E000] =	vst v63  }
0xeb: {  	_ = 	snop  }
0xec: {  	[tilespmem:s29], [sflag:$0x6] =	stream.indirect.gather [hbm4b:s8+s28], $0x80, s23, s28, $0xb8;
	[tilespmem:$0x1E000] =	vst v63  }
0xed: {  	p2 =	seq.s32 s16, $0x9B0;
	_ =	swait.ge [sflag:s30], $0x5000  }
0xee: {  	s1 =	simm.s32 @p2 $0x3;
	s9 =	sadd.s32 @!p2 s16, s12;
	[sflag:s30] =	ssyncset.done $0x0  }
0xef: {  	s16 =	sadd.s32 @!p2 $0x28, s9;
	s9 =	sadd.s32 @!p2 $0x3C, s9;
	[sflag:s30] =	ssyncadd.s32 $0xFFFFB000  }
0xf0: {  	s17 =	simm.s32 @p2 $0x14000;
	_ =	swait.ge @p2 [sflag:s1], $0xA0  }
0xf1: {  	s18 =	simm.s32 @p2 $0xA0;
	s22 =	simm.s32 @p2 $0x13E00;
	[sflag:s1] =	ssyncset.done @p2 $0x0  }
0xf2: {  	[sflag:s1] =	ssyncadd.s32 @p2 $0xFFFFFF60;
	s1 =	simm.s32 @p2 $0x6  }
0xf3: {  	[spmem:s2] =	stream.indirect.scatter.add.f32 @p2 [tilespmem:s17], [sflag:$0x7], $0x80, s22, s18, $0xb8;
	[tilespmem:$0x1E000] =	vst v63  }
0xf4: {  	_ =	swait.ge @p2 [sflag:s1], $0x5000  }
0xf5: {  	s17 =	simm.s32 @!p2 $0x0;
	s18 =	simm.s32 @!p2 $0x13C00;
	[sflag:s1] =	ssyncset.done @p2 $0x0  }
0xf6: {  	[sflag:s1] =	ssyncadd.s32 @p2 $0xFFFFB000;
	s1 =	simm.s32 @!p2 $0x3  }
0xf7: {  	[tilespmem:s18], [sflag:$0x1] =	stream.linear.gather @!p2 [hbm4b:s16+s17], $0xA0, $0x38;
	[tilespmem:$0x1E000] =	vst v63  }
0xf8: {  	s16 =	simm.s32 @!p2 $0x14000;
	_ =	swait.ge @!p2 [sflag:s1], $0xA0  }
0xf9: {  	s22 =	simm.s32 @!p2 $0x13E00;
	s18 =	simm.s32 @!p2 $0xA0;
	[sflag:s1] =	ssyncset.done @!p2 $0x0  }
0xfa: {  	[sflag:s1] =	ssyncadd.s32 @!p2 $0xFFFFFF60;
	s1 =	simm.s32 @!p2 $0x6  }
0xfb: {  	[spmem:s2] =	stream.indirect.scatter.add.f32 @!p2 [tilespmem:s16], [sflag:$0x7], $0x80, s22, s18, $0xb8;
	[tilespmem:$0x1E000] =	vst v63  }
0xfc: {  	_ =	swait.ge @!p2 [sflag:s1], $0x5000  }
.Ltmp4:
0xfd: {  	s16 =	simm.s32 @!p2 $0x13D00;
	[sflag:s1] =	ssyncset.done @!p2 $0x0;
	(pc) =	sbr.rel @p1 .LBB2_10-.Ltmp4, $4  }
0xfe: {  	[sflag:s1] =	ssyncadd.s32 @!p2 $0xFFFFB000  }
0xff: {  	[tilespmem:s16], [sflag:$0x2] =	stream.linear.gather @!p2 [hbm4b:s9+s17], $0xA0, $0x38;
	[tilespmem:$0x1E000] =	vst v63  }
0x100: {  	_ =	swait.ge [sflag:s31], $0xA0  }
0x101: {  	[sflag:s31] =	ssyncset.done $0x0  }
.Ltmp5:
0x102: {  	_ = 	snop;
	(pc) =	sbr.rel .LBB2_11-.Ltmp5, $1  }
0x103: {  	_ =	sdelay $0x3  }
.LBB2_2:
0x104: {  	_ =	swait.ge [sflag:s26], $0xA0;
	p1 =	por $0x1, $0x1  }
0x105: {  	[sflag:s26] =	ssyncset.done $0x0;
	s11 =	simm.s32 @p1 $0xA0;
	s16 =	simm.s32 @p1 $0x13C00  }
0x106: {  	s17 =	simm.s32 @p1 $0x14000;
	s1 =	simm.s32 @p1 $0x2;
	[sflag:s26] =	ssyncadd.s32 $0xFFFFFF60  }
0x107: {  	[tilespmem:s17], [sflag:$0x5] =	stream.indirect.gather @p1 [hbm4b:s5+s11], $0x80, s16, s11, $0xb8;
	[tilespmem:$0x1E000] =	vst v63  }
0x108: {  	_ =	swait.ge @p1 [sflag:s1], $0xA0  }
0x109: {  	[sflag:s1] =	ssyncset.done @p1 $0x0  }
0x10a: {  	s11 =	simm.s32 @!p1 $0x7;
	[sflag:s1] =	ssyncadd.s32 @p1 $0xFFFFFF60  }
0x10b: {  	_ =	swait.ge @!p1 [sflag:s11], $0x5000  }
0x10c: {  	s22 =	simm.s32 @!p1 $0x0;
	s24 =	simm.s32 @!p1 $0x2;
	[sflag:s11] =	ssyncset.done @!p1 $0x0  }
0x10d: {  	s17 =	sadd.s32 @!p1 $0x0, s14;
	s1 =	simm.s32 @!p1 $0x13E00;
	[sflag:s11] =	ssyncadd.s32 @!p1 $0xFFFFB000  }
0x10e: {  	[tilespmem:s1], [sflag:$0x3] =	stream.linear.gather @!p1 [hbm4b:s17+s22], $0xA0, $0x38;
	[tilespmem:$0x1E000] =	vst v63  }
0x10f: {  	s16 =	simm.s32 @!p1 $0x14000;
	s11 =	simm.s32 @!p1 $0x13C00;
	s1 =	simm.s32 @!p1 $0xA0  }
0x110: {  	[tilespmem:s16], [sflag:$0x5] =	stream.indirect.gather @!p1 [hbm4b:s5+s1], $0x80, s11, s1, $0xb8;
	[tilespmem:$0x1E000] =	vst v63  }
0x111: {  	_ =	swait.ge @!p1 [sflag:s24], $0xA0  }
0x112: {  	[sflag:s24] =	ssyncset.done @!p1 $0x0  }
0x113: {  	s1 =	simm.s32 @!p1 $0x8;
	[sflag:s24] =	ssyncadd.s32 @!p1 $0xFFFFFF60  }
0x114: {  	_ =	swait.ge @!p1 [sflag:s1], $0x5000  }
0x115: {  	[sflag:s1] =	ssyncset.done @!p1 $0x0  }
0x116: {  	s11 =	sadd.s32 @!p1 $0x14, s17;
	s16 =	simm.s32 @!p1 $0x13F00;
	[sflag:s1] =	ssyncadd.s32 @!p1 $0xFFFFB000  }
0x117: {  	[tilespmem:s16], [sflag:$0x4] =	stream.linear.gather @!p1 [hbm4b:s11+s22], $0xA0, $0x38;
	[tilespmem:$0x1E000] =	vst v63  }
0x118: {  	_ = 	snop  }
0x119: {  	[tilespmem:s29], [sflag:$0x6] =	stream.indirect.gather [hbm4b:s5+s28], $0x80, s23, s28, $0xb8;
	[tilespmem:$0x1E000] =	vst v63  }
0x11a: {  	_ =	swait.ge [sflag:s30], $0x5000  }
0x11b: {  	p1 =	por $0x0, $0x0;
	[sflag:s30] =	ssyncset.done $0x0  }
0x11c: {  	s1 =	simm.s32 @p1 $0x3;
	[sflag:s30] =	ssyncadd.s32 $0xFFFFB000  }
0x11d: {  	_ =	swait.ge @p1 [sflag:s1], $0xA0  }
0x11e: {  	s11 =	simm.s32 @p1 $0x14000;
	s16 =	simm.s32 @p1 $0xA0;
	[sflag:s1] =	ssyncset.done @p1 $0x0  }
0x11f: {  	s17 =	simm.s32 @p1 $0x13E00;
	[sflag:s1] =	ssyncadd.s32 @p1 $0xFFFFFF60;
	s1 =	simm.s32 @p1 $0x6  }
0x120: {  	[spmem:s2] =	stream.indirect.scatter.add.f32 @p1 [tilespmem:s11], [sflag:$0x7], $0x80, s17, s16, $0xb8;
	[tilespmem:$0x1E000] =	vst v63  }
0x121: {  	s22 =	simm.s32 @!p1 $0x13C00;
	_ =	swait.ge @p1 [sflag:s1], $0x5000  }
0x122: {  	s11 =	sadd.s32 @!p1 $0x0, s12;
	s17 =	simm.s32 @!p1 $0x0;
	[sflag:s1] =	ssyncset.done @p1 $0x0  }
0x123: {  	s16 =	sadd.s32 @!p1 $0x28, s11;
	[sflag:s1] =	ssyncadd.s32 @p1 $0xFFFFB000;
	s1 =	simm.s32 @!p1 $0x3  }
0x124: {  	[tilespmem:s22], [sflag:$0x1] =	stream.linear.gather @!p1 [hbm4b:s16+s17], $0xA0, $0x38;
	[tilespmem:$0x1E000] =	vst v63  }
0x125: {  	_ =	swait.ge @!p1 [sflag:s1], $0xA0  }
0x126: {  	s24 =	simm.s32 @!p1 $0x13E00;
	s16 =	simm.s32 @!p1 $0x14000;
	[sflag:s1] =	ssyncset.done @!p1 $0x0  }
0x127: {  	s22 =	simm.s32 @!p1 $0xA0;
	[sflag:s1] =	ssyncadd.s32 @!p1 $0xFFFFFF60;
	s1 =	simm.s32 @!p1 $0x6  }
0x128: {  	[spmem:s2] =	stream.indirect.scatter.add.f32 @!p1 [tilespmem:s16], [sflag:$0x7], $0x80, s24, s22, $0xb8;
	[tilespmem:$0x1E000] =	vst v63  }
0x129: {  	_ =	swait.ge @!p1 [sflag:s1], $0x5000  }
0x12a: {  	[sflag:s1] =	ssyncset.done @!p1 $0x0  }
0x12b: {  	s11 =	sadd.s32 @!p1 $0x3C, s11;
	s16 =	simm.s32 @!p1 $0x13D00;
	[sflag:s1] =	ssyncadd.s32 @!p1 $0xFFFFB000  }
0x12c: {  	[tilespmem:s16], [sflag:$0x2] =	stream.linear.gather @!p1 [hbm4b:s11+s17], $0xA0, $0x38;
	[tilespmem:$0x1E000] =	vst v63  }
0x12d: {  	_ =	swait.ge [sflag:s31], $0xA0  }
0x12e: {  	s11 =	simm.s32 $0x28;
	[sflag:s31] =	ssyncset.done $0x0  }
.LBB2_3:
0x12f: {  	[sflag:s31] =	ssyncadd.s32 $0xFFFFFF60;
	s16 =	smov.u32 s11;
	s11 =	sadd.s32 $0x28, s11  }
0x130: {  	[spmem:s2] =	stream.indirect.scatter.add.f32 [tilespmem:s29], [sflag:$0x8], $0x80, s25, s28, $0xb8;
	[tilespmem:$0x1E000] =	vst v63  }
0x131: {  	p2 =	seq.s32 s16, $0x0;
	p1 =	sne.s32 s11, $0x9D8;
	_ =	swait.ge [sflag:s26], $0xA0  }
0x132: {  	s1 =	simm.s32 @p2 $0xA0;
	s17 =	simm.s32 @p2 $0x13C00;
	[sflag:s26] =	ssyncset.done $0x0  }
0x133: {  	s22 =	simm.s32 @p2 $0x14000;
	s24 =	simm.s32 @p2 $0x2;
	[sflag:s26] =	ssyncadd.s32 $0xFFFFFF60  }
0x134: {  	[tilespmem:s22], [sflag:$0x5] =	stream.indirect.gather @p2 [hbm4b:s5+s1], $0x80, s17, s1, $0xb8;
	[tilespmem:$0x1E000] =	vst v63  }
0x135: {  	_ =	swait.ge @p2 [sflag:s24], $0xA0  }
0x136: {  	s1 =	simm.s32 @!p2 $0x7;
	[sflag:s24] =	ssyncset.done @p2 $0x0  }
0x137: {  	[sflag:s24] =	ssyncadd.s32 @p2 $0xFFFFFF60  }
0x138: {  	s17 =	simm.s32 @!p2 $0x13E00;
	s22 =	simm.s32 @!p2 $0x14000;
	_ =	swait.ge @!p2 [sflag:s1], $0x5000  }
0x139: {  	s18 =	simm.s32 @!p2 $0x0;
	s24 =	sadd.s32 @!p2 s16, s14;
	[sflag:s1] =	ssyncset.done @!p2 $0x0  }
0x13a: {  	s9 =	simm.s32 @!p2 $0x13C00;
	[sflag:s1] =	ssyncadd.s32 @!p2 $0xFFFFB000;
	s1 =	simm.s32 @!p2 $0xA0  }
0x13b: {  	[tilespmem:s17], [sflag:$0x3] =	stream.linear.gather @!p2 [hbm4b:s24+s18], $0xA0, $0x38;
	[tilespmem:$0x1E000] =	vst v63  }
0x13c: {  	s17 =	simm.s32 @!p2 $0x2;
	s24 =	sadd.s32 @!p2 $0x14, s24  }
0x13d: {  	[tilespmem:s22], [sflag:$0x5] =	stream.indirect.gather @!p2 [hbm4b:s5+s1], $0x80, s9, s1, $0xb8;
	[tilespmem:$0x1E000] =	vst v63  }
0x13e: {  	_ =	swait.ge @!p2 [sflag:s17], $0xA0  }
0x13f: {  	s1 =	simm.s32 @!p2 $0x8;
	[sflag:s17] =	ssyncset.done @!p2 $0x0  }
0x140: {  	[sflag:s17] =	ssyncadd.s32 @!p2 $0xFFFFFF60  }
0x141: {  	_ =	swait.ge @!p2 [sflag:s1], $0x5000  }
0x142: {  	s9 =	simm.s32 @!p2 $0x13F00;
	[sflag:s1] =	ssyncset.done @!p2 $0x0  }
0x143: {  	[sflag:s1] =	ssyncadd.s32 @!p2 $0xFFFFB000  }
0x144: {  	[tilespmem:s9], [sflag:$0x4] =	stream.linear.gather @!p2 [hbm4b:s24+s18], $0xA0, $0x38;
	[tilespmem:$0x1E000] =	vst v63  }
0x145: {  	_ = 	snop  }
0x146: {  	[tilespmem:s29], [sflag:$0x6] =	stream.indirect.gather [hbm4b:s5+s28], $0x80, s23, s28, $0xb8;
	[tilespmem:$0x1E000] =	vst v63  }
0x147: {  	p2 =	seq.s32 s16, $0x9B0;
	_ =	swait.ge [sflag:s30], $0x5000  }
0x148: {  	s1 =	simm.s32 @p2 $0x3;
	s9 =	sadd.s32 @!p2 s16, s12;
	[sflag:s30] =	ssyncset.done $0x0  }
0x149: {  	s16 =	sadd.s32 @!p2 $0x28, s9;
	s9 =	sadd.s32 @!p2 $0x3C, s9;
	[sflag:s30] =	ssyncadd.s32 $0xFFFFB000  }
0x14a: {  	s17 =	simm.s32 @p2 $0x14000;
	_ =	swait.ge @p2 [sflag:s1], $0xA0  }
0x14b: {  	s18 =	simm.s32 @p2 $0xA0;
	s22 =	simm.s32 @p2 $0x13E00;
	[sflag:s1] =	ssyncset.done @p2 $0x0  }
0x14c: {  	[sflag:s1] =	ssyncadd.s32 @p2 $0xFFFFFF60;
	s1 =	simm.s32 @p2 $0x6  }
0x14d: {  	[spmem:s2] =	stream.indirect.scatter.add.f32 @p2 [tilespmem:s17], [sflag:$0x7], $0x80, s22, s18, $0xb8;
	[tilespmem:$0x1E000] =	vst v63  }
0x14e: {  	_ =	swait.ge @p2 [sflag:s1], $0x5000  }
0x14f: {  	s17 =	simm.s32 @!p2 $0x0;
	s18 =	simm.s32 @!p2 $0x13C00;
	[sflag:s1] =	ssyncset.done @p2 $0x0  }
0x150: {  	[sflag:s1] =	ssyncadd.s32 @p2 $0xFFFFB000;
	s1 =	simm.s32 @!p2 $0x3  }
0x151: {  	[tilespmem:s18], [sflag:$0x1] =	stream.linear.gather @!p2 [hbm4b:s16+s17], $0xA0, $0x38;
	[tilespmem:$0x1E000] =	vst v63  }
0x152: {  	s16 =	simm.s32 @!p2 $0x14000;
	_ =	swait.ge @!p2 [sflag:s1], $0xA0  }
0x153: {  	s22 =	simm.s32 @!p2 $0x13E00;
	s18 =	simm.s32 @!p2 $0xA0;
	[sflag:s1] =	ssyncset.done @!p2 $0x0  }
0x154: {  	[sflag:s1] =	ssyncadd.s32 @!p2 $0xFFFFFF60;
	s1 =	simm.s32 @!p2 $0x6  }
0x155: {  	[spmem:s2] =	stream.indirect.scatter.add.f32 @!p2 [tilespmem:s16], [sflag:$0x7], $0x80, s22, s18, $0xb8;
	[tilespmem:$0x1E000] =	vst v63  }
0x156: {  	_ =	swait.ge @!p2 [sflag:s1], $0x5000  }
.Ltmp6:
0x157: {  	s16 =	simm.s32 @!p2 $0x13D00;
	[sflag:s1] =	ssyncset.done @!p2 $0x0;
	(pc) =	sbr.rel @p1 .LBB2_3-.Ltmp6, $4  }
0x158: {  	[sflag:s1] =	ssyncadd.s32 @!p2 $0xFFFFB000  }
0x159: {  	[tilespmem:s16], [sflag:$0x2] =	stream.linear.gather @!p2 [hbm4b:s9+s17], $0xA0, $0x38;
	[tilespmem:$0x1E000] =	vst v63  }
0x15a: {  	_ =	swait.ge [sflag:s31], $0xA0  }
0x15b: {  	[sflag:s31] =	ssyncset.done $0x0  }
0x15c: {  	[sflag:s31] =	ssyncadd.s32 $0xFFFFFF60  }
0x15d: {  	[spmem:s2] =	stream.indirect.scatter.add.f32 [tilespmem:s29], [sflag:$0x8], $0x80, s25, s28, $0xb8;
	[tilespmem:$0x1E000] =	vst v63  }
0x15e: {  	_ =	swait.ge [sflag:s0], $0x5000  }
0x15f: {  	[sflag:s0] =	ssyncset.done $0x0  }
0x160: {  	[sflag:s0] =	ssyncadd.s32 $0xFFFFB000  }
0x161: {  	_ =	swait.ge [sflag:s4], $0x5000  }
0x162: {  	[sflag:s4] =	ssyncset.done $0x0  }
0x163: {  	[sflag:s4] =	ssyncadd.s32 $0xFFFFB000  }
0x164: {  	[bflag:$0x0] =	sbarrier.arrive $0xFFFF  }
0x165: {  	s1 =	rddreg [dreg:$0x7]  }
0x166: {  	[hbm:s1], [sflag:s19] =	dma.local [spmem:s20], $0x2780  }
0x167: {  	_ =	swait.ge [sflag:s21], $0x2780  }
0x168: {  	[sflag:s21] =	ssyncset.done $0x0  }
0x169: {  	[sflag:s21] =	ssyncadd.s32 $0xFFFFD880  }
0x16a: {  	[bflag:$0x0] =	sbarrier.arrive $0xFFFF  }
0x16b: {  	s18 =	rddreg [dreg:$0x1]  }
0x16c: {  	[spmem:s20], [sflag:s19] =	dma.local [hbm:s18], $0x2780  }
0x16d: {  	_ =	swait.ge [sflag:s21], $0x2780  }
0x16e: {  	[sflag:s21] =	ssyncset.done $0x0  }
0x16f: {  	s22 =	simm.s32 $0x0;
	s9 =	simm.s32 $0x13C00;
	[sflag:s21] =	ssyncadd.s32 $0xFFFFD880  }
0x170: {  	[tilespmem:s9], [sflag:$0x1] =	stream.linear.gather [hbm4b:s12+s22], $0xA0, $0x38;
	[tilespmem:$0x1E000] =	vst v63  }
0x171: {  	_ = 	snop  }
0x172: {  	[tilespmem:s23], [sflag:$0x2] =	stream.linear.gather [hbm4b:s13+s22], $0xA0, $0x38;
	[tilespmem:$0x1E000] =	vst v63  }
0x173: {  	s24 =	simm.s32 $0x13E00  }
0x174: {  	[tilespmem:s24], [sflag:$0x3] =	stream.linear.gather [hbm4b:s14+s22], $0xA0, $0x38;
	[tilespmem:$0x1E000] =	vst v63  }
0x175: {  	_ = 	snop  }
0x176: {  	[tilespmem:s25], [sflag:$0x4] =	stream.linear.gather [hbm4b:s15+s22], $0xA0, $0x38;
	[tilespmem:$0x1E000] =	vst v63  }
0x177: {  	[bflag:$0x0] =	sbarrier.arrive $0xFFFF  }
0x178: {  	p1 =	por $0x1, $0x1;
	_ =	swait.ge [sflag:s26], $0xA0  }
0x179: {  	s11 =	simm.s32 @p1 $0x14000;
	s16 =	simm.s32 @p1 $0x2;
	[sflag:s26] =	ssyncset.done $0x0  }
0x17a: {  	s1 =	simm.s32 @p1 $0xA0;
	s9 =	simm.s32 @p1 $0x13C00;
	[sflag:s26] =	ssyncadd.s32 $0xFFFFFF60  }
0x17b: {  	[tilespmem:s11], [sflag:$0x5] =	stream.indirect.gather @p1 [hbm4b:s6+s1], $0x80, s9, s1, $0xb8;
	[tilespmem:$0x1E000] =	vst v63  }
0x17c: {  	_ =	swait.ge @p1 [sflag:s16], $0xA0  }
0x17d: {  	[sflag:s16] =	ssyncset.done @p1 $0x0  }
0x17e: {  	s1 =	simm.s32 @!p1 $0x7;
	[sflag:s16] =	ssyncadd.s32 @p1 $0xFFFFFF60  }
0x17f: {  	_ =	swait.ge @!p1 [sflag:s1], $0x5000  }
0x180: {  	s9 =	simm.s32 @!p1 $0x13E00;
	[sflag:s1] =	ssyncset.done @!p1 $0x0  }
0x181: {  	s11 =	sadd.s32 @!p1 $0x0, s14;
	s16 =	simm.s32 @!p1 $0x0;
	[sflag:s1] =	ssyncadd.s32 @!p1 $0xFFFFB000  }
0x182: {  	[tilespmem:s9], [sflag:$0x3] =	stream.linear.gather @!p1 [hbm4b:s11+s16], $0xA0, $0x38;
	[tilespmem:$0x1E000] =	vst v63  }
0x183: {  	s17 =	simm.s32 @!p1 $0x13C00;
	s1 =	simm.s32 @!p1 $0x14000;
	s9 =	simm.s32 @!p1 $0xA0  }
0x184: {  	[tilespmem:s1], [sflag:$0x5] =	stream.indirect.gather @!p1 [hbm4b:s6+s9], $0x80, s17, s9, $0xb8;
	[tilespmem:$0x1E000] =	vst v63  }
0x185: {  	s1 =	simm.s32 @!p1 $0x2  }
0x186: {  	_ =	swait.ge @!p1 [sflag:s1], $0xA0  }
0x187: {  	[sflag:s1] =	ssyncset.done @!p1 $0x0  }
0x188: {  	s9 =	simm.s32 @!p1 $0x8;
	[sflag:s1] =	ssyncadd.s32 @!p1 $0xFFFFFF60  }
0x189: {  	_ =	swait.ge @!p1 [sflag:s9], $0x5000  }
0x18a: {  	[sflag:s9] =	ssyncset.done @!p1 $0x0  }
0x18b: {  	s1 =	sadd.s32 @!p1 $0x14, s11;
	s11 =	simm.s32 @!p1 $0x13F00;
	[sflag:s9] =	ssyncadd.s32 @!p1 $0xFFFFB000  }
0x18c: {  	[tilespmem:s11], [sflag:$0x4] =	stream.linear.gather @!p1 [hbm4b:s1+s16], $0xA0, $0x38;
	[tilespmem:$0x1E000] =	vst v63  }
0x18d: {  	_ = 	snop  }
0x18e: {  	[tilespmem:s29], [sflag:$0x6] =	stream.indirect.gather [hbm4b:s6+s28], $0x80, s23, s28, $0xb8;
	[tilespmem:$0x1E000] =	vst v63  }
0x18f: {  	_ =	swait.ge [sflag:s30], $0x5000  }
0x190: {  	p1 =	por $0x0, $0x0;
	[sflag:s30] =	ssyncset.done $0x0  }
0x191: {  	s1 =	simm.s32 @p1 $0x3;
	[sflag:s30] =	ssyncadd.s32 $0xFFFFB000  }
0x192: {  	_ =	swait.ge @p1 [sflag:s1], $0xA0  }
0x193: {  	s9 =	simm.s32 @p1 $0x14000;
	s11 =	simm.s32 @p1 $0xA0;
	[sflag:s1] =	ssyncset.done @p1 $0x0  }
0x194: {  	s16 =	simm.s32 @p1 $0x13E00;
	[sflag:s1] =	ssyncadd.s32 @p1 $0xFFFFFF60;
	s1 =	simm.s32 @p1 $0x6  }
0x195: {  	[spmem:s2] =	stream.indirect.scatter.add.f32 @p1 [tilespmem:s9], [sflag:$0x7], $0x80, s16, s11, $0xb8;
	[tilespmem:$0x1E000] =	vst v63  }
0x196: {  	s17 =	simm.s32 @!p1 $0x13C00;
	_ =	swait.ge @p1 [sflag:s1], $0x5000  }
0x197: {  	s9 =	sadd.s32 @!p1 $0x0, s12;
	s16 =	simm.s32 @!p1 $0x0;
	[sflag:s1] =	ssyncset.done @p1 $0x0  }
0x198: {  	s11 =	sadd.s32 @!p1 $0x28, s9;
	[sflag:s1] =	ssyncadd.s32 @p1 $0xFFFFB000;
	s1 =	simm.s32 @!p1 $0x3  }
0x199: {  	[tilespmem:s17], [sflag:$0x1] =	stream.linear.gather @!p1 [hbm4b:s11+s16], $0xA0, $0x38;
	[tilespmem:$0x1E000] =	vst v63  }
0x19a: {  	_ =	swait.ge @!p1 [sflag:s1], $0xA0  }
0x19b: {  	s11 =	simm.s32 @!p1 $0x14000;
	[sflag:s1] =	ssyncset.done @!p1 $0x0  }
0x19c: {  	s17 =	simm.s32 @!p1 $0xA0;
	[sflag:s1] =	ssyncadd.s32 @!p1 $0xFFFFFF60;
	s1 =	simm.s32 @!p1 $0x13E00  }
0x19d: {  	[spmem:s2] =	stream.indirect.scatter.add.f32 @!p1 [tilespmem:s11], [sflag:$0x7], $0x80, s1, s17, $0xb8;
	[tilespmem:$0x1E000] =	vst v63  }
0x19e: {  	s1 =	simm.s32 @!p1 $0x6  }
0x19f: {  	_ =	swait.ge @!p1 [sflag:s1], $0x5000  }
0x1a0: {  	[sflag:s1] =	ssyncset.done @!p1 $0x0  }
0x1a1: {  	s9 =	sadd.s32 @!p1 $0x3C, s9;
	[sflag:s1] =	ssyncadd.s32 @!p1 $0xFFFFB000;
	s1 =	simm.s32 @!p1 $0x13D00  }
0x1a2: {  	[tilespmem:s1], [sflag:$0x2] =	stream.linear.gather @!p1 [hbm4b:s9+s16], $0xA0, $0x38;
	[tilespmem:$0x1E000] =	vst v63  }
0x1a3: {  	_ =	swait.ge [sflag:s31], $0xA0  }
0x1a4: {  	s11 =	simm.s32 $0x28;
	[sflag:s31] =	ssyncset.done $0x0  }
.LBB2_5:
0x1a5: {  	[sflag:s31] =	ssyncadd.s32 $0xFFFFFF60;
	s16 =	smov.u32 s11;
	s11 =	sadd.s32 $0x28, s11  }
0x1a6: {  	[spmem:s2] =	stream.indirect.scatter.add.f32 [tilespmem:s29], [sflag:$0x8], $0x80, s25, s28, $0xb8;
	[tilespmem:$0x1E000] =	vst v63  }
0x1a7: {  	p2 =	seq.s32 s16, $0x0;
	p1 =	seq.s32 s11, $0x9D8;
	_ =	swait.ge [sflag:s26], $0xA0  }
0x1a8: {  	s1 =	simm.s32 @p2 $0xA0;
	s9 =	simm.s32 @p2 $0x13C00;
	[sflag:s26] =	ssyncset.done $0x0  }
0x1a9: {  	s17 =	simm.s32 @p2 $0x14000;
	s18 =	simm.s32 @p2 $0x2;
	[sflag:s26] =	ssyncadd.s32 $0xFFFFFF60  }
0x1aa: {  	[tilespmem:s17], [sflag:$0x5] =	stream.indirect.gather @p2 [hbm4b:s6+s1], $0x80, s9, s1, $0xb8;
	[tilespmem:$0x1E000] =	vst v63  }
0x1ab: {  	_ =	swait.ge @p2 [sflag:s18], $0xA0  }
0x1ac: {  	s1 =	simm.s32 @!p2 $0x7;
	[sflag:s18] =	ssyncset.done @p2 $0x0  }
0x1ad: {  	[sflag:s18] =	ssyncadd.s32 @p2 $0xFFFFFF60  }
0x1ae: {  	s9 =	simm.s32 @!p2 $0x13E00;
	s17 =	simm.s32 @!p2 $0x14000;
	_ =	swait.ge @!p2 [sflag:s1], $0x5000  }
0x1af: {  	s22 =	simm.s32 @!p2 $0x0;
	s18 =	sadd.s32 @!p2 s16, s14;
	[sflag:s1] =	ssyncset.done @!p2 $0x0  }
0x1b0: {  	s24 =	simm.s32 @!p2 $0x13C00;
	[sflag:s1] =	ssyncadd.s32 @!p2 $0xFFFFB000;
	s1 =	simm.s32 @!p2 $0xA0  }
0x1b1: {  	[tilespmem:s9], [sflag:$0x3] =	stream.linear.gather @!p2 [hbm4b:s18+s22], $0xA0, $0x38;
	[tilespmem:$0x1E000] =	vst v63  }
0x1b2: {  	s9 =	simm.s32 @!p2 $0x2;
	s18 =	sadd.s32 @!p2 $0x14, s18  }
0x1b3: {  	[tilespmem:s17], [sflag:$0x5] =	stream.indirect.gather @!p2 [hbm4b:s6+s1], $0x80, s24, s1, $0xb8;
	[tilespmem:$0x1E000] =	vst v63  }
0x1b4: {  	_ =	swait.ge @!p2 [sflag:s9], $0xA0  }
0x1b5: {  	s1 =	simm.s32 @!p2 $0x8;
	[sflag:s9] =	ssyncset.done @!p2 $0x0  }
0x1b6: {  	[sflag:s9] =	ssyncadd.s32 @!p2 $0xFFFFFF60  }
0x1b7: {  	_ =	swait.ge @!p2 [sflag:s1], $0x5000  }
0x1b8: {  	s9 =	simm.s32 @!p2 $0x13F00;
	[sflag:s1] =	ssyncset.done @!p2 $0x0  }
0x1b9: {  	[sflag:s1] =	ssyncadd.s32 @!p2 $0xFFFFB000  }
0x1ba: {  	[tilespmem:s9], [sflag:$0x4] =	stream.linear.gather @!p2 [hbm4b:s18+s22], $0xA0, $0x38;
	[tilespmem:$0x1E000] =	vst v63  }
0x1bb: {  	_ = 	snop  }
0x1bc: {  	[tilespmem:s29], [sflag:$0x6] =	stream.indirect.gather [hbm4b:s6+s28], $0x80, s23, s28, $0xb8;
	[tilespmem:$0x1E000] =	vst v63  }
0x1bd: {  	p2 =	seq.s32 s16, $0x9B0;
	_ =	swait.ge [sflag:s30], $0x5000  }
0x1be: {  	s1 =	simm.s32 @p2 $0x3;
	s9 =	sadd.s32 @!p2 s16, s12;
	[sflag:s30] =	ssyncset.done $0x0  }
0x1bf: {  	s16 =	sadd.s32 @!p2 $0x28, s9;
	s9 =	sadd.s32 @!p2 $0x3C, s9;
	[sflag:s30] =	ssyncadd.s32 $0xFFFFB000  }
0x1c0: {  	s17 =	simm.s32 @p2 $0x14000;
	_ =	swait.ge @p2 [sflag:s1], $0xA0  }
0x1c1: {  	s18 =	simm.s32 @p2 $0xA0;
	s22 =	simm.s32 @p2 $0x13E00;
	[sflag:s1] =	ssyncset.done @p2 $0x0  }
0x1c2: {  	[sflag:s1] =	ssyncadd.s32 @p2 $0xFFFFFF60;
	s1 =	simm.s32 @p2 $0x6  }
0x1c3: {  	[spmem:s2] =	stream.indirect.scatter.add.f32 @p2 [tilespmem:s17], [sflag:$0x7], $0x80, s22, s18, $0xb8;
	[tilespmem:$0x1E000] =	vst v63  }
0x1c4: {  	_ =	swait.ge @p2 [sflag:s1], $0x5000  }
0x1c5: {  	s17 =	simm.s32 @!p2 $0x0;
	s18 =	simm.s32 @!p2 $0x13C00;
	[sflag:s1] =	ssyncset.done @p2 $0x0  }
0x1c6: {  	[sflag:s1] =	ssyncadd.s32 @p2 $0xFFFFB000;
	s1 =	simm.s32 @!p2 $0x3  }
0x1c7: {  	[tilespmem:s18], [sflag:$0x1] =	stream.linear.gather @!p2 [hbm4b:s16+s17], $0xA0, $0x38;
	[tilespmem:$0x1E000] =	vst v63  }
0x1c8: {  	s16 =	simm.s32 @!p2 $0x14000;
	_ =	swait.ge @!p2 [sflag:s1], $0xA0  }
0x1c9: {  	s22 =	simm.s32 @!p2 $0x13E00;
	s18 =	simm.s32 @!p2 $0xA0;
	[sflag:s1] =	ssyncset.done @!p2 $0x0  }
0x1ca: {  	[sflag:s1] =	ssyncadd.s32 @!p2 $0xFFFFFF60;
	s1 =	simm.s32 @!p2 $0x6  }
0x1cb: {  	[spmem:s2] =	stream.indirect.scatter.add.f32 @!p2 [tilespmem:s16], [sflag:$0x7], $0x80, s22, s18, $0xb8;
	[tilespmem:$0x1E000] =	vst v63  }
0x1cc: {  	_ =	swait.ge @!p2 [sflag:s1], $0x5000  }
.Ltmp7:
0x1cd: {  	s16 =	simm.s32 @!p2 $0x13D00;
	[sflag:s1] =	ssyncset.done @!p2 $0x0;
	(pc) =	sbr.rel @!p1 .LBB2_5-.Ltmp7, $4  }
0x1ce: {  	[sflag:s1] =	ssyncadd.s32 @!p2 $0xFFFFB000  }
0x1cf: {  	[tilespmem:s16], [sflag:$0x2] =	stream.linear.gather @!p2 [hbm4b:s9+s17], $0xA0, $0x38;
	[tilespmem:$0x1E000] =	vst v63  }
0x1d0: {  	_ =	swait.ge [sflag:s31], $0xA0  }
0x1d1: {  	[sflag:s31] =	ssyncset.done $0x0  }
.Ltmp8:
0x1d2: {  	(pc) =	sbr.rel .LBB2_12-.Ltmp8, $3  }
0x1d3: {  	_ =	sdelay $0x1  }
0x1d4: {  	[sflag:s31] =	ssyncadd.s32 $0xFFFFFF60;
	s11 =	rddreg [dreg:$0x5]  }
0x1d5: {  	[spmem:s2] =	stream.indirect.scatter.add.f32 [tilespmem:s29], [sflag:$0x8], $0x80, s25, s28, $0xb8;
	[tilespmem:$0x1E000] =	vst v63  }
.LBB2_13:
0x1d6: {  	_ =	sfence.sel $0x180000  }
0x1d7: {  	[bflag:$0x0] =	sbarrier.arrive $0xFFFF  }
0x1d8: {  	_ =	strace $0x9000004D  }
0x1d9: {  	s0 =	stileid.u32;
	[bflag:$0x2] =	sbarrier.arrive $0xFFFF  }
0x1da: {  	p0 =	sne.s32 s0, $0x0;
	s0 =	rddreg [dreg:$0x3]  }
0x1db: {  	s0 =	sadd.s32 @!p0 $0x100000, s0  }
0x1dc: {  	[sflag:s0] =	ssyncadd.tile.s32 @!p0 $0x1;
	_ =	shalt  }
.Lfunc_end2:
_tile_overlayer_lowered:
.L_overlay_start_2:
0x1dd: {  	(tag) =	ssettag $0x2  }
0x1de: {  	s0 =	rddreg [dreg:$0x0];
	s2 =	stileid.u32  }
0x1df: {  	s1 =	rddreg [dreg:$0x1];
	p0 =	sne.s32 s2, $0x0  }
0x1e0: {  	s3 =	rddreg [dreg:$0x2];
	[bflag:$0x3] =	sbarrier.arrive $0xFFFF;
	s2 =	simm.s32 @!p0 $0x1C09  }
0x1e1: {  	[timem:s3], [sflag:s2] =	dma.local @!p0 [hbm:s0], s1  }
0x1e2: {  	s0 =	simm.s32 @!p0 $0x9  }
0x1e3: {  	_ =	swait.ge @!p0 [sflag:s0], s1  }
0x1e4: {  	s1 =	ssub.s32 @!p0 $0x0, s1;
	[sflag:s0] =	ssyncset.done @!p0 $0x0  }
0x1e5: {  	[sflag:s0] =	ssyncadd.s32 @!p0 s1  }
0x1e6: {  	[bflag:$0x3] =	sbarrier.arrive $0xFFFF  }
0x1e7: {  	_ =	shalt  }

// kernel: kernel.19.cloned.1.call-start
scs
__scs_entry_jumppad:
0x0: {  	(pc) =	sbr.rel $0x88, $3  }
0x1: {  	(tag) =	ssettag $0x0;
	lr =	simm.s32 $0x1  }
0x2: {  	[smem:$0x3F96] =	sst lr;
	_ =	strace $0xD0000000  }
0x3: {  	_ = 	snop  }
0x4: {  	_ = 	snop  }
0x5: {  	_ = 	snop  }
0x6: {  	_ = 	snop  }
0x7: {  	_ = 	snop  }
__scs_overlays_trampoline_lowered:
0x8: {  	[smem:$0x3FA5] =	sst s0  }
0x9: {  	[smem:$0x3FA6] =	sst s1  }
0xa: {  	[smem:$0x3FA7] =	sst s2  }
0xb: {  	[smem:$0x3FA8] =	sst s3  }
0xc: {  	[smem:$0x3FA9] =	sst s4  }
0xd: {  	[smem:$0x3FAA] =	sst s5  }
0xe: {  	[smem:$0x3FAB] =	sst s6  }
0xf: {  	[smem:$0x3FAC] =	sst s7  }
0x10: {  	[smem:$0x3FAD] =	sst s8  }
0x11: {  	[smem:$0x3FAE] =	sst s9;
	s0 =	simm.s32 @!p0 $0x0  }
0x12: {  	s1 =	sld [smem:$0x3F94];
	s0 =	simm.s32 @p0 $0x1  }
0x13: {  	[smem:$0x3FAF] =	sst s0;
	s0 =	simm.s32 @!p1 $0x0  }
0x14: {  	s2 =	sld [smem:$0x3F93];
	s0 =	simm.s32 @p1 $0x1  }
0x15: {  	[smem:$0x3FB0] =	sst s0;
	s0 =	simm.s32 @!p2 $0x0  }
0x16: {  	s3 =	sld [smem:$0x3FDB];
	s0 =	simm.s32 @p2 $0x1  }
0x17: {  	s4 =	simm.s32 $0x1BF5;
	[smem:$0x3FB2] =	sst s0  }
0x18: {  	s0 =	sld [smem:$0x3F95];
	_ =	swait.ge [sflag:s4], $0x0  }
0x19: {  	s7 =	sld [smem:$0x3F96]  }
0x1a: {  	s8 =	sadd.s32 $0xFFFFE003, lr  }
0x1b: {  	s9 =	sadd.s32 $0xFFFFFEF7, lr;
	s5 =	simm.s32 $0xFFFFFFFF;
	p2 =	slt.u32 s8, $0xFFFFF086  }
0x1c: {  	p1 =	slt.u32 s9, $0xF7A;
	s5 =	simm.s32 @!p2 $0x0  }
0x1d: {  	s5 =	simm.s32 @p1 $0x1;
	p0 =	seq.s32 s7, s2  }
0x1e: {  	s7 =	smul.u32 @!p0 $0xF7A, s2;
	p2 =	seq.s32 @!p0 s5, $0x0  }
0x1f: {  	s9 =	smul.u32 $0xF7A, s1;
	s8 =	simm.s32 @!p0 $0x1BF5;
	p2 =	por !p2, p0  }
0x20: {  	[sflag:s8] =	ssyncset.s32 @!p0 $0xFFFFF086;
	s6 =	sadd.s32 @!p0 s3, s7;
	s7 =	simm.s32 @!p0 $0x108  }
0x21: {  	s3 =	sadd.s32 s3, s9;
	s6 =	sadd.s32 @!p0 $0x88, s6;
	s7 =	simm.s32 @p2 $0x1082  }
0x22: {  	[simem:s7], [sflag:s8] =	dma.local @!p0 [hbm:s6], $0xF7A  }
0x23: {  	s9 =	sor.u32 $0xD0000000, s2;
	s6 =	simm.s32 $0x108;
	_ =	swait.ge @!p0 [sflag:s8], $0x0  }
0x24: {  	s3 =	sadd.s32 $0x88, s3;
	s6 =	simm.s32 @!p1 $0x1082;
	[sflag:s4] =	ssyncset.s32 $0xFFFFF086  }
0x25: {  	[simem:s6], [sflag:s4] =	dma.local [hbm:s3], $0xF7A  }
0x26: {  	[smem:$0x3F96] =	sst s1;
	(tag) =	ssettag s2;
	_ =	strace s9  }
0x27: {  	s1 =	sld [smem:$0x3FA6]  }
0x28: {  	s2 =	sld [smem:$0x3FA7]  }
0x29: {  	s4 =	sld [smem:$0x3FA9]  }
0x2a: {  	p0 =	seq.s32 s5, $0x0;
	s5 =	sld [smem:$0x3FAA]  }
0x2b: {  	s6 =	sld [smem:$0x3FAB]  }
0x2c: {  	s7 =	sld [smem:$0x3FAC]  }
0x2d: {  	s3 =	simm.s32 $0x108;
	s8 =	sld [smem:$0x3FAD]  }
0x2e: {  	s3 =	simm.s32 @!p0 $0x1082;
	s9 =	sld [smem:$0x3FAE]  }
0x2f: {  	lr =	sadd.s32 s0, s3;
	s0 =	sld [smem:$0x3FA5]  }
0x30: {  	s3 =	sld [smem:$0x3FA8]  }
0x31: {  	[smem:$0x3FB1] =	sst s10  }
0x32: {  	s10 =	sld [smem:$0x3FAF];
	_ =	sdelay $0x3  }
0x33: {  	p0 =	seq.s32 s10, $0x1;
	s10 =	sld [smem:$0x3FB1];
	_ =	sdelay $0x3  }
0x34: {  	[smem:$0x3FB1] =	sst s10  }
0x35: {  	s10 =	sld [smem:$0x3FB0];
	_ =	sdelay $0x3  }
0x36: {  	p1 =	seq.s32 s10, $0x1;
	s10 =	sld [smem:$0x3FB1];
	_ =	sdelay $0x3  }
0x37: {  	[smem:$0x3FB1] =	sst s10  }
0x38: {  	s10 =	sld [smem:$0x3FB2]  }
0x39: {  	_ = 	snop;
	(pc) =	sbr.ind lr, $3  }
0x3a: {  	_ = 	snop  }
0x3b: {  	_ = 	snop  }
0x3c: {  	p2 =	seq.s32 s10, $0x1;
	s10 =	sld [smem:$0x3FB1]  }
0x3d: {  	_ =	shalt  }
0x3e: {  	_ =	shalt  }
0x3f: {  	_ =	shalt  }
0x40: {  	_ =	shalt  }
0x41: {  	_ =	shalt  }
0x42: {  	_ =	shalt  }
0x43: {  	_ =	shalt  }
0x44: {  	_ =	shalt  }
0x45: {  	_ =	shalt  }
0x46: {  	_ =	shalt  }
0x47: {  	_ =	shalt  }
0x48: {  	_ =	shalt  }
0x49: {  	_ =	shalt  }
0x4a: {  	_ =	shalt  }
0x4b: {  	_ =	shalt  }
0x4c: {  	_ =	shalt  }
0x4d: {  	_ =	shalt  }
0x4e: {  	_ =	shalt  }
0x4f: {  	_ =	shalt  }
0x50: {  	_ =	shalt  }
0x51: {  	_ =	shalt  }
0x52: {  	_ =	shalt  }
0x53: {  	_ =	shalt  }
0x54: {  	_ =	shalt  }
0x55: {  	_ =	shalt  }
0x56: {  	_ =	shalt  }
0x57: {  	_ =	shalt  }
0x58: {  	_ =	shalt  }
0x59: {  	_ =	shalt  }
0x5a: {  	_ =	shalt  }
0x5b: {  	_ =	shalt  }
0x5c: {  	_ =	shalt  }
0x5d: {  	_ =	shalt  }
0x5e: {  	_ =	shalt  }
0x5f: {  	_ =	shalt  }
0x60: {  	_ =	shalt  }
0x61: {  	_ =	shalt  }
0x62: {  	_ =	shalt  }
0x63: {  	_ =	shalt  }
0x64: {  	_ =	shalt  }
0x65: {  	_ =	shalt  }
0x66: {  	_ =	shalt  }
0x67: {  	_ =	shalt  }
0x68: {  	_ =	shalt  }
0x69: {  	_ =	shalt  }
0x6a: {  	_ =	shalt  }
0x6b: {  	_ =	shalt  }
0x6c: {  	_ =	shalt  }
0x6d: {  	_ =	shalt  }
0x6e: {  	_ =	shalt  }
0x6f: {  	_ =	shalt  }
0x70: {  	_ =	shalt  }
0x71: {  	_ =	shalt  }
0x72: {  	_ =	shalt  }
0x73: {  	_ =	shalt  }
0x74: {  	_ =	shalt  }
0x75: {  	_ =	shalt  }
0x76: {  	_ =	shalt  }
0x77: {  	_ =	shalt  }
0x78: {  	_ =	shalt  }
0x79: {  	_ =	shalt  }
0x7a: {  	_ =	shalt  }
0x7b: {  	_ =	shalt  }
0x7c: {  	_ =	shalt  }
0x7d: {  	_ =	shalt  }
0x7e: {  	_ =	shalt  }
0x7f: {  	_ =	shalt  }
0x80: {  	_ =	shalt  }
0x81: {  	_ =	shalt  }
0x82: {  	_ =	shalt  }
0x83: {  	_ =	shalt  }
0x84: {  	_ =	shalt  }
0x85: {  	_ =	shalt  }
0x86: {  	_ =	shalt  }
0x87: {  	_ =	shalt  }
.Lfunc_end0:
.L_simem_size_0:
called_computation.3_lowered:
.L_overlay_start_0:
0x88: {  	s2 =	sld [smem:$0x3FD9]  }
0x89: {  	s3 =	sld [smem:$0x3FFE];
	_ =	sdelay $0x1  }
0x8a: {  	s1 =	srdreg.scid  }
0x8b: {  	s0 =	sand.u32 $0x1, s1  }
0x8c: {  	s17 =	sshll.u32 s0, $0xA;
	s2 =	sadd.s32 s3, s2  }
0x8d: {  	s2 =	sadd.s32 s2, s17  }
0x8e: {  	[smem:$0x3FBD] =	sst s2  }
0x8f: {  	_ = 	snop  }
0x90: {  	s2 =	sld [smem:$0x3FD0];
	(tm) =	ssettm $0x1  }
0x91: {  	s18 =	sld [smem:$0x3FFB];
	_ =	sdelay $0x3  }
0x92: {  	_ =	strace s18  }
0x93: {  	s3 =	sld [smem:$0x3FFC];
	_ =	sdelay $0x3  }
0x94: {  	_ =	strace s3  }
0x95: {  	s3 =	sld [smem:$0x3FFD];
	_ =	sdelay $0x3  }
0x96: {  	_ =	strace s3  }
0x97: {  	_ =	strace $0x8FFFFFFF  }
0x98: {  	s19 =	sld [smem:$0x3FDB];
	_ =	sdelay $0x1  }
0x99: {  	s4 =	simm.s32 $_scs_section_size  }
0x9a: {  	s5 =	simm.s32 $_size__tile_overlayer_lowered;
	s6 =	simm.s32 $_tile_overlayer_lowered  }
0x9b: {  	s22 =	simm.s32 $0x1BFF;
	s21 =	sshll.u32 s6, $0x1;
	s3 =	sadd.s32 s4, s19  }
0x9c: {  	s7 =	simm.s32 $0x0;
	s20 =	sshll.u32 s5, $0x1;
	s5 =	sadd.s32 s21, s3  }
0x9d: {  	[timem:s7], [sflag:s22] =	dma.local [hbm:s5], s20  }
0x9e: {  	_ =	swait.ge [sflag:s22], s20  }
0x9f: {  	s4 =	ssub.s32 $0x0, s20;
	[sflag:s22] =	ssyncset.done $0x0  }
0xa0: {  	[sflag:s22] =	ssyncadd.s32 s4;
	_ =	sdelay $0x1  }
0xa1: {  	s23 =	simm.s32 $0x1B8B  }
0xa2: {  	_ =	swait.ge [sflag:s23], $0x1  }
0xa3: {  	[sflag:s23] =	ssyncset.done $0x0  }
0xa4: {  	s25 =	simm.s32 $0x1B8E;
	s24 =	sld [smem:$0x3FFE];
	[sflag:s23] =	ssyncadd.s32 $0xFFFFFFFF  }
0xa5: {  	s26 =	simm.s32 $execute0_lowered;
	[smem:$0x3FD2] =	sst s25  }
0xa6: {  	s5 =	sshll.u32 s26, $0x1;
	_ =	strace $0x8000004F;
	[dreg:$0x1] =	wrdreg $0xFFFFFFFF  }
0xa7: {  	s28 =	simm.s32 $_size_execute0_lowered;
	s3 =	sadd.s32 s3, s5;
	[dreg:$0x0] =	wrdreg $0x0  }
0xa8: {  	s5 =	sshll.u32 s28, $0x1;
	[dreg:$0x2] =	wrdreg s3  }
0xa9: {  	[dreg:$0x3] =	wrdreg s5  }
0xaa: {  	[dreg:$0x4] =	wrdreg $0xC0  }
0xab: {  	_ =	task [dreg:s7], $0x5FFFF  }
0xac: {  	[dreg:$0x1] =	wrdreg $0xFFFFFFFF  }
0xad: {  	[dreg:$0x0] =	wrdreg $0x60  }
0xae: {  	[dreg:$0x2] =	wrdreg s24  }
0xaf: {  	[dreg:$0x3] =	wrdreg s2  }
0xb0: {  	[dreg:$0x4] =	wrdreg $0x0  }
0xb1: {  	[dreg:$0x5] =	wrdreg $0x9  }
0xb2: {  	_ =	task.clear_ibuf [dreg:s7], $0x6FFFF;
	_ =	strace $0x9000004F  }
0xb3: {  	s29 =	simm.s32 $0x9;
	_ =	strace $0x80000051  }
0xb4: {  	_ =	swait.ge [sflag:s29], $0x1  }
0xb5: {  	[sflag:s29] =	ssyncadd.s32 $0xFFFFFFFF  }
0xb6: {  	_ =	strace $0x90000051  }
0xb7: {  	_ =	sfence  }
0xb8: {  	s30 =	sld [smem:$0x0];
	_ =	sdelay $0x2  }
0xb9: {  	s31 =	sshll.u32 s1, $0xD;
	s1 =	sshrl.u32 s1, $0x2  }
0xba: {  	s3 =	sand.u32 $0x4000, s31;
	s1 =	sadd.s32 s1, s30  }
0xbb: {  	s0 =	sor.u32 s3, s0;
	s1 =	sshll.u32 s1, $0x11  }
0xbc: {  	s0 =	sor.u32 s1, s0  }
0xbd: {  	s0 =	sadd.s32 $0x8F2B, s0  }
0xbe: {  	[sflag:s0] =	ssyncadd.remote.s32 $0x1  }
0xbf: {  	_ =	sfence.sel $0xFFFF  }
0xc0: {  	[dreg:$0x0] =	wrdreg $0xFFFFFFFF;
	(pc) =	sbr.abs _section_cstart, $3  }
0xc1: {  	[dreg:$0x1] =	wrdreg $0xFFFFFFFF  }
0xc2: {  	_ =	task.clear_ibuf [dreg:s7], $0x2FFFF;
	_ =	strace $0x9FFFFFFF  }
0xc3: {  	(tm) =	ssettm $0x7FFFFFFF  }
tec
execute0_lowered:
.L_overlay_start_1:
0x0: {  	(tag) =	ssettag $0x1  }
0x1: {  	s0 =	rddreg [dreg:$0x0]  }
0x2: {  	s2 =	rddreg [dreg:$0x2];
	s3 =	simm.s32 $0x0  }
0x3: {  	s1 =	stileid.u32;
	s10 =	srdreg.scid;
	s28 =	simm.s32 $0xA0  }
0x4: {  	s29 =	simm.s32 $0x19000;
	s30 =	simm.s32 $0x5;
	s31 =	simm.s32 $0x4  }
0x5: {  	[smem:$0x7FF] =	sst s3;
	s5 =	sadd.s32 $0x115C00, s0;
	s6 =	sadd.s32 $0xEEA00, s0  }
0x6: {  	s7 =	sadd.s32 $0xC7800, s0;
	s4 =	sadd.s32 $0x146C00, s0;
	s9 =	smul.u32 $0x2780, s1  }
0x7: {  	s8 =	sadd.s32 $0xA0600, s0;
	s11 =	sadd.s32 $0x13CE00, s0;
	s13 =	smul.u32 $0x4EC0, s1  }
0x8: {  	s12 =	sadd.s32 $0x178200, s0;
	s10 =	sand.u32 $0x1, s10;
	s14 =	smul.u32 $0x4F000, s1  }
0x9: {  	s15 =	smul.u32 $0x9D8, s1;
	s26 =	sshll.u32 s1, $0x6;
	_ =	strace $0x80000050  }
0xa: {  	[dreg:$0x5] =	wrdreg s12;
	s20 =	ssub.s32 $0x2, s10;
	p0 =	seq.s32 s10, $0x1  }
0xb: {  	s19 =	sor.u32 $0x1C09, s26;
	s26 =	simm.s32 $0x1;
	[dreg:$0x4] =	wrdreg s9  }
0xc: {  	s16 =	sadd.s32 s9, s0;
	s0 =	sadd.s32 $0x1C7200, s0;
	s21 =	sshrl.u32 s20, $0x1  }
0xd: {  	s22 =	sshrl.u32 s13, $0x3;
	s23 =	sshrl.u32 s14, $0x2;
	s12 =	sadd.s32 s4, s15  }
0xe: {  	s14 =	sadd.s32 s11, s15;
	[dreg:$0x6] =	wrdreg s0;
	s0 =	ssub.s32 s20, s21  }
0xf: {  	s17 =	sadd.s32 $0x14, s22;
	s10 =	sadd.s32 s23, s2;
	s24 =	sadd.s32 $0x150A00, s16  }
.Ltmp0:
0x10: {  	s25 =	sadd.s32 $0x19FA00, s16;
	s21 =	simm.s32 $0x9;
	(pc) =	sbr.rel .LBB2_1-.Ltmp0, $4  }
0x11: {  	s23 =	simm.s32 $0x13D00;
	s13 =	sadd.s32 s4, s17;
	[dreg:$0x7] =	wrdreg s24  }
0x12: {  	s15 =	sadd.s32 s11, s17;
	[dreg:$0x8] =	wrdreg s25;
	s0 =	smax.u32 s0, $0x1  }
0x13: {  	s20 =	sshrl.u32 s10, $0x3;
	s25 =	simm.s32 $0x13F00;
	s4 =	simm.s32 $0x8  }
0x14: {  	s10 =	simm.s32 $0x0;
	[dreg:$0x9] =	wrdreg s0;
	s0 =	simm.s32 $0x7  }
.LBB2_11:
0x15: {  	[sflag:s31] =	ssyncadd.s32 $0xFFFFFF60;
	s11 =	rddreg [dreg:$0x6]  }
0x16: {  	[spmem:s2] =	stream.indirect.scatter.add.f32 [tilespmem:s29], [sflag:$0x8], $0x80, s25, s28, $0xb8;
	[tilespmem:$0x1E000] =	vst v63  }
.LBB2_12:
0x17: {  	_ =	swait.ge [sflag:s0], $0x5000  }
0x18: {  	[sflag:s0] =	ssyncset.done $0x0  }
0x19: {  	[sflag:s0] =	ssyncadd.s32 $0xFFFFB000  }
0x1a: {  	_ =	swait.ge [sflag:s4], $0x5000  }
0x1b: {  	[sflag:s4] =	ssyncset.done $0x0  }
0x1c: {  	s1 =	rddreg [dreg:$0x4];
	[sflag:s4] =	ssyncadd.s32 $0xFFFFB000  }
0x1d: {  	s1 =	sadd.s32 s11, s1;
	[bflag:$0x0] =	sbarrier.arrive $0xFFFF  }
0x1e: {  	[hbm:s1], [sflag:s19] =	dma.local [spmem:s20], $0x2780  }
0x1f: {  	_ =	swait.ge [sflag:s21], $0x2780  }
0x20: {  	s10 =	sadd.s32 $0x1, s10;
	s24 =	rddreg [dreg:$0x9]  }
0x21: {  	p1 =	sne.s32 s10, s24  }
.Ltmp1:
0x22: {  	_ = 	snop;
	(pc) =	sbr.rel @!p1 .LBB2_13-.Ltmp1, $3  }
0x23: {  	[sflag:s21] =	ssyncset.done $0x0  }
0x24: {  	[sflag:s21] =	ssyncadd.s32 $0xFFFFD880  }
0x25: {  	[bflag:$0x0] =	sbarrier.arrive $0xFFFF;
	_ =	sdelay $0x1  }
.LBB2_1:
0x26: {  	s1 =	rddreg [dreg:$0x1]  }
0x27: {  	[spmem:s20], [sflag:s19] =	dma.local [hbm:s1], $0x2780  }
0x28: {  	_ =	swait.ge [sflag:s21], $0x2780  }
0x29: {  	[sflag:s21] =	ssyncset.done $0x0  }
0x2a: {  	s22 =	simm.s32 $0x13C00;
	[sflag:s21] =	ssyncadd.s32 $0xFFFFD880  }
0x2b: {  	[tilespmem:s22], [sflag:$0x1] =	stream.linear.gather [hbm4b:s12+s3], $0xA0, $0x38;
	[tilespmem:$0x1E000] =	vst v63  }
0x2c: {  	_ = 	snop  }
0x2d: {  	[tilespmem:s23], [sflag:$0x2] =	stream.linear.gather [hbm4b:s13+s3], $0xA0, $0x38;
	[tilespmem:$0x1E000] =	vst v63  }
0x2e: {  	s24 =	simm.s32 $0x13E00  }
0x2f: {  	[tilespmem:s24], [sflag:$0x3] =	stream.linear.gather [hbm4b:s14+s3], $0xA0, $0x38;
	[tilespmem:$0x1E000] =	vst v63  }
.Ltmp2:
0x30: {  	_ = 	snop;
	(pc) =	sbr.rel @!p0 .LBB2_2-.Ltmp2, $3  }
0x31: {  	_ = 	snop  }
0x32: {  	[tilespmem:s25], [sflag:$0x4] =	stream.linear.gather [hbm4b:s15+s3], $0xA0, $0x38;
	[tilespmem:$0x1E000] =	vst v63  }
0x33: {  	[bflag:$0x0] =	sbarrier.arrive $0xFFFF;
	_ =	sdelay $0x1  }
0x34: {  	_ =	swait.ge [sflag:s26], $0xA0;
	p1 =	por $0x1, $0x1  }
0x35: {  	[sflag:s26] =	ssyncset.done $0x0;
	s1 =	simm.s32 @p1 $0xA0;
	s9 =	simm.s32 @p1 $0x13C00  }
0x36: {  	s11 =	simm.s32 @p1 $0x14000;
	s16 =	simm.s32 @p1 $0x2;
	[sflag:s26] =	ssyncadd.s32 $0xFFFFFF60  }
0x37: {  	[tilespmem:s11], [sflag:$0x5] =	stream.indirect.gather @p1 [hbm4b:s7+s1], $0x80, s9, s1, $0xb8;
	[tilespmem:$0x1E000] =	vst v63  }
0x38: {  	_ =	swait.ge @p1 [sflag:s16], $0xA0  }
0x39: {  	[sflag:s16] =	ssyncset.done @p1 $0x0  }
0x3a: {  	s1 =	simm.s32 @!p1 $0x7;
	[sflag:s16] =	ssyncadd.s32 @p1 $0xFFFFFF60  }
0x3b: {  	_ =	swait.ge @!p1 [sflag:s1], $0x5000  }
0x3c: {  	s17 =	simm.s32 @!p1 $0x0;
	s18 =	simm.s32 @!p1 $0x2;
	[sflag:s1] =	ssyncset.done @!p1 $0x0  }
0x3d: {  	s9 =	simm.s32 @!p1 $0x13E00;
	s16 =	sadd.s32 @!p1 $0x0, s14;
	[sflag:s1] =	ssyncadd.s32 @!p1 $0xFFFFB000  }
0x3e: {  	[tilespmem:s9], [sflag:$0x3] =	stream.linear.gather @!p1 [hbm4b:s16+s17], $0xA0, $0x38;
	[tilespmem:$0x1E000] =	vst v63  }
0x3f: {  	s11 =	simm.s32 @!p1 $0x14000;
	s1 =	simm.s32 @!p1 $0xA0;
	s9 =	simm.s32 @!p1 $0x13C00  }
0x40: {  	[tilespmem:s11], [sflag:$0x5] =	stream.indirect.gather @!p1 [hbm4b:s7+s1], $0x80, s9, s1, $0xb8;
	[tilespmem:$0x1E000] =	vst v63  }
0x41: {  	_ =	swait.ge @!p1 [sflag:s18], $0xA0  }
0x42: {  	[sflag:s18] =	ssyncset.done @!p1 $0x0  }
0x43: {  	s1 =	simm.s32 @!p1 $0x8;
	[sflag:s18] =	ssyncadd.s32 @!p1 $0xFFFFFF60  }
0x44: {  	_ =	swait.ge @!p1 [sflag:s1], $0x5000  }
0x45: {  	[sflag:s1] =	ssyncset.done @!p1 $0x0  }
0x46: {  	s9 =	sadd.s32 @!p1 $0x14, s16;
	s11 =	simm.s32 @!p1 $0x13F00;
	[sflag:s1] =	ssyncadd.s32 @!p1 $0xFFFFB000  }
0x47: {  	[tilespmem:s11], [sflag:$0x4] =	stream.linear.gather @!p1 [hbm4b:s9+s17], $0xA0, $0x38;
	[tilespmem:$0x1E000] =	vst v63  }
0x48: {  	_ = 	snop  }
0x49: {  	[tilespmem:s29], [sflag:$0x6] =	stream.indirect.gather [hbm4b:s7+s28], $0x80, s23, s28, $0xb8;
	[tilespmem:$0x1E000] =	vst v63  }
0x4a: {  	_ =	swait.ge [sflag:s30], $0x5000  }
0x4b: {  	p1 =	por $0x0, $0x0;
	[sflag:s30] =	ssyncset.done $0x0  }
0x4c: {  	s1 =	simm.s32 @p1 $0x3;
	[sflag:s30] =	ssyncadd.s32 $0xFFFFB000  }
0x4d: {  	_ =	swait.ge @p1 [sflag:s1], $0xA0  }
0x4e: {  	s9 =	simm.s32 @p1 $0x14000;
	s11 =	simm.s32 @p1 $0xA0;
	[sflag:s1] =	ssyncset.done @p1 $0x0  }
0x4f: {  	s16 =	simm.s32 @p1 $0x13E00;
	[sflag:s1] =	ssyncadd.s32 @p1 $0xFFFFFF60;
	s1 =	simm.s32 @p1 $0x6  }
0x50: {  	[spmem:s2] =	stream.indirect.scatter.add.f32 @p1 [tilespmem:s9], [sflag:$0x7], $0x80, s16, s11, $0xb8;
	[tilespmem:$0x1E000] =	vst v63  }
0x51: {  	s17 =	simm.s32 @!p1 $0x13C00;
	_ =	swait.ge @p1 [sflag:s1], $0x5000  }
0x52: {  	s9 =	sadd.s32 @!p1 $0x0, s12;
	s16 =	simm.s32 @!p1 $0x0;
	[sflag:s1] =	ssyncset.done @p1 $0x0  }
0x53: {  	s11 =	sadd.s32 @!p1 $0x28, s9;
	[sflag:s1] =	ssyncadd.s32 @p1 $0xFFFFB000;
	s1 =	simm.s32 @!p1 $0x3  }
0x54: {  	[tilespmem:s17], [sflag:$0x1] =	stream.linear.gather @!p1 [hbm4b:s11+s16], $0xA0, $0x38;
	[tilespmem:$0x1E000] =	vst v63  }
0x55: {  	_ =	swait.ge @!p1 [sflag:s1], $0xA0  }
0x56: {  	s18 =	simm.s32 @!p1 $0x13E00;
	s11 =	simm.s32 @!p1 $0x14000;
	[sflag:s1] =	ssyncset.done @!p1 $0x0  }
0x57: {  	s17 =	simm.s32 @!p1 $0xA0;
	[sflag:s1] =	ssyncadd.s32 @!p1 $0xFFFFFF60;
	s1 =	simm.s32 @!p1 $0x6  }
0x58: {  	[spmem:s2] =	stream.indirect.scatter.add.f32 @!p1 [tilespmem:s11], [sflag:$0x7], $0x80, s18, s17, $0xb8;
	[tilespmem:$0x1E000] =	vst v63  }
0x59: {  	_ =	swait.ge @!p1 [sflag:s1], $0x5000  }
0x5a: {  	[sflag:s1] =	ssyncset.done @!p1 $0x0  }
0x5b: {  	s9 =	sadd.s32 @!p1 $0x3C, s9;
	s11 =	simm.s32 @!p1 $0x13D00;
	[sflag:s1] =	ssyncadd.s32 @!p1 $0xFFFFB000  }
0x5c: {  	[tilespmem:s11], [sflag:$0x2] =	stream.linear.gather @!p1 [hbm4b:s9+s16], $0xA0, $0x38;
	[tilespmem:$0x1E000] =	vst v63  }
0x5d: {  	_ =	swait.ge [sflag:s31], $0xA0  }
0x5e: {  	s11 =	simm.s32 $0x28;
	[sflag:s31] =	ssyncset.done $0x0  }
.LBB2_8:
0x5f: {  	[sflag:s31] =	ssyncadd.s32 $0xFFFFFF60;
	s16 =	smov.u32 s11;
	s11 =	sadd.s32 $0x28, s11  }
0x60: {  	[spmem:s2] =	stream.indirect.scatter.add.f32 [tilespmem:s29], [sflag:$0x8], $0x80, s25, s28, $0xb8;
	[tilespmem:$0x1E000] =	vst v63  }
0x61: {  	p2 =	seq.s32 s16, $0x0;
	p1 =	sne.s32 s11, $0x9D8;
	_ =	swait.ge [sflag:s26], $0xA0  }
0x62: {  	s1 =	simm.s32 @p2 $0xA0;
	s9 =	simm.s32 @p2 $0x13C00;
	[sflag:s26] =	ssyncset.done $0x0  }
0x63: {  	s17 =	simm.s32 @p2 $0x14000;
	s18 =	simm.s32 @p2 $0x2;
	[sflag:s26] =	ssyncadd.s32 $0xFFFFFF60  }
0x64: {  	[tilespmem:s17], [sflag:$0x5] =	stream.indirect.gather @p2 [hbm4b:s7+s1], $0x80, s9, s1, $0xb8;
	[tilespmem:$0x1E000] =	vst v63  }
0x65: {  	_ =	swait.ge @p2 [sflag:s18], $0xA0  }
0x66: {  	s1 =	simm.s32 @!p2 $0x7;
	[sflag:s18] =	ssyncset.done @p2 $0x0  }
0x67: {  	[sflag:s18] =	ssyncadd.s32 @p2 $0xFFFFFF60  }
0x68: {  	s9 =	simm.s32 @!p2 $0x13E00;
	s17 =	simm.s32 @!p2 $0x14000;
	_ =	swait.ge @!p2 [sflag:s1], $0x5000  }
0x69: {  	s22 =	simm.s32 @!p2 $0x0;
	s18 =	sadd.s32 @!p2 s16, s14;
	[sflag:s1] =	ssyncset.done @!p2 $0x0  }
0x6a: {  	s24 =	simm.s32 @!p2 $0x13C00;
	[sflag:s1] =	ssyncadd.s32 @!p2 $0xFFFFB000;
	s1 =	simm.s32 @!p2 $0xA0  }
0x6b: {  	[tilespmem:s9], [sflag:$0x3] =	stream.linear.gather @!p2 [hbm4b:s18+s22], $0xA0, $0x38;
	[tilespmem:$0x1E000] =	vst v63  }
0x6c: {  	s9 =	simm.s32 @!p2 $0x2;
	s18 =	sadd.s32 @!p2 $0x14, s18  }
0x6d: {  	[tilespmem:s17], [sflag:$0x5] =	stream.indirect.gather @!p2 [hbm4b:s7+s1], $0x80, s24, s1, $0xb8;
	[tilespmem:$0x1E000] =	vst v63  }
0x6e: {  	_ =	swait.ge @!p2 [sflag:s9], $0xA0  }
0x6f: {  	s1 =	simm.s32 @!p2 $0x8;
	[sflag:s9] =	ssyncset.done @!p2 $0x0  }
0x70: {  	[sflag:s9] =	ssyncadd.s32 @!p2 $0xFFFFFF60  }
0x71: {  	_ =	swait.ge @!p2 [sflag:s1], $0x5000  }
0x72: {  	s9 =	simm.s32 @!p2 $0x13F00;
	[sflag:s1] =	ssyncset.done @!p2 $0x0  }
0x73: {  	[sflag:s1] =	ssyncadd.s32 @!p2 $0xFFFFB000  }
0x74: {  	[tilespmem:s9], [sflag:$0x4] =	stream.linear.gather @!p2 [hbm4b:s18+s22], $0xA0, $0x38;
	[tilespmem:$0x1E000] =	vst v63  }
0x75: {  	_ = 	snop  }
0x76: {  	[tilespmem:s29], [sflag:$0x6] =	stream.indirect.gather [hbm4b:s7+s28], $0x80, s23, s28, $0xb8;
	[tilespmem:$0x1E000] =	vst v63  }
0x77: {  	p2 =	seq.s32 s16, $0x9B0;
	_ =	swait.ge [sflag:s30], $0x5000  }
0x78: {  	s1 =	simm.s32 @p2 $0x3;
	s9 =	sadd.s32 @!p2 s16, s12;
	[sflag:s30] =	ssyncset.done $0x0  }
0x79: {  	s16 =	sadd.s32 @!p2 $0x28, s9;
	s9 =	sadd.s32 @!p2 $0x3C, s9;
	[sflag:s30] =	ssyncadd.s32 $0xFFFFB000  }
0x7a: {  	s17 =	simm.s32 @p2 $0x14000;
	_ =	swait.ge @p2 [sflag:s1], $0xA0  }
0x7b: {  	s18 =	simm.s32 @p2 $0xA0;
	s22 =	simm.s32 @p2 $0x13E00;
	[sflag:s1] =	ssyncset.done @p2 $0x0  }
0x7c: {  	[sflag:s1] =	ssyncadd.s32 @p2 $0xFFFFFF60;
	s1 =	simm.s32 @p2 $0x6  }
0x7d: {  	[spmem:s2] =	stream.indirect.scatter.add.f32 @p2 [tilespmem:s17], [sflag:$0x7], $0x80, s22, s18, $0xb8;
	[tilespmem:$0x1E000] =	vst v63  }
0x7e: {  	_ =	swait.ge @p2 [sflag:s1], $0x5000  }
0x7f: {  	s17 =	simm.s32 @!p2 $0x0;
	s18 =	simm.s32 @!p2 $0x13C00;
	[sflag:s1] =	ssyncset.done @p2 $0x0  }
0x80: {  	[sflag:s1] =	ssyncadd.s32 @p2 $0xFFFFB000;
	s1 =	simm.s32 @!p2 $0x3  }
0x81: {  	[tilespmem:s18], [sflag:$0x1] =	stream.linear.gather @!p2 [hbm4b:s16+s17], $0xA0, $0x38;
	[tilespmem:$0x1E000] =	vst v63  }
0x82: {  	s16 =	simm.s32 @!p2 $0x14000;
	_ =	swait.ge @!p2 [sflag:s1], $0xA0  }
0x83: {  	s22 =	simm.s32 @!p2 $0x13E00;
	s18 =	simm.s32 @!p2 $0xA0;
	[sflag:s1] =	ssyncset.done @!p2 $0x0  }
0x84: {  	[sflag:s1] =	ssyncadd.s32 @!p2 $0xFFFFFF60;
	s1 =	simm.s32 @!p2 $0x6  }
0x85: {  	[spmem:s2] =	stream.indirect.scatter.add.f32 @!p2 [tilespmem:s16], [sflag:$0x7], $0x80, s22, s18, $0xb8;
	[tilespmem:$0x1E000] =	vst v63  }
0x86: {  	_ =	swait.ge @!p2 [sflag:s1], $0x5000  }
.Ltmp3:
0x87: {  	s16 =	simm.s32 @!p2 $0x13D00;
	[sflag:s1] =	ssyncset.done @!p2 $0x0;
	(pc) =	sbr.rel @p1 .LBB2_8-.Ltmp3, $4  }
0x88: {  	[sflag:s1] =	ssyncadd.s32 @!p2 $0xFFFFB000  }
0x89: {  	[tilespmem:s16], [sflag:$0x2] =	stream.linear.gather @!p2 [hbm4b:s9+s17], $0xA0, $0x38;
	[tilespmem:$0x1E000] =	vst v63  }
0x8a: {  	_ =	swait.ge [sflag:s31], $0xA0  }
0x8b: {  	[sflag:s31] =	ssyncset.done $0x0  }
0x8c: {  	[sflag:s31] =	ssyncadd.s32 $0xFFFFFF60  }
0x8d: {  	[spmem:s2] =	stream.indirect.scatter.add.f32 [tilespmem:s29], [sflag:$0x8], $0x80, s25, s28, $0xb8;
	[tilespmem:$0x1E000] =	vst v63  }
0x8e: {  	_ =	swait.ge [sflag:s0], $0x5000  }
0x8f: {  	[sflag:s0] =	ssyncset.done $0x0  }
0x90: {  	[sflag:s0] =	ssyncadd.s32 $0xFFFFB000  }
0x91: {  	_ =	swait.ge [sflag:s4], $0x5000  }
0x92: {  	[sflag:s4] =	ssyncset.done $0x0  }
0x93: {  	[sflag:s4] =	ssyncadd.s32 $0xFFFFB000  }
0x94: {  	[bflag:$0x0] =	sbarrier.arrive $0xFFFF  }
0x95: {  	s1 =	rddreg [dreg:$0x8]  }
0x96: {  	[hbm:s1], [sflag:s19] =	dma.local [spmem:s20], $0x2780  }
0x97: {  	_ =	swait.ge [sflag:s21], $0x2780  }
0x98: {  	[sflag:s21] =	ssyncset.done $0x0  }
0x99: {  	[sflag:s21] =	ssyncadd.s32 $0xFFFFD880  }
0x9a: {  	[bflag:$0x0] =	sbarrier.arrive $0xFFFF  }
0x9b: {  	s18 =	rddreg [dreg:$0x1]  }
0x9c: {  	[spmem:s20], [sflag:s19] =	dma.local [hbm:s18], $0x2780  }
0x9d: {  	_ =	swait.ge [sflag:s21], $0x2780  }
0x9e: {  	[sflag:s21] =	ssyncset.done $0x0  }
0x9f: {  	s22 =	simm.s32 $0x0;
	s9 =	simm.s32 $0x13C00;
	[sflag:s21] =	ssyncadd.s32 $0xFFFFD880  }
0xa0: {  	[tilespmem:s9], [sflag:$0x1] =	stream.linear.gather [hbm4b:s12+s22], $0xA0, $0x38;
	[tilespmem:$0x1E000] =	vst v63  }
0xa1: {  	_ = 	snop  }
0xa2: {  	[tilespmem:s23], [sflag:$0x2] =	stream.linear.gather [hbm4b:s13+s22], $0xA0, $0x38;
	[tilespmem:$0x1E000] =	vst v63  }
0xa3: {  	s24 =	simm.s32 $0x13E00  }
0xa4: {  	[tilespmem:s24], [sflag:$0x3] =	stream.linear.gather [hbm4b:s14+s22], $0xA0, $0x38;
	[tilespmem:$0x1E000] =	vst v63  }
0xa5: {  	_ = 	snop  }
0xa6: {  	[tilespmem:s25], [sflag:$0x4] =	stream.linear.gather [hbm4b:s15+s22], $0xA0, $0x38;
	[tilespmem:$0x1E000] =	vst v63  }
0xa7: {  	[bflag:$0x0] =	sbarrier.arrive $0xFFFF  }
0xa8: {  	p1 =	por $0x1, $0x1;
	_ =	swait.ge [sflag:s26], $0xA0  }
0xa9: {  	s11 =	simm.s32 @p1 $0x14000;
	s16 =	simm.s32 @p1 $0x2;
	[sflag:s26] =	ssyncset.done $0x0  }
0xaa: {  	s1 =	simm.s32 @p1 $0xA0;
	s9 =	simm.s32 @p1 $0x13C00;
	[sflag:s26] =	ssyncadd.s32 $0xFFFFFF60  }
0xab: {  	[tilespmem:s11], [sflag:$0x5] =	stream.indirect.gather @p1 [hbm4b:s8+s1], $0x80, s9, s1, $0xb8;
	[tilespmem:$0x1E000] =	vst v63  }
0xac: {  	_ =	swait.ge @p1 [sflag:s16], $0xA0  }
0xad: {  	[sflag:s16] =	ssyncset.done @p1 $0x0  }
0xae: {  	s1 =	simm.s32 @!p1 $0x7;
	[sflag:s16] =	ssyncadd.s32 @p1 $0xFFFFFF60  }
0xaf: {  	_ =	swait.ge @!p1 [sflag:s1], $0x5000  }
0xb0: {  	s9 =	simm.s32 @!p1 $0x13E00;
	[sflag:s1] =	ssyncset.done @!p1 $0x0  }
0xb1: {  	s11 =	sadd.s32 @!p1 $0x0, s14;
	s16 =	simm.s32 @!p1 $0x0;
	[sflag:s1] =	ssyncadd.s32 @!p1 $0xFFFFB000  }
0xb2: {  	[tilespmem:s9], [sflag:$0x3] =	stream.linear.gather @!p1 [hbm4b:s11+s16], $0xA0, $0x38;
	[tilespmem:$0x1E000] =	vst v63  }
0xb3: {  	s17 =	simm.s32 @!p1 $0x13C00;
	s1 =	simm.s32 @!p1 $0x14000;
	s9 =	simm.s32 @!p1 $0xA0  }
0xb4: {  	[tilespmem:s1], [sflag:$0x5] =	stream.indirect.gather @!p1 [hbm4b:s8+s9], $0x80, s17, s9, $0xb8;
	[tilespmem:$0x1E000] =	vst v63  }
0xb5: {  	s1 =	simm.s32 @!p1 $0x2  }
0xb6: {  	_ =	swait.ge @!p1 [sflag:s1], $0xA0  }
0xb7: {  	[sflag:s1] =	ssyncset.done @!p1 $0x0  }
0xb8: {  	s9 =	simm.s32 @!p1 $0x8;
	[sflag:s1] =	ssyncadd.s32 @!p1 $0xFFFFFF60  }
0xb9: {  	_ =	swait.ge @!p1 [sflag:s9], $0x5000  }
0xba: {  	[sflag:s9] =	ssyncset.done @!p1 $0x0  }
0xbb: {  	s1 =	sadd.s32 @!p1 $0x14, s11;
	s11 =	simm.s32 @!p1 $0x13F00;
	[sflag:s9] =	ssyncadd.s32 @!p1 $0xFFFFB000  }
0xbc: {  	[tilespmem:s11], [sflag:$0x4] =	stream.linear.gather @!p1 [hbm4b:s1+s16], $0xA0, $0x38;
	[tilespmem:$0x1E000] =	vst v63  }
0xbd: {  	_ = 	snop  }
0xbe: {  	[tilespmem:s29], [sflag:$0x6] =	stream.indirect.gather [hbm4b:s8+s28], $0x80, s23, s28, $0xb8;
	[tilespmem:$0x1E000] =	vst v63  }
0xbf: {  	_ =	swait.ge [sflag:s30], $0x5000  }
0xc0: {  	p1 =	por $0x0, $0x0;
	[sflag:s30] =	ssyncset.done $0x0  }
0xc1: {  	s1 =	simm.s32 @p1 $0x3;
	[sflag:s30] =	ssyncadd.s32 $0xFFFFB000  }
0xc2: {  	_ =	swait.ge @p1 [sflag:s1], $0xA0  }
0xc3: {  	s9 =	simm.s32 @p1 $0x14000;
	s11 =	simm.s32 @p1 $0xA0;
	[sflag:s1] =	ssyncset.done @p1 $0x0  }
0xc4: {  	s16 =	simm.s32 @p1 $0x13E00;
	[sflag:s1] =	ssyncadd.s32 @p1 $0xFFFFFF60;
	s1 =	simm.s32 @p1 $0x6  }
0xc5: {  	[spmem:s2] =	stream.indirect.scatter.add.f32 @p1 [tilespmem:s9], [sflag:$0x7], $0x80, s16, s11, $0xb8;
	[tilespmem:$0x1E000] =	vst v63  }
0xc6: {  	s17 =	simm.s32 @!p1 $0x13C00;
	_ =	swait.ge @p1 [sflag:s1], $0x5000  }
0xc7: {  	s9 =	sadd.s32 @!p1 $0x0, s12;
	s16 =	simm.s32 @!p1 $0x0;
	[sflag:s1] =	ssyncset.done @p1 $0x0  }
0xc8: {  	s11 =	sadd.s32 @!p1 $0x28, s9;
	[sflag:s1] =	ssyncadd.s32 @p1 $0xFFFFB000;
	s1 =	simm.s32 @!p1 $0x3  }
0xc9: {  	[tilespmem:s17], [sflag:$0x1] =	stream.linear.gather @!p1 [hbm4b:s11+s16], $0xA0, $0x38;
	[tilespmem:$0x1E000] =	vst v63  }
0xca: {  	_ =	swait.ge @!p1 [sflag:s1], $0xA0  }
0xcb: {  	s11 =	simm.s32 @!p1 $0x14000;
	[sflag:s1] =	ssyncset.done @!p1 $0x0  }
0xcc: {  	s17 =	simm.s32 @!p1 $0xA0;
	[sflag:s1] =	ssyncadd.s32 @!p1 $0xFFFFFF60;
	s1 =	simm.s32 @!p1 $0x13E00  }
0xcd: {  	[spmem:s2] =	stream.indirect.scatter.add.f32 @!p1 [tilespmem:s11], [sflag:$0x7], $0x80, s1, s17, $0xb8;
	[tilespmem:$0x1E000] =	vst v63  }
0xce: {  	s1 =	simm.s32 @!p1 $0x6  }
0xcf: {  	_ =	swait.ge @!p1 [sflag:s1], $0x5000  }
0xd0: {  	[sflag:s1] =	ssyncset.done @!p1 $0x0  }
0xd1: {  	s9 =	sadd.s32 @!p1 $0x3C, s9;
	[sflag:s1] =	ssyncadd.s32 @!p1 $0xFFFFB000;
	s1 =	simm.s32 @!p1 $0x13D00  }
0xd2: {  	[tilespmem:s1], [sflag:$0x2] =	stream.linear.gather @!p1 [hbm4b:s9+s16], $0xA0, $0x38;
	[tilespmem:$0x1E000] =	vst v63  }
0xd3: {  	_ =	swait.ge [sflag:s31], $0xA0  }
0xd4: {  	s11 =	simm.s32 $0x28;
	[sflag:s31] =	ssyncset.done $0x0  }
.LBB2_10:
0xd5: {  	[sflag:s31] =	ssyncadd.s32 $0xFFFFFF60;
	s16 =	smov.u32 s11;
	s11 =	sadd.s32 $0x28, s11  }
0xd6: {  	[spmem:s2] =	stream.indirect.scatter.add.f32 [tilespmem:s29], [sflag:$0x8], $0x80, s25, s28, $0xb8;
	[tilespmem:$0x1E000] =	vst v63  }
0xd7: {  	p2 =	seq.s32 s16, $0x0;
	p1 =	sne.s32 s11, $0x9D8;
	_ =	swait.ge [sflag:s26], $0xA0  }
0xd8: {  	s1 =	simm.s32 @p2 $0xA0;
	s9 =	simm.s32 @p2 $0x13C00;
	[sflag:s26] =	ssyncset.done $0x0  }
0xd9: {  	s17 =	simm.s32 @p2 $0x14000;
	s18 =	simm.s32 @p2 $0x2;
	[sflag:s26] =	ssyncadd.s32 $0xFFFFFF60  }
0xda: {  	[tilespmem:s17], [sflag:$0x5] =	stream.indirect.gather @p2 [hbm4b:s8+s1], $0x80, s9, s1, $0xb8;
	[tilespmem:$0x1E000] =	vst v63  }
0xdb: {  	_ =	swait.ge @p2 [sflag:s18], $0xA0  }
0xdc: {  	s1 =	simm.s32 @!p2 $0x7;
	[sflag:s18] =	ssyncset.done @p2 $0x0  }
0xdd: {  	[sflag:s18] =	ssyncadd.s32 @p2 $0xFFFFFF60  }
0xde: {  	s9 =	simm.s32 @!p2 $0x13E00;
	s17 =	simm.s32 @!p2 $0x14000;
	_ =	swait.ge @!p2 [sflag:s1], $0x5000  }
0xdf: {  	s22 =	simm.s32 @!p2 $0x0;
	s18 =	sadd.s32 @!p2 s16, s14;
	[sflag:s1] =	ssyncset.done @!p2 $0x0  }
0xe0: {  	s24 =	simm.s32 @!p2 $0x13C00;
	[sflag:s1] =	ssyncadd.s32 @!p2 $0xFFFFB000;
	s1 =	simm.s32 @!p2 $0xA0  }
0xe1: {  	[tilespmem:s9], [sflag:$0x3] =	stream.linear.gather @!p2 [hbm4b:s18+s22], $0xA0, $0x38;
	[tilespmem:$0x1E000] =	vst v63  }
0xe2: {  	s9 =	simm.s32 @!p2 $0x2;
	s18 =	sadd.s32 @!p2 $0x14, s18  }
0xe3: {  	[tilespmem:s17], [sflag:$0x5] =	stream.indirect.gather @!p2 [hbm4b:s8+s1], $0x80, s24, s1, $0xb8;
	[tilespmem:$0x1E000] =	vst v63  }
0xe4: {  	_ =	swait.ge @!p2 [sflag:s9], $0xA0  }
0xe5: {  	s1 =	simm.s32 @!p2 $0x8;
	[sflag:s9] =	ssyncset.done @!p2 $0x0  }
0xe6: {  	[sflag:s9] =	ssyncadd.s32 @!p2 $0xFFFFFF60  }
0xe7: {  	_ =	swait.ge @!p2 [sflag:s1], $0x5000  }
0xe8: {  	s9 =	simm.s32 @!p2 $0x13F00;
	[sflag:s1] =	ssyncset.done @!p2 $0x0  }
0xe9: {  	[sflag:s1] =	ssyncadd.s32 @!p2 $0xFFFFB000  }
0xea: {  	[tilespmem:s9], [sflag:$0x4] =	stream.linear.gather @!p2 [hbm4b:s18+s22], $0xA0, $0x38;
	[tilespmem:$0x1E000] =	vst v63  }
0xeb: {  	_ = 	snop  }
0xec: {  	[tilespmem:s29], [sflag:$0x6] =	stream.indirect.gather [hbm4b:s8+s28], $0x80, s23, s28, $0xb8;
	[tilespmem:$0x1E000] =	vst v63  }
0xed: {  	p2 =	seq.s32 s16, $0x9B0;
	_ =	swait.ge [sflag:s30], $0x5000  }
0xee: {  	s1 =	simm.s32 @p2 $0x3;
	s9 =	sadd.s32 @!p2 s16, s12;
	[sflag:s30] =	ssyncset.done $0x0  }
0xef: {  	s16 =	sadd.s32 @!p2 $0x28, s9;
	s9 =	sadd.s32 @!p2 $0x3C, s9;
	[sflag:s30] =	ssyncadd.s32 $0xFFFFB000  }
0xf0: {  	s17 =	simm.s32 @p2 $0x14000;
	_ =	swait.ge @p2 [sflag:s1], $0xA0  }
0xf1: {  	s18 =	simm.s32 @p2 $0xA0;
	s22 =	simm.s32 @p2 $0x13E00;
	[sflag:s1] =	ssyncset.done @p2 $0x0  }
0xf2: {  	[sflag:s1] =	ssyncadd.s32 @p2 $0xFFFFFF60;
	s1 =	simm.s32 @p2 $0x6  }
0xf3: {  	[spmem:s2] =	stream.indirect.scatter.add.f32 @p2 [tilespmem:s17], [sflag:$0x7], $0x80, s22, s18, $0xb8;
	[tilespmem:$0x1E000] =	vst v63  }
0xf4: {  	_ =	swait.ge @p2 [sflag:s1], $0x5000  }
0xf5: {  	s17 =	simm.s32 @!p2 $0x0;
	s18 =	simm.s32 @!p2 $0x13C00;
	[sflag:s1] =	ssyncset.done @p2 $0x0  }
0xf6: {  	[sflag:s1] =	ssyncadd.s32 @p2 $0xFFFFB000;
	s1 =	simm.s32 @!p2 $0x3  }
0xf7: {  	[tilespmem:s18], [sflag:$0x1] =	stream.linear.gather @!p2 [hbm4b:s16+s17], $0xA0, $0x38;
	[tilespmem:$0x1E000] =	vst v63  }
0xf8: {  	s16 =	simm.s32 @!p2 $0x14000;
	_ =	swait.ge @!p2 [sflag:s1], $0xA0  }
0xf9: {  	s22 =	simm.s32 @!p2 $0x13E00;
	s18 =	simm.s32 @!p2 $0xA0;
	[sflag:s1] =	ssyncset.done @!p2 $0x0  }
0xfa: {  	[sflag:s1] =	ssyncadd.s32 @!p2 $0xFFFFFF60;
	s1 =	simm.s32 @!p2 $0x6  }
0xfb: {  	[spmem:s2] =	stream.indirect.scatter.add.f32 @!p2 [tilespmem:s16], [sflag:$0x7], $0x80, s22, s18, $0xb8;
	[tilespmem:$0x1E000] =	vst v63  }
0xfc: {  	_ =	swait.ge @!p2 [sflag:s1], $0x5000  }
.Ltmp4:
0xfd: {  	s16 =	simm.s32 @!p2 $0x13D00;
	[sflag:s1] =	ssyncset.done @!p2 $0x0;
	(pc) =	sbr.rel @p1 .LBB2_10-.Ltmp4, $4  }
0xfe: {  	[sflag:s1] =	ssyncadd.s32 @!p2 $0xFFFFB000  }
0xff: {  	[tilespmem:s16], [sflag:$0x2] =	stream.linear.gather @!p2 [hbm4b:s9+s17], $0xA0, $0x38;
	[tilespmem:$0x1E000] =	vst v63  }
0x100: {  	_ =	swait.ge [sflag:s31], $0xA0  }
0x101: {  	[sflag:s31] =	ssyncset.done $0x0  }
.Ltmp5:
0x102: {  	_ = 	snop;
	(pc) =	sbr.rel .LBB2_11-.Ltmp5, $1  }
0x103: {  	_ =	sdelay $0x3  }
.LBB2_2:
0x104: {  	_ =	swait.ge [sflag:s26], $0xA0;
	p1 =	por $0x1, $0x1  }
0x105: {  	[sflag:s26] =	ssyncset.done $0x0;
	s11 =	simm.s32 @p1 $0xA0;
	s16 =	simm.s32 @p1 $0x13C00  }
0x106: {  	s17 =	simm.s32 @p1 $0x14000;
	s1 =	simm.s32 @p1 $0x2;
	[sflag:s26] =	ssyncadd.s32 $0xFFFFFF60  }
0x107: {  	[tilespmem:s17], [sflag:$0x5] =	stream.indirect.gather @p1 [hbm4b:s5+s11], $0x80, s16, s11, $0xb8;
	[tilespmem:$0x1E000] =	vst v63  }
0x108: {  	_ =	swait.ge @p1 [sflag:s1], $0xA0  }
0x109: {  	[sflag:s1] =	ssyncset.done @p1 $0x0  }
0x10a: {  	s11 =	simm.s32 @!p1 $0x7;
	[sflag:s1] =	ssyncadd.s32 @p1 $0xFFFFFF60  }
0x10b: {  	_ =	swait.ge @!p1 [sflag:s11], $0x5000  }
0x10c: {  	s22 =	simm.s32 @!p1 $0x0;
	s24 =	simm.s32 @!p1 $0x2;
	[sflag:s11] =	ssyncset.done @!p1 $0x0  }
0x10d: {  	s17 =	sadd.s32 @!p1 $0x0, s14;
	s1 =	simm.s32 @!p1 $0x13E00;
	[sflag:s11] =	ssyncadd.s32 @!p1 $0xFFFFB000  }
0x10e: {  	[tilespmem:s1], [sflag:$0x3] =	stream.linear.gather @!p1 [hbm4b:s17+s22], $0xA0, $0x38;
	[tilespmem:$0x1E000] =	vst v63  }
0x10f: {  	s16 =	simm.s32 @!p1 $0x14000;
	s11 =	simm.s32 @!p1 $0x13C00;
	s1 =	simm.s32 @!p1 $0xA0  }
0x110: {  	[tilespmem:s16], [sflag:$0x5] =	stream.indirect.gather @!p1 [hbm4b:s5+s1], $0x80, s11, s1, $0xb8;
	[tilespmem:$0x1E000] =	vst v63  }
0x111: {  	_ =	swait.ge @!p1 [sflag:s24], $0xA0  }
0x112: {  	[sflag:s24] =	ssyncset.done @!p1 $0x0  }
0x113: {  	s1 =	simm.s32 @!p1 $0x8;
	[sflag:s24] =	ssyncadd.s32 @!p1 $0xFFFFFF60  }
0x114: {  	_ =	swait.ge @!p1 [sflag:s1], $0x5000  }
0x115: {  	[sflag:s1] =	ssyncset.done @!p1 $0x0  }
0x116: {  	s11 =	sadd.s32 @!p1 $0x14, s17;
	s16 =	simm.s32 @!p1 $0x13F00;
	[sflag:s1] =	ssyncadd.s32 @!p1 $0xFFFFB000  }
0x117: {  	[tilespmem:s16], [sflag:$0x4] =	stream.linear.gather @!p1 [hbm4b:s11+s22], $0xA0, $0x38;
	[tilespmem:$0x1E000] =	vst v63  }
0x118: {  	_ = 	snop  }
0x119: {  	[tilespmem:s29], [sflag:$0x6] =	stream.indirect.gather [hbm4b:s5+s28], $0x80, s23, s28, $0xb8;
	[tilespmem:$0x1E000] =	vst v63  }
0x11a: {  	_ =	swait.ge [sflag:s30], $0x5000  }
0x11b: {  	p1 =	por $0x0, $0x0;
	[sflag:s30] =	ssyncset.done $0x0  }
0x11c: {  	s1 =	simm.s32 @p1 $0x3;
	[sflag:s30] =	ssyncadd.s32 $0xFFFFB000  }
0x11d: {  	_ =	swait.ge @p1 [sflag:s1], $0xA0  }
0x11e: {  	s11 =	simm.s32 @p1 $0x14000;
	s16 =	simm.s32 @p1 $0xA0;
	[sflag:s1] =	ssyncset.done @p1 $0x0  }
0x11f: {  	s17 =	simm.s32 @p1 $0x13E00;
	[sflag:s1] =	ssyncadd.s32 @p1 $0xFFFFFF60;
	s1 =	simm.s32 @p1 $0x6  }
0x120: {  	[spmem:s2] =	stream.indirect.scatter.add.f32 @p1 [tilespmem:s11], [sflag:$0x7], $0x80, s17, s16, $0xb8;
	[tilespmem:$0x1E000] =	vst v63  }
0x121: {  	s22 =	simm.s32 @!p1 $0x13C00;
	_ =	swait.ge @p1 [sflag:s1], $0x5000  }
0x122: {  	s11 =	sadd.s32 @!p1 $0x0, s12;
	s17 =	simm.s32 @!p1 $0x0;
	[sflag:s1] =	ssyncset.done @p1 $0x0  }
0x123: {  	s16 =	sadd.s32 @!p1 $0x28, s11;
	[sflag:s1] =	ssyncadd.s32 @p1 $0xFFFFB000;
	s1 =	simm.s32 @!p1 $0x3  }
0x124: {  	[tilespmem:s22], [sflag:$0x1] =	stream.linear.gather @!p1 [hbm4b:s16+s17], $0xA0, $0x38;
	[tilespmem:$0x1E000] =	vst v63  }
0x125: {  	_ =	swait.ge @!p1 [sflag:s1], $0xA0  }
0x126: {  	s24 =	simm.s32 @!p1 $0x13E00;
	s16 =	simm.s32 @!p1 $0x14000;
	[sflag:s1] =	ssyncset.done @!p1 $0x0  }
0x127: {  	s22 =	simm.s32 @!p1 $0xA0;
	[sflag:s1] =	ssyncadd.s32 @!p1 $0xFFFFFF60;
	s1 =	simm.s32 @!p1 $0x6  }
0x128: {  	[spmem:s2] =	stream.indirect.scatter.add.f32 @!p1 [tilespmem:s16], [sflag:$0x7], $0x80, s24, s22, $0xb8;
	[tilespmem:$0x1E000] =	vst v63  }
0x129: {  	_ =	swait.ge @!p1 [sflag:s1], $0x5000  }
0x12a: {  	[sflag:s1] =	ssyncset.done @!p1 $0x0  }
0x12b: {  	s11 =	sadd.s32 @!p1 $0x3C, s11;
	s16 =	simm.s32 @!p1 $0x13D00;
	[sflag:s1] =	ssyncadd.s32 @!p1 $0xFFFFB000  }
0x12c: {  	[tilespmem:s16], [sflag:$0x2] =	stream.linear.gather @!p1 [hbm4b:s11+s17], $0xA0, $0x38;
	[tilespmem:$0x1E000] =	vst v63  }
0x12d: {  	_ =	swait.ge [sflag:s31], $0xA0  }
0x12e: {  	s11 =	simm.s32 $0x28;
	[sflag:s31] =	ssyncset.done $0x0  }
.LBB2_3:
0x12f: {  	[sflag:s31] =	ssyncadd.s32 $0xFFFFFF60;
	s16 =	smov.u32 s11;
	s11 =	sadd.s32 $0x28, s11  }
0x130: {  	[spmem:s2] =	stream.indirect.scatter.add.f32 [tilespmem:s29], [sflag:$0x8], $0x80, s25, s28, $0xb8;
	[tilespmem:$0x1E000] =	vst v63  }
0x131: {  	p2 =	seq.s32 s16, $0x0;
	p1 =	sne.s32 s11, $0x9D8;
	_ =	swait.ge [sflag:s26], $0xA0  }
0x132: {  	s1 =	simm.s32 @p2 $0xA0;
	s17 =	simm.s32 @p2 $0x13C00;
	[sflag:s26] =	ssyncset.done $0x0  }
0x133: {  	s22 =	simm.s32 @p2 $0x14000;
	s24 =	simm.s32 @p2 $0x2;
	[sflag:s26] =	ssyncadd.s32 $0xFFFFFF60  }
0x134: {  	[tilespmem:s22], [sflag:$0x5] =	stream.indirect.gather @p2 [hbm4b:s5+s1], $0x80, s17, s1, $0xb8;
	[tilespmem:$0x1E000] =	vst v63  }
0x135: {  	_ =	swait.ge @p2 [sflag:s24], $0xA0  }
0x136: {  	s1 =	simm.s32 @!p2 $0x7;
	[sflag:s24] =	ssyncset.done @p2 $0x0  }
0x137: {  	[sflag:s24] =	ssyncadd.s32 @p2 $0xFFFFFF60  }
0x138: {  	s17 =	simm.s32 @!p2 $0x13E00;
	s22 =	simm.s32 @!p2 $0x14000;
	_ =	swait.ge @!p2 [sflag:s1], $0x5000  }
0x139: {  	s18 =	simm.s32 @!p2 $0x0;
	s24 =	sadd.s32 @!p2 s16, s14;
	[sflag:s1] =	ssyncset.done @!p2 $0x0  }
0x13a: {  	s9 =	simm.s32 @!p2 $0x13C00;
	[sflag:s1] =	ssyncadd.s32 @!p2 $0xFFFFB000;
	s1 =	simm.s32 @!p2 $0xA0  }
0x13b: {  	[tilespmem:s17], [sflag:$0x3] =	stream.linear.gather @!p2 [hbm4b:s24+s18], $0xA0, $0x38;
	[tilespmem:$0x1E000] =	vst v63  }
0x13c: {  	s17 =	simm.s32 @!p2 $0x2;
	s24 =	sadd.s32 @!p2 $0x14, s24  }
0x13d: {  	[tilespmem:s22], [sflag:$0x5] =	stream.indirect.gather @!p2 [hbm4b:s5+s1], $0x80, s9, s1, $0xb8;
	[tilespmem:$0x1E000] =	vst v63  }
0x13e: {  	_ =	swait.ge @!p2 [sflag:s17], $0xA0  }
0x13f: {  	s1 =	simm.s32 @!p2 $0x8;
	[sflag:s17] =	ssyncset.done @!p2 $0x0  }
0x140: {  	[sflag:s17] =	ssyncadd.s32 @!p2 $0xFFFFFF60  }
0x141: {  	_ =	swait.ge @!p2 [sflag:s1], $0x5000  }
0x142: {  	s9 =	simm.s32 @!p2 $0x13F00;
	[sflag:s1] =	ssyncset.done @!p2 $0x0  }
0x143: {  	[sflag:s1] =	ssyncadd.s32 @!p2 $0xFFFFB000  }
0x144: {  	[tilespmem:s9], [sflag:$0x4] =	stream.linear.gather @!p2 [hbm4b:s24+s18], $0xA0, $0x38;
	[tilespmem:$0x1E000] =	vst v63  }
0x145: {  	_ = 	snop  }
0x146: {  	[tilespmem:s29], [sflag:$0x6] =	stream.indirect.gather [hbm4b:s5+s28], $0x80, s23, s28, $0xb8;
	[tilespmem:$0x1E000] =	vst v63  }
0x147: {  	p2 =	seq.s32 s16, $0x9B0;
	_ =	swait.ge [sflag:s30], $0x5000  }
0x148: {  	s1 =	simm.s32 @p2 $0x3;
	s9 =	sadd.s32 @!p2 s16, s12;
	[sflag:s30] =	ssyncset.done $0x0  }
0x149: {  	s16 =	sadd.s32 @!p2 $0x28, s9;
	s9 =	sadd.s32 @!p2 $0x3C, s9;
	[sflag:s30] =	ssyncadd.s32 $0xFFFFB000  }
0x14a: {  	s17 =	simm.s32 @p2 $0x14000;
	_ =	swait.ge @p2 [sflag:s1], $0xA0  }
0x14b: {  	s18 =	simm.s32 @p2 $0xA0;
	s22 =	simm.s32 @p2 $0x13E00;
	[sflag:s1] =	ssyncset.done @p2 $0x0  }
0x14c: {  	[sflag:s1] =	ssyncadd.s32 @p2 $0xFFFFFF60;
	s1 =	simm.s32 @p2 $0x6  }
0x14d: {  	[spmem:s2] =	stream.indirect.scatter.add.f32 @p2 [tilespmem:s17], [sflag:$0x7], $0x80, s22, s18, $0xb8;
	[tilespmem:$0x1E000] =	vst v63  }
0x14e: {  	_ =	swait.ge @p2 [sflag:s1], $0x5000  }
0x14f: {  	s17 =	simm.s32 @!p2 $0x0;
	s18 =	simm.s32 @!p2 $0x13C00;
	[sflag:s1] =	ssyncset.done @p2 $0x0  }
0x150: {  	[sflag:s1] =	ssyncadd.s32 @p2 $0xFFFFB000;
	s1 =	simm.s32 @!p2 $0x3  }
0x151: {  	[tilespmem:s18], [sflag:$0x1] =	stream.linear.gather @!p2 [hbm4b:s16+s17], $0xA0, $0x38;
	[tilespmem:$0x1E000] =	vst v63  }
0x152: {  	s16 =	simm.s32 @!p2 $0x14000;
	_ =	swait.ge @!p2 [sflag:s1], $0xA0  }
0x153: {  	s22 =	simm.s32 @!p2 $0x13E00;
	s18 =	simm.s32 @!p2 $0xA0;
	[sflag:s1] =	ssyncset.done @!p2 $0x0  }
0x154: {  	[sflag:s1] =	ssyncadd.s32 @!p2 $0xFFFFFF60;
	s1 =	simm.s32 @!p2 $0x6  }
0x155: {  	[spmem:s2] =	stream.indirect.scatter.add.f32 @!p2 [tilespmem:s16], [sflag:$0x7], $0x80, s22, s18, $0xb8;
	[tilespmem:$0x1E000] =	vst v63  }
0x156: {  	_ =	swait.ge @!p2 [sflag:s1], $0x5000  }
.Ltmp6:
0x157: {  	s16 =	simm.s32 @!p2 $0x13D00;
	[sflag:s1] =	ssyncset.done @!p2 $0x0;
	(pc) =	sbr.rel @p1 .LBB2_3-.Ltmp6, $4  }
0x158: {  	[sflag:s1] =	ssyncadd.s32 @!p2 $0xFFFFB000  }
0x159: {  	[tilespmem:s16], [sflag:$0x2] =	stream.linear.gather @!p2 [hbm4b:s9+s17], $0xA0, $0x38;
	[tilespmem:$0x1E000] =	vst v63  }
0x15a: {  	_ =	swait.ge [sflag:s31], $0xA0  }
0x15b: {  	[sflag:s31] =	ssyncset.done $0x0  }
0x15c: {  	[sflag:s31] =	ssyncadd.s32 $0xFFFFFF60  }
0x15d: {  	[spmem:s2] =	stream.indirect.scatter.add.f32 [tilespmem:s29], [sflag:$0x8], $0x80, s25, s28, $0xb8;
	[tilespmem:$0x1E000] =	vst v63  }
0x15e: {  	_ =	swait.ge [sflag:s0], $0x5000  }
0x15f: {  	[sflag:s0] =	ssyncset.done $0x0  }
0x160: {  	[sflag:s0] =	ssyncadd.s32 $0xFFFFB000  }
0x161: {  	_ =	swait.ge [sflag:s4], $0x5000  }
0x162: {  	[sflag:s4] =	ssyncset.done $0x0  }
0x163: {  	[sflag:s4] =	ssyncadd.s32 $0xFFFFB000  }
0x164: {  	[bflag:$0x0] =	sbarrier.arrive $0xFFFF  }
0x165: {  	s1 =	rddreg [dreg:$0x7]  }
0x166: {  	[hbm:s1], [sflag:s19] =	dma.local [spmem:s20], $0x2780  }
0x167: {  	_ =	swait.ge [sflag:s21], $0x2780  }
0x168: {  	[sflag:s21] =	ssyncset.done $0x0  }
0x169: {  	[sflag:s21] =	ssyncadd.s32 $0xFFFFD880  }
0x16a: {  	[bflag:$0x0] =	sbarrier.arrive $0xFFFF  }
0x16b: {  	s18 =	rddreg [dreg:$0x1]  }
0x16c: {  	[spmem:s20], [sflag:s19] =	dma.local [hbm:s18], $0x2780  }
0x16d: {  	_ =	swait.ge [sflag:s21], $0x2780  }
0x16e: {  	[sflag:s21] =	ssyncset.done $0x0  }
0x16f: {  	s22 =	simm.s32 $0x0;
	s9 =	simm.s32 $0x13C00;
	[sflag:s21] =	ssyncadd.s32 $0xFFFFD880  }
0x170: {  	[tilespmem:s9], [sflag:$0x1] =	stream.linear.gather [hbm4b:s12+s22], $0xA0, $0x38;
	[tilespmem:$0x1E000] =	vst v63  }
0x171: {  	_ = 	snop  }
0x172: {  	[tilespmem:s23], [sflag:$0x2] =	stream.linear.gather [hbm4b:s13+s22], $0xA0, $0x38;
	[tilespmem:$0x1E000] =	vst v63  }
0x173: {  	s24 =	simm.s32 $0x13E00  }
0x174: {  	[tilespmem:s24], [sflag:$0x3] =	stream.linear.gather [hbm4b:s14+s22], $0xA0, $0x38;
	[tilespmem:$0x1E000] =	vst v63  }
0x175: {  	_ = 	snop  }
0x176: {  	[tilespmem:s25], [sflag:$0x4] =	stream.linear.gather [hbm4b:s15+s22], $0xA0, $0x38;
	[tilespmem:$0x1E000] =	vst v63  }
0x177: {  	[bflag:$0x0] =	sbarrier.arrive $0xFFFF  }
0x178: {  	p1 =	por $0x1, $0x1;
	_ =	swait.ge [sflag:s26], $0xA0  }
0x179: {  	s11 =	simm.s32 @p1 $0x14000;
	s16 =	simm.s32 @p1 $0x2;
	[sflag:s26] =	ssyncset.done $0x0  }
0x17a: {  	s1 =	simm.s32 @p1 $0xA0;
	s9 =	simm.s32 @p1 $0x13C00;
	[sflag:s26] =	ssyncadd.s32 $0xFFFFFF60  }
0x17b: {  	[tilespmem:s11], [sflag:$0x5] =	stream.indirect.gather @p1 [hbm4b:s6+s1], $0x80, s9, s1, $0xb8;
	[tilespmem:$0x1E000] =	vst v63  }
0x17c: {  	_ =	swait.ge @p1 [sflag:s16], $0xA0  }
0x17d: {  	[sflag:s16] =	ssyncset.done @p1 $0x0  }
0x17e: {  	s1 =	simm.s32 @!p1 $0x7;
	[sflag:s16] =	ssyncadd.s32 @p1 $0xFFFFFF60  }
0x17f: {  	_ =	swait.ge @!p1 [sflag:s1], $0x5000  }
0x180: {  	s9 =	simm.s32 @!p1 $0x13E00;
	[sflag:s1] =	ssyncset.done @!p1 $0x0  }
0x181: {  	s11 =	sadd.s32 @!p1 $0x0, s14;
	s16 =	simm.s32 @!p1 $0x0;
	[sflag:s1] =	ssyncadd.s32 @!p1 $0xFFFFB000  }
0x182: {  	[tilespmem:s9], [sflag:$0x3] =	stream.linear.gather @!p1 [hbm4b:s11+s16], $0xA0, $0x38;
	[tilespmem:$0x1E000] =	vst v63  }
0x183: {  	s17 =	simm.s32 @!p1 $0x13C00;
	s1 =	simm.s32 @!p1 $0x14000;
	s9 =	simm.s32 @!p1 $0xA0  }
0x184: {  	[tilespmem:s1], [sflag:$0x5] =	stream.indirect.gather @!p1 [hbm4b:s6+s9], $0x80, s17, s9, $0xb8;
	[tilespmem:$0x1E000] =	vst v63  }
0x185: {  	s1 =	simm.s32 @!p1 $0x2  }
0x186: {  	_ =	swait.ge @!p1 [sflag:s1], $0xA0  }
0x187: {  	[sflag:s1] =	ssyncset.done @!p1 $0x0  }
0x188: {  	s9 =	simm.s32 @!p1 $0x8;
	[sflag:s1] =	ssyncadd.s32 @!p1 $0xFFFFFF60  }
0x189: {  	_ =	swait.ge @!p1 [sflag:s9], $0x5000  }
0x18a: {  	[sflag:s9] =	ssyncset.done @!p1 $0x0  }
0x18b: {  	s1 =	sadd.s32 @!p1 $0x14, s11;
	s11 =	simm.s32 @!p1 $0x13F00;
	[sflag:s9] =	ssyncadd.s32 @!p1 $0xFFFFB000  }
0x18c: {  	[tilespmem:s11], [sflag:$0x4] =	stream.linear.gather @!p1 [hbm4b:s1+s16], $0xA0, $0x38;
	[tilespmem:$0x1E000] =	vst v63  }
0x18d: {  	_ = 	snop  }
0x18e: {  	[tilespmem:s29], [sflag:$0x6] =	stream.indirect.gather [hbm4b:s6+s28], $0x80, s23, s28, $0xb8;
	[tilespmem:$0x1E000] =	vst v63  }
0x18f: {  	_ =	swait.ge [sflag:s30], $0x5000  }
0x190: {  	p1 =	por $0x0, $0x0;
	[sflag:s30] =	ssyncset.done $0x0  }
0x191: {  	s1 =	simm.s32 @p1 $0x3;
	[sflag:s30] =	ssyncadd.s32 $0xFFFFB000  }
0x192: {  	_ =	swait.ge @p1 [sflag:s1], $0xA0  }
0x193: {  	s9 =	simm.s32 @p1 $0x14000;
	s11 =	simm.s32 @p1 $0xA0;
	[sflag:s1] =	ssyncset.done @p1 $0x0  }
0x194: {  	s16 =	simm.s32 @p1 $0x13E00;
	[sflag:s1] =	ssyncadd.s32 @p1 $0xFFFFFF60;
	s1 =	simm.s32 @p1 $0x6  }
0x195: {  	[spmem:s2] =	stream.indirect.scatter.add.f32 @p1 [tilespmem:s9], [sflag:$0x7], $0x80, s16, s11, $0xb8;
	[tilespmem:$0x1E000] =	vst v63  }
0x196: {  	s17 =	simm.s32 @!p1 $0x13C00;
	_ =	swait.ge @p1 [sflag:s1], $0x5000  }
0x197: {  	s9 =	sadd.s32 @!p1 $0x0, s12;
	s16 =	simm.s32 @!p1 $0x0;
	[sflag:s1] =	ssyncset.done @p1 $0x0  }
0x198: {  	s11 =	sadd.s32 @!p1 $0x28, s9;
	[sflag:s1] =	ssyncadd.s32 @p1 $0xFFFFB000;
	s1 =	simm.s32 @!p1 $0x3  }
0x199: {  	[tilespmem:s17], [sflag:$0x1] =	stream.linear.gather @!p1 [hbm4b:s11+s16], $0xA0, $0x38;
	[tilespmem:$0x1E000] =	vst v63  }
0x19a: {  	_ =	swait.ge @!p1 [sflag:s1], $0xA0  }
0x19b: {  	s11 =	simm.s32 @!p1 $0x14000;
	[sflag:s1] =	ssyncset.done @!p1 $0x0  }
0x19c: {  	s17 =	simm.s32 @!p1 $0xA0;
	[sflag:s1] =	ssyncadd.s32 @!p1 $0xFFFFFF60;
	s1 =	simm.s32 @!p1 $0x13E00  }
0x19d: {  	[spmem:s2] =	stream.indirect.scatter.add.f32 @!p1 [tilespmem:s11], [sflag:$0x7], $0x80, s1, s17, $0xb8;
	[tilespmem:$0x1E000] =	vst v63  }
0x19e: {  	s1 =	simm.s32 @!p1 $0x6  }
0x19f: {  	_ =	swait.ge @!p1 [sflag:s1], $0x5000  }
0x1a0: {  	[sflag:s1] =	ssyncset.done @!p1 $0x0  }
0x1a1: {  	s9 =	sadd.s32 @!p1 $0x3C, s9;
	[sflag:s1] =	ssyncadd.s32 @!p1 $0xFFFFB000;
	s1 =	simm.s32 @!p1 $0x13D00  }
0x1a2: {  	[tilespmem:s1], [sflag:$0x2] =	stream.linear.gather @!p1 [hbm4b:s9+s16], $0xA0, $0x38;
	[tilespmem:$0x1E000] =	vst v63  }
0x1a3: {  	_ =	swait.ge [sflag:s31], $0xA0  }
0x1a4: {  	s11 =	simm.s32 $0x28;
	[sflag:s31] =	ssyncset.done $0x0  }
.LBB2_5:
0x1a5: {  	[sflag:s31] =	ssyncadd.s32 $0xFFFFFF60;
	s16 =	smov.u32 s11;
	s11 =	sadd.s32 $0x28, s11  }
0x1a6: {  	[spmem:s2] =	stream.indirect.scatter.add.f32 [tilespmem:s29], [sflag:$0x8], $0x80, s25, s28, $0xb8;
	[tilespmem:$0x1E000] =	vst v63  }
0x1a7: {  	p2 =	seq.s32 s16, $0x0;
	p1 =	seq.s32 s11, $0x9D8;
	_ =	swait.ge [sflag:s26], $0xA0  }
0x1a8: {  	s1 =	simm.s32 @p2 $0xA0;
	s9 =	simm.s32 @p2 $0x13C00;
	[sflag:s26] =	ssyncset.done $0x0  }
0x1a9: {  	s17 =	simm.s32 @p2 $0x14000;
	s18 =	simm.s32 @p2 $0x2;
	[sflag:s26] =	ssyncadd.s32 $0xFFFFFF60  }
0x1aa: {  	[tilespmem:s17], [sflag:$0x5] =	stream.indirect.gather @p2 [hbm4b:s6+s1], $0x80, s9, s1, $0xb8;
	[tilespmem:$0x1E000] =	vst v63  }
0x1ab: {  	_ =	swait.ge @p2 [sflag:s18], $0xA0  }
0x1ac: {  	s1 =	simm.s32 @!p2 $0x7;
	[sflag:s18] =	ssyncset.done @p2 $0x0  }
0x1ad: {  	[sflag:s18] =	ssyncadd.s32 @p2 $0xFFFFFF60  }
0x1ae: {  	s9 =	simm.s32 @!p2 $0x13E00;
	s17 =	simm.s32 @!p2 $0x14000;
	_ =	swait.ge @!p2 [sflag:s1], $0x5000  }
0x1af: {  	s22 =	simm.s32 @!p2 $0x0;
	s18 =	sadd.s32 @!p2 s16, s14;
	[sflag:s1] =	ssyncset.done @!p2 $0x0  }
0x1b0: {  	s24 =	simm.s32 @!p2 $0x13C00;
	[sflag:s1] =	ssyncadd.s32 @!p2 $0xFFFFB000;
	s1 =	simm.s32 @!p2 $0xA0  }
0x1b1: {  	[tilespmem:s9], [sflag:$0x3] =	stream.linear.gather @!p2 [hbm4b:s18+s22], $0xA0, $0x38;
	[tilespmem:$0x1E000] =	vst v63  }
0x1b2: {  	s9 =	simm.s32 @!p2 $0x2;
	s18 =	sadd.s32 @!p2 $0x14, s18  }
0x1b3: {  	[tilespmem:s17], [sflag:$0x5] =	stream.indirect.gather @!p2 [hbm4b:s6+s1], $0x80, s24, s1, $0xb8;
	[tilespmem:$0x1E000] =	vst v63  }
0x1b4: {  	_ =	swait.ge @!p2 [sflag:s9], $0xA0  }
0x1b5: {  	s1 =	simm.s32 @!p2 $0x8;
	[sflag:s9] =	ssyncset.done @!p2 $0x0  }
0x1b6: {  	[sflag:s9] =	ssyncadd.s32 @!p2 $0xFFFFFF60  }
0x1b7: {  	_ =	swait.ge @!p2 [sflag:s1], $0x5000  }
0x1b8: {  	s9 =	simm.s32 @!p2 $0x13F00;
	[sflag:s1] =	ssyncset.done @!p2 $0x0  }
0x1b9: {  	[sflag:s1] =	ssyncadd.s32 @!p2 $0xFFFFB000  }
0x1ba: {  	[tilespmem:s9], [sflag:$0x4] =	stream.linear.gather @!p2 [hbm4b:s18+s22], $0xA0, $0x38;
	[tilespmem:$0x1E000] =	vst v63  }
0x1bb: {  	_ = 	snop  }
0x1bc: {  	[tilespmem:s29], [sflag:$0x6] =	stream.indirect.gather [hbm4b:s6+s28], $0x80, s23, s28, $0xb8;
	[tilespmem:$0x1E000] =	vst v63  }
0x1bd: {  	p2 =	seq.s32 s16, $0x9B0;
	_ =	swait.ge [sflag:s30], $0x5000  }
0x1be: {  	s1 =	simm.s32 @p2 $0x3;
	s9 =	sadd.s32 @!p2 s16, s12;
	[sflag:s30] =	ssyncset.done $0x0  }
0x1bf: {  	s16 =	sadd.s32 @!p2 $0x28, s9;
	s9 =	sadd.s32 @!p2 $0x3C, s9;
	[sflag:s30] =	ssyncadd.s32 $0xFFFFB000  }
0x1c0: {  	s17 =	simm.s32 @p2 $0x14000;
	_ =	swait.ge @p2 [sflag:s1], $0xA0  }
0x1c1: {  	s18 =	simm.s32 @p2 $0xA0;
	s22 =	simm.s32 @p2 $0x13E00;
	[sflag:s1] =	ssyncset.done @p2 $0x0  }
0x1c2: {  	[sflag:s1] =	ssyncadd.s32 @p2 $0xFFFFFF60;
	s1 =	simm.s32 @p2 $0x6  }
0x1c3: {  	[spmem:s2] =	stream.indirect.scatter.add.f32 @p2 [tilespmem:s17], [sflag:$0x7], $0x80, s22, s18, $0xb8;
	[tilespmem:$0x1E000] =	vst v63  }
0x1c4: {  	_ =	swait.ge @p2 [sflag:s1], $0x5000  }
0x1c5: {  	s17 =	simm.s32 @!p2 $0x0;
	s18 =	simm.s32 @!p2 $0x13C00;
	[sflag:s1] =	ssyncset.done @p2 $0x0  }
0x1c6: {  	[sflag:s1] =	ssyncadd.s32 @p2 $0xFFFFB000;
	s1 =	simm.s32 @!p2 $0x3  }
0x1c7: {  	[tilespmem:s18], [sflag:$0x1] =	stream.linear.gather @!p2 [hbm4b:s16+s17], $0xA0, $0x38;
	[tilespmem:$0x1E000] =	vst v63  }
0x1c8: {  	s16 =	simm.s32 @!p2 $0x14000;
	_ =	swait.ge @!p2 [sflag:s1], $0xA0  }
0x1c9: {  	s22 =	simm.s32 @!p2 $0x13E00;
	s18 =	simm.s32 @!p2 $0xA0;
	[sflag:s1] =	ssyncset.done @!p2 $0x0  }
0x1ca: {  	[sflag:s1] =	ssyncadd.s32 @!p2 $0xFFFFFF60;
	s1 =	simm.s32 @!p2 $0x6  }
0x1cb: {  	[spmem:s2] =	stream.indirect.scatter.add.f32 @!p2 [tilespmem:s16], [sflag:$0x7], $0x80, s22, s18, $0xb8;
	[tilespmem:$0x1E000] =	vst v63  }
0x1cc: {  	_ =	swait.ge @!p2 [sflag:s1], $0x5000  }
.Ltmp7:
0x1cd: {  	s16 =	simm.s32 @!p2 $0x13D00;
	[sflag:s1] =	ssyncset.done @!p2 $0x0;
	(pc) =	sbr.rel @!p1 .LBB2_5-.Ltmp7, $4  }
0x1ce: {  	[sflag:s1] =	ssyncadd.s32 @!p2 $0xFFFFB000  }
0x1cf: {  	[tilespmem:s16], [sflag:$0x2] =	stream.linear.gather @!p2 [hbm4b:s9+s17], $0xA0, $0x38;
	[tilespmem:$0x1E000] =	vst v63  }
0x1d0: {  	_ =	swait.ge [sflag:s31], $0xA0  }
0x1d1: {  	[sflag:s31] =	ssyncset.done $0x0  }
.Ltmp8:
0x1d2: {  	(pc) =	sbr.rel .LBB2_12-.Ltmp8, $3  }
0x1d3: {  	_ =	sdelay $0x1  }
0x1d4: {  	[sflag:s31] =	ssyncadd.s32 $0xFFFFFF60;
	s11 =	rddreg [dreg:$0x5]  }
0x1d5: {  	[spmem:s2] =	stream.indirect.scatter.add.f32 [tilespmem:s29], [sflag:$0x8], $0x80, s25, s28, $0xb8;
	[tilespmem:$0x1E000] =	vst v63  }
.LBB2_13:
0x1d6: {  	_ =	sfence.sel $0x180000  }
0x1d7: {  	[bflag:$0x0] =	sbarrier.arrive $0xFFFF  }
0x1d8: {  	_ =	strace $0x90000050  }
0x1d9: {  	s0 =	stileid.u32;
	[bflag:$0x2] =	sbarrier.arrive $0xFFFF  }
0x1da: {  	p0 =	sne.s32 s0, $0x0;
	s0 =	rddreg [dreg:$0x3]  }
0x1db: {  	s0 =	sadd.s32 @!p0 $0x100000, s0  }
0x1dc: {  	[sflag:s0] =	ssyncadd.tile.s32 @!p0 $0x1;
	_ =	shalt  }
.Lfunc_end2:
_tile_overlayer_lowered:
.L_overlay_start_2:
0x1dd: {  	(tag) =	ssettag $0x2  }
0x1de: {  	s0 =	rddreg [dreg:$0x0];
	s2 =	stileid.u32  }
0x1df: {  	s1 =	rddreg [dreg:$0x1];
	p0 =	sne.s32 s2, $0x0  }
0x1e0: {  	s3 =	rddreg [dreg:$0x2];
	[bflag:$0x3] =	sbarrier.arrive $0xFFFF;
	s2 =	simm.s32 @!p0 $0x1C09  }
0x1e1: {  	[timem:s3], [sflag:s2] =	dma.local @!p0 [hbm:s0], s1  }
0x1e2: {  	s0 =	simm.s32 @!p0 $0x9  }
0x1e3: {  	_ =	swait.ge @!p0 [sflag:s0], s1  }
0x1e4: {  	s1 =	ssub.s32 @!p0 $0x0, s1;
	[sflag:s0] =	ssyncset.done @!p0 $0x0  }
0x1e5: {  	[sflag:s0] =	ssyncadd.s32 @!p0 s1  }
0x1e6: {  	[bflag:$0x3] =	sbarrier.arrive $0xFFFF  }
0x1e7: {  	_ =	shalt  }

</sc_bundles>
